<compile_context>
chip_gen: v7x
topology: tpu7x:2x2x1
jax: 0.10.2.dev20260603
libtpu: 0.0.44.dev20260713+nightly
codegen_flags: <defaults>
</compile_context>

<pallas_src>
import functools

import jax
import jax.numpy as jnp
from jax import lax
from jax.experimental import pallas as pl
from jax.experimental.pallas import tpu as pltpu
from jax.experimental.pallas import tpu_sc as plsc

_K = 32
_CLS = 128
_B = 4096
_L = 200
_NC = 2
_NS = 16
_NW = _NC * _NS
_BPW = _B // _NW
_C0, _C1 = 128, 72
_NJ = _CLS // 16


def _make_sc_kernel(V):
    mesh = plsc.VectorSubcoreMesh(core_axis_name="c", subcore_axis_name="s")

    @functools.partial(
        pl.kernel,
        mesh=mesh,
        out_type=jax.ShapeDtypeStruct((_B, _CLS), jnp.float32),
        compiler_params=pltpu.CompilerParams(use_tc_tiling_on_sc=False),
        scratch_types=[
            pltpu.VMEM((_BPW, _L), jnp.int32),
            pltpu.VMEM((2, _L, _K), jnp.float32),
            pltpu.VMEM((_K, _CLS), jnp.float32),
            pltpu.VMEM((_CLS,), jnp.float32),
            pltpu.VMEM((_BPW, _CLS), jnp.float32),
            pltpu.SemaphoreType.DMA,
            pltpu.SemaphoreType.DMA,
        ],
    )
    def sc_kernel(x_hbm, tab_hbm, wt_hbm, bias_hbm, out_hbm,
                  idx_v, rows_v, wt_v, bias_v, out_v, sem0, sem1):
        wid = lax.axis_index("s") * _NC + lax.axis_index("c")
        base = wid * _BPW
        pltpu.sync_copy(x_hbm.at[pl.ds(base, _BPW)], idx_v)
        pltpu.sync_copy(wt_hbm, wt_v)
        pltpu.sync_copy(bias_hbm, bias_v)

        def issue(b, buf, sem):
            pltpu.async_copy(tab_hbm.at[idx_v.at[b, pl.ds(0, _C0)]],
                             rows_v.at[buf, pl.ds(0, _C0)], sem)
            pltpu.async_copy(tab_hbm.at[idx_v.at[b, pl.ds(_C0, _C1)]],
                             rows_v.at[buf, pl.ds(_C0, _C1)], sem)

        def wait(b, buf, sem):
            pltpu.make_async_copy(tab_hbm.at[idx_v.at[b, pl.ds(0, _C0)]],
                                  rows_v.at[buf, pl.ds(0, _C0)], sem).wait()
            pltpu.make_async_copy(tab_hbm.at[idx_v.at[b, pl.ds(_C0, _C1)]],
                                  rows_v.at[buf, pl.ds(_C0, _C1)], sem).wait()

        def process(b, buf):
            def red(r, acc):
                a0, a1 = acc
                return (a0 + rows_v[buf, r, pl.ds(0, 16)],
                        a1 + rows_v[buf, r, pl.ds(16, 16)])
            zero = jnp.zeros((16,), jnp.float32)
            a0, a1 = lax.fori_loop(0, _L, red, (zero, zero))
            scale = jnp.float32(1.0 / _L)
            m = (a0 * scale, a1 * scale)
            accs = [bias_v[pl.ds(j * 16, 16)] for j in range(_NJ)]
            for k in range(_K):
                s = m[k // 16][k % 16]
                for j in range(_NJ):
                    accs[j] = accs[j] + s * wt_v[k, pl.ds(j * 16, 16)]
            for j in range(_NJ):
                out_v[b, pl.ds(j * 16, 16)] = accs[j]

        issue(0, 0, sem0)

        def loop_body(i, carry):
            b0 = i * 2
            issue(b0 + 1, 1, sem1)
            wait(b0, 0, sem0)
            process(b0, 0)

            @pl.when(b0 + 2 < _BPW)
            def _prefetch():
                issue(b0 + 2, 0, sem0)

            wait(b0 + 1, 1, sem1)
            process(b0 + 1, 1)
            return carry

        lax.fori_loop(0, _BPW // 2, loop_body, 0)
        pltpu.sync_copy(out_v, out_hbm.at[pl.ds(base, _BPW)])

    return sc_kernel


@jax.jit
def kernel(x, embed_weight, tocls_weight, tocls_bias):
    xi = x.astype(jnp.int32)
    wt = jnp.transpose(tocls_weight)
    sc = _make_sc_kernel(embed_weight.shape[0])
    return sc(xi, embed_weight, wt, tocls_bias)

# --- scband reference (transcript-rebuilt; emitter-appended) ---
"""Pipeline reference for scband-embedding-model-5093831213593 (READ-ONLY COPY).

The authoritative reference and input builder live on the scoring server;
editing this copy changes nothing except your own understanding.
"""

import jax, jax.numpy as jnp
import numpy as np

V = 1000000
K = 32
CLS = 128
B = 4096
L = 200

def setup_inputs(seed: int = 0) -> dict:
    key = jax.random.key(seed)
    k1, k2, k3, k4 = jax.random.split(key, 4)
    x = jax.random.randint(k1, (B, L), 0, V, dtype=jnp.int64)
    # nn.Embedding default init: N(0, 1)
    embed_weight = jax.random.normal(k2, (V, K), dtype=jnp.float32)
    # nn.Linear default init: U(-1/sqrt(fan_in), 1/sqrt(fan_in))
    bound = 1.0 / np.sqrt(K)
    tocls_weight = jax.random.uniform(k3, (CLS, K), dtype=jnp.float32, minval=-bound, maxval=bound)
    tocls_bias = jax.random.uniform(k4, (CLS,), dtype=jnp.float32, minval=-bound, maxval=bound)
    return {"x": x, "embed_weight": embed_weight, "tocls_weight": tocls_weight, "tocls_bias": tocls_bias}

def reference(x, embed_weight, tocls_weight, tocls_bias):
    # x: int64[B, L]
    # embedding lookup (gather) -> [B, L, K]
    h = jnp.take(embed_weight, x, axis=0)
    # mixer is None, ff is False, mask is None
    # mean pooling over sequence dim
    h = h.mean(axis=1)  # [B, K]
    # classification layer: x @ W.T + b
    out = h @ tocls_weight.T + tocls_bias  # [B, CLS]
    return out

if False:  # reference __main__ guard neutralized (emitter)
    inp = setup_inputs()
    out = reference(**inp)
    print(out.shape, out.dtype)

if __name__ == "__main__":
    import jax
    _d = setup_inputs()
    print(jax.jit(kernel)(*tuple(_d.values())))

</pallas_src>

<mosaic_0001>
#map = affine_map<(d0, d1) -> (0, 0)>
#map1 = affine_map<(d0, d1) -> (0)>
module attributes {stable_mosaic.version = 14 : i64} {
  func.func @sc_kernel(%arg0: i32, %arg1: i32, %arg2: memref<4096x200xi32, #tpu.memory_space<hbm>>, %arg3: memref<1000000x32xf32, #tpu.memory_space<hbm>>, %arg4: memref<32x128xf32, #tpu.memory_space<hbm>>, %arg5: memref<128xf32, #tpu.memory_space<hbm>>, %arg6: memref<4096x128xf32, #tpu.memory_space<hbm>>, %arg7: memref<128x200xi32, #tpu.memory_space<vmem>>, %arg8: memref<2x200x32xf32, #tpu.memory_space<vmem>>, %arg9: memref<32x128xf32, #tpu.memory_space<vmem>>, %arg10: memref<128xf32, #tpu.memory_space<vmem>>, %arg11: memref<128x128xf32, #tpu.memory_space<vmem>>, %arg12: memref<!tpu.dma_semaphore, #tpu.memory_space<semaphore_mem>>, %arg13: memref<!tpu.dma_semaphore, #tpu.memory_space<semaphore_mem>>) attributes {dimension_semantics = [#tpu.dimension_semantics<core_parallel>, #tpu.dimension_semantics<subcore_parallel>], iteration_bounds = array<i64: 2, 16>, scalar_prefetch = 0 : i64, scratch_operands = 7 : i64, tpu.core_type = #tpu.core_type<sc_vector_subcore>, window_params = [{transform_indices = #map}, {transform_indices = #map}, {transform_indices = #map}, {transform_indices = #map1}, {transform_indices = #map}]} {
    %mul3A = arith.constant 2 : i32
    %mul3A_0 = arith.muli %arg1, %mul3A : i32
    %add3A = arith.addi %mul3A_0, %arg0 : i32
    %mul3A_1 = arith.constant 128 : i32
    %mul3A_2 = arith.muli %add3A, %mul3A_1 : i32
    "tpu.region"() ({
      %run_scoped3A = tpu.sem_alloc : memref<!tpu.dma_semaphore, #tpu.memory_space<semaphore_mem>>
      %dma_start3A_31 = arith.constant 0 : i32
      %dma_start3A_32 = tpu.memref_slice %arg2[%mul3A_2, %dma_start3A_31] : memref<4096x200xi32, #tpu.memory_space<hbm>> -> memref<128x200xi32, #tpu.memory_space<hbm>>
      %dma_start3A_33 = arith.constant 0 : i32
      %dma_start3A_34 = tpu.memref_slice %arg2[%mul3A_2, %dma_start3A_33] : memref<4096x200xi32, #tpu.memory_space<hbm>> -> memref<128x200xi32, #tpu.memory_space<hbm>>
      tpu.enqueue_dma source(%dma_start3A_34 : memref<128x200xi32, #tpu.memory_space<hbm>>) target(%arg7 : memref<128x200xi32, #tpu.memory_space<vmem>>) target_semaphore(%run_scoped3A : memref<!tpu.dma_semaphore, #tpu.memory_space<semaphore_mem>>)
      %dma_wait3A = arith.constant 0 : i32
      %dma_wait3A_35 = tpu.memref_slice %arg2[%mul3A_2, %dma_wait3A] : memref<4096x200xi32, #tpu.memory_space<hbm>> -> memref<128x200xi32, #tpu.memory_space<hbm>>
      %dma_wait3A_36 = arith.constant 0 : i32
      %dma_wait3A_37 = tpu.memref_slice %arg2[%mul3A_2, %dma_wait3A_36] : memref<4096x200xi32, #tpu.memory_space<hbm>> -> memref<128x200xi32, #tpu.memory_space<hbm>>
      tpu.wait_dma2 semaphore(%run_scoped3A : memref<!tpu.dma_semaphore, #tpu.memory_space<semaphore_mem>>) src(%dma_wait3A_37 : memref<128x200xi32, #tpu.memory_space<hbm>>) dst(%arg7 : memref<128x200xi32, #tpu.memory_space<vmem>>)
      tpu.yield
    }) : () -> ()
    "tpu.region"() ({
      %run_scoped3A = tpu.sem_alloc : memref<!tpu.dma_semaphore, #tpu.memory_space<semaphore_mem>>
      tpu.enqueue_dma source(%arg4 : memref<32x128xf32, #tpu.memory_space<hbm>>) target(%arg9 : memref<32x128xf32, #tpu.memory_space<vmem>>) target_semaphore(%run_scoped3A : memref<!tpu.dma_semaphore, #tpu.memory_space<semaphore_mem>>)
      tpu.wait_dma2 semaphore(%run_scoped3A : memref<!tpu.dma_semaphore, #tpu.memory_space<semaphore_mem>>) src(%arg4 : memref<32x128xf32, #tpu.memory_space<hbm>>) dst(%arg9 : memref<32x128xf32, #tpu.memory_space<vmem>>)
      tpu.yield
    }) : () -> ()
    "tpu.region"() ({
      %run_scoped3A = tpu.sem_alloc : memref<!tpu.dma_semaphore, #tpu.memory_space<semaphore_mem>>
      tpu.enqueue_dma source(%arg5 : memref<128xf32, #tpu.memory_space<hbm>>) target(%arg10 : memref<128xf32, #tpu.memory_space<vmem>>) target_semaphore(%run_scoped3A : memref<!tpu.dma_semaphore, #tpu.memory_space<semaphore_mem>>)
      tpu.wait_dma2 semaphore(%run_scoped3A : memref<!tpu.dma_semaphore, #tpu.memory_space<semaphore_mem>>) src(%arg5 : memref<128xf32, #tpu.memory_space<hbm>>) dst(%arg10 : memref<128xf32, #tpu.memory_space<vmem>>)
      tpu.yield
    }) : () -> ()
    %dma_start3A = arith.constant 0 : i32
    %dma_start3A_3 = arith.constant 0 : i32
    %dma_start3A_4 = arith.constant 0 : i32
    %dma_start3A_5 = arith.constant 0 : i32
    %dma_start3A_6 = tpu.memref_slice %arg8[%dma_start3A_3, %dma_start3A_4, %dma_start3A_5] : memref<2x200x32xf32, #tpu.memory_space<vmem>> -> memref<1x128x32xf32, #tpu.memory_space<vmem>>
    %dma_start3A_7 = tpu.memref_squeeze %dma_start3A_6 : memref<1x128x32xf32, #tpu.memory_space<vmem>> -> memref<128x32xf32, #tpu.memory_space<vmem>>
    %dma_start3A_8 = arith.constant 0 : i32
    %dma_start3A_9 = tpu.memref_slice %arg7[%dma_start3A, %dma_start3A_8] : memref<128x200xi32, #tpu.memory_space<vmem>> -> memref<1x128xi32, #tpu.memory_space<vmem>>
    %dma_start3A_10 = tpu.memref_squeeze %dma_start3A_9 : memref<1x128xi32, #tpu.memory_space<vmem>> -> memref<128xi32, #tpu.memory_space<vmem>>
    %dma_start3A_11 = arith.constant 0 : i32
    %dma_start3A_12 = arith.constant 0 : i32
    %dma_start3A_13 = tpu.memref_slice %arg3[%dma_start3A_11, %dma_start3A_12] : memref<1000000x32xf32, #tpu.memory_space<hbm>> -> memref<1000000x32xf32, #tpu.memory_space<hbm>>
    tpu.enqueue_indirect_dma source(%dma_start3A_13 : memref<1000000x32xf32, #tpu.memory_space<hbm>>) target(%dma_start3A_7 : memref<128x32xf32, #tpu.memory_space<vmem>>) offsets(%dma_start3A_10 : memref<128xi32, #tpu.memory_space<vmem>>) semaphore(%arg12 : memref<!tpu.dma_semaphore, #tpu.memory_space<semaphore_mem>>)
    %dma_start3A_14 = arith.constant 0 : i32
    %dma_start3A_15 = arith.constant 0 : i32
    %dma_start3A_16 = arith.constant 128 : i32
    %dma_start3A_17 = arith.constant 0 : i32
    %dma_start3A_18 = tpu.memref_slice %arg8[%dma_start3A_15, %dma_start3A_16, %dma_start3A_17] : memref<2x200x32xf32, #tpu.memory_space<vmem>> -> memref<1x72x32xf32, #tpu.memory_space<vmem>>
    %dma_start3A_19 = tpu.memref_squeeze %dma_start3A_18 : memref<1x72x32xf32, #tpu.memory_space<vmem>> -> memref<72x32xf32, #tpu.memory_space<vmem>>
    %dma_start3A_20 = arith.constant 128 : i32
    %dma_start3A_21 = tpu.memref_slice %arg7[%dma_start3A_14, %dma_start3A_20] : memref<128x200xi32, #tpu.memory_space<vmem>> -> memref<1x72xi32, #tpu.memory_space<vmem>>
    %dma_start3A_22 = tpu.memref_squeeze %dma_start3A_21 : memref<1x72xi32, #tpu.memory_space<vmem>> -> memref<72xi32, #tpu.memory_space<vmem>>
    %dma_start3A_23 = arith.constant 0 : i32
    %dma_start3A_24 = arith.constant 0 : i32
    %dma_start3A_25 = tpu.memref_slice %arg3[%dma_start3A_23, %dma_start3A_24] : memref<1000000x32xf32, #tpu.memory_space<hbm>> -> memref<1000000x32xf32, #tpu.memory_space<hbm>>
    tpu.enqueue_indirect_dma source(%dma_start3A_25 : memref<1000000x32xf32, #tpu.memory_space<hbm>>) target(%dma_start3A_19 : memref<72x32xf32, #tpu.memory_space<vmem>>) offsets(%dma_start3A_22 : memref<72xi32, #tpu.memory_space<vmem>>) semaphore(%arg12 : memref<!tpu.dma_semaphore, #tpu.memory_space<semaphore_mem>>)
    %scan3A = arith.constant 0 : i32
    %scan3A_26 = arith.constant 0 : i32
    %scan3A_27 = arith.constant 64 : i32
    %scan3A_28 = arith.addi %scan3A_26, %scan3A_27 : i32
    %scan3A_29 = arith.constant 1 : i32
    scf.for %scan3A_31 = %scan3A_26 to %scan3A_28 step %scan3A_29  : i32 {
      %mul3A_32 = arith.constant 2 : i32
      %mul3A_33 = arith.muli %scan3A_31, %mul3A_32 : i32
      %add3A_34 = arith.constant 1 : i32
      %add3A_35 = arith.addi %mul3A_33, %add3A_34 : i32
      %dma_start3A_36 = arith.constant 1 : i32
      %dma_start3A_37 = arith.constant 0 : i32
      %dma_start3A_38 = arith.constant 0 : i32
      %dma_start3A_39 = tpu.memref_slice %arg8[%dma_start3A_36, %dma_start3A_37, %dma_start3A_38] : memref<2x200x32xf32, #tpu.memory_space<vmem>> -> memref<1x128x32xf32, #tpu.memory_space<vmem>>
      %dma_start3A_40 = tpu.memref_squeeze %dma_start3A_39 : memref<1x128x32xf32, #tpu.memory_space<vmem>> -> memref<128x32xf32, #tpu.memory_space<vmem>>
      %dma_start3A_41 = arith.constant 0 : i32
      %dma_start3A_42 = tpu.memref_slice %arg7[%add3A_35, %dma_start3A_41] : memref<128x200xi32, #tpu.memory_space<vmem>> -> memref<1x128xi32, #tpu.memory_space<vmem>>
      %dma_start3A_43 = tpu.memref_squeeze %dma_start3A_42 : memref<1x128xi32, #tpu.memory_space<vmem>> -> memref<128xi32, #tpu.memory_space<vmem>>
      %dma_start3A_44 = arith.constant 0 : i32
      %dma_start3A_45 = arith.constant 0 : i32
      %dma_start3A_46 = tpu.memref_slice %arg3[%dma_start3A_44, %dma_start3A_45] : memref<1000000x32xf32, #tpu.memory_space<hbm>> -> memref<1000000x32xf32, #tpu.memory_space<hbm>>
      tpu.enqueue_indirect_dma source(%dma_start3A_46 : memref<1000000x32xf32, #tpu.memory_space<hbm>>) target(%dma_start3A_40 : memref<128x32xf32, #tpu.memory_space<vmem>>) offsets(%dma_start3A_43 : memref<128xi32, #tpu.memory_space<vmem>>) semaphore(%arg13 : memref<!tpu.dma_semaphore, #tpu.memory_space<semaphore_mem>>)
      %dma_start3A_47 = arith.constant 1 : i32
      %dma_start3A_48 = arith.constant 128 : i32
      %dma_start3A_49 = arith.constant 0 : i32
      %dma_start3A_50 = tpu.memref_slice %arg8[%dma_start3A_47, %dma_start3A_48, %dma_start3A_49] : memref<2x200x32xf32, #tpu.memory_space<vmem>> -> memref<1x72x32xf32, #tpu.memory_space<vmem>>
      %dma_start3A_51 = tpu.memref_squeeze %dma_start3A_50 : memref<1x72x32xf32, #tpu.memory_space<vmem>> -> memref<72x32xf32, #tpu.memory_space<vmem>>
      %dma_start3A_52 = arith.constant 128 : i32
      %dma_start3A_53 = tpu.memref_slice %arg7[%add3A_35, %dma_start3A_52] : memref<128x200xi32, #tpu.memory_space<vmem>> -> memref<1x72xi32, #tpu.memory_space<vmem>>
      %dma_start3A_54 = tpu.memref_squeeze %dma_start3A_53 : memref<1x72xi32, #tpu.memory_space<vmem>> -> memref<72xi32, #tpu.memory_space<vmem>>
      %dma_start3A_55 = arith.constant 0 : i32
      %dma_start3A_56 = arith.constant 0 : i32
      %dma_start3A_57 = tpu.memref_slice %arg3[%dma_start3A_55, %dma_start3A_56] : memref<1000000x32xf32, #tpu.memory_space<hbm>> -> memref<1000000x32xf32, #tpu.memory_space<hbm>>
      tpu.enqueue_indirect_dma source(%dma_start3A_57 : memref<1000000x32xf32, #tpu.memory_space<hbm>>) target(%dma_start3A_51 : memref<72x32xf32, #tpu.memory_space<vmem>>) offsets(%dma_start3A_54 : memref<72xi32, #tpu.memory_space<vmem>>) semaphore(%arg13 : memref<!tpu.dma_semaphore, #tpu.memory_space<semaphore_mem>>)
      %dma_wait3A = arith.constant 0 : i32
      %dma_wait3A_58 = arith.constant 0 : i32
      %dma_wait3A_59 = arith.constant 0 : i32
      %dma_wait3A_60 = tpu.memref_slice %arg8[%dma_wait3A, %dma_wait3A_58, %dma_wait3A_59] : memref<2x200x32xf32, #tpu.memory_space<vmem>> -> memref<1x128x32xf32, #tpu.memory_space<vmem>>
      %dma_wait3A_61 = tpu.memref_squeeze %dma_wait3A_60 : memref<1x128x32xf32, #tpu.memory_space<vmem>> -> memref<128x32xf32, #tpu.memory_space<vmem>>
      %dma_wait3A_62 = arith.constant 0 : i32
      %dma_wait3A_63 = tpu.memref_slice %arg7[%mul3A_33, %dma_wait3A_62] : memref<128x200xi32, #tpu.memory_space<vmem>> -> memref<1x128xi32, #tpu.memory_space<vmem>>
      %dma_wait3A_64 = tpu.memref_squeeze %dma_wait3A_63 : memref<1x128xi32, #tpu.memory_space<vmem>> -> memref<128xi32, #tpu.memory_space<vmem>>
      %dma_wait3A_65 = arith.constant 0 : i32
      %dma_wait3A_66 = arith.constant 0 : i32
      %dma_wait3A_67 = tpu.memref_slice %arg3[%dma_wait3A_65, %dma_wait3A_66] : memref<1000000x32xf32, #tpu.memory_space<hbm>> -> memref<1000000x32xf32, #tpu.memory_space<hbm>>
      tpu.wait_indirect_dma semaphore(%arg12 : memref<!tpu.dma_semaphore, #tpu.memory_space<semaphore_mem>>) src(%dma_wait3A_67 : memref<1000000x32xf32, #tpu.memory_space<hbm>>) dst(%dma_wait3A_61 : memref<128x32xf32, #tpu.memory_space<vmem>>)
      %dma_wait3A_68 = arith.constant 0 : i32
      %dma_wait3A_69 = arith.constant 128 : i32
      %dma_wait3A_70 = arith.constant 0 : i32
      %dma_wait3A_71 = tpu.memref_slice %arg8[%dma_wait3A_68, %dma_wait3A_69, %dma_wait3A_70] : memref<2x200x32xf32, #tpu.memory_space<vmem>> -> memref<1x72x32xf32, #tpu.memory_space<vmem>>
      %dma_wait3A_72 = tpu.memref_squeeze %dma_wait3A_71 : memref<1x72x32xf32, #tpu.memory_space<vmem>> -> memref<72x32xf32, #tpu.memory_space<vmem>>
      %dma_wait3A_73 = arith.constant 128 : i32
      %dma_wait3A_74 = tpu.memref_slice %arg7[%mul3A_33, %dma_wait3A_73] : memref<128x200xi32, #tpu.memory_space<vmem>> -> memref<1x72xi32, #tpu.memory_space<vmem>>
      %dma_wait3A_75 = tpu.memref_squeeze %dma_wait3A_74 : memref<1x72xi32, #tpu.memory_space<vmem>> -> memref<72xi32, #tpu.memory_space<vmem>>
      %dma_wait3A_76 = arith.constant 0 : i32
      %dma_wait3A_77 = arith.constant 0 : i32
      %dma_wait3A_78 = tpu.memref_slice %arg3[%dma_wait3A_76, %dma_wait3A_77] : memref<1000000x32xf32, #tpu.memory_space<hbm>> -> memref<1000000x32xf32, #tpu.memory_space<hbm>>
      tpu.wait_indirect_dma semaphore(%arg12 : memref<!tpu.dma_semaphore, #tpu.memory_space<semaphore_mem>>) src(%dma_wait3A_78 : memref<1000000x32xf32, #tpu.memory_space<hbm>>) dst(%dma_wait3A_72 : memref<72x32xf32, #tpu.memory_space<vmem>>)
      %broadcast_in_dim3A = arith.constant 0.000000e+00 : f32
      %broadcast_in_dim3A_79 = vector.broadcast %broadcast_in_dim3A : f32 to vector<16xf32>
      %scan3A_80 = arith.constant 0 : i32
      %scan3A_81 = arith.constant 200 : i32
      %scan3A_82 = arith.addi %scan3A_80, %scan3A_81 : i32
      %scan3A_83 = arith.constant 1 : i32
      %scan3A_84:2 = scf.for %scan3A_4484 = %scan3A_80 to %scan3A_82 step %scan3A_83 iter_args(%scan3A_4485 = %broadcast_in_dim3A_79, %scan3A_4486 = %broadcast_in_dim3A_79) -> (vector<16xf32>, vector<16xf32>)  : i32 {
        %get3A_4487 = arith.constant 0 : i32
        %get3A_4488 = arith.index_cast %get3A_4487 : i32 to index
        %get3A_4489 = arith.index_cast %scan3A_4484 : i32 to index
        %get3A_4490 = arith.constant 0 : index
        %get3A_4491 = tpu.vector_load %arg8[%get3A_4488, %get3A_4489, %get3A_4490] {strides = array<i32>} : memref<2x200x32xf32, #tpu.memory_space<vmem>>, vector<1x1x16xf32>,
        %get3A_4492 = vector.shape_cast %get3A_4491 : vector<1x1x16xf32> to vector<16xf32>
        %add3A_4493 = arith.addf %scan3A_4485, %get3A_4492 : vector<16xf32>
        %get3A_4494 = arith.constant 0 : i32
        %get3A_4495 = arith.index_cast %get3A_4494 : i32 to index
        %get3A_4496 = arith.index_cast %scan3A_4484 : i32 to index
        %get3A_4497 = arith.constant 16 : index
        %get3A_4498 = tpu.vector_load %arg8[%get3A_4495, %get3A_4496, %get3A_4497] {strides = array<i32>} : memref<2x200x32xf32, #tpu.memory_space<vmem>>, vector<1x1x16xf32>,
        %get3A_4499 = vector.shape_cast %get3A_4498 : vector<1x1x16xf32> to vector<16xf32>
        %add3A_4500 = arith.addf %scan3A_4486, %get3A_4499 : vector<16xf32>
        scf.yield %add3A_4493, %add3A_4500 : vector<16xf32>, vector<16xf32>
      }
      %scan3A_85 = arith.constant 200 : i32
      %mul3A_86 = arith.constant 5.000000e-03 : f32
      %mul3A_87 = vector.broadcast %mul3A_86 : f32 to vector<16xf32>
      %mul3A_88 = arith.mulf %scan3A_84#0, %mul3A_87 : vector<16xf32>
      %mul3A_89 = arith.constant 5.000000e-03 : f32
      %mul3A_90 = vector.broadcast %mul3A_89 : f32 to vector<16xf32>
      %mul3A_91 = arith.mulf %scan3A_84#1, %mul3A_90 : vector<16xf32>
      %get3A = arith.constant 0 : index
      %get3A_92 = tpu.vector_load %arg10[%get3A] {strides = array<i32>} : memref<128xf32, #tpu.memory_space<vmem>>, vector<16xf32>,
      %get3A_93 = vector.shape_cast %get3A_92 : vector<16xf32> to vector<16xf32>
      %get3A_94 = arith.constant 16 : index
      %get3A_95 = tpu.vector_load %arg10[%get3A_94] {strides = array<i32>} : memref<128xf32, #tpu.memory_space<vmem>>, vector<16xf32>,
      %get3A_96 = vector.shape_cast %get3A_95 : vector<16xf32> to vector<16xf32>
      %get3A_97 = arith.constant 32 : index
      %get3A_98 = tpu.vector_load %arg10[%get3A_97] {strides = array<i32>} : memref<128xf32, #tpu.memory_space<vmem>>, vector<16xf32>,
      %get3A_99 = vector.shape_cast %get3A_98 : vector<16xf32> to vector<16xf32>
      %get3A_100 = arith.constant 48 : index
      %get3A_101 = tpu.vector_load %arg10[%get3A_100] {strides = array<i32>} : memref<128xf32, #tpu.memory_space<vmem>>, vector<16xf32>,
      %get3A_102 = vector.shape_cast %get3A_101 : vector<16xf32> to vector<16xf32>
      %get3A_103 = arith.constant 64 : index
      %get3A_104 = tpu.vector_load %arg10[%get3A_103] {strides = array<i32>} : memref<128xf32, #tpu.memory_space<vmem>>, vector<16xf32>,
      %get3A_105 = vector.shape_cast %get3A_104 : vector<16xf32> to vector<16xf32>
      %get3A_106 = arith.constant 80 : index
      %get3A_107 = tpu.vector_load %arg10[%get3A_106] {strides = array<i32>} : memref<128xf32, #tpu.memory_space<vmem>>, vector<16xf32>,
      %get3A_108 = vector.shape_cast %get3A_107 : vector<16xf32> to vector<16xf32>
      %get3A_109 = arith.constant 96 : index
      %get3A_110 = tpu.vector_load %arg10[%get3A_109] {strides = array<i32>} : memref<128xf32, #tpu.memory_space<vmem>>, vector<16xf32>,
      %get3A_111 = vector.shape_cast %get3A_110 : vector<16xf32> to vector<16xf32>
      %get3A_112 = arith.constant 112 : index
      %get3A_113 = tpu.vector_load %arg10[%get3A_112] {strides = array<i32>} : memref<128xf32, #tpu.memory_space<vmem>>, vector<16xf32>,
      %get3A_114 = vector.shape_cast %get3A_113 : vector<16xf32> to vector<16xf32>
      %slice3A = vector.extract_strided_slice %mul3A_88 {offsets = [0], sizes = [1], strides = [1]} : vector<16xf32> to vector<1xf32>
      %squeeze3A = vector.extract %slice3A[0] : f32 from vector<1xf32>
      %get3A_115 = arith.constant 0 : i32
      %get3A_116 = arith.index_cast %get3A_115 : i32 to index
      %get3A_117 = arith.constant 0 : index
      %get3A_118 = tpu.vector_load %arg9[%get3A_116, %get3A_117] {strides = array<i32>} : memref<32x128xf32, #tpu.memory_space<vmem>>, vector<1x16xf32>,
      %get3A_119 = vector.shape_cast %get3A_118 : vector<1x16xf32> to vector<16xf32>
      %mul3A_120 = vector.broadcast %squeeze3A : f32 to vector<16xf32>
      %mul3A_121 = arith.mulf %mul3A_120, %get3A_119 : vector<16xf32>
      %add3A_122 = arith.addf %get3A_93, %mul3A_121 : vector<16xf32>
      %get3A_123 = arith.constant 0 : i32
      %get3A_124 = arith.index_cast %get3A_123 : i32 to index
      %get3A_125 = arith.constant 16 : index
      %get3A_126 = tpu.vector_load %arg9[%get3A_124, %get3A_125] {strides = array<i32>} : memref<32x128xf32, #tpu.memory_space<vmem>>, vector<1x16xf32>,
      %get3A_127 = vector.shape_cast %get3A_126 : vector<1x16xf32> to vector<16xf32>
      %mul3A_128 = vector.broadcast %squeeze3A : f32 to vector<16xf32>
      %mul3A_129 = arith.mulf %mul3A_128, %get3A_127 : vector<16xf32>
      %add3A_130 = arith.addf %get3A_96, %mul3A_129 : vector<16xf32>
      %get3A_131 = arith.constant 0 : i32
      %get3A_132 = arith.index_cast %get3A_131 : i32 to index
      %get3A_133 = arith.constant 32 : index
      %get3A_134 = tpu.vector_load %arg9[%get3A_132, %get3A_133] {strides = array<i32>} : memref<32x128xf32, #tpu.memory_space<vmem>>, vector<1x16xf32>,
      %get3A_135 = vector.shape_cast %get3A_134 : vector<1x16xf32> to vector<16xf32>
      %mul3A_136 = vector.broadcast %squeeze3A : f32 to vector<16xf32>
      %mul3A_137 = arith.mulf %mul3A_136, %get3A_135 : vector<16xf32>
      %add3A_138 = arith.addf %get3A_99, %mul3A_137 : vector<16xf32>
      %get3A_139 = arith.constant 0 : i32
      %get3A_140 = arith.index_cast %get3A_139 : i32 to index
      %get3A_141 = arith.constant 48 : index
      %get3A_142 = tpu.vector_load %arg9[%get3A_140, %get3A_141] {strides = array<i32>} : memref<32x128xf32, #tpu.memory_space<vmem>>, vector<1x16xf32>,
      %get3A_143 = vector.shape_cast %get3A_142 : vector<1x16xf32> to vector<16xf32>
      %mul3A_144 = vector.broadcast %squeeze3A : f32 to vector<16xf32>
      %mul3A_145 = arith.mulf %mul3A_144, %get3A_143 : vector<16xf32>
      %add3A_146 = arith.addf %get3A_102, %mul3A_145 : vector<16xf32>
      %get3A_147 = arith.constant 0 : i32
      %get3A_148 = arith.index_cast %get3A_147 : i32 to index
      %get3A_149 = arith.constant 64 : index
      %get3A_150 = tpu.vector_load %arg9[%get3A_148, %get3A_149] {strides = array<i32>} : memref<32x128xf32, #tpu.memory_space<vmem>>, vector<1x16xf32>,
      %get3A_151 = vector.shape_cast %get3A_150 : vector<1x16xf32> to vector<16xf32>
      %mul3A_152 = vector.broadcast %squeeze3A : f32 to vector<16xf32>
      %mul3A_153 = arith.mulf %mul3A_152, %get3A_151 : vector<16xf32>
      %add3A_154 = arith.addf %get3A_105, %mul3A_153 : vector<16xf32>
      %get3A_155 = arith.constant 0 : i32
      %get3A_156 = arith.index_cast %get3A_155 : i32 to index
      %get3A_157 = arith.constant 80 : index
      %get3A_158 = tpu.vector_load %arg9[%get3A_156, %get3A_157] {strides = array<i32>} : memref<32x128xf32, #tpu.memory_space<vmem>>, vector<1x16xf32>,
      %get3A_159 = vector.shape_cast %get3A_158 : vector<1x16xf32> to vector<16xf32>
      %mul3A_160 = vector.broadcast %squeeze3A : f32 to vector<16xf32>
      %mul3A_161 = arith.mulf %mul3A_160, %get3A_159 : vector<16xf32>
      %add3A_162 = arith.addf %get3A_108, %mul3A_161 : vector<16xf32>
      %get3A_163 = arith.constant 0 : i32
      %get3A_164 = arith.index_cast %get3A_163 : i32 to index
      %get3A_165 = arith.constant 96 : index
      %get3A_166 = tpu.vector_load %arg9[%get3A_164, %get3A_165] {strides = array<i32>} : memref<32x128xf32, #tpu.memory_space<vmem>>, vector<1x16xf32>,
      %get3A_167 = vector.shape_cast %get3A_166 : vector<1x16xf32> to vector<16xf32>
      %mul3A_168 = vector.broadcast %squeeze3A : f32 to vector<16xf32>
      %mul3A_169 = arith.mulf %mul3A_168, %get3A_167 : vector<16xf32>
      %add3A_170 = arith.addf %get3A_111, %mul3A_169 : vector<16xf32>
      %get3A_171 = arith.constant 0 : i32
      %get3A_172 = arith.index_cast %get3A_171 : i32 to index
      %get3A_173 = arith.constant 112 : index
      %get3A_174 = tpu.vector_load %arg9[%get3A_172, %get3A_173] {strides = array<i32>} : memref<32x128xf32, #tpu.memory_space<vmem>>, vector<1x16xf32>,
      %get3A_175 = vector.shape_cast %get3A_174 : vector<1x16xf32> to vector<16xf32>
      %mul3A_176 = vector.broadcast %squeeze3A : f32 to vector<16xf32>
      %mul3A_177 = arith.mulf %mul3A_176, %get3A_175 : vector<16xf32>
      %add3A_178 = arith.addf %get3A_114, %mul3A_177 : vector<16xf32>
      %slice3A_179 = vector.extract_strided_slice %mul3A_88 {offsets = [1], sizes = [1], strides = [1]} : vector<16xf32> to vector<1xf32>
      %squeeze3A_180 = vector.extract %slice3A_179[0] : f32 from vector<1xf32>
      %get3A_181 = arith.constant 1 : i32
      %get3A_182 = arith.index_cast %get3A_181 : i32 to index
      %get3A_183 = arith.constant 0 : index
      %get3A_184 = tpu.vector_load %arg9[%get3A_182, %get3A_183] {strides = array<i32>} : memref<32x128xf32, #tpu.memory_space<vmem>>, vector<1x16xf32>,
      %get3A_185 = vector.shape_cast %get3A_184 : vector<1x16xf32> to vector<16xf32>
      %mul3A_186 = vector.broadcast %squeeze3A_180 : f32 to vector<16xf32>
      %mul3A_187 = arith.mulf %mul3A_186, %get3A_185 : vector<16xf32>
      %add3A_188 = arith.addf %add3A_122, %mul3A_187 : vector<16xf32>
      %get3A_189 = arith.constant 1 : i32
      %get3A_190 = arith.index_cast %get3A_189 : i32 to index
      %get3A_191 = arith.constant 16 : index
      %get3A_192 = tpu.vector_load %arg9[%get3A_190, %get3A_191] {strides = array<i32>} : memref<32x128xf32, #tpu.memory_space<vmem>>, vector<1x16xf32>,
      %get3A_193 = vector.shape_cast %get3A_192 : vector<1x16xf32> to vector<16xf32>
      %mul3A_194 = vector.broadcast %squeeze3A_180 : f32 to vector<16xf32>
      %mul3A_195 = arith.mulf %mul3A_194, %get3A_193 : vector<16xf32>
      %add3A_196 = arith.addf %add3A_130, %mul3A_195 : vector<16xf32>
      %get3A_197 = arith.constant 1 : i32
      %get3A_198 = arith.index_cast %get3A_197 : i32 to index
      %get3A_199 = arith.constant 32 : index
      %get3A_200 = tpu.vector_load %arg9[%get3A_198, %get3A_199] {strides = array<i32>} : memref<32x128xf32, #tpu.memory_space<vmem>>, vector<1x16xf32>,
      %get3A_201 = vector.shape_cast %get3A_200 : vector<1x16xf32> to vector<16xf32>
      %mul3A_202 = vector.broadcast %squeeze3A_180 : f32 to vector<16xf32>
      %mul3A_203 = arith.mulf %mul3A_202, %get3A_201 : vector<16xf32>
      %add3A_204 = arith.addf %add3A_138, %mul3A_203 : vector<16xf32>
      %get3A_205 = arith.constant 1 : i32
      %get3A_206 = arith.index_cast %get3A_205 : i32 to index
      %get3A_207 = arith.constant 48 : index
      %get3A_208 = tpu.vector_load %arg9[%get3A_206, %get3A_207] {strides = array<i32>} : memref<32x128xf32, #tpu.memory_space<vmem>>, vector<1x16xf32>,
      %get3A_209 = vector.shape_cast %get3A_208 : vector<1x16xf32> to vector<16xf32>
      %mul3A_210 = vector.broadcast %squeeze3A_180 : f32 to vector<16xf32>
      %mul3A_211 = arith.mulf %mul3A_210, %get3A_209 : vector<16xf32>
      %add3A_212 = arith.addf %add3A_146, %mul3A_211 : vector<16xf32>
      %get3A_213 = arith.constant 1 : i32
      %get3A_214 = arith.index_cast %get3A_213 : i32 to index
      %get3A_215 = arith.constant 64 : index
      %get3A_216 = tpu.vector_load %arg9[%get3A_214, %get3A_215] {strides = array<i32>} : memref<32x128xf32, #tpu.memory_space<vmem>>, vector<1x16xf32>,
      %get3A_217 = vector.shape_cast %get3A_216 : vector<1x16xf32> to vector<16xf32>
      %mul3A_218 = vector.broadcast %squeeze3A_180 : f32 to vector<16xf32>
      %mul3A_219 = arith.mulf %mul3A_218, %get3A_217 : vector<16xf32>
      %add3A_220 = arith.addf %add3A_154, %mul3A_219 : vector<16xf32>
      %get3A_221 = arith.constant 1 : i32
      %get3A_222 = arith.index_cast %get3A_221 : i32 to index
      %get3A_223 = arith.constant 80 : index
      %get3A_224 = tpu.vector_load %arg9[%get3A_222, %get3A_223] {strides = array<i32>} : memref<32x128xf32, #tpu.memory_space<vmem>>, vector<1x16xf32>,
      %get3A_225 = vector.shape_cast %get3A_224 : vector<1x16xf32> to vector<16xf32>
      %mul3A_226 = vector.broadcast %squeeze3A_180 : f32 to vector<16xf32>
      %mul3A_227 = arith.mulf %mul3A_226, %get3A_225 : vector<16xf32>
      %add3A_228 = arith.addf %add3A_162, %mul3A_227 : vector<16xf32>
      %get3A_229 = arith.constant 1 : i32
      %get3A_230 = arith.index_cast %get3A_229 : i32 to index
      %get3A_231 = arith.constant 96 : index
      %get3A_232 = tpu.vector_load %arg9[%get3A_230, %get3A_231] {strides = array<i32>} : memref<32x128xf32, #tpu.memory_space<vmem>>, vector<1x16xf32>,
      %get3A_233 = vector.shape_cast %get3A_232 : vector<1x16xf32> to vector<16xf32>
      %mul3A_234 = vector.broadcast %squeeze3A_180 : f32 to vector<16xf32>
      %mul3A_235 = arith.mulf %mul3A_234, %get3A_233 : vector<16xf32>
      %add3A_236 = arith.addf %add3A_170, %mul3A_235 : vector<16xf32>
      %get3A_237 = arith.constant 1 : i32
      %get3A_238 = arith.index_cast %get3A_237 : i32 to index
      %get3A_239 = arith.constant 112 : index
      %get3A_240 = tpu.vector_load %arg9[%get3A_238, %get3A_239] {strides = array<i32>} : memref<32x128xf32, #tpu.memory_space<vmem>>, vector<1x16xf32>,
      %get3A_241 = vector.shape_cast %get3A_240 : vector<1x16xf32> to vector<16xf32>
      %mul3A_242 = vector.broadcast %squeeze3A_180 : f32 to vector<16xf32>
      %mul3A_243 = arith.mulf %mul3A_242, %get3A_241 : vector<16xf32>
      %add3A_244 = arith.addf %add3A_178, %mul3A_243 : vector<16xf32>
      %slice3A_245 = vector.extract_strided_slice %mul3A_88 {offsets = [2], sizes = [1], strides = [1]} : vector<16xf32> to vector<1xf32>
      %squeeze3A_246 = vector.extract %slice3A_245[0] : f32 from vector<1xf32>
      %get3A_247 = arith.constant 2 : i32
      %get3A_248 = arith.index_cast %get3A_247 : i32 to index
      %get3A_249 = arith.constant 0 : index
      %get3A_250 = tpu.vector_load %arg9[%get3A_248, %get3A_249] {strides = array<i32>} : memref<32x128xf32, #tpu.memory_space<vmem>>, vector<1x16xf32>,
      %get3A_251 = vector.shape_cast %get3A_250 : vector<1x16xf32> to vector<16xf32>
      %mul3A_252 = vector.broadcast %squeeze3A_246 : f32 to vector<16xf32>
      %mul3A_253 = arith.mulf %mul3A_252, %get3A_251 : vector<16xf32>
      %add3A_254 = arith.addf %add3A_188, %mul3A_253 : vector<16xf32>
      %get3A_255 = arith.constant 2 : i32
      %get3A_256 = arith.index_cast %get3A_255 : i32 to index
      %get3A_257 = arith.constant 16 : index
      %get3A_258 = tpu.vector_load %arg9[%get3A_256, %get3A_257] {strides = array<i32>} : memref<32x128xf32, #tpu.memory_space<vmem>>, vector<1x16xf32>,
      %get3A_259 = vector.shape_cast %get3A_258 : vector<1x16xf32> to vector<16xf32>
      %mul3A_260 = vector.broadcast %squeeze3A_246 : f32 to vector<16xf32>
      %mul3A_261 = arith.mulf %mul3A_260, %get3A_259 : vector<16xf32>
      %add3A_262 = arith.addf %add3A_196, %mul3A_261 : vector<16xf32>
      %get3A_263 = arith.constant 2 : i32
      %get3A_264 = arith.index_cast %get3A_263 : i32 to index
      %get3A_265 = arith.constant 32 : index
      %get3A_266 = tpu.vector_load %arg9[%get3A_264, %get3A_265] {strides = array<i32>} : memref<32x128xf32, #tpu.memory_space<vmem>>, vector<1x16xf32>,
      %get3A_267 = vector.shape_cast %get3A_266 : vector<1x16xf32> to vector<16xf32>
      %mul3A_268 = vector.broadcast %squeeze3A_246 : f32 to vector<16xf32>
      %mul3A_269 = arith.mulf %mul3A_268, %get3A_267 : vector<16xf32>
      %add3A_270 = arith.addf %add3A_204, %mul3A_269 : vector<16xf32>
      %get3A_271 = arith.constant 2 : i32
      %get3A_272 = arith.index_cast %get3A_271 : i32 to index
      %get3A_273 = arith.constant 48 : index
      %get3A_274 = tpu.vector_load %arg9[%get3A_272, %get3A_273] {strides = array<i32>} : memref<32x128xf32, #tpu.memory_space<vmem>>, vector<1x16xf32>,
      %get3A_275 = vector.shape_cast %get3A_274 : vector<1x16xf32> to vector<16xf32>
      %mul3A_276 = vector.broadcast %squeeze3A_246 : f32 to vector<16xf32>
      %mul3A_277 = arith.mulf %mul3A_276, %get3A_275 : vector<16xf32>
      %add3A_278 = arith.addf %add3A_212, %mul3A_277 : vector<16xf32>
      %get3A_279 = arith.constant 2 : i32
      %get3A_280 = arith.index_cast %get3A_279 : i32 to index
      %get3A_281 = arith.constant 64 : index
      %get3A_282 = tpu.vector_load %arg9[%get3A_280, %get3A_281] {strides = array<i32>} : memref<32x128xf32, #tpu.memory_space<vmem>>, vector<1x16xf32>,
      %get3A_283 = vector.shape_cast %get3A_282 : vector<1x16xf32> to vector<16xf32>
      %mul3A_284 = vector.broadcast %squeeze3A_246 : f32 to vector<16xf32>
      %mul3A_285 = arith.mulf %mul3A_284, %get3A_283 : vector<16xf32>
      %add3A_286 = arith.addf %add3A_220, %mul3A_285 : vector<16xf32>
      %get3A_287 = arith.constant 2 : i32
      %get3A_288 = arith.index_cast %get3A_287 : i32 to index
      %get3A_289 = arith.constant 80 : index
      %get3A_290 = tpu.vector_load %arg9[%get3A_288, %get3A_289] {strides = array<i32>} : memref<32x128xf32, #tpu.memory_space<vmem>>, vector<1x16xf32>,
      %get3A_291 = vector.shape_cast %get3A_290 : vector<1x16xf32> to vector<16xf32>
      %mul3A_292 = vector.broadcast %squeeze3A_246 : f32 to vector<16xf32>
      %mul3A_293 = arith.mulf %mul3A_292, %get3A_291 : vector<16xf32>
      %add3A_294 = arith.addf %add3A_228, %mul3A_293 : vector<16xf32>
      %get3A_295 = arith.constant 2 : i32
      %get3A_296 = arith.index_cast %get3A_295 : i32 to index
      %get3A_297 = arith.constant 96 : index
      %get3A_298 = tpu.vector_load %arg9[%get3A_296, %get3A_297] {strides = array<i32>} : memref<32x128xf32, #tpu.memory_space<vmem>>, vector<1x16xf32>,
      %get3A_299 = vector.shape_cast %get3A_298 : vector<1x16xf32> to vector<16xf32>
      %mul3A_300 = vector.broadcast %squeeze3A_246 : f32 to vector<16xf32>
      %mul3A_301 = arith.mulf %mul3A_300, %get3A_299 : vector<16xf32>
      %add3A_302 = arith.addf %add3A_236, %mul3A_301 : vector<16xf32>
      %get3A_303 = arith.constant 2 : i32
      %get3A_304 = arith.index_cast %get3A_303 : i32 to index
      %get3A_305 = arith.constant 112 : index
      %get3A_306 = tpu.vector_load %arg9[%get3A_304, %get3A_305] {strides = array<i32>} : memref<32x128xf32, #tpu.memory_space<vmem>>, vector<1x16xf32>,
      %get3A_307 = vector.shape_cast %get3A_306 : vector<1x16xf32> to vector<16xf32>
      %mul3A_308 = vector.broadcast %squeeze3A_246 : f32 to vector<16xf32>
      %mul3A_309 = arith.mulf %mul3A_308, %get3A_307 : vector<16xf32>
      %add3A_310 = arith.addf %add3A_244, %mul3A_309 : vector<16xf32>
      %slice3A_311 = vector.extract_strided_slice %mul3A_88 {offsets = [3], sizes = [1], strides = [1]} : vector<16xf32> to vector<1xf32>
      %squeeze3A_312 = vector.extract %slice3A_311[0] : f32 from vector<1xf32>
      %get3A_313 = arith.constant 3 : i32
      %get3A_314 = arith.index_cast %get3A_313 : i32 to index
      %get3A_315 = arith.constant 0 : index
      %get3A_316 = tpu.vector_load %arg9[%get3A_314, %get3A_315] {strides = array<i32>} : memref<32x128xf32, #tpu.memory_space<vmem>>, vector<1x16xf32>,
      %get3A_317 = vector.shape_cast %get3A_316 : vector<1x16xf32> to vector<16xf32>
      %mul3A_318 = vector.broadcast %squeeze3A_312 : f32 to vector<16xf32>
      %mul3A_319 = arith.mulf %mul3A_318, %get3A_317 : vector<16xf32>
      %add3A_320 = arith.addf %add3A_254, %mul3A_319 : vector<16xf32>
      %get3A_321 = arith.constant 3 : i32
      %get3A_322 = arith.index_cast %get3A_321 : i32 to index
      %get3A_323 = arith.constant 16 : index
      %get3A_324 = tpu.vector_load %arg9[%get3A_322, %get3A_323] {strides = array<i32>} : memref<32x128xf32, #tpu.memory_space<vmem>>, vector<1x16xf32>,
      %get3A_325 = vector.shape_cast %get3A_324 : vector<1x16xf32> to vector<16xf32>
      %mul3A_326 = vector.broadcast %squeeze3A_312 : f32 to vector<16xf32>
      %mul3A_327 = arith.mulf %mul3A_326, %get3A_325 : vector<16xf32>
      %add3A_328 = arith.addf %add3A_262, %mul3A_327 : vector<16xf32>
      %get3A_329 = arith.constant 3 : i32
      %get3A_330 = arith.index_cast %get3A_329 : i32 to index
      %get3A_331 = arith.constant 32 : index
      %get3A_332 = tpu.vector_load %arg9[%get3A_330, %get3A_331] {strides = array<i32>} : memref<32x128xf32, #tpu.memory_space<vmem>>, vector<1x16xf32>,
      %get3A_333 = vector.shape_cast %get3A_332 : vector<1x16xf32> to vector<16xf32>
      %mul3A_334 = vector.broadcast %squeeze3A_312 : f32 to vector<16xf32>
      %mul3A_335 = arith.mulf %mul3A_334, %get3A_333 : vector<16xf32>
      %add3A_336 = arith.addf %add3A_270, %mul3A_335 : vector<16xf32>
      %get3A_337 = arith.constant 3 : i32
      %get3A_338 = arith.index_cast %get3A_337 : i32 to index
      %get3A_339 = arith.constant 48 : index
      %get3A_340 = tpu.vector_load %arg9[%get3A_338, %get3A_339] {strides = array<i32>} : memref<32x128xf32, #tpu.memory_space<vmem>>, vector<1x16xf32>,
      %get3A_341 = vector.shape_cast %get3A_340 : vector<1x16xf32> to vector<16xf32>
      %mul3A_342 = vector.broadcast %squeeze3A_312 : f32 to vector<16xf32>
      %mul3A_343 = arith.mulf %mul3A_342, %get3A_341 : vector<16xf32>
      %add3A_344 = arith.addf %add3A_278, %mul3A_343 : vector<16xf32>
      %get3A_345 = arith.constant 3 : i32
      %get3A_346 = arith.index_cast %get3A_345 : i32 to index
      %get3A_347 = arith.constant 64 : index
      %get3A_348 = tpu.vector_load %arg9[%get3A_346, %get3A_347] {strides = array<i32>} : memref<32x128xf32, #tpu.memory_space<vmem>>, vector<1x16xf32>,
      %get3A_349 = vector.shape_cast %get3A_348 : vector<1x16xf32> to vector<16xf32>
      %mul3A_350 = vector.broadcast %squeeze3A_312 : f32 to vector<16xf32>
      %mul3A_351 = arith.mulf %mul3A_350, %get3A_349 : vector<16xf32>
      %add3A_352 = arith.addf %add3A_286, %mul3A_351 : vector<16xf32>
      %get3A_353 = arith.constant 3 : i32
      %get3A_354 = arith.index_cast %get3A_353 : i32 to index
      %get3A_355 = arith.constant 80 : index
      %get3A_356 = tpu.vector_load %arg9[%get3A_354, %get3A_355] {strides = array<i32>} : memref<32x128xf32, #tpu.memory_space<vmem>>, vector<1x16xf32>,
      %get3A_357 = vector.shape_cast %get3A_356 : vector<1x16xf32> to vector<16xf32>
      %mul3A_358 = vector.broadcast %squeeze3A_312 : f32 to vector<16xf32>
      %mul3A_359 = arith.mulf %mul3A_358, %get3A_357 : vector<16xf32>
      %add3A_360 = arith.addf %add3A_294, %mul3A_359 : vector<16xf32>
      %get3A_361 = arith.constant 3 : i32
      %get3A_362 = arith.index_cast %get3A_361 : i32 to index
      %get3A_363 = arith.constant 96 : index
      %get3A_364 = tpu.vector_load %arg9[%get3A_362, %get3A_363] {strides = array<i32>} : memref<32x128xf32, #tpu.memory_space<vmem>>, vector<1x16xf32>,
      %get3A_365 = vector.shape_cast %get3A_364 : vector<1x16xf32> to vector<16xf32>
      %mul3A_366 = vector.broadcast %squeeze3A_312 : f32 to vector<16xf32>
      %mul3A_367 = arith.mulf %mul3A_366, %get3A_365 : vector<16xf32>
      %add3A_368 = arith.addf %add3A_302, %mul3A_367 : vector<16xf32>
      %get3A_369 = arith.constant 3 : i32
      %get3A_370 = arith.index_cast %get3A_369 : i32 to index
      %get3A_371 = arith.constant 112 : index
      %get3A_372 = tpu.vector_load %arg9[%get3A_370, %get3A_371] {strides = array<i32>} : memref<32x128xf32, #tpu.memory_space<vmem>>, vector<1x16xf32>,
      %get3A_373 = vector.shape_cast %get3A_372 : vector<1x16xf32> to vector<16xf32>
      %mul3A_374 = vector.broadcast %squeeze3A_312 : f32 to vector<16xf32>
      %mul3A_375 = arith.mulf %mul3A_374, %get3A_373 : vector<16xf32>
      %add3A_376 = arith.addf %add3A_310, %mul3A_375 : vector<16xf32>
      %slice3A_377 = vector.extract_strided_slice %mul3A_88 {offsets = [4], sizes = [1], strides = [1]} : vector<16xf32> to vector<1xf32>
      %squeeze3A_378 = vector.extract %slice3A_377[0] : f32 from vector<1xf32>
      %get3A_379 = arith.constant 4 : i32
      %get3A_380 = arith.index_cast %get3A_379 : i32 to index
      %get3A_381 = arith.constant 0 : index
      %get3A_382 = tpu.vector_load %arg9[%get3A_380, %get3A_381] {strides = array<i32>} : memref<32x128xf32, #tpu.memory_space<vmem>>, vector<1x16xf32>,
      %get3A_383 = vector.shape_cast %get3A_382 : vector<1x16xf32> to vector<16xf32>
      %mul3A_384 = vector.broadcast %squeeze3A_378 : f32 to vector<16xf32>
      %mul3A_385 = arith.mulf %mul3A_384, %get3A_383 : vector<16xf32>
      %add3A_386 = arith.addf %add3A_320, %mul3A_385 : vector<16xf32>
      %get3A_387 = arith.constant 4 : i32
      %get3A_388 = arith.index_cast %get3A_387 : i32 to index
      %get3A_389 = arith.constant 16 : index
      %get3A_390 = tpu.vector_load %arg9[%get3A_388, %get3A_389] {strides = array<i32>} : memref<32x128xf32, #tpu.memory_space<vmem>>, vector<1x16xf32>,
      %get3A_391 = vector.shape_cast %get3A_390 : vector<1x16xf32> to vector<16xf32>
      %mul3A_392 = vector.broadcast %squeeze3A_378 : f32 to vector<16xf32>
      %mul3A_393 = arith.mulf %mul3A_392, %get3A_391 : vector<16xf32>
      %add3A_394 = arith.addf %add3A_328, %mul3A_393 : vector<16xf32>
      %get3A_395 = arith.constant 4 : i32
      %get3A_396 = arith.index_cast %get3A_395 : i32 to index
      %get3A_397 = arith.constant 32 : index
      %get3A_398 = tpu.vector_load %arg9[%get3A_396, %get3A_397] {strides = array<i32>} : memref<32x128xf32, #tpu.memory_space<vmem>>, vector<1x16xf32>,
      %get3A_399 = vector.shape_cast %get3A_398 : vector<1x16xf32> to vector<16xf32>
      %mul3A_400 = vector.broadcast %squeeze3A_378 : f32 to vector<16xf32>
      %mul3A_401 = arith.mulf %mul3A_400, %get3A_399 : vector<16xf32>
      %add3A_402 = arith.addf %add3A_336, %mul3A_401 : vector<16xf32>
      %get3A_403 = arith.constant 4 : i32
      %get3A_404 = arith.index_cast %get3A_403 : i32 to index
      %get3A_405 = arith.constant 48 : index
      %get3A_406 = tpu.vector_load %arg9[%get3A_404, %get3A_405] {strides = array<i32>} : memref<32x128xf32, #tpu.memory_space<vmem>>, vector<1x16xf32>,
      %get3A_407 = vector.shape_cast %get3A_406 : vector<1x16xf32> to vector<16xf32>
      %mul3A_408 = vector.broadcast %squeeze3A_378 : f32 to vector<16xf32>
      %mul3A_409 = arith.mulf %mul3A_408, %get3A_407 : vector<16xf32>
      %add3A_410 = arith.addf %add3A_344, %mul3A_409 : vector<16xf32>
      %get3A_411 = arith.constant 4 : i32
      %get3A_412 = arith.index_cast %get3A_411 : i32 to index
      %get3A_413 = arith.constant 64 : index
      %get3A_414 = tpu.vector_load %arg9[%get3A_412, %get3A_413] {strides = array<i32>} : memref<32x128xf32, #tpu.memory_space<vmem>>, vector<1x16xf32>,
      %get3A_415 = vector.shape_cast %get3A_414 : vector<1x16xf32> to vector<16xf32>
      %mul3A_416 = vector.broadcast %squeeze3A_378 : f32 to vector<16xf32>
      %mul3A_417 = arith.mulf %mul3A_416, %get3A_415 : vector<16xf32>
      %add3A_418 = arith.addf %add3A_352, %mul3A_417 : vector<16xf32>
      %get3A_419 = arith.constant 4 : i32
      %get3A_420 = arith.index_cast %get3A_419 : i32 to index
      %get3A_421 = arith.constant 80 : index
      %get3A_422 = tpu.vector_load %arg9[%get3A_420, %get3A_421] {strides = array<i32>} : memref<32x128xf32, #tpu.memory_space<vmem>>, vector<1x16xf32>,
      %get3A_423 = vector.shape_cast %get3A_422 : vector<1x16xf32> to vector<16xf32>
      %mul3A_424 = vector.broadcast %squeeze3A_378 : f32 to vector<16xf32>
      %mul3A_425 = arith.mulf %mul3A_424, %get3A_423 : vector<16xf32>
      %add3A_426 = arith.addf %add3A_360, %mul3A_425 : vector<16xf32>
      %get3A_427 = arith.constant 4 : i32
      %get3A_428 = arith.index_cast %get3A_427 : i32 to index
      %get3A_429 = arith.constant 96 : index
      %get3A_430 = tpu.vector_load %arg9[%get3A_428, %get3A_429] {strides = array<i32>} : memref<32x128xf32, #tpu.memory_space<vmem>>, vector<1x16xf32>,
      %get3A_431 = vector.shape_cast %get3A_430 : vector<1x16xf32> to vector<16xf32>
      %mul3A_432 = vector.broadcast %squeeze3A_378 : f32 to vector<16xf32>
      %mul3A_433 = arith.mulf %mul3A_432, %get3A_431 : vector<16xf32>
      %add3A_434 = arith.addf %add3A_368, %mul3A_433 : vector<16xf32>
      %get3A_435 = arith.constant 4 : i32
      %get3A_436 = arith.index_cast %get3A_435 : i32 to index
      %get3A_437 = arith.constant 112 : index
      %get3A_438 = tpu.vector_load %arg9[%get3A_436, %get3A_437] {strides = array<i32>} : memref<32x128xf32, #tpu.memory_space<vmem>>, vector<1x16xf32>,
      %get3A_439 = vector.shape_cast %get3A_438 : vector<1x16xf32> to vector<16xf32>
      %mul3A_440 = vector.broadcast %squeeze3A_378 : f32 to vector<16xf32>
      %mul3A_441 = arith.mulf %mul3A_440, %get3A_439 : vector<16xf32>
      %add3A_442 = arith.addf %add3A_376, %mul3A_441 : vector<16xf32>
      %slice3A_443 = vector.extract_strided_slice %mul3A_88 {offsets = [5], sizes = [1], strides = [1]} : vector<16xf32> to vector<1xf32>
      %squeeze3A_444 = vector.extract %slice3A_443[0] : f32 from vector<1xf32>
      %get3A_445 = arith.constant 5 : i32
      %get3A_446 = arith.index_cast %get3A_445 : i32 to index
      %get3A_447 = arith.constant 0 : index
      %get3A_448 = tpu.vector_load %arg9[%get3A_446, %get3A_447] {strides = array<i32>} : memref<32x128xf32, #tpu.memory_space<vmem>>, vector<1x16xf32>,
      %get3A_449 = vector.shape_cast %get3A_448 : vector<1x16xf32> to vector<16xf32>
      %mul3A_450 = vector.broadcast %squeeze3A_444 : f32 to vector<16xf32>
      %mul3A_451 = arith.mulf %mul3A_450, %get3A_449 : vector<16xf32>
      %add3A_452 = arith.addf %add3A_386, %mul3A_451 : vector<16xf32>
      %get3A_453 = arith.constant 5 : i32
      %get3A_454 = arith.index_cast %get3A_453 : i32 to index
      %get3A_455 = arith.constant 16 : index
      %get3A_456 = tpu.vector_load %arg9[%get3A_454, %get3A_455] {strides = array<i32>} : memref<32x128xf32, #tpu.memory_space<vmem>>, vector<1x16xf32>,
      %get3A_457 = vector.shape_cast %get3A_456 : vector<1x16xf32> to vector<16xf32>
      %mul3A_458 = vector.broadcast %squeeze3A_444 : f32 to vector<16xf32>
      %mul3A_459 = arith.mulf %mul3A_458, %get3A_457 : vector<16xf32>
      %add3A_460 = arith.addf %add3A_394, %mul3A_459 : vector<16xf32>
      %get3A_461 = arith.constant 5 : i32
      %get3A_462 = arith.index_cast %get3A_461 : i32 to index
      %get3A_463 = arith.constant 32 : index
      %get3A_464 = tpu.vector_load %arg9[%get3A_462, %get3A_463] {strides = array<i32>} : memref<32x128xf32, #tpu.memory_space<vmem>>, vector<1x16xf32>,
      %get3A_465 = vector.shape_cast %get3A_464 : vector<1x16xf32> to vector<16xf32>
      %mul3A_466 = vector.broadcast %squeeze3A_444 : f32 to vector<16xf32>
      %mul3A_467 = arith.mulf %mul3A_466, %get3A_465 : vector<16xf32>
      %add3A_468 = arith.addf %add3A_402, %mul3A_467 : vector<16xf32>
      %get3A_469 = arith.constant 5 : i32
      %get3A_470 = arith.index_cast %get3A_469 : i32 to index
      %get3A_471 = arith.constant 48 : index
      %get3A_472 = tpu.vector_load %arg9[%get3A_470, %get3A_471] {strides = array<i32>} : memref<32x128xf32, #tpu.memory_space<vmem>>, vector<1x16xf32>,
      %get3A_473 = vector.shape_cast %get3A_472 : vector<1x16xf32> to vector<16xf32>
      %mul3A_474 = vector.broadcast %squeeze3A_444 : f32 to vector<16xf32>
      %mul3A_475 = arith.mulf %mul3A_474, %get3A_473 : vector<16xf32>
      %add3A_476 = arith.addf %add3A_410, %mul3A_475 : vector<16xf32>
      %get3A_477 = arith.constant 5 : i32
      %get3A_478 = arith.index_cast %get3A_477 : i32 to index
      %get3A_479 = arith.constant 64 : index
      %get3A_480 = tpu.vector_load %arg9[%get3A_478, %get3A_479] {strides = array<i32>} : memref<32x128xf32, #tpu.memory_space<vmem>>, vector<1x16xf32>,
      %get3A_481 = vector.shape_cast %get3A_480 : vector<1x16xf32> to vector<16xf32>
      %mul3A_482 = vector.broadcast %squeeze3A_444 : f32 to vector<16xf32>
      %mul3A_483 = arith.mulf %mul3A_482, %get3A_481 : vector<16xf32>
      %add3A_484 = arith.addf %add3A_418, %mul3A_483 : vector<16xf32>
      %get3A_485 = arith.constant 5 : i32
      %get3A_486 = arith.index_cast %get3A_485 : i32 to index
      %get3A_487 = arith.constant 80 : index
      %get3A_488 = tpu.vector_load %arg9[%get3A_486, %get3A_487] {strides = array<i32>} : memref<32x128xf32, #tpu.memory_space<vmem>>, vector<1x16xf32>,
      %get3A_489 = vector.shape_cast %get3A_488 : vector<1x16xf32> to vector<16xf32>
      %mul3A_490 = vector.broadcast %squeeze3A_444 : f32 to vector<16xf32>
      %mul3A_491 = arith.mulf %mul3A_490, %get3A_489 : vector<16xf32>
      %add3A_492 = arith.addf %add3A_426, %mul3A_491 : vector<16xf32>
      %get3A_493 = arith.constant 5 : i32
      %get3A_494 = arith.index_cast %get3A_493 : i32 to index
      %get3A_495 = arith.constant 96 : index
      %get3A_496 = tpu.vector_load %arg9[%get3A_494, %get3A_495] {strides = array<i32>} : memref<32x128xf32, #tpu.memory_space<vmem>>, vector<1x16xf32>,
      %get3A_497 = vector.shape_cast %get3A_496 : vector<1x16xf32> to vector<16xf32>
      %mul3A_498 = vector.broadcast %squeeze3A_444 : f32 to vector<16xf32>
      %mul3A_499 = arith.mulf %mul3A_498, %get3A_497 : vector<16xf32>
      %add3A_500 = arith.addf %add3A_434, %mul3A_499 : vector<16xf32>
      %get3A_501 = arith.constant 5 : i32
      %get3A_502 = arith.index_cast %get3A_501 : i32 to index
      %get3A_503 = arith.constant 112 : index
      %get3A_504 = tpu.vector_load %arg9[%get3A_502, %get3A_503] {strides = array<i32>} : memref<32x128xf32, #tpu.memory_space<vmem>>, vector<1x16xf32>,
      %get3A_505 = vector.shape_cast %get3A_504 : vector<1x16xf32> to vector<16xf32>
      %mul3A_506 = vector.broadcast %squeeze3A_444 : f32 to vector<16xf32>
      %mul3A_507 = arith.mulf %mul3A_506, %get3A_505 : vector<16xf32>
      %add3A_508 = arith.addf %add3A_442, %mul3A_507 : vector<16xf32>
      %slice3A_509 = vector.extract_strided_slice %mul3A_88 {offsets = [6], sizes = [1], strides = [1]} : vector<16xf32> to vector<1xf32>
      %squeeze3A_510 = vector.extract %slice3A_509[0] : f32 from vector<1xf32>
      %get3A_511 = arith.constant 6 : i32
      %get3A_512 = arith.index_cast %get3A_511 : i32 to index
      %get3A_513 = arith.constant 0 : index
      %get3A_514 = tpu.vector_load %arg9[%get3A_512, %get3A_513] {strides = array<i32>} : memref<32x128xf32, #tpu.memory_space<vmem>>, vector<1x16xf32>,
      %get3A_515 = vector.shape_cast %get3A_514 : vector<1x16xf32> to vector<16xf32>
      %mul3A_516 = vector.broadcast %squeeze3A_510 : f32 to vector<16xf32>
      %mul3A_517 = arith.mulf %mul3A_516, %get3A_515 : vector<16xf32>
      %add3A_518 = arith.addf %add3A_452, %mul3A_517 : vector<16xf32>
      %get3A_519 = arith.constant 6 : i32
      %get3A_520 = arith.index_cast %get3A_519 : i32 to index
      %get3A_521 = arith.constant 16 : index
      %get3A_522 = tpu.vector_load %arg9[%get3A_520, %get3A_521] {strides = array<i32>} : memref<32x128xf32, #tpu.memory_space<vmem>>, vector<1x16xf32>,
      %get3A_523 = vector.shape_cast %get3A_522 : vector<1x16xf32> to vector<16xf32>
      %mul3A_524 = vector.broadcast %squeeze3A_510 : f32 to vector<16xf32>
      %mul3A_525 = arith.mulf %mul3A_524, %get3A_523 : vector<16xf32>
      %add3A_526 = arith.addf %add3A_460, %mul3A_525 : vector<16xf32>
      %get3A_527 = arith.constant 6 : i32
      %get3A_528 = arith.index_cast %get3A_527 : i32 to index
      %get3A_529 = arith.constant 32 : index
      %get3A_530 = tpu.vector_load %arg9[%get3A_528, %get3A_529] {strides = array<i32>} : memref<32x128xf32, #tpu.memory_space<vmem>>, vector<1x16xf32>,
      %get3A_531 = vector.shape_cast %get3A_530 : vector<1x16xf32> to vector<16xf32>
      %mul3A_532 = vector.broadcast %squeeze3A_510 : f32 to vector<16xf32>
      %mul3A_533 = arith.mulf %mul3A_532, %get3A_531 : vector<16xf32>
      %add3A_534 = arith.addf %add3A_468, %mul3A_533 : vector<16xf32>
      %get3A_535 = arith.constant 6 : i32
      %get3A_536 = arith.index_cast %get3A_535 : i32 to index
      %get3A_537 = arith.constant 48 : index
      %get3A_538 = tpu.vector_load %arg9[%get3A_536, %get3A_537] {strides = array<i32>} : memref<32x128xf32, #tpu.memory_space<vmem>>, vector<1x16xf32>,
      %get3A_539 = vector.shape_cast %get3A_538 : vector<1x16xf32> to vector<16xf32>
      %mul3A_540 = vector.broadcast %squeeze3A_510 : f32 to vector<16xf32>
      %mul3A_541 = arith.mulf %mul3A_540, %get3A_539 : vector<16xf32>
      %add3A_542 = arith.addf %add3A_476, %mul3A_541 : vector<16xf32>
      %get3A_543 = arith.constant 6 : i32
      %get3A_544 = arith.index_cast %get3A_543 : i32 to index
      %get3A_545 = arith.constant 64 : index
      %get3A_546 = tpu.vector_load %arg9[%get3A_544, %get3A_545] {strides = array<i32>} : memref<32x128xf32, #tpu.memory_space<vmem>>, vector<1x16xf32>,
      %get3A_547 = vector.shape_cast %get3A_546 : vector<1x16xf32> to vector<16xf32>
      %mul3A_548 = vector.broadcast %squeeze3A_510 : f32 to vector<16xf32>
      %mul3A_549 = arith.mulf %mul3A_548, %get3A_547 : vector<16xf32>
      %add3A_550 = arith.addf %add3A_484, %mul3A_549 : vector<16xf32>
      %get3A_551 = arith.constant 6 : i32
      %get3A_552 = arith.index_cast %get3A_551 : i32 to index
      %get3A_553 = arith.constant 80 : index
      %get3A_554 = tpu.vector_load %arg9[%get3A_552, %get3A_553] {strides = array<i32>} : memref<32x128xf32, #tpu.memory_space<vmem>>, vector<1x16xf32>,
      %get3A_555 = vector.shape_cast %get3A_554 : vector<1x16xf32> to vector<16xf32>
      %mul3A_556 = vector.broadcast %squeeze3A_510 : f32 to vector<16xf32>
      %mul3A_557 = arith.mulf %mul3A_556, %get3A_555 : vector<16xf32>
      %add3A_558 = arith.addf %add3A_492, %mul3A_557 : vector<16xf32>
      %get3A_559 = arith.constant 6 : i32
      %get3A_560 = arith.index_cast %get3A_559 : i32 to index
      %get3A_561 = arith.constant 96 : index
      %get3A_562 = tpu.vector_load %arg9[%get3A_560, %get3A_561] {strides = array<i32>} : memref<32x128xf32, #tpu.memory_space<vmem>>, vector<1x16xf32>,
      %get3A_563 = vector.shape_cast %get3A_562 : vector<1x16xf32> to vector<16xf32>
      %mul3A_564 = vector.broadcast %squeeze3A_510 : f32 to vector<16xf32>
      %mul3A_565 = arith.mulf %mul3A_564, %get3A_563 : vector<16xf32>
      %add3A_566 = arith.addf %add3A_500, %mul3A_565 : vector<16xf32>
      %get3A_567 = arith.constant 6 : i32
      %get3A_568 = arith.index_cast %get3A_567 : i32 to index
      %get3A_569 = arith.constant 112 : index
      %get3A_570 = tpu.vector_load %arg9[%get3A_568, %get3A_569] {strides = array<i32>} : memref<32x128xf32, #tpu.memory_space<vmem>>, vector<1x16xf32>,
      %get3A_571 = vector.shape_cast %get3A_570 : vector<1x16xf32> to vector<16xf32>
      %mul3A_572 = vector.broadcast %squeeze3A_510 : f32 to vector<16xf32>
      %mul3A_573 = arith.mulf %mul3A_572, %get3A_571 : vector<16xf32>
      %add3A_574 = arith.addf %add3A_508, %mul3A_573 : vector<16xf32>
      %slice3A_575 = vector.extract_strided_slice %mul3A_88 {offsets = [7], sizes = [1], strides = [1]} : vector<16xf32> to vector<1xf32>
      %squeeze3A_576 = vector.extract %slice3A_575[0] : f32 from vector<1xf32>
      %get3A_577 = arith.constant 7 : i32
      %get3A_578 = arith.index_cast %get3A_577 : i32 to index
      %get3A_579 = arith.constant 0 : index
      %get3A_580 = tpu.vector_load %arg9[%get3A_578, %get3A_579] {strides = array<i32>} : memref<32x128xf32, #tpu.memory_space<vmem>>, vector<1x16xf32>,
      %get3A_581 = vector.shape_cast %get3A_580 : vector<1x16xf32> to vector<16xf32>
      %mul3A_582 = vector.broadcast %squeeze3A_576 : f32 to vector<16xf32>
      %mul3A_583 = arith.mulf %mul3A_582, %get3A_581 : vector<16xf32>
      %add3A_584 = arith.addf %add3A_518, %mul3A_583 : vector<16xf32>
      %get3A_585 = arith.constant 7 : i32
      %get3A_586 = arith.index_cast %get3A_585 : i32 to index
      %get3A_587 = arith.constant 16 : index
      %get3A_588 = tpu.vector_load %arg9[%get3A_586, %get3A_587] {strides = array<i32>} : memref<32x128xf32, #tpu.memory_space<vmem>>, vector<1x16xf32>,
      %get3A_589 = vector.shape_cast %get3A_588 : vector<1x16xf32> to vector<16xf32>
      %mul3A_590 = vector.broadcast %squeeze3A_576 : f32 to vector<16xf32>
      %mul3A_591 = arith.mulf %mul3A_590, %get3A_589 : vector<16xf32>
      %add3A_592 = arith.addf %add3A_526, %mul3A_591 : vector<16xf32>
      %get3A_593 = arith.constant 7 : i32
      %get3A_594 = arith.index_cast %get3A_593 : i32 to index
      %get3A_595 = arith.constant 32 : index
      %get3A_596 = tpu.vector_load %arg9[%get3A_594, %get3A_595] {strides = array<i32>} : memref<32x128xf32, #tpu.memory_space<vmem>>, vector<1x16xf32>,
      %get3A_597 = vector.shape_cast %get3A_596 : vector<1x16xf32> to vector<16xf32>
      %mul3A_598 = vector.broadcast %squeeze3A_576 : f32 to vector<16xf32>
      %mul3A_599 = arith.mulf %mul3A_598, %get3A_597 : vector<16xf32>
      %add3A_600 = arith.addf %add3A_534, %mul3A_599 : vector<16xf32>
      %get3A_601 = arith.constant 7 : i32
      %get3A_602 = arith.index_cast %get3A_601 : i32 to index
      %get3A_603 = arith.constant 48 : index
      %get3A_604 = tpu.vector_load %arg9[%get3A_602, %get3A_603] {strides = array<i32>} : memref<32x128xf32, #tpu.memory_space<vmem>>, vector<1x16xf32>,
      %get3A_605 = vector.shape_cast %get3A_604 : vector<1x16xf32> to vector<16xf32>
      %mul3A_606 = vector.broadcast %squeeze3A_576 : f32 to vector<16xf32>
      %mul3A_607 = arith.mulf %mul3A_606, %get3A_605 : vector<16xf32>
      %add3A_608 = arith.addf %add3A_542, %mul3A_607 : vector<16xf32>
      %get3A_609 = arith.constant 7 : i32
      %get3A_610 = arith.index_cast %get3A_609 : i32 to index
      %get3A_611 = arith.constant 64 : index
      %get3A_612 = tpu.vector_load %arg9[%get3A_610, %get3A_611] {strides = array<i32>} : memref<32x128xf32, #tpu.memory_space<vmem>>, vector<1x16xf32>,
      %get3A_613 = vector.shape_cast %get3A_612 : vector<1x16xf32> to vector<16xf32>
      %mul3A_614 = vector.broadcast %squeeze3A_576 : f32 to vector<16xf32>
      %mul3A_615 = arith.mulf %mul3A_614, %get3A_613 : vector<16xf32>
      %add3A_616 = arith.addf %add3A_550, %mul3A_615 : vector<16xf32>
      %get3A_617 = arith.constant 7 : i32
      %get3A_618 = arith.index_cast %get3A_617 : i32 to index
      %get3A_619 = arith.constant 80 : index
      %get3A_620 = tpu.vector_load %arg9[%get3A_618, %get3A_619] {strides = array<i32>} : memref<32x128xf32, #tpu.memory_space<vmem>>, vector<1x16xf32>,
      %get3A_621 = vector.shape_cast %get3A_620 : vector<1x16xf32> to vector<16xf32>
      %mul3A_622 = vector.broadcast %squeeze3A_576 : f32 to vector<16xf32>
      %mul3A_623 = arith.mulf %mul3A_622, %get3A_621 : vector<16xf32>
      %add3A_624 = arith.addf %add3A_558, %mul3A_623 : vector<16xf32>
      %get3A_625 = arith.constant 7 : i32
      %get3A_626 = arith.index_cast %get3A_625 : i32 to index
      %get3A_627 = arith.constant 96 : index
      %get3A_628 = tpu.vector_load %arg9[%get3A_626, %get3A_627] {strides = array<i32>} : memref<32x128xf32, #tpu.memory_space<vmem>>, vector<1x16xf32>,
      %get3A_629 = vector.shape_cast %get3A_628 : vector<1x16xf32> to vector<16xf32>
      %mul3A_630 = vector.broadcast %squeeze3A_576 : f32 to vector<16xf32>
      %mul3A_631 = arith.mulf %mul3A_630, %get3A_629 : vector<16xf32>
      %add3A_632 = arith.addf %add3A_566, %mul3A_631 : vector<16xf32>
      %get3A_633 = arith.constant 7 : i32
      %get3A_634 = arith.index_cast %get3A_633 : i32 to index
      %get3A_635 = arith.constant 112 : index
      %get3A_636 = tpu.vector_load %arg9[%get3A_634, %get3A_635] {strides = array<i32>} : memref<32x128xf32, #tpu.memory_space<vmem>>, vector<1x16xf32>,
      %get3A_637 = vector.shape_cast %get3A_636 : vector<1x16xf32> to vector<16xf32>
      %mul3A_638 = vector.broadcast %squeeze3A_576 : f32 to vector<16xf32>
      %mul3A_639 = arith.mulf %mul3A_638, %get3A_637 : vector<16xf32>
      %add3A_640 = arith.addf %add3A_574, %mul3A_639 : vector<16xf32>
      %slice3A_641 = vector.extract_strided_slice %mul3A_88 {offsets = [8], sizes = [1], strides = [1]} : vector<16xf32> to vector<1xf32>
      %squeeze3A_642 = vector.extract %slice3A_641[0] : f32 from vector<1xf32>
      %get3A_643 = arith.constant 8 : i32
      %get3A_644 = arith.index_cast %get3A_643 : i32 to index
      %get3A_645 = arith.constant 0 : index
      %get3A_646 = tpu.vector_load %arg9[%get3A_644, %get3A_645] {strides = array<i32>} : memref<32x128xf32, #tpu.memory_space<vmem>>, vector<1x16xf32>,
      %get3A_647 = vector.shape_cast %get3A_646 : vector<1x16xf32> to vector<16xf32>
      %mul3A_648 = vector.broadcast %squeeze3A_642 : f32 to vector<16xf32>
      %mul3A_649 = arith.mulf %mul3A_648, %get3A_647 : vector<16xf32>
      %add3A_650 = arith.addf %add3A_584, %mul3A_649 : vector<16xf32>
      %get3A_651 = arith.constant 8 : i32
      %get3A_652 = arith.index_cast %get3A_651 : i32 to index
      %get3A_653 = arith.constant 16 : index
      %get3A_654 = tpu.vector_load %arg9[%get3A_652, %get3A_653] {strides = array<i32>} : memref<32x128xf32, #tpu.memory_space<vmem>>, vector<1x16xf32>,
      %get3A_655 = vector.shape_cast %get3A_654 : vector<1x16xf32> to vector<16xf32>
      %mul3A_656 = vector.broadcast %squeeze3A_642 : f32 to vector<16xf32>
      %mul3A_657 = arith.mulf %mul3A_656, %get3A_655 : vector<16xf32>
      %add3A_658 = arith.addf %add3A_592, %mul3A_657 : vector<16xf32>
      %get3A_659 = arith.constant 8 : i32
      %get3A_660 = arith.index_cast %get3A_659 : i32 to index
      %get3A_661 = arith.constant 32 : index
      %get3A_662 = tpu.vector_load %arg9[%get3A_660, %get3A_661] {strides = array<i32>} : memref<32x128xf32, #tpu.memory_space<vmem>>, vector<1x16xf32>,
      %get3A_663 = vector.shape_cast %get3A_662 : vector<1x16xf32> to vector<16xf32>
      %mul3A_664 = vector.broadcast %squeeze3A_642 : f32 to vector<16xf32>
      %mul3A_665 = arith.mulf %mul3A_664, %get3A_663 : vector<16xf32>
      %add3A_666 = arith.addf %add3A_600, %mul3A_665 : vector<16xf32>
      %get3A_667 = arith.constant 8 : i32
      %get3A_668 = arith.index_cast %get3A_667 : i32 to index
      %get3A_669 = arith.constant 48 : index
      %get3A_670 = tpu.vector_load %arg9[%get3A_668, %get3A_669] {strides = array<i32>} : memref<32x128xf32, #tpu.memory_space<vmem>>, vector<1x16xf32>,
      %get3A_671 = vector.shape_cast %get3A_670 : vector<1x16xf32> to vector<16xf32>
      %mul3A_672 = vector.broadcast %squeeze3A_642 : f32 to vector<16xf32>
      %mul3A_673 = arith.mulf %mul3A_672, %get3A_671 : vector<16xf32>
      %add3A_674 = arith.addf %add3A_608, %mul3A_673 : vector<16xf32>
      %get3A_675 = arith.constant 8 : i32
      %get3A_676 = arith.index_cast %get3A_675 : i32 to index
      %get3A_677 = arith.constant 64 : index
      %get3A_678 = tpu.vector_load %arg9[%get3A_676, %get3A_677] {strides = array<i32>} : memref<32x128xf32, #tpu.memory_space<vmem>>, vector<1x16xf32>,
      %get3A_679 = vector.shape_cast %get3A_678 : vector<1x16xf32> to vector<16xf32>
      %mul3A_680 = vector.broadcast %squeeze3A_642 : f32 to vector<16xf32>
      %mul3A_681 = arith.mulf %mul3A_680, %get3A_679 : vector<16xf32>
      %add3A_682 = arith.addf %add3A_616, %mul3A_681 : vector<16xf32>
      %get3A_683 = arith.constant 8 : i32
      %get3A_684 = arith.index_cast %get3A_683 : i32 to index
      %get3A_685 = arith.constant 80 : index
      %get3A_686 = tpu.vector_load %arg9[%get3A_684, %get3A_685] {strides = array<i32>} : memref<32x128xf32, #tpu.memory_space<vmem>>, vector<1x16xf32>,
      %get3A_687 = vector.shape_cast %get3A_686 : vector<1x16xf32> to vector<16xf32>
      %mul3A_688 = vector.broadcast %squeeze3A_642 : f32 to vector<16xf32>
      %mul3A_689 = arith.mulf %mul3A_688, %get3A_687 : vector<16xf32>
      %add3A_690 = arith.addf %add3A_624, %mul3A_689 : vector<16xf32>
      %get3A_691 = arith.constant 8 : i32
      %get3A_692 = arith.index_cast %get3A_691 : i32 to index
      %get3A_693 = arith.constant 96 : index
      %get3A_694 = tpu.vector_load %arg9[%get3A_692, %get3A_693] {strides = array<i32>} : memref<32x128xf32, #tpu.memory_space<vmem>>, vector<1x16xf32>,
      %get3A_695 = vector.shape_cast %get3A_694 : vector<1x16xf32> to vector<16xf32>
      %mul3A_696 = vector.broadcast %squeeze3A_642 : f32 to vector<16xf32>
      %mul3A_697 = arith.mulf %mul3A_696, %get3A_695 : vector<16xf32>
      %add3A_698 = arith.addf %add3A_632, %mul3A_697 : vector<16xf32>
      %get3A_699 = arith.constant 8 : i32
      %get3A_700 = arith.index_cast %get3A_699 : i32 to index
      %get3A_701 = arith.constant 112 : index
      %get3A_702 = tpu.vector_load %arg9[%get3A_700, %get3A_701] {strides = array<i32>} : memref<32x128xf32, #tpu.memory_space<vmem>>, vector<1x16xf32>,
      %get3A_703 = vector.shape_cast %get3A_702 : vector<1x16xf32> to vector<16xf32>
      %mul3A_704 = vector.broadcast %squeeze3A_642 : f32 to vector<16xf32>
      %mul3A_705 = arith.mulf %mul3A_704, %get3A_703 : vector<16xf32>
      %add3A_706 = arith.addf %add3A_640, %mul3A_705 : vector<16xf32>
      %slice3A_707 = vector.extract_strided_slice %mul3A_88 {offsets = [9], sizes = [1], strides = [1]} : vector<16xf32> to vector<1xf32>
      %squeeze3A_708 = vector.extract %slice3A_707[0] : f32 from vector<1xf32>
      %get3A_709 = arith.constant 9 : i32
      %get3A_710 = arith.index_cast %get3A_709 : i32 to index
      %get3A_711 = arith.constant 0 : index
      %get3A_712 = tpu.vector_load %arg9[%get3A_710, %get3A_711] {strides = array<i32>} : memref<32x128xf32, #tpu.memory_space<vmem>>, vector<1x16xf32>,
      %get3A_713 = vector.shape_cast %get3A_712 : vector<1x16xf32> to vector<16xf32>
      %mul3A_714 = vector.broadcast %squeeze3A_708 : f32 to vector<16xf32>
      %mul3A_715 = arith.mulf %mul3A_714, %get3A_713 : vector<16xf32>
      %add3A_716 = arith.addf %add3A_650, %mul3A_715 : vector<16xf32>
      %get3A_717 = arith.constant 9 : i32
      %get3A_718 = arith.index_cast %get3A_717 : i32 to index
      %get3A_719 = arith.constant 16 : index
      %get3A_720 = tpu.vector_load %arg9[%get3A_718, %get3A_719] {strides = array<i32>} : memref<32x128xf32, #tpu.memory_space<vmem>>, vector<1x16xf32>,
      %get3A_721 = vector.shape_cast %get3A_720 : vector<1x16xf32> to vector<16xf32>
      %mul3A_722 = vector.broadcast %squeeze3A_708 : f32 to vector<16xf32>
      %mul3A_723 = arith.mulf %mul3A_722, %get3A_721 : vector<16xf32>
      %add3A_724 = arith.addf %add3A_658, %mul3A_723 : vector<16xf32>
      %get3A_725 = arith.constant 9 : i32
      %get3A_726 = arith.index_cast %get3A_725 : i32 to index
      %get3A_727 = arith.constant 32 : index
      %get3A_728 = tpu.vector_load %arg9[%get3A_726, %get3A_727] {strides = array<i32>} : memref<32x128xf32, #tpu.memory_space<vmem>>, vector<1x16xf32>,
      %get3A_729 = vector.shape_cast %get3A_728 : vector<1x16xf32> to vector<16xf32>
      %mul3A_730 = vector.broadcast %squeeze3A_708 : f32 to vector<16xf32>
      %mul3A_731 = arith.mulf %mul3A_730, %get3A_729 : vector<16xf32>
      %add3A_732 = arith.addf %add3A_666, %mul3A_731 : vector<16xf32>
      %get3A_733 = arith.constant 9 : i32
      %get3A_734 = arith.index_cast %get3A_733 : i32 to index
      %get3A_735 = arith.constant 48 : index
      %get3A_736 = tpu.vector_load %arg9[%get3A_734, %get3A_735] {strides = array<i32>} : memref<32x128xf32, #tpu.memory_space<vmem>>, vector<1x16xf32>,
      %get3A_737 = vector.shape_cast %get3A_736 : vector<1x16xf32> to vector<16xf32>
      %mul3A_738 = vector.broadcast %squeeze3A_708 : f32 to vector<16xf32>
      %mul3A_739 = arith.mulf %mul3A_738, %get3A_737 : vector<16xf32>
      %add3A_740 = arith.addf %add3A_674, %mul3A_739 : vector<16xf32>
      %get3A_741 = arith.constant 9 : i32
      %get3A_742 = arith.index_cast %get3A_741 : i32 to index
      %get3A_743 = arith.constant 64 : index
      %get3A_744 = tpu.vector_load %arg9[%get3A_742, %get3A_743] {strides = array<i32>} : memref<32x128xf32, #tpu.memory_space<vmem>>, vector<1x16xf32>,
      %get3A_745 = vector.shape_cast %get3A_744 : vector<1x16xf32> to vector<16xf32>
      %mul3A_746 = vector.broadcast %squeeze3A_708 : f32 to vector<16xf32>
      %mul3A_747 = arith.mulf %mul3A_746, %get3A_745 : vector<16xf32>
      %add3A_748 = arith.addf %add3A_682, %mul3A_747 : vector<16xf32>
      %get3A_749 = arith.constant 9 : i32
      %get3A_750 = arith.index_cast %get3A_749 : i32 to index
      %get3A_751 = arith.constant 80 : index
      %get3A_752 = tpu.vector_load %arg9[%get3A_750, %get3A_751] {strides = array<i32>} : memref<32x128xf32, #tpu.memory_space<vmem>>, vector<1x16xf32>,
      %get3A_753 = vector.shape_cast %get3A_752 : vector<1x16xf32> to vector<16xf32>
      %mul3A_754 = vector.broadcast %squeeze3A_708 : f32 to vector<16xf32>
      %mul3A_755 = arith.mulf %mul3A_754, %get3A_753 : vector<16xf32>
      %add3A_756 = arith.addf %add3A_690, %mul3A_755 : vector<16xf32>
      %get3A_757 = arith.constant 9 : i32
      %get3A_758 = arith.index_cast %get3A_757 : i32 to index
      %get3A_759 = arith.constant 96 : index
      %get3A_760 = tpu.vector_load %arg9[%get3A_758, %get3A_759] {strides = array<i32>} : memref<32x128xf32, #tpu.memory_space<vmem>>, vector<1x16xf32>,
      %get3A_761 = vector.shape_cast %get3A_760 : vector<1x16xf32> to vector<16xf32>
      %mul3A_762 = vector.broadcast %squeeze3A_708 : f32 to vector<16xf32>
      %mul3A_763 = arith.mulf %mul3A_762, %get3A_761 : vector<16xf32>
      %add3A_764 = arith.addf %add3A_698, %mul3A_763 : vector<16xf32>
      %get3A_765 = arith.constant 9 : i32
      %get3A_766 = arith.index_cast %get3A_765 : i32 to index
      %get3A_767 = arith.constant 112 : index
      %get3A_768 = tpu.vector_load %arg9[%get3A_766, %get3A_767] {strides = array<i32>} : memref<32x128xf32, #tpu.memory_space<vmem>>, vector<1x16xf32>,
      %get3A_769 = vector.shape_cast %get3A_768 : vector<1x16xf32> to vector<16xf32>
      %mul3A_770 = vector.broadcast %squeeze3A_708 : f32 to vector<16xf32>
      %mul3A_771 = arith.mulf %mul3A_770, %get3A_769 : vector<16xf32>
      %add3A_772 = arith.addf %add3A_706, %mul3A_771 : vector<16xf32>
      %slice3A_773 = vector.extract_strided_slice %mul3A_88 {offsets = [10], sizes = [1], strides = [1]} : vector<16xf32> to vector<1xf32>
      %squeeze3A_774 = vector.extract %slice3A_773[0] : f32 from vector<1xf32>
      %get3A_775 = arith.constant 10 : i32
      %get3A_776 = arith.index_cast %get3A_775 : i32 to index
      %get3A_777 = arith.constant 0 : index
      %get3A_778 = tpu.vector_load %arg9[%get3A_776, %get3A_777] {strides = array<i32>} : memref<32x128xf32, #tpu.memory_space<vmem>>, vector<1x16xf32>,
      %get3A_779 = vector.shape_cast %get3A_778 : vector<1x16xf32> to vector<16xf32>
      %mul3A_780 = vector.broadcast %squeeze3A_774 : f32 to vector<16xf32>
      %mul3A_781 = arith.mulf %mul3A_780, %get3A_779 : vector<16xf32>
      %add3A_782 = arith.addf %add3A_716, %mul3A_781 : vector<16xf32>
      %get3A_783 = arith.constant 10 : i32
      %get3A_784 = arith.index_cast %get3A_783 : i32 to index
      %get3A_785 = arith.constant 16 : index
      %get3A_786 = tpu.vector_load %arg9[%get3A_784, %get3A_785] {strides = array<i32>} : memref<32x128xf32, #tpu.memory_space<vmem>>, vector<1x16xf32>,
      %get3A_787 = vector.shape_cast %get3A_786 : vector<1x16xf32> to vector<16xf32>
      %mul3A_788 = vector.broadcast %squeeze3A_774 : f32 to vector<16xf32>
      %mul3A_789 = arith.mulf %mul3A_788, %get3A_787 : vector<16xf32>
      %add3A_790 = arith.addf %add3A_724, %mul3A_789 : vector<16xf32>
      %get3A_791 = arith.constant 10 : i32
      %get3A_792 = arith.index_cast %get3A_791 : i32 to index
      %get3A_793 = arith.constant 32 : index
      %get3A_794 = tpu.vector_load %arg9[%get3A_792, %get3A_793] {strides = array<i32>} : memref<32x128xf32, #tpu.memory_space<vmem>>, vector<1x16xf32>,
      %get3A_795 = vector.shape_cast %get3A_794 : vector<1x16xf32> to vector<16xf32>
      %mul3A_796 = vector.broadcast %squeeze3A_774 : f32 to vector<16xf32>
      %mul3A_797 = arith.mulf %mul3A_796, %get3A_795 : vector<16xf32>
      %add3A_798 = arith.addf %add3A_732, %mul3A_797 : vector<16xf32>
      %get3A_799 = arith.constant 10 : i32
      %get3A_800 = arith.index_cast %get3A_799 : i32 to index
      %get3A_801 = arith.constant 48 : index
      %get3A_802 = tpu.vector_load %arg9[%get3A_800, %get3A_801] {strides = array<i32>} : memref<32x128xf32, #tpu.memory_space<vmem>>, vector<1x16xf32>,
      %get3A_803 = vector.shape_cast %get3A_802 : vector<1x16xf32> to vector<16xf32>
      %mul3A_804 = vector.broadcast %squeeze3A_774 : f32 to vector<16xf32>
      %mul3A_805 = arith.mulf %mul3A_804, %get3A_803 : vector<16xf32>
      %add3A_806 = arith.addf %add3A_740, %mul3A_805 : vector<16xf32>
      %get3A_807 = arith.constant 10 : i32
      %get3A_808 = arith.index_cast %get3A_807 : i32 to index
      %get3A_809 = arith.constant 64 : index
      %get3A_810 = tpu.vector_load %arg9[%get3A_808, %get3A_809] {strides = array<i32>} : memref<32x128xf32, #tpu.memory_space<vmem>>, vector<1x16xf32>,
      %get3A_811 = vector.shape_cast %get3A_810 : vector<1x16xf32> to vector<16xf32>
      %mul3A_812 = vector.broadcast %squeeze3A_774 : f32 to vector<16xf32>
      %mul3A_813 = arith.mulf %mul3A_812, %get3A_811 : vector<16xf32>
      %add3A_814 = arith.addf %add3A_748, %mul3A_813 : vector<16xf32>
      %get3A_815 = arith.constant 10 : i32
      %get3A_816 = arith.index_cast %get3A_815 : i32 to index
      %get3A_817 = arith.constant 80 : index
      %get3A_818 = tpu.vector_load %arg9[%get3A_816, %get3A_817] {strides = array<i32>} : memref<32x128xf32, #tpu.memory_space<vmem>>, vector<1x16xf32>,
      %get3A_819 = vector.shape_cast %get3A_818 : vector<1x16xf32> to vector<16xf32>
      %mul3A_820 = vector.broadcast %squeeze3A_774 : f32 to vector<16xf32>
      %mul3A_821 = arith.mulf %mul3A_820, %get3A_819 : vector<16xf32>
      %add3A_822 = arith.addf %add3A_756, %mul3A_821 : vector<16xf32>
      %get3A_823 = arith.constant 10 : i32
      %get3A_824 = arith.index_cast %get3A_823 : i32 to index
      %get3A_825 = arith.constant 96 : index
      %get3A_826 = tpu.vector_load %arg9[%get3A_824, %get3A_825] {strides = array<i32>} : memref<32x128xf32, #tpu.memory_space<vmem>>, vector<1x16xf32>,
      %get3A_827 = vector.shape_cast %get3A_826 : vector<1x16xf32> to vector<16xf32>
      %mul3A_828 = vector.broadcast %squeeze3A_774 : f32 to vector<16xf32>
      %mul3A_829 = arith.mulf %mul3A_828, %get3A_827 : vector<16xf32>
      %add3A_830 = arith.addf %add3A_764, %mul3A_829 : vector<16xf32>
      %get3A_831 = arith.constant 10 : i32
      %get3A_832 = arith.index_cast %get3A_831 : i32 to index
      %get3A_833 = arith.constant 112 : index
      %get3A_834 = tpu.vector_load %arg9[%get3A_832, %get3A_833] {strides = array<i32>} : memref<32x128xf32, #tpu.memory_space<vmem>>, vector<1x16xf32>,
      %get3A_835 = vector.shape_cast %get3A_834 : vector<1x16xf32> to vector<16xf32>
      %mul3A_836 = vector.broadcast %squeeze3A_774 : f32 to vector<16xf32>
      %mul3A_837 = arith.mulf %mul3A_836, %get3A_835 : vector<16xf32>
      %add3A_838 = arith.addf %add3A_772, %mul3A_837 : vector<16xf32>
      %slice3A_839 = vector.extract_strided_slice %mul3A_88 {offsets = [11], sizes = [1], strides = [1]} : vector<16xf32> to vector<1xf32>
      %squeeze3A_840 = vector.extract %slice3A_839[0] : f32 from vector<1xf32>
      %get3A_841 = arith.constant 11 : i32
      %get3A_842 = arith.index_cast %get3A_841 : i32 to index
      %get3A_843 = arith.constant 0 : index
      %get3A_844 = tpu.vector_load %arg9[%get3A_842, %get3A_843] {strides = array<i32>} : memref<32x128xf32, #tpu.memory_space<vmem>>, vector<1x16xf32>,
      %get3A_845 = vector.shape_cast %get3A_844 : vector<1x16xf32> to vector<16xf32>
      %mul3A_846 = vector.broadcast %squeeze3A_840 : f32 to vector<16xf32>
      %mul3A_847 = arith.mulf %mul3A_846, %get3A_845 : vector<16xf32>
      %add3A_848 = arith.addf %add3A_782, %mul3A_847 : vector<16xf32>
      %get3A_849 = arith.constant 11 : i32
      %get3A_850 = arith.index_cast %get3A_849 : i32 to index
      %get3A_851 = arith.constant 16 : index
      %get3A_852 = tpu.vector_load %arg9[%get3A_850, %get3A_851] {strides = array<i32>} : memref<32x128xf32, #tpu.memory_space<vmem>>, vector<1x16xf32>,
      %get3A_853 = vector.shape_cast %get3A_852 : vector<1x16xf32> to vector<16xf32>
      %mul3A_854 = vector.broadcast %squeeze3A_840 : f32 to vector<16xf32>
      %mul3A_855 = arith.mulf %mul3A_854, %get3A_853 : vector<16xf32>
      %add3A_856 = arith.addf %add3A_790, %mul3A_855 : vector<16xf32>
      %get3A_857 = arith.constant 11 : i32
      %get3A_858 = arith.index_cast %get3A_857 : i32 to index
      %get3A_859 = arith.constant 32 : index
      %get3A_860 = tpu.vector_load %arg9[%get3A_858, %get3A_859] {strides = array<i32>} : memref<32x128xf32, #tpu.memory_space<vmem>>, vector<1x16xf32>,
      %get3A_861 = vector.shape_cast %get3A_860 : vector<1x16xf32> to vector<16xf32>
      %mul3A_862 = vector.broadcast %squeeze3A_840 : f32 to vector<16xf32>
      %mul3A_863 = arith.mulf %mul3A_862, %get3A_861 : vector<16xf32>
      %add3A_864 = arith.addf %add3A_798, %mul3A_863 : vector<16xf32>
      %get3A_865 = arith.constant 11 : i32
      %get3A_866 = arith.index_cast %get3A_865 : i32 to index
      %get3A_867 = arith.constant 48 : index
      %get3A_868 = tpu.vector_load %arg9[%get3A_866, %get3A_867] {strides = array<i32>} : memref<32x128xf32, #tpu.memory_space<vmem>>, vector<1x16xf32>,
      %get3A_869 = vector.shape_cast %get3A_868 : vector<1x16xf32> to vector<16xf32>
      %mul3A_870 = vector.broadcast %squeeze3A_840 : f32 to vector<16xf32>
      %mul3A_871 = arith.mulf %mul3A_870, %get3A_869 : vector<16xf32>
      %add3A_872 = arith.addf %add3A_806, %mul3A_871 : vector<16xf32>
      %get3A_873 = arith.constant 11 : i32
      %get3A_874 = arith.index_cast %get3A_873 : i32 to index
      %get3A_875 = arith.constant 64 : index
      %get3A_876 = tpu.vector_load %arg9[%get3A_874, %get3A_875] {strides = array<i32>} : memref<32x128xf32, #tpu.memory_space<vmem>>, vector<1x16xf32>,
      %get3A_877 = vector.shape_cast %get3A_876 : vector<1x16xf32> to vector<16xf32>
      %mul3A_878 = vector.broadcast %squeeze3A_840 : f32 to vector<16xf32>
      %mul3A_879 = arith.mulf %mul3A_878, %get3A_877 : vector<16xf32>
      %add3A_880 = arith.addf %add3A_814, %mul3A_879 : vector<16xf32>
      %get3A_881 = arith.constant 11 : i32
      %get3A_882 = arith.index_cast %get3A_881 : i32 to index
      %get3A_883 = arith.constant 80 : index
      %get3A_884 = tpu.vector_load %arg9[%get3A_882, %get3A_883] {strides = array<i32>} : memref<32x128xf32, #tpu.memory_space<vmem>>, vector<1x16xf32>,
      %get3A_885 = vector.shape_cast %get3A_884 : vector<1x16xf32> to vector<16xf32>
      %mul3A_886 = vector.broadcast %squeeze3A_840 : f32 to vector<16xf32>
      %mul3A_887 = arith.mulf %mul3A_886, %get3A_885 : vector<16xf32>
      %add3A_888 = arith.addf %add3A_822, %mul3A_887 : vector<16xf32>
      %get3A_889 = arith.constant 11 : i32
      %get3A_890 = arith.index_cast %get3A_889 : i32 to index
      %get3A_891 = arith.constant 96 : index
      %get3A_892 = tpu.vector_load %arg9[%get3A_890, %get3A_891] {strides = array<i32>} : memref<32x128xf32, #tpu.memory_space<vmem>>, vector<1x16xf32>,
      %get3A_893 = vector.shape_cast %get3A_892 : vector<1x16xf32> to vector<16xf32>
      %mul3A_894 = vector.broadcast %squeeze3A_840 : f32 to vector<16xf32>
      %mul3A_895 = arith.mulf %mul3A_894, %get3A_893 : vector<16xf32>
      %add3A_896 = arith.addf %add3A_830, %mul3A_895 : vector<16xf32>
      %get3A_897 = arith.constant 11 : i32
      %get3A_898 = arith.index_cast %get3A_897 : i32 to index
      %get3A_899 = arith.constant 112 : index
      %get3A_900 = tpu.vector_load %arg9[%get3A_898, %get3A_899] {strides = array<i32>} : memref<32x128xf32, #tpu.memory_space<vmem>>, vector<1x16xf32>,
      %get3A_901 = vector.shape_cast %get3A_900 : vector<1x16xf32> to vector<16xf32>
      %mul3A_902 = vector.broadcast %squeeze3A_840 : f32 to vector<16xf32>
      %mul3A_903 = arith.mulf %mul3A_902, %get3A_901 : vector<16xf32>
      %add3A_904 = arith.addf %add3A_838, %mul3A_903 : vector<16xf32>
      %slice3A_905 = vector.extract_strided_slice %mul3A_88 {offsets = [12], sizes = [1], strides = [1]} : vector<16xf32> to vector<1xf32>
      %squeeze3A_906 = vector.extract %slice3A_905[0] : f32 from vector<1xf32>
      %get3A_907 = arith.constant 12 : i32
      %get3A_908 = arith.index_cast %get3A_907 : i32 to index
      %get3A_909 = arith.constant 0 : index
      %get3A_910 = tpu.vector_load %arg9[%get3A_908, %get3A_909] {strides = array<i32>} : memref<32x128xf32, #tpu.memory_space<vmem>>, vector<1x16xf32>,
      %get3A_911 = vector.shape_cast %get3A_910 : vector<1x16xf32> to vector<16xf32>
      %mul3A_912 = vector.broadcast %squeeze3A_906 : f32 to vector<16xf32>
      %mul3A_913 = arith.mulf %mul3A_912, %get3A_911 : vector<16xf32>
      %add3A_914 = arith.addf %add3A_848, %mul3A_913 : vector<16xf32>
      %get3A_915 = arith.constant 12 : i32
      %get3A_916 = arith.index_cast %get3A_915 : i32 to index
      %get3A_917 = arith.constant 16 : index
      %get3A_918 = tpu.vector_load %arg9[%get3A_916, %get3A_917] {strides = array<i32>} : memref<32x128xf32, #tpu.memory_space<vmem>>, vector<1x16xf32>,
      %get3A_919 = vector.shape_cast %get3A_918 : vector<1x16xf32> to vector<16xf32>
      %mul3A_920 = vector.broadcast %squeeze3A_906 : f32 to vector<16xf32>
      %mul3A_921 = arith.mulf %mul3A_920, %get3A_919 : vector<16xf32>
      %add3A_922 = arith.addf %add3A_856, %mul3A_921 : vector<16xf32>
      %get3A_923 = arith.constant 12 : i32
      %get3A_924 = arith.index_cast %get3A_923 : i32 to index
      %get3A_925 = arith.constant 32 : index
      %get3A_926 = tpu.vector_load %arg9[%get3A_924, %get3A_925] {strides = array<i32>} : memref<32x128xf32, #tpu.memory_space<vmem>>, vector<1x16xf32>,
      %get3A_927 = vector.shape_cast %get3A_926 : vector<1x16xf32> to vector<16xf32>
      %mul3A_928 = vector.broadcast %squeeze3A_906 : f32 to vector<16xf32>
      %mul3A_929 = arith.mulf %mul3A_928, %get3A_927 : vector<16xf32>
      %add3A_930 = arith.addf %add3A_864, %mul3A_929 : vector<16xf32>
      %get3A_931 = arith.constant 12 : i32
      %get3A_932 = arith.index_cast %get3A_931 : i32 to index
      %get3A_933 = arith.constant 48 : index
      %get3A_934 = tpu.vector_load %arg9[%get3A_932, %get3A_933] {strides = array<i32>} : memref<32x128xf32, #tpu.memory_space<vmem>>, vector<1x16xf32>,
      %get3A_935 = vector.shape_cast %get3A_934 : vector<1x16xf32> to vector<16xf32>
      %mul3A_936 = vector.broadcast %squeeze3A_906 : f32 to vector<16xf32>
      %mul3A_937 = arith.mulf %mul3A_936, %get3A_935 : vector<16xf32>
      %add3A_938 = arith.addf %add3A_872, %mul3A_937 : vector<16xf32>
      %get3A_939 = arith.constant 12 : i32
      %get3A_940 = arith.index_cast %get3A_939 : i32 to index
      %get3A_941 = arith.constant 64 : index
      %get3A_942 = tpu.vector_load %arg9[%get3A_940, %get3A_941] {strides = array<i32>} : memref<32x128xf32, #tpu.memory_space<vmem>>, vector<1x16xf32>,
      %get3A_943 = vector.shape_cast %get3A_942 : vector<1x16xf32> to vector<16xf32>
      %mul3A_944 = vector.broadcast %squeeze3A_906 : f32 to vector<16xf32>
      %mul3A_945 = arith.mulf %mul3A_944, %get3A_943 : vector<16xf32>
      %add3A_946 = arith.addf %add3A_880, %mul3A_945 : vector<16xf32>
      %get3A_947 = arith.constant 12 : i32
      %get3A_948 = arith.index_cast %get3A_947 : i32 to index
      %get3A_949 = arith.constant 80 : index
      %get3A_950 = tpu.vector_load %arg9[%get3A_948, %get3A_949] {strides = array<i32>} : memref<32x128xf32, #tpu.memory_space<vmem>>, vector<1x16xf32>,
      %get3A_951 = vector.shape_cast %get3A_950 : vector<1x16xf32> to vector<16xf32>
      %mul3A_952 = vector.broadcast %squeeze3A_906 : f32 to vector<16xf32>
      %mul3A_953 = arith.mulf %mul3A_952, %get3A_951 : vector<16xf32>
      %add3A_954 = arith.addf %add3A_888, %mul3A_953 : vector<16xf32>
      %get3A_955 = arith.constant 12 : i32
      %get3A_956 = arith.index_cast %get3A_955 : i32 to index
      %get3A_957 = arith.constant 96 : index
      %get3A_958 = tpu.vector_load %arg9[%get3A_956, %get3A_957] {strides = array<i32>} : memref<32x128xf32, #tpu.memory_space<vmem>>, vector<1x16xf32>,
      %get3A_959 = vector.shape_cast %get3A_958 : vector<1x16xf32> to vector<16xf32>
      %mul3A_960 = vector.broadcast %squeeze3A_906 : f32 to vector<16xf32>
      %mul3A_961 = arith.mulf %mul3A_960, %get3A_959 : vector<16xf32>
      %add3A_962 = arith.addf %add3A_896, %mul3A_961 : vector<16xf32>
      %get3A_963 = arith.constant 12 : i32
      %get3A_964 = arith.index_cast %get3A_963 : i32 to index
      %get3A_965 = arith.constant 112 : index
      %get3A_966 = tpu.vector_load %arg9[%get3A_964, %get3A_965] {strides = array<i32>} : memref<32x128xf32, #tpu.memory_space<vmem>>, vector<1x16xf32>,
      %get3A_967 = vector.shape_cast %get3A_966 : vector<1x16xf32> to vector<16xf32>
      %mul3A_968 = vector.broadcast %squeeze3A_906 : f32 to vector<16xf32>
      %mul3A_969 = arith.mulf %mul3A_968, %get3A_967 : vector<16xf32>
      %add3A_970 = arith.addf %add3A_904, %mul3A_969 : vector<16xf32>
      %slice3A_971 = vector.extract_strided_slice %mul3A_88 {offsets = [13], sizes = [1], strides = [1]} : vector<16xf32> to vector<1xf32>
      %squeeze3A_972 = vector.extract %slice3A_971[0] : f32 from vector<1xf32>
      %get3A_973 = arith.constant 13 : i32
      %get3A_974 = arith.index_cast %get3A_973 : i32 to index
      %get3A_975 = arith.constant 0 : index
      %get3A_976 = tpu.vector_load %arg9[%get3A_974, %get3A_975] {strides = array<i32>} : memref<32x128xf32, #tpu.memory_space<vmem>>, vector<1x16xf32>,
      %get3A_977 = vector.shape_cast %get3A_976 : vector<1x16xf32> to vector<16xf32>
      %mul3A_978 = vector.broadcast %squeeze3A_972 : f32 to vector<16xf32>
      %mul3A_979 = arith.mulf %mul3A_978, %get3A_977 : vector<16xf32>
      %add3A_980 = arith.addf %add3A_914, %mul3A_979 : vector<16xf32>
      %get3A_981 = arith.constant 13 : i32
      %get3A_982 = arith.index_cast %get3A_981 : i32 to index
      %get3A_983 = arith.constant 16 : index
      %get3A_984 = tpu.vector_load %arg9[%get3A_982, %get3A_983] {strides = array<i32>} : memref<32x128xf32, #tpu.memory_space<vmem>>, vector<1x16xf32>,
      %get3A_985 = vector.shape_cast %get3A_984 : vector<1x16xf32> to vector<16xf32>
      %mul3A_986 = vector.broadcast %squeeze3A_972 : f32 to vector<16xf32>
      %mul3A_987 = arith.mulf %mul3A_986, %get3A_985 : vector<16xf32>
      %add3A_988 = arith.addf %add3A_922, %mul3A_987 : vector<16xf32>
      %get3A_989 = arith.constant 13 : i32
      %get3A_990 = arith.index_cast %get3A_989 : i32 to index
      %get3A_991 = arith.constant 32 : index
      %get3A_992 = tpu.vector_load %arg9[%get3A_990, %get3A_991] {strides = array<i32>} : memref<32x128xf32, #tpu.memory_space<vmem>>, vector<1x16xf32>,
      %get3A_993 = vector.shape_cast %get3A_992 : vector<1x16xf32> to vector<16xf32>
      %mul3A_994 = vector.broadcast %squeeze3A_972 : f32 to vector<16xf32>
      %mul3A_995 = arith.mulf %mul3A_994, %get3A_993 : vector<16xf32>
      %add3A_996 = arith.addf %add3A_930, %mul3A_995 : vector<16xf32>
      %get3A_997 = arith.constant 13 : i32
      %get3A_998 = arith.index_cast %get3A_997 : i32 to index
      %get3A_999 = arith.constant 48 : index
      %get3A_1000 = tpu.vector_load %arg9[%get3A_998, %get3A_999] {strides = array<i32>} : memref<32x128xf32, #tpu.memory_space<vmem>>, vector<1x16xf32>,
      %get3A_1001 = vector.shape_cast %get3A_1000 : vector<1x16xf32> to vector<16xf32>
      %mul3A_1002 = vector.broadcast %squeeze3A_972 : f32 to vector<16xf32>
      %mul3A_1003 = arith.mulf %mul3A_1002, %get3A_1001 : vector<16xf32>
      %add3A_1004 = arith.addf %add3A_938, %mul3A_1003 : vector<16xf32>
      %get3A_1005 = arith.constant 13 : i32
      %get3A_1006 = arith.index_cast %get3A_1005 : i32 to index
      %get3A_1007 = arith.constant 64 : index
      %get3A_1008 = tpu.vector_load %arg9[%get3A_1006, %get3A_1007] {strides = array<i32>} : memref<32x128xf32, #tpu.memory_space<vmem>>, vector<1x16xf32>,
      %get3A_1009 = vector.shape_cast %get3A_1008 : vector<1x16xf32> to vector<16xf32>
      %mul3A_1010 = vector.broadcast %squeeze3A_972 : f32 to vector<16xf32>
      %mul3A_1011 = arith.mulf %mul3A_1010, %get3A_1009 : vector<16xf32>
      %add3A_1012 = arith.addf %add3A_946, %mul3A_1011 : vector<16xf32>
      %get3A_1013 = arith.constant 13 : i32
      %get3A_1014 = arith.index_cast %get3A_1013 : i32 to index
      %get3A_1015 = arith.constant 80 : index
      %get3A_1016 = tpu.vector_load %arg9[%get3A_1014, %get3A_1015] {strides = array<i32>} : memref<32x128xf32, #tpu.memory_space<vmem>>, vector<1x16xf32>,
      %get3A_1017 = vector.shape_cast %get3A_1016 : vector<1x16xf32> to vector<16xf32>
      %mul3A_1018 = vector.broadcast %squeeze3A_972 : f32 to vector<16xf32>
      %mul3A_1019 = arith.mulf %mul3A_1018, %get3A_1017 : vector<16xf32>
      %add3A_1020 = arith.addf %add3A_954, %mul3A_1019 : vector<16xf32>
      %get3A_1021 = arith.constant 13 : i32
      %get3A_1022 = arith.index_cast %get3A_1021 : i32 to index
      %get3A_1023 = arith.constant 96 : index
      %get3A_1024 = tpu.vector_load %arg9[%get3A_1022, %get3A_1023] {strides = array<i32>} : memref<32x128xf32, #tpu.memory_space<vmem>>, vector<1x16xf32>,
      %get3A_1025 = vector.shape_cast %get3A_1024 : vector<1x16xf32> to vector<16xf32>
      %mul3A_1026 = vector.broadcast %squeeze3A_972 : f32 to vector<16xf32>
      %mul3A_1027 = arith.mulf %mul3A_1026, %get3A_1025 : vector<16xf32>
      %add3A_1028 = arith.addf %add3A_962, %mul3A_1027 : vector<16xf32>
      %get3A_1029 = arith.constant 13 : i32
      %get3A_1030 = arith.index_cast %get3A_1029 : i32 to index
      %get3A_1031 = arith.constant 112 : index
      %get3A_1032 = tpu.vector_load %arg9[%get3A_1030, %get3A_1031] {strides = array<i32>} : memref<32x128xf32, #tpu.memory_space<vmem>>, vector<1x16xf32>,
      %get3A_1033 = vector.shape_cast %get3A_1032 : vector<1x16xf32> to vector<16xf32>
      %mul3A_1034 = vector.broadcast %squeeze3A_972 : f32 to vector<16xf32>
      %mul3A_1035 = arith.mulf %mul3A_1034, %get3A_1033 : vector<16xf32>
      %add3A_1036 = arith.addf %add3A_970, %mul3A_1035 : vector<16xf32>
      %slice3A_1037 = vector.extract_strided_slice %mul3A_88 {offsets = [14], sizes = [1], strides = [1]} : vector<16xf32> to vector<1xf32>
      %squeeze3A_1038 = vector.extract %slice3A_1037[0] : f32 from vector<1xf32>
      %get3A_1039 = arith.constant 14 : i32
      %get3A_1040 = arith.index_cast %get3A_1039 : i32 to index
      %get3A_1041 = arith.constant 0 : index
      %get3A_1042 = tpu.vector_load %arg9[%get3A_1040, %get3A_1041] {strides = array<i32>} : memref<32x128xf32, #tpu.memory_space<vmem>>, vector<1x16xf32>,
      %get3A_1043 = vector.shape_cast %get3A_1042 : vector<1x16xf32> to vector<16xf32>
      %mul3A_1044 = vector.broadcast %squeeze3A_1038 : f32 to vector<16xf32>
      %mul3A_1045 = arith.mulf %mul3A_1044, %get3A_1043 : vector<16xf32>
      %add3A_1046 = arith.addf %add3A_980, %mul3A_1045 : vector<16xf32>
      %get3A_1047 = arith.constant 14 : i32
      %get3A_1048 = arith.index_cast %get3A_1047 : i32 to index
      %get3A_1049 = arith.constant 16 : index
      %get3A_1050 = tpu.vector_load %arg9[%get3A_1048, %get3A_1049] {strides = array<i32>} : memref<32x128xf32, #tpu.memory_space<vmem>>, vector<1x16xf32>,
      %get3A_1051 = vector.shape_cast %get3A_1050 : vector<1x16xf32> to vector<16xf32>
      %mul3A_1052 = vector.broadcast %squeeze3A_1038 : f32 to vector<16xf32>
      %mul3A_1053 = arith.mulf %mul3A_1052, %get3A_1051 : vector<16xf32>
      %add3A_1054 = arith.addf %add3A_988, %mul3A_1053 : vector<16xf32>
      %get3A_1055 = arith.constant 14 : i32
      %get3A_1056 = arith.index_cast %get3A_1055 : i32 to index
      %get3A_1057 = arith.constant 32 : index
      %get3A_1058 = tpu.vector_load %arg9[%get3A_1056, %get3A_1057] {strides = array<i32>} : memref<32x128xf32, #tpu.memory_space<vmem>>, vector<1x16xf32>,
      %get3A_1059 = vector.shape_cast %get3A_1058 : vector<1x16xf32> to vector<16xf32>
      %mul3A_1060 = vector.broadcast %squeeze3A_1038 : f32 to vector<16xf32>
      %mul3A_1061 = arith.mulf %mul3A_1060, %get3A_1059 : vector<16xf32>
      %add3A_1062 = arith.addf %add3A_996, %mul3A_1061 : vector<16xf32>
      %get3A_1063 = arith.constant 14 : i32
      %get3A_1064 = arith.index_cast %get3A_1063 : i32 to index
      %get3A_1065 = arith.constant 48 : index
      %get3A_1066 = tpu.vector_load %arg9[%get3A_1064, %get3A_1065] {strides = array<i32>} : memref<32x128xf32, #tpu.memory_space<vmem>>, vector<1x16xf32>,
      %get3A_1067 = vector.shape_cast %get3A_1066 : vector<1x16xf32> to vector<16xf32>
      %mul3A_1068 = vector.broadcast %squeeze3A_1038 : f32 to vector<16xf32>
      %mul3A_1069 = arith.mulf %mul3A_1068, %get3A_1067 : vector<16xf32>
      %add3A_1070 = arith.addf %add3A_1004, %mul3A_1069 : vector<16xf32>
      %get3A_1071 = arith.constant 14 : i32
      %get3A_1072 = arith.index_cast %get3A_1071 : i32 to index
      %get3A_1073 = arith.constant 64 : index
      %get3A_1074 = tpu.vector_load %arg9[%get3A_1072, %get3A_1073] {strides = array<i32>} : memref<32x128xf32, #tpu.memory_space<vmem>>, vector<1x16xf32>,
      %get3A_1075 = vector.shape_cast %get3A_1074 : vector<1x16xf32> to vector<16xf32>
      %mul3A_1076 = vector.broadcast %squeeze3A_1038 : f32 to vector<16xf32>
      %mul3A_1077 = arith.mulf %mul3A_1076, %get3A_1075 : vector<16xf32>
      %add3A_1078 = arith.addf %add3A_1012, %mul3A_1077 : vector<16xf32>
      %get3A_1079 = arith.constant 14 : i32
      %get3A_1080 = arith.index_cast %get3A_1079 : i32 to index
      %get3A_1081 = arith.constant 80 : index
      %get3A_1082 = tpu.vector_load %arg9[%get3A_1080, %get3A_1081] {strides = array<i32>} : memref<32x128xf32, #tpu.memory_space<vmem>>, vector<1x16xf32>,
      %get3A_1083 = vector.shape_cast %get3A_1082 : vector<1x16xf32> to vector<16xf32>
      %mul3A_1084 = vector.broadcast %squeeze3A_1038 : f32 to vector<16xf32>
      %mul3A_1085 = arith.mulf %mul3A_1084, %get3A_1083 : vector<16xf32>
      %add3A_1086 = arith.addf %add3A_1020, %mul3A_1085 : vector<16xf32>
      %get3A_1087 = arith.constant 14 : i32
      %get3A_1088 = arith.index_cast %get3A_1087 : i32 to index
      %get3A_1089 = arith.constant 96 : index
      %get3A_1090 = tpu.vector_load %arg9[%get3A_1088, %get3A_1089] {strides = array<i32>} : memref<32x128xf32, #tpu.memory_space<vmem>>, vector<1x16xf32>,
      %get3A_1091 = vector.shape_cast %get3A_1090 : vector<1x16xf32> to vector<16xf32>
      %mul3A_1092 = vector.broadcast %squeeze3A_1038 : f32 to vector<16xf32>
      %mul3A_1093 = arith.mulf %mul3A_1092, %get3A_1091 : vector<16xf32>
      %add3A_1094 = arith.addf %add3A_1028, %mul3A_1093 : vector<16xf32>
      %get3A_1095 = arith.constant 14 : i32
      %get3A_1096 = arith.index_cast %get3A_1095 : i32 to index
      %get3A_1097 = arith.constant 112 : index
      %get3A_1098 = tpu.vector_load %arg9[%get3A_1096, %get3A_1097] {strides = array<i32>} : memref<32x128xf32, #tpu.memory_space<vmem>>, vector<1x16xf32>,
      %get3A_1099 = vector.shape_cast %get3A_1098 : vector<1x16xf32> to vector<16xf32>
      %mul3A_1100 = vector.broadcast %squeeze3A_1038 : f32 to vector<16xf32>
      %mul3A_1101 = arith.mulf %mul3A_1100, %get3A_1099 : vector<16xf32>
      %add3A_1102 = arith.addf %add3A_1036, %mul3A_1101 : vector<16xf32>
      %slice3A_1103 = vector.extract_strided_slice %mul3A_88 {offsets = [15], sizes = [1], strides = [1]} : vector<16xf32> to vector<1xf32>
      %squeeze3A_1104 = vector.extract %slice3A_1103[0] : f32 from vector<1xf32>
      %get3A_1105 = arith.constant 15 : i32
      %get3A_1106 = arith.index_cast %get3A_1105 : i32 to index
      %get3A_1107 = arith.constant 0 : index
      %get3A_1108 = tpu.vector_load %arg9[%get3A_1106, %get3A_1107] {strides = array<i32>} : memref<32x128xf32, #tpu.memory_space<vmem>>, vector<1x16xf32>,
      %get3A_1109 = vector.shape_cast %get3A_1108 : vector<1x16xf32> to vector<16xf32>
      %mul3A_1110 = vector.broadcast %squeeze3A_1104 : f32 to vector<16xf32>
      %mul3A_1111 = arith.mulf %mul3A_1110, %get3A_1109 : vector<16xf32>
      %add3A_1112 = arith.addf %add3A_1046, %mul3A_1111 : vector<16xf32>
      %get3A_1113 = arith.constant 15 : i32
      %get3A_1114 = arith.index_cast %get3A_1113 : i32 to index
      %get3A_1115 = arith.constant 16 : index
      %get3A_1116 = tpu.vector_load %arg9[%get3A_1114, %get3A_1115] {strides = array<i32>} : memref<32x128xf32, #tpu.memory_space<vmem>>, vector<1x16xf32>,
      %get3A_1117 = vector.shape_cast %get3A_1116 : vector<1x16xf32> to vector<16xf32>
      %mul3A_1118 = vector.broadcast %squeeze3A_1104 : f32 to vector<16xf32>
      %mul3A_1119 = arith.mulf %mul3A_1118, %get3A_1117 : vector<16xf32>
      %add3A_1120 = arith.addf %add3A_1054, %mul3A_1119 : vector<16xf32>
      %get3A_1121 = arith.constant 15 : i32
      %get3A_1122 = arith.index_cast %get3A_1121 : i32 to index
      %get3A_1123 = arith.constant 32 : index
      %get3A_1124 = tpu.vector_load %arg9[%get3A_1122, %get3A_1123] {strides = array<i32>} : memref<32x128xf32, #tpu.memory_space<vmem>>, vector<1x16xf32>,
      %get3A_1125 = vector.shape_cast %get3A_1124 : vector<1x16xf32> to vector<16xf32>
      %mul3A_1126 = vector.broadcast %squeeze3A_1104 : f32 to vector<16xf32>
      %mul3A_1127 = arith.mulf %mul3A_1126, %get3A_1125 : vector<16xf32>
      %add3A_1128 = arith.addf %add3A_1062, %mul3A_1127 : vector<16xf32>
      %get3A_1129 = arith.constant 15 : i32
      %get3A_1130 = arith.index_cast %get3A_1129 : i32 to index
      %get3A_1131 = arith.constant 48 : index
      %get3A_1132 = tpu.vector_load %arg9[%get3A_1130, %get3A_1131] {strides = array<i32>} : memref<32x128xf32, #tpu.memory_space<vmem>>, vector<1x16xf32>,
      %get3A_1133 = vector.shape_cast %get3A_1132 : vector<1x16xf32> to vector<16xf32>
      %mul3A_1134 = vector.broadcast %squeeze3A_1104 : f32 to vector<16xf32>
      %mul3A_1135 = arith.mulf %mul3A_1134, %get3A_1133 : vector<16xf32>
      %add3A_1136 = arith.addf %add3A_1070, %mul3A_1135 : vector<16xf32>
      %get3A_1137 = arith.constant 15 : i32
      %get3A_1138 = arith.index_cast %get3A_1137 : i32 to index
      %get3A_1139 = arith.constant 64 : index
      %get3A_1140 = tpu.vector_load %arg9[%get3A_1138, %get3A_1139] {strides = array<i32>} : memref<32x128xf32, #tpu.memory_space<vmem>>, vector<1x16xf32>,
      %get3A_1141 = vector.shape_cast %get3A_1140 : vector<1x16xf32> to vector<16xf32>
      %mul3A_1142 = vector.broadcast %squeeze3A_1104 : f32 to vector<16xf32>
      %mul3A_1143 = arith.mulf %mul3A_1142, %get3A_1141 : vector<16xf32>
      %add3A_1144 = arith.addf %add3A_1078, %mul3A_1143 : vector<16xf32>
      %get3A_1145 = arith.constant 15 : i32
      %get3A_1146 = arith.index_cast %get3A_1145 : i32 to index
      %get3A_1147 = arith.constant 80 : index
      %get3A_1148 = tpu.vector_load %arg9[%get3A_1146, %get3A_1147] {strides = array<i32>} : memref<32x128xf32, #tpu.memory_space<vmem>>, vector<1x16xf32>,
      %get3A_1149 = vector.shape_cast %get3A_1148 : vector<1x16xf32> to vector<16xf32>
      %mul3A_1150 = vector.broadcast %squeeze3A_1104 : f32 to vector<16xf32>
      %mul3A_1151 = arith.mulf %mul3A_1150, %get3A_1149 : vector<16xf32>
      %add3A_1152 = arith.addf %add3A_1086, %mul3A_1151 : vector<16xf32>
      %get3A_1153 = arith.constant 15 : i32
      %get3A_1154 = arith.index_cast %get3A_1153 : i32 to index
      %get3A_1155 = arith.constant 96 : index
      %get3A_1156 = tpu.vector_load %arg9[%get3A_1154, %get3A_1155] {strides = array<i32>} : memref<32x128xf32, #tpu.memory_space<vmem>>, vector<1x16xf32>,
      %get3A_1157 = vector.shape_cast %get3A_1156 : vector<1x16xf32> to vector<16xf32>
      %mul3A_1158 = vector.broadcast %squeeze3A_1104 : f32 to vector<16xf32>
      %mul3A_1159 = arith.mulf %mul3A_1158, %get3A_1157 : vector<16xf32>
      %add3A_1160 = arith.addf %add3A_1094, %mul3A_1159 : vector<16xf32>
      %get3A_1161 = arith.constant 15 : i32
      %get3A_1162 = arith.index_cast %get3A_1161 : i32 to index
      %get3A_1163 = arith.constant 112 : index
      %get3A_1164 = tpu.vector_load %arg9[%get3A_1162, %get3A_1163] {strides = array<i32>} : memref<32x128xf32, #tpu.memory_space<vmem>>, vector<1x16xf32>,
      %get3A_1165 = vector.shape_cast %get3A_1164 : vector<1x16xf32> to vector<16xf32>
      %mul3A_1166 = vector.broadcast %squeeze3A_1104 : f32 to vector<16xf32>
      %mul3A_1167 = arith.mulf %mul3A_1166, %get3A_1165 : vector<16xf32>
      %add3A_1168 = arith.addf %add3A_1102, %mul3A_1167 : vector<16xf32>
      %slice3A_1169 = vector.extract_strided_slice %mul3A_91 {offsets = [0], sizes = [1], strides = [1]} : vector<16xf32> to vector<1xf32>
      %squeeze3A_1170 = vector.extract %slice3A_1169[0] : f32 from vector<1xf32>
      %get3A_1171 = arith.constant 16 : i32
      %get3A_1172 = arith.index_cast %get3A_1171 : i32 to index
      %get3A_1173 = arith.constant 0 : index
      %get3A_1174 = tpu.vector_load %arg9[%get3A_1172, %get3A_1173] {strides = array<i32>} : memref<32x128xf32, #tpu.memory_space<vmem>>, vector<1x16xf32>,
      %get3A_1175 = vector.shape_cast %get3A_1174 : vector<1x16xf32> to vector<16xf32>
      %mul3A_1176 = vector.broadcast %squeeze3A_1170 : f32 to vector<16xf32>
      %mul3A_1177 = arith.mulf %mul3A_1176, %get3A_1175 : vector<16xf32>
      %add3A_1178 = arith.addf %add3A_1112, %mul3A_1177 : vector<16xf32>
      %get3A_1179 = arith.constant 16 : i32
      %get3A_1180 = arith.index_cast %get3A_1179 : i32 to index
      %get3A_1181 = arith.constant 16 : index
      %get3A_1182 = tpu.vector_load %arg9[%get3A_1180, %get3A_1181] {strides = array<i32>} : memref<32x128xf32, #tpu.memory_space<vmem>>, vector<1x16xf32>,
      %get3A_1183 = vector.shape_cast %get3A_1182 : vector<1x16xf32> to vector<16xf32>
      %mul3A_1184 = vector.broadcast %squeeze3A_1170 : f32 to vector<16xf32>
      %mul3A_1185 = arith.mulf %mul3A_1184, %get3A_1183 : vector<16xf32>
      %add3A_1186 = arith.addf %add3A_1120, %mul3A_1185 : vector<16xf32>
      %get3A_1187 = arith.constant 16 : i32
      %get3A_1188 = arith.index_cast %get3A_1187 : i32 to index
      %get3A_1189 = arith.constant 32 : index
      %get3A_1190 = tpu.vector_load %arg9[%get3A_1188, %get3A_1189] {strides = array<i32>} : memref<32x128xf32, #tpu.memory_space<vmem>>, vector<1x16xf32>,
      %get3A_1191 = vector.shape_cast %get3A_1190 : vector<1x16xf32> to vector<16xf32>
      %mul3A_1192 = vector.broadcast %squeeze3A_1170 : f32 to vector<16xf32>
      %mul3A_1193 = arith.mulf %mul3A_1192, %get3A_1191 : vector<16xf32>
      %add3A_1194 = arith.addf %add3A_1128, %mul3A_1193 : vector<16xf32>
      %get3A_1195 = arith.constant 16 : i32
      %get3A_1196 = arith.index_cast %get3A_1195 : i32 to index
      %get3A_1197 = arith.constant 48 : index
      %get3A_1198 = tpu.vector_load %arg9[%get3A_1196, %get3A_1197] {strides = array<i32>} : memref<32x128xf32, #tpu.memory_space<vmem>>, vector<1x16xf32>,
      %get3A_1199 = vector.shape_cast %get3A_1198 : vector<1x16xf32> to vector<16xf32>
      %mul3A_1200 = vector.broadcast %squeeze3A_1170 : f32 to vector<16xf32>
      %mul3A_1201 = arith.mulf %mul3A_1200, %get3A_1199 : vector<16xf32>
      %add3A_1202 = arith.addf %add3A_1136, %mul3A_1201 : vector<16xf32>
      %get3A_1203 = arith.constant 16 : i32
      %get3A_1204 = arith.index_cast %get3A_1203 : i32 to index
      %get3A_1205 = arith.constant 64 : index
      %get3A_1206 = tpu.vector_load %arg9[%get3A_1204, %get3A_1205] {strides = array<i32>} : memref<32x128xf32, #tpu.memory_space<vmem>>, vector<1x16xf32>,
      %get3A_1207 = vector.shape_cast %get3A_1206 : vector<1x16xf32> to vector<16xf32>
      %mul3A_1208 = vector.broadcast %squeeze3A_1170 : f32 to vector<16xf32>
      %mul3A_1209 = arith.mulf %mul3A_1208, %get3A_1207 : vector<16xf32>
      %add3A_1210 = arith.addf %add3A_1144, %mul3A_1209 : vector<16xf32>
      %get3A_1211 = arith.constant 16 : i32
      %get3A_1212 = arith.index_cast %get3A_1211 : i32 to index
      %get3A_1213 = arith.constant 80 : index
      %get3A_1214 = tpu.vector_load %arg9[%get3A_1212, %get3A_1213] {strides = array<i32>} : memref<32x128xf32, #tpu.memory_space<vmem>>, vector<1x16xf32>,
      %get3A_1215 = vector.shape_cast %get3A_1214 : vector<1x16xf32> to vector<16xf32>
      %mul3A_1216 = vector.broadcast %squeeze3A_1170 : f32 to vector<16xf32>
      %mul3A_1217 = arith.mulf %mul3A_1216, %get3A_1215 : vector<16xf32>
      %add3A_1218 = arith.addf %add3A_1152, %mul3A_1217 : vector<16xf32>
      %get3A_1219 = arith.constant 16 : i32
      %get3A_1220 = arith.index_cast %get3A_1219 : i32 to index
      %get3A_1221 = arith.constant 96 : index
      %get3A_1222 = tpu.vector_load %arg9[%get3A_1220, %get3A_1221] {strides = array<i32>} : memref<32x128xf32, #tpu.memory_space<vmem>>, vector<1x16xf32>,
      %get3A_1223 = vector.shape_cast %get3A_1222 : vector<1x16xf32> to vector<16xf32>
      %mul3A_1224 = vector.broadcast %squeeze3A_1170 : f32 to vector<16xf32>
      %mul3A_1225 = arith.mulf %mul3A_1224, %get3A_1223 : vector<16xf32>
      %add3A_1226 = arith.addf %add3A_1160, %mul3A_1225 : vector<16xf32>
      %get3A_1227 = arith.constant 16 : i32
      %get3A_1228 = arith.index_cast %get3A_1227 : i32 to index
      %get3A_1229 = arith.constant 112 : index
      %get3A_1230 = tpu.vector_load %arg9[%get3A_1228, %get3A_1229] {strides = array<i32>} : memref<32x128xf32, #tpu.memory_space<vmem>>, vector<1x16xf32>,
      %get3A_1231 = vector.shape_cast %get3A_1230 : vector<1x16xf32> to vector<16xf32>
      %mul3A_1232 = vector.broadcast %squeeze3A_1170 : f32 to vector<16xf32>
      %mul3A_1233 = arith.mulf %mul3A_1232, %get3A_1231 : vector<16xf32>
      %add3A_1234 = arith.addf %add3A_1168, %mul3A_1233 : vector<16xf32>
      %slice3A_1235 = vector.extract_strided_slice %mul3A_91 {offsets = [1], sizes = [1], strides = [1]} : vector<16xf32> to vector<1xf32>
      %squeeze3A_1236 = vector.extract %slice3A_1235[0] : f32 from vector<1xf32>
      %get3A_1237 = arith.constant 17 : i32
      %get3A_1238 = arith.index_cast %get3A_1237 : i32 to index
      %get3A_1239 = arith.constant 0 : index
      %get3A_1240 = tpu.vector_load %arg9[%get3A_1238, %get3A_1239] {strides = array<i32>} : memref<32x128xf32, #tpu.memory_space<vmem>>, vector<1x16xf32>,
      %get3A_1241 = vector.shape_cast %get3A_1240 : vector<1x16xf32> to vector<16xf32>
      %mul3A_1242 = vector.broadcast %squeeze3A_1236 : f32 to vector<16xf32>
      %mul3A_1243 = arith.mulf %mul3A_1242, %get3A_1241 : vector<16xf32>
      %add3A_1244 = arith.addf %add3A_1178, %mul3A_1243 : vector<16xf32>
      %get3A_1245 = arith.constant 17 : i32
      %get3A_1246 = arith.index_cast %get3A_1245 : i32 to index
      %get3A_1247 = arith.constant 16 : index
      %get3A_1248 = tpu.vector_load %arg9[%get3A_1246, %get3A_1247] {strides = array<i32>} : memref<32x128xf32, #tpu.memory_space<vmem>>, vector<1x16xf32>,
      %get3A_1249 = vector.shape_cast %get3A_1248 : vector<1x16xf32> to vector<16xf32>
      %mul3A_1250 = vector.broadcast %squeeze3A_1236 : f32 to vector<16xf32>
      %mul3A_1251 = arith.mulf %mul3A_1250, %get3A_1249 : vector<16xf32>
      %add3A_1252 = arith.addf %add3A_1186, %mul3A_1251 : vector<16xf32>
      %get3A_1253 = arith.constant 17 : i32
      %get3A_1254 = arith.index_cast %get3A_1253 : i32 to index
      %get3A_1255 = arith.constant 32 : index
      %get3A_1256 = tpu.vector_load %arg9[%get3A_1254, %get3A_1255] {strides = array<i32>} : memref<32x128xf32, #tpu.memory_space<vmem>>, vector<1x16xf32>,
      %get3A_1257 = vector.shape_cast %get3A_1256 : vector<1x16xf32> to vector<16xf32>
      %mul3A_1258 = vector.broadcast %squeeze3A_1236 : f32 to vector<16xf32>
      %mul3A_1259 = arith.mulf %mul3A_1258, %get3A_1257 : vector<16xf32>
      %add3A_1260 = arith.addf %add3A_1194, %mul3A_1259 : vector<16xf32>
      %get3A_1261 = arith.constant 17 : i32
      %get3A_1262 = arith.index_cast %get3A_1261 : i32 to index
      %get3A_1263 = arith.constant 48 : index
      %get3A_1264 = tpu.vector_load %arg9[%get3A_1262, %get3A_1263] {strides = array<i32>} : memref<32x128xf32, #tpu.memory_space<vmem>>, vector<1x16xf32>,
      %get3A_1265 = vector.shape_cast %get3A_1264 : vector<1x16xf32> to vector<16xf32>
      %mul3A_1266 = vector.broadcast %squeeze3A_1236 : f32 to vector<16xf32>
      %mul3A_1267 = arith.mulf %mul3A_1266, %get3A_1265 : vector<16xf32>
      %add3A_1268 = arith.addf %add3A_1202, %mul3A_1267 : vector<16xf32>
      %get3A_1269 = arith.constant 17 : i32
      %get3A_1270 = arith.index_cast %get3A_1269 : i32 to index
      %get3A_1271 = arith.constant 64 : index
      %get3A_1272 = tpu.vector_load %arg9[%get3A_1270, %get3A_1271] {strides = array<i32>} : memref<32x128xf32, #tpu.memory_space<vmem>>, vector<1x16xf32>,
      %get3A_1273 = vector.shape_cast %get3A_1272 : vector<1x16xf32> to vector<16xf32>
      %mul3A_1274 = vector.broadcast %squeeze3A_1236 : f32 to vector<16xf32>
      %mul3A_1275 = arith.mulf %mul3A_1274, %get3A_1273 : vector<16xf32>
      %add3A_1276 = arith.addf %add3A_1210, %mul3A_1275 : vector<16xf32>
      %get3A_1277 = arith.constant 17 : i32
      %get3A_1278 = arith.index_cast %get3A_1277 : i32 to index
      %get3A_1279 = arith.constant 80 : index
      %get3A_1280 = tpu.vector_load %arg9[%get3A_1278, %get3A_1279] {strides = array<i32>} : memref<32x128xf32, #tpu.memory_space<vmem>>, vector<1x16xf32>,
      %get3A_1281 = vector.shape_cast %get3A_1280 : vector<1x16xf32> to vector<16xf32>
      %mul3A_1282 = vector.broadcast %squeeze3A_1236 : f32 to vector<16xf32>
      %mul3A_1283 = arith.mulf %mul3A_1282, %get3A_1281 : vector<16xf32>
      %add3A_1284 = arith.addf %add3A_1218, %mul3A_1283 : vector<16xf32>
      %get3A_1285 = arith.constant 17 : i32
      %get3A_1286 = arith.index_cast %get3A_1285 : i32 to index
      %get3A_1287 = arith.constant 96 : index
      %get3A_1288 = tpu.vector_load %arg9[%get3A_1286, %get3A_1287] {strides = array<i32>} : memref<32x128xf32, #tpu.memory_space<vmem>>, vector<1x16xf32>,
      %get3A_1289 = vector.shape_cast %get3A_1288 : vector<1x16xf32> to vector<16xf32>
      %mul3A_1290 = vector.broadcast %squeeze3A_1236 : f32 to vector<16xf32>
      %mul3A_1291 = arith.mulf %mul3A_1290, %get3A_1289 : vector<16xf32>
      %add3A_1292 = arith.addf %add3A_1226, %mul3A_1291 : vector<16xf32>
      %get3A_1293 = arith.constant 17 : i32
      %get3A_1294 = arith.index_cast %get3A_1293 : i32 to index
      %get3A_1295 = arith.constant 112 : index
      %get3A_1296 = tpu.vector_load %arg9[%get3A_1294, %get3A_1295] {strides = array<i32>} : memref<32x128xf32, #tpu.memory_space<vmem>>, vector<1x16xf32>,
      %get3A_1297 = vector.shape_cast %get3A_1296 : vector<1x16xf32> to vector<16xf32>
      %mul3A_1298 = vector.broadcast %squeeze3A_1236 : f32 to vector<16xf32>
      %mul3A_1299 = arith.mulf %mul3A_1298, %get3A_1297 : vector<16xf32>
      %add3A_1300 = arith.addf %add3A_1234, %mul3A_1299 : vector<16xf32>
      %slice3A_1301 = vector.extract_strided_slice %mul3A_91 {offsets = [2], sizes = [1], strides = [1]} : vector<16xf32> to vector<1xf32>
      %squeeze3A_1302 = vector.extract %slice3A_1301[0] : f32 from vector<1xf32>
      %get3A_1303 = arith.constant 18 : i32
      %get3A_1304 = arith.index_cast %get3A_1303 : i32 to index
      %get3A_1305 = arith.constant 0 : index
      %get3A_1306 = tpu.vector_load %arg9[%get3A_1304, %get3A_1305] {strides = array<i32>} : memref<32x128xf32, #tpu.memory_space<vmem>>, vector<1x16xf32>,
      %get3A_1307 = vector.shape_cast %get3A_1306 : vector<1x16xf32> to vector<16xf32>
      %mul3A_1308 = vector.broadcast %squeeze3A_1302 : f32 to vector<16xf32>
      %mul3A_1309 = arith.mulf %mul3A_1308, %get3A_1307 : vector<16xf32>
      %add3A_1310 = arith.addf %add3A_1244, %mul3A_1309 : vector<16xf32>
      %get3A_1311 = arith.constant 18 : i32
      %get3A_1312 = arith.index_cast %get3A_1311 : i32 to index
      %get3A_1313 = arith.constant 16 : index
      %get3A_1314 = tpu.vector_load %arg9[%get3A_1312, %get3A_1313] {strides = array<i32>} : memref<32x128xf32, #tpu.memory_space<vmem>>, vector<1x16xf32>,
      %get3A_1315 = vector.shape_cast %get3A_1314 : vector<1x16xf32> to vector<16xf32>
      %mul3A_1316 = vector.broadcast %squeeze3A_1302 : f32 to vector<16xf32>
      %mul3A_1317 = arith.mulf %mul3A_1316, %get3A_1315 : vector<16xf32>
      %add3A_1318 = arith.addf %add3A_1252, %mul3A_1317 : vector<16xf32>
      %get3A_1319 = arith.constant 18 : i32
      %get3A_1320 = arith.index_cast %get3A_1319 : i32 to index
      %get3A_1321 = arith.constant 32 : index
      %get3A_1322 = tpu.vector_load %arg9[%get3A_1320, %get3A_1321] {strides = array<i32>} : memref<32x128xf32, #tpu.memory_space<vmem>>, vector<1x16xf32>,
      %get3A_1323 = vector.shape_cast %get3A_1322 : vector<1x16xf32> to vector<16xf32>
      %mul3A_1324 = vector.broadcast %squeeze3A_1302 : f32 to vector<16xf32>
      %mul3A_1325 = arith.mulf %mul3A_1324, %get3A_1323 : vector<16xf32>
      %add3A_1326 = arith.addf %add3A_1260, %mul3A_1325 : vector<16xf32>
      %get3A_1327 = arith.constant 18 : i32
      %get3A_1328 = arith.index_cast %get3A_1327 : i32 to index
      %get3A_1329 = arith.constant 48 : index
      %get3A_1330 = tpu.vector_load %arg9[%get3A_1328, %get3A_1329] {strides = array<i32>} : memref<32x128xf32, #tpu.memory_space<vmem>>, vector<1x16xf32>,
      %get3A_1331 = vector.shape_cast %get3A_1330 : vector<1x16xf32> to vector<16xf32>
      %mul3A_1332 = vector.broadcast %squeeze3A_1302 : f32 to vector<16xf32>
      %mul3A_1333 = arith.mulf %mul3A_1332, %get3A_1331 : vector<16xf32>
      %add3A_1334 = arith.addf %add3A_1268, %mul3A_1333 : vector<16xf32>
      %get3A_1335 = arith.constant 18 : i32
      %get3A_1336 = arith.index_cast %get3A_1335 : i32 to index
      %get3A_1337 = arith.constant 64 : index
      %get3A_1338 = tpu.vector_load %arg9[%get3A_1336, %get3A_1337] {strides = array<i32>} : memref<32x128xf32, #tpu.memory_space<vmem>>, vector<1x16xf32>,
      %get3A_1339 = vector.shape_cast %get3A_1338 : vector<1x16xf32> to vector<16xf32>
      %mul3A_1340 = vector.broadcast %squeeze3A_1302 : f32 to vector<16xf32>
      %mul3A_1341 = arith.mulf %mul3A_1340, %get3A_1339 : vector<16xf32>
      %add3A_1342 = arith.addf %add3A_1276, %mul3A_1341 : vector<16xf32>
      %get3A_1343 = arith.constant 18 : i32
      %get3A_1344 = arith.index_cast %get3A_1343 : i32 to index
      %get3A_1345 = arith.constant 80 : index
      %get3A_1346 = tpu.vector_load %arg9[%get3A_1344, %get3A_1345] {strides = array<i32>} : memref<32x128xf32, #tpu.memory_space<vmem>>, vector<1x16xf32>,
      %get3A_1347 = vector.shape_cast %get3A_1346 : vector<1x16xf32> to vector<16xf32>
      %mul3A_1348 = vector.broadcast %squeeze3A_1302 : f32 to vector<16xf32>
      %mul3A_1349 = arith.mulf %mul3A_1348, %get3A_1347 : vector<16xf32>
      %add3A_1350 = arith.addf %add3A_1284, %mul3A_1349 : vector<16xf32>
      %get3A_1351 = arith.constant 18 : i32
      %get3A_1352 = arith.index_cast %get3A_1351 : i32 to index
      %get3A_1353 = arith.constant 96 : index
      %get3A_1354 = tpu.vector_load %arg9[%get3A_1352, %get3A_1353] {strides = array<i32>} : memref<32x128xf32, #tpu.memory_space<vmem>>, vector<1x16xf32>,
      %get3A_1355 = vector.shape_cast %get3A_1354 : vector<1x16xf32> to vector<16xf32>
      %mul3A_1356 = vector.broadcast %squeeze3A_1302 : f32 to vector<16xf32>
      %mul3A_1357 = arith.mulf %mul3A_1356, %get3A_1355 : vector<16xf32>
      %add3A_1358 = arith.addf %add3A_1292, %mul3A_1357 : vector<16xf32>
      %get3A_1359 = arith.constant 18 : i32
      %get3A_1360 = arith.index_cast %get3A_1359 : i32 to index
      %get3A_1361 = arith.constant 112 : index
      %get3A_1362 = tpu.vector_load %arg9[%get3A_1360, %get3A_1361] {strides = array<i32>} : memref<32x128xf32, #tpu.memory_space<vmem>>, vector<1x16xf32>,
      %get3A_1363 = vector.shape_cast %get3A_1362 : vector<1x16xf32> to vector<16xf32>
      %mul3A_1364 = vector.broadcast %squeeze3A_1302 : f32 to vector<16xf32>
      %mul3A_1365 = arith.mulf %mul3A_1364, %get3A_1363 : vector<16xf32>
      %add3A_1366 = arith.addf %add3A_1300, %mul3A_1365 : vector<16xf32>
      %slice3A_1367 = vector.extract_strided_slice %mul3A_91 {offsets = [3], sizes = [1], strides = [1]} : vector<16xf32> to vector<1xf32>
      %squeeze3A_1368 = vector.extract %slice3A_1367[0] : f32 from vector<1xf32>
      %get3A_1369 = arith.constant 19 : i32
      %get3A_1370 = arith.index_cast %get3A_1369 : i32 to index
      %get3A_1371 = arith.constant 0 : index
      %get3A_1372 = tpu.vector_load %arg9[%get3A_1370, %get3A_1371] {strides = array<i32>} : memref<32x128xf32, #tpu.memory_space<vmem>>, vector<1x16xf32>,
      %get3A_1373 = vector.shape_cast %get3A_1372 : vector<1x16xf32> to vector<16xf32>
      %mul3A_1374 = vector.broadcast %squeeze3A_1368 : f32 to vector<16xf32>
      %mul3A_1375 = arith.mulf %mul3A_1374, %get3A_1373 : vector<16xf32>
      %add3A_1376 = arith.addf %add3A_1310, %mul3A_1375 : vector<16xf32>
      %get3A_1377 = arith.constant 19 : i32
      %get3A_1378 = arith.index_cast %get3A_1377 : i32 to index
      %get3A_1379 = arith.constant 16 : index
      %get3A_1380 = tpu.vector_load %arg9[%get3A_1378, %get3A_1379] {strides = array<i32>} : memref<32x128xf32, #tpu.memory_space<vmem>>, vector<1x16xf32>,
      %get3A_1381 = vector.shape_cast %get3A_1380 : vector<1x16xf32> to vector<16xf32>
      %mul3A_1382 = vector.broadcast %squeeze3A_1368 : f32 to vector<16xf32>
      %mul3A_1383 = arith.mulf %mul3A_1382, %get3A_1381 : vector<16xf32>
      %add3A_1384 = arith.addf %add3A_1318, %mul3A_1383 : vector<16xf32>
      %get3A_1385 = arith.constant 19 : i32
      %get3A_1386 = arith.index_cast %get3A_1385 : i32 to index
      %get3A_1387 = arith.constant 32 : index
      %get3A_1388 = tpu.vector_load %arg9[%get3A_1386, %get3A_1387] {strides = array<i32>} : memref<32x128xf32, #tpu.memory_space<vmem>>, vector<1x16xf32>,
      %get3A_1389 = vector.shape_cast %get3A_1388 : vector<1x16xf32> to vector<16xf32>
      %mul3A_1390 = vector.broadcast %squeeze3A_1368 : f32 to vector<16xf32>
      %mul3A_1391 = arith.mulf %mul3A_1390, %get3A_1389 : vector<16xf32>
      %add3A_1392 = arith.addf %add3A_1326, %mul3A_1391 : vector<16xf32>
      %get3A_1393 = arith.constant 19 : i32
      %get3A_1394 = arith.index_cast %get3A_1393 : i32 to index
      %get3A_1395 = arith.constant 48 : index
      %get3A_1396 = tpu.vector_load %arg9[%get3A_1394, %get3A_1395] {strides = array<i32>} : memref<32x128xf32, #tpu.memory_space<vmem>>, vector<1x16xf32>,
      %get3A_1397 = vector.shape_cast %get3A_1396 : vector<1x16xf32> to vector<16xf32>
      %mul3A_1398 = vector.broadcast %squeeze3A_1368 : f32 to vector<16xf32>
      %mul3A_1399 = arith.mulf %mul3A_1398, %get3A_1397 : vector<16xf32>
      %add3A_1400 = arith.addf %add3A_1334, %mul3A_1399 : vector<16xf32>
      %get3A_1401 = arith.constant 19 : i32
      %get3A_1402 = arith.index_cast %get3A_1401 : i32 to index
      %get3A_1403 = arith.constant 64 : index
      %get3A_1404 = tpu.vector_load %arg9[%get3A_1402, %get3A_1403] {strides = array<i32>} : memref<32x128xf32, #tpu.memory_space<vmem>>, vector<1x16xf32>,
      %get3A_1405 = vector.shape_cast %get3A_1404 : vector<1x16xf32> to vector<16xf32>
      %mul3A_1406 = vector.broadcast %squeeze3A_1368 : f32 to vector<16xf32>
      %mul3A_1407 = arith.mulf %mul3A_1406, %get3A_1405 : vector<16xf32>
      %add3A_1408 = arith.addf %add3A_1342, %mul3A_1407 : vector<16xf32>
      %get3A_1409 = arith.constant 19 : i32
      %get3A_1410 = arith.index_cast %get3A_1409 : i32 to index
      %get3A_1411 = arith.constant 80 : index
      %get3A_1412 = tpu.vector_load %arg9[%get3A_1410, %get3A_1411] {strides = array<i32>} : memref<32x128xf32, #tpu.memory_space<vmem>>, vector<1x16xf32>,
      %get3A_1413 = vector.shape_cast %get3A_1412 : vector<1x16xf32> to vector<16xf32>
      %mul3A_1414 = vector.broadcast %squeeze3A_1368 : f32 to vector<16xf32>
      %mul3A_1415 = arith.mulf %mul3A_1414, %get3A_1413 : vector<16xf32>
      %add3A_1416 = arith.addf %add3A_1350, %mul3A_1415 : vector<16xf32>
      %get3A_1417 = arith.constant 19 : i32
      %get3A_1418 = arith.index_cast %get3A_1417 : i32 to index
      %get3A_1419 = arith.constant 96 : index
      %get3A_1420 = tpu.vector_load %arg9[%get3A_1418, %get3A_1419] {strides = array<i32>} : memref<32x128xf32, #tpu.memory_space<vmem>>, vector<1x16xf32>,
      %get3A_1421 = vector.shape_cast %get3A_1420 : vector<1x16xf32> to vector<16xf32>
      %mul3A_1422 = vector.broadcast %squeeze3A_1368 : f32 to vector<16xf32>
      %mul3A_1423 = arith.mulf %mul3A_1422, %get3A_1421 : vector<16xf32>
      %add3A_1424 = arith.addf %add3A_1358, %mul3A_1423 : vector<16xf32>
      %get3A_1425 = arith.constant 19 : i32
      %get3A_1426 = arith.index_cast %get3A_1425 : i32 to index
      %get3A_1427 = arith.constant 112 : index
      %get3A_1428 = tpu.vector_load %arg9[%get3A_1426, %get3A_1427] {strides = array<i32>} : memref<32x128xf32, #tpu.memory_space<vmem>>, vector<1x16xf32>,
      %get3A_1429 = vector.shape_cast %get3A_1428 : vector<1x16xf32> to vector<16xf32>
      %mul3A_1430 = vector.broadcast %squeeze3A_1368 : f32 to vector<16xf32>
      %mul3A_1431 = arith.mulf %mul3A_1430, %get3A_1429 : vector<16xf32>
      %add3A_1432 = arith.addf %add3A_1366, %mul3A_1431 : vector<16xf32>
      %slice3A_1433 = vector.extract_strided_slice %mul3A_91 {offsets = [4], sizes = [1], strides = [1]} : vector<16xf32> to vector<1xf32>
      %squeeze3A_1434 = vector.extract %slice3A_1433[0] : f32 from vector<1xf32>
      %get3A_1435 = arith.constant 20 : i32
      %get3A_1436 = arith.index_cast %get3A_1435 : i32 to index
      %get3A_1437 = arith.constant 0 : index
      %get3A_1438 = tpu.vector_load %arg9[%get3A_1436, %get3A_1437] {strides = array<i32>} : memref<32x128xf32, #tpu.memory_space<vmem>>, vector<1x16xf32>,
      %get3A_1439 = vector.shape_cast %get3A_1438 : vector<1x16xf32> to vector<16xf32>
      %mul3A_1440 = vector.broadcast %squeeze3A_1434 : f32 to vector<16xf32>
      %mul3A_1441 = arith.mulf %mul3A_1440, %get3A_1439 : vector<16xf32>
      %add3A_1442 = arith.addf %add3A_1376, %mul3A_1441 : vector<16xf32>
      %get3A_1443 = arith.constant 20 : i32
      %get3A_1444 = arith.index_cast %get3A_1443 : i32 to index
      %get3A_1445 = arith.constant 16 : index
      %get3A_1446 = tpu.vector_load %arg9[%get3A_1444, %get3A_1445] {strides = array<i32>} : memref<32x128xf32, #tpu.memory_space<vmem>>, vector<1x16xf32>,
      %get3A_1447 = vector.shape_cast %get3A_1446 : vector<1x16xf32> to vector<16xf32>
      %mul3A_1448 = vector.broadcast %squeeze3A_1434 : f32 to vector<16xf32>
      %mul3A_1449 = arith.mulf %mul3A_1448, %get3A_1447 : vector<16xf32>
      %add3A_1450 = arith.addf %add3A_1384, %mul3A_1449 : vector<16xf32>
      %get3A_1451 = arith.constant 20 : i32
      %get3A_1452 = arith.index_cast %get3A_1451 : i32 to index
      %get3A_1453 = arith.constant 32 : index
      %get3A_1454 = tpu.vector_load %arg9[%get3A_1452, %get3A_1453] {strides = array<i32>} : memref<32x128xf32, #tpu.memory_space<vmem>>, vector<1x16xf32>,
      %get3A_1455 = vector.shape_cast %get3A_1454 : vector<1x16xf32> to vector<16xf32>
      %mul3A_1456 = vector.broadcast %squeeze3A_1434 : f32 to vector<16xf32>
      %mul3A_1457 = arith.mulf %mul3A_1456, %get3A_1455 : vector<16xf32>
      %add3A_1458 = arith.addf %add3A_1392, %mul3A_1457 : vector<16xf32>
      %get3A_1459 = arith.constant 20 : i32
      %get3A_1460 = arith.index_cast %get3A_1459 : i32 to index
      %get3A_1461 = arith.constant 48 : index
      %get3A_1462 = tpu.vector_load %arg9[%get3A_1460, %get3A_1461] {strides = array<i32>} : memref<32x128xf32, #tpu.memory_space<vmem>>, vector<1x16xf32>,
      %get3A_1463 = vector.shape_cast %get3A_1462 : vector<1x16xf32> to vector<16xf32>
      %mul3A_1464 = vector.broadcast %squeeze3A_1434 : f32 to vector<16xf32>
      %mul3A_1465 = arith.mulf %mul3A_1464, %get3A_1463 : vector<16xf32>
      %add3A_1466 = arith.addf %add3A_1400, %mul3A_1465 : vector<16xf32>
      %get3A_1467 = arith.constant 20 : i32
      %get3A_1468 = arith.index_cast %get3A_1467 : i32 to index
      %get3A_1469 = arith.constant 64 : index
      %get3A_1470 = tpu.vector_load %arg9[%get3A_1468, %get3A_1469] {strides = array<i32>} : memref<32x128xf32, #tpu.memory_space<vmem>>, vector<1x16xf32>,
      %get3A_1471 = vector.shape_cast %get3A_1470 : vector<1x16xf32> to vector<16xf32>
      %mul3A_1472 = vector.broadcast %squeeze3A_1434 : f32 to vector<16xf32>
      %mul3A_1473 = arith.mulf %mul3A_1472, %get3A_1471 : vector<16xf32>
      %add3A_1474 = arith.addf %add3A_1408, %mul3A_1473 : vector<16xf32>
      %get3A_1475 = arith.constant 20 : i32
      %get3A_1476 = arith.index_cast %get3A_1475 : i32 to index
      %get3A_1477 = arith.constant 80 : index
      %get3A_1478 = tpu.vector_load %arg9[%get3A_1476, %get3A_1477] {strides = array<i32>} : memref<32x128xf32, #tpu.memory_space<vmem>>, vector<1x16xf32>,
      %get3A_1479 = vector.shape_cast %get3A_1478 : vector<1x16xf32> to vector<16xf32>
      %mul3A_1480 = vector.broadcast %squeeze3A_1434 : f32 to vector<16xf32>
      %mul3A_1481 = arith.mulf %mul3A_1480, %get3A_1479 : vector<16xf32>
      %add3A_1482 = arith.addf %add3A_1416, %mul3A_1481 : vector<16xf32>
      %get3A_1483 = arith.constant 20 : i32
      %get3A_1484 = arith.index_cast %get3A_1483 : i32 to index
      %get3A_1485 = arith.constant 96 : index
      %get3A_1486 = tpu.vector_load %arg9[%get3A_1484, %get3A_1485] {strides = array<i32>} : memref<32x128xf32, #tpu.memory_space<vmem>>, vector<1x16xf32>,
      %get3A_1487 = vector.shape_cast %get3A_1486 : vector<1x16xf32> to vector<16xf32>
      %mul3A_1488 = vector.broadcast %squeeze3A_1434 : f32 to vector<16xf32>
      %mul3A_1489 = arith.mulf %mul3A_1488, %get3A_1487 : vector<16xf32>
      %add3A_1490 = arith.addf %add3A_1424, %mul3A_1489 : vector<16xf32>
      %get3A_1491 = arith.constant 20 : i32
      %get3A_1492 = arith.index_cast %get3A_1491 : i32 to index
      %get3A_1493 = arith.constant 112 : index
      %get3A_1494 = tpu.vector_load %arg9[%get3A_1492, %get3A_1493] {strides = array<i32>} : memref<32x128xf32, #tpu.memory_space<vmem>>, vector<1x16xf32>,
      %get3A_1495 = vector.shape_cast %get3A_1494 : vector<1x16xf32> to vector<16xf32>
      %mul3A_1496 = vector.broadcast %squeeze3A_1434 : f32 to vector<16xf32>
      %mul3A_1497 = arith.mulf %mul3A_1496, %get3A_1495 : vector<16xf32>
      %add3A_1498 = arith.addf %add3A_1432, %mul3A_1497 : vector<16xf32>
      %slice3A_1499 = vector.extract_strided_slice %mul3A_91 {offsets = [5], sizes = [1], strides = [1]} : vector<16xf32> to vector<1xf32>
      %squeeze3A_1500 = vector.extract %slice3A_1499[0] : f32 from vector<1xf32>
      %get3A_1501 = arith.constant 21 : i32
      %get3A_1502 = arith.index_cast %get3A_1501 : i32 to index
      %get3A_1503 = arith.constant 0 : index
      %get3A_1504 = tpu.vector_load %arg9[%get3A_1502, %get3A_1503] {strides = array<i32>} : memref<32x128xf32, #tpu.memory_space<vmem>>, vector<1x16xf32>,
      %get3A_1505 = vector.shape_cast %get3A_1504 : vector<1x16xf32> to vector<16xf32>
      %mul3A_1506 = vector.broadcast %squeeze3A_1500 : f32 to vector<16xf32>
      %mul3A_1507 = arith.mulf %mul3A_1506, %get3A_1505 : vector<16xf32>
      %add3A_1508 = arith.addf %add3A_1442, %mul3A_1507 : vector<16xf32>
      %get3A_1509 = arith.constant 21 : i32
      %get3A_1510 = arith.index_cast %get3A_1509 : i32 to index
      %get3A_1511 = arith.constant 16 : index
      %get3A_1512 = tpu.vector_load %arg9[%get3A_1510, %get3A_1511] {strides = array<i32>} : memref<32x128xf32, #tpu.memory_space<vmem>>, vector<1x16xf32>,
      %get3A_1513 = vector.shape_cast %get3A_1512 : vector<1x16xf32> to vector<16xf32>
      %mul3A_1514 = vector.broadcast %squeeze3A_1500 : f32 to vector<16xf32>
      %mul3A_1515 = arith.mulf %mul3A_1514, %get3A_1513 : vector<16xf32>
      %add3A_1516 = arith.addf %add3A_1450, %mul3A_1515 : vector<16xf32>
      %get3A_1517 = arith.constant 21 : i32
      %get3A_1518 = arith.index_cast %get3A_1517 : i32 to index
      %get3A_1519 = arith.constant 32 : index
      %get3A_1520 = tpu.vector_load %arg9[%get3A_1518, %get3A_1519] {strides = array<i32>} : memref<32x128xf32, #tpu.memory_space<vmem>>, vector<1x16xf32>,
      %get3A_1521 = vector.shape_cast %get3A_1520 : vector<1x16xf32> to vector<16xf32>
      %mul3A_1522 = vector.broadcast %squeeze3A_1500 : f32 to vector<16xf32>
      %mul3A_1523 = arith.mulf %mul3A_1522, %get3A_1521 : vector<16xf32>
      %add3A_1524 = arith.addf %add3A_1458, %mul3A_1523 : vector<16xf32>
      %get3A_1525 = arith.constant 21 : i32
      %get3A_1526 = arith.index_cast %get3A_1525 : i32 to index
      %get3A_1527 = arith.constant 48 : index
      %get3A_1528 = tpu.vector_load %arg9[%get3A_1526, %get3A_1527] {strides = array<i32>} : memref<32x128xf32, #tpu.memory_space<vmem>>, vector<1x16xf32>,
      %get3A_1529 = vector.shape_cast %get3A_1528 : vector<1x16xf32> to vector<16xf32>
      %mul3A_1530 = vector.broadcast %squeeze3A_1500 : f32 to vector<16xf32>
      %mul3A_1531 = arith.mulf %mul3A_1530, %get3A_1529 : vector<16xf32>
      %add3A_1532 = arith.addf %add3A_1466, %mul3A_1531 : vector<16xf32>
      %get3A_1533 = arith.constant 21 : i32
      %get3A_1534 = arith.index_cast %get3A_1533 : i32 to index
      %get3A_1535 = arith.constant 64 : index
      %get3A_1536 = tpu.vector_load %arg9[%get3A_1534, %get3A_1535] {strides = array<i32>} : memref<32x128xf32, #tpu.memory_space<vmem>>, vector<1x16xf32>,
      %get3A_1537 = vector.shape_cast %get3A_1536 : vector<1x16xf32> to vector<16xf32>
      %mul3A_1538 = vector.broadcast %squeeze3A_1500 : f32 to vector<16xf32>
      %mul3A_1539 = arith.mulf %mul3A_1538, %get3A_1537 : vector<16xf32>
      %add3A_1540 = arith.addf %add3A_1474, %mul3A_1539 : vector<16xf32>
      %get3A_1541 = arith.constant 21 : i32
      %get3A_1542 = arith.index_cast %get3A_1541 : i32 to index
      %get3A_1543 = arith.constant 80 : index
      %get3A_1544 = tpu.vector_load %arg9[%get3A_1542, %get3A_1543] {strides = array<i32>} : memref<32x128xf32, #tpu.memory_space<vmem>>, vector<1x16xf32>,
      %get3A_1545 = vector.shape_cast %get3A_1544 : vector<1x16xf32> to vector<16xf32>
      %mul3A_1546 = vector.broadcast %squeeze3A_1500 : f32 to vector<16xf32>
      %mul3A_1547 = arith.mulf %mul3A_1546, %get3A_1545 : vector<16xf32>
      %add3A_1548 = arith.addf %add3A_1482, %mul3A_1547 : vector<16xf32>
      %get3A_1549 = arith.constant 21 : i32
      %get3A_1550 = arith.index_cast %get3A_1549 : i32 to index
      %get3A_1551 = arith.constant 96 : index
      %get3A_1552 = tpu.vector_load %arg9[%get3A_1550, %get3A_1551] {strides = array<i32>} : memref<32x128xf32, #tpu.memory_space<vmem>>, vector<1x16xf32>,
      %get3A_1553 = vector.shape_cast %get3A_1552 : vector<1x16xf32> to vector<16xf32>
      %mul3A_1554 = vector.broadcast %squeeze3A_1500 : f32 to vector<16xf32>
      %mul3A_1555 = arith.mulf %mul3A_1554, %get3A_1553 : vector<16xf32>
      %add3A_1556 = arith.addf %add3A_1490, %mul3A_1555 : vector<16xf32>
      %get3A_1557 = arith.constant 21 : i32
      %get3A_1558 = arith.index_cast %get3A_1557 : i32 to index
      %get3A_1559 = arith.constant 112 : index
      %get3A_1560 = tpu.vector_load %arg9[%get3A_1558, %get3A_1559] {strides = array<i32>} : memref<32x128xf32, #tpu.memory_space<vmem>>, vector<1x16xf32>,
      %get3A_1561 = vector.shape_cast %get3A_1560 : vector<1x16xf32> to vector<16xf32>
      %mul3A_1562 = vector.broadcast %squeeze3A_1500 : f32 to vector<16xf32>
      %mul3A_1563 = arith.mulf %mul3A_1562, %get3A_1561 : vector<16xf32>
      %add3A_1564 = arith.addf %add3A_1498, %mul3A_1563 : vector<16xf32>
      %slice3A_1565 = vector.extract_strided_slice %mul3A_91 {offsets = [6], sizes = [1], strides = [1]} : vector<16xf32> to vector<1xf32>
      %squeeze3A_1566 = vector.extract %slice3A_1565[0] : f32 from vector<1xf32>
      %get3A_1567 = arith.constant 22 : i32
      %get3A_1568 = arith.index_cast %get3A_1567 : i32 to index
      %get3A_1569 = arith.constant 0 : index
      %get3A_1570 = tpu.vector_load %arg9[%get3A_1568, %get3A_1569] {strides = array<i32>} : memref<32x128xf32, #tpu.memory_space<vmem>>, vector<1x16xf32>,
      %get3A_1571 = vector.shape_cast %get3A_1570 : vector<1x16xf32> to vector<16xf32>
      %mul3A_1572 = vector.broadcast %squeeze3A_1566 : f32 to vector<16xf32>
      %mul3A_1573 = arith.mulf %mul3A_1572, %get3A_1571 : vector<16xf32>
      %add3A_1574 = arith.addf %add3A_1508, %mul3A_1573 : vector<16xf32>
      %get3A_1575 = arith.constant 22 : i32
      %get3A_1576 = arith.index_cast %get3A_1575 : i32 to index
      %get3A_1577 = arith.constant 16 : index
      %get3A_1578 = tpu.vector_load %arg9[%get3A_1576, %get3A_1577] {strides = array<i32>} : memref<32x128xf32, #tpu.memory_space<vmem>>, vector<1x16xf32>,
      %get3A_1579 = vector.shape_cast %get3A_1578 : vector<1x16xf32> to vector<16xf32>
      %mul3A_1580 = vector.broadcast %squeeze3A_1566 : f32 to vector<16xf32>
      %mul3A_1581 = arith.mulf %mul3A_1580, %get3A_1579 : vector<16xf32>
      %add3A_1582 = arith.addf %add3A_1516, %mul3A_1581 : vector<16xf32>
      %get3A_1583 = arith.constant 22 : i32
      %get3A_1584 = arith.index_cast %get3A_1583 : i32 to index
      %get3A_1585 = arith.constant 32 : index
      %get3A_1586 = tpu.vector_load %arg9[%get3A_1584, %get3A_1585] {strides = array<i32>} : memref<32x128xf32, #tpu.memory_space<vmem>>, vector<1x16xf32>,
      %get3A_1587 = vector.shape_cast %get3A_1586 : vector<1x16xf32> to vector<16xf32>
      %mul3A_1588 = vector.broadcast %squeeze3A_1566 : f32 to vector<16xf32>
      %mul3A_1589 = arith.mulf %mul3A_1588, %get3A_1587 : vector<16xf32>
      %add3A_1590 = arith.addf %add3A_1524, %mul3A_1589 : vector<16xf32>
      %get3A_1591 = arith.constant 22 : i32
      %get3A_1592 = arith.index_cast %get3A_1591 : i32 to index
      %get3A_1593 = arith.constant 48 : index
      %get3A_1594 = tpu.vector_load %arg9[%get3A_1592, %get3A_1593] {strides = array<i32>} : memref<32x128xf32, #tpu.memory_space<vmem>>, vector<1x16xf32>,
      %get3A_1595 = vector.shape_cast %get3A_1594 : vector<1x16xf32> to vector<16xf32>
      %mul3A_1596 = vector.broadcast %squeeze3A_1566 : f32 to vector<16xf32>
      %mul3A_1597 = arith.mulf %mul3A_1596, %get3A_1595 : vector<16xf32>
      %add3A_1598 = arith.addf %add3A_1532, %mul3A_1597 : vector<16xf32>
      %get3A_1599 = arith.constant 22 : i32
      %get3A_1600 = arith.index_cast %get3A_1599 : i32 to index
      %get3A_1601 = arith.constant 64 : index
      %get3A_1602 = tpu.vector_load %arg9[%get3A_1600, %get3A_1601] {strides = array<i32>} : memref<32x128xf32, #tpu.memory_space<vmem>>, vector<1x16xf32>,
      %get3A_1603 = vector.shape_cast %get3A_1602 : vector<1x16xf32> to vector<16xf32>
      %mul3A_1604 = vector.broadcast %squeeze3A_1566 : f32 to vector<16xf32>
      %mul3A_1605 = arith.mulf %mul3A_1604, %get3A_1603 : vector<16xf32>
      %add3A_1606 = arith.addf %add3A_1540, %mul3A_1605 : vector<16xf32>
      %get3A_1607 = arith.constant 22 : i32
      %get3A_1608 = arith.index_cast %get3A_1607 : i32 to index
      %get3A_1609 = arith.constant 80 : index
      %get3A_1610 = tpu.vector_load %arg9[%get3A_1608, %get3A_1609] {strides = array<i32>} : memref<32x128xf32, #tpu.memory_space<vmem>>, vector<1x16xf32>,
      %get3A_1611 = vector.shape_cast %get3A_1610 : vector<1x16xf32> to vector<16xf32>
      %mul3A_1612 = vector.broadcast %squeeze3A_1566 : f32 to vector<16xf32>
      %mul3A_1613 = arith.mulf %mul3A_1612, %get3A_1611 : vector<16xf32>
      %add3A_1614 = arith.addf %add3A_1548, %mul3A_1613 : vector<16xf32>
      %get3A_1615 = arith.constant 22 : i32
      %get3A_1616 = arith.index_cast %get3A_1615 : i32 to index
      %get3A_1617 = arith.constant 96 : index
      %get3A_1618 = tpu.vector_load %arg9[%get3A_1616, %get3A_1617] {strides = array<i32>} : memref<32x128xf32, #tpu.memory_space<vmem>>, vector<1x16xf32>,
      %get3A_1619 = vector.shape_cast %get3A_1618 : vector<1x16xf32> to vector<16xf32>
      %mul3A_1620 = vector.broadcast %squeeze3A_1566 : f32 to vector<16xf32>
      %mul3A_1621 = arith.mulf %mul3A_1620, %get3A_1619 : vector<16xf32>
      %add3A_1622 = arith.addf %add3A_1556, %mul3A_1621 : vector<16xf32>
      %get3A_1623 = arith.constant 22 : i32
      %get3A_1624 = arith.index_cast %get3A_1623 : i32 to index
      %get3A_1625 = arith.constant 112 : index
      %get3A_1626 = tpu.vector_load %arg9[%get3A_1624, %get3A_1625] {strides = array<i32>} : memref<32x128xf32, #tpu.memory_space<vmem>>, vector<1x16xf32>,
      %get3A_1627 = vector.shape_cast %get3A_1626 : vector<1x16xf32> to vector<16xf32>
      %mul3A_1628 = vector.broadcast %squeeze3A_1566 : f32 to vector<16xf32>
      %mul3A_1629 = arith.mulf %mul3A_1628, %get3A_1627 : vector<16xf32>
      %add3A_1630 = arith.addf %add3A_1564, %mul3A_1629 : vector<16xf32>
      %slice3A_1631 = vector.extract_strided_slice %mul3A_91 {offsets = [7], sizes = [1], strides = [1]} : vector<16xf32> to vector<1xf32>
      %squeeze3A_1632 = vector.extract %slice3A_1631[0] : f32 from vector<1xf32>
      %get3A_1633 = arith.constant 23 : i32
      %get3A_1634 = arith.index_cast %get3A_1633 : i32 to index
      %get3A_1635 = arith.constant 0 : index
      %get3A_1636 = tpu.vector_load %arg9[%get3A_1634, %get3A_1635] {strides = array<i32>} : memref<32x128xf32, #tpu.memory_space<vmem>>, vector<1x16xf32>,
      %get3A_1637 = vector.shape_cast %get3A_1636 : vector<1x16xf32> to vector<16xf32>
      %mul3A_1638 = vector.broadcast %squeeze3A_1632 : f32 to vector<16xf32>
      %mul3A_1639 = arith.mulf %mul3A_1638, %get3A_1637 : vector<16xf32>
      %add3A_1640 = arith.addf %add3A_1574, %mul3A_1639 : vector<16xf32>
      %get3A_1641 = arith.constant 23 : i32
      %get3A_1642 = arith.index_cast %get3A_1641 : i32 to index
      %get3A_1643 = arith.constant 16 : index
      %get3A_1644 = tpu.vector_load %arg9[%get3A_1642, %get3A_1643] {strides = array<i32>} : memref<32x128xf32, #tpu.memory_space<vmem>>, vector<1x16xf32>,
      %get3A_1645 = vector.shape_cast %get3A_1644 : vector<1x16xf32> to vector<16xf32>
      %mul3A_1646 = vector.broadcast %squeeze3A_1632 : f32 to vector<16xf32>
      %mul3A_1647 = arith.mulf %mul3A_1646, %get3A_1645 : vector<16xf32>
      %add3A_1648 = arith.addf %add3A_1582, %mul3A_1647 : vector<16xf32>
      %get3A_1649 = arith.constant 23 : i32
      %get3A_1650 = arith.index_cast %get3A_1649 : i32 to index
      %get3A_1651 = arith.constant 32 : index
      %get3A_1652 = tpu.vector_load %arg9[%get3A_1650, %get3A_1651] {strides = array<i32>} : memref<32x128xf32, #tpu.memory_space<vmem>>, vector<1x16xf32>,
      %get3A_1653 = vector.shape_cast %get3A_1652 : vector<1x16xf32> to vector<16xf32>
      %mul3A_1654 = vector.broadcast %squeeze3A_1632 : f32 to vector<16xf32>
      %mul3A_1655 = arith.mulf %mul3A_1654, %get3A_1653 : vector<16xf32>
      %add3A_1656 = arith.addf %add3A_1590, %mul3A_1655 : vector<16xf32>
      %get3A_1657 = arith.constant 23 : i32
      %get3A_1658 = arith.index_cast %get3A_1657 : i32 to index
      %get3A_1659 = arith.constant 48 : index
      %get3A_1660 = tpu.vector_load %arg9[%get3A_1658, %get3A_1659] {strides = array<i32>} : memref<32x128xf32, #tpu.memory_space<vmem>>, vector<1x16xf32>,
      %get3A_1661 = vector.shape_cast %get3A_1660 : vector<1x16xf32> to vector<16xf32>
      %mul3A_1662 = vector.broadcast %squeeze3A_1632 : f32 to vector<16xf32>
      %mul3A_1663 = arith.mulf %mul3A_1662, %get3A_1661 : vector<16xf32>
      %add3A_1664 = arith.addf %add3A_1598, %mul3A_1663 : vector<16xf32>
      %get3A_1665 = arith.constant 23 : i32
      %get3A_1666 = arith.index_cast %get3A_1665 : i32 to index
      %get3A_1667 = arith.constant 64 : index
      %get3A_1668 = tpu.vector_load %arg9[%get3A_1666, %get3A_1667] {strides = array<i32>} : memref<32x128xf32, #tpu.memory_space<vmem>>, vector<1x16xf32>,
      %get3A_1669 = vector.shape_cast %get3A_1668 : vector<1x16xf32> to vector<16xf32>
      %mul3A_1670 = vector.broadcast %squeeze3A_1632 : f32 to vector<16xf32>
      %mul3A_1671 = arith.mulf %mul3A_1670, %get3A_1669 : vector<16xf32>
      %add3A_1672 = arith.addf %add3A_1606, %mul3A_1671 : vector<16xf32>
      %get3A_1673 = arith.constant 23 : i32
      %get3A_1674 = arith.index_cast %get3A_1673 : i32 to index
      %get3A_1675 = arith.constant 80 : index
      %get3A_1676 = tpu.vector_load %arg9[%get3A_1674, %get3A_1675] {strides = array<i32>} : memref<32x128xf32, #tpu.memory_space<vmem>>, vector<1x16xf32>,
      %get3A_1677 = vector.shape_cast %get3A_1676 : vector<1x16xf32> to vector<16xf32>
      %mul3A_1678 = vector.broadcast %squeeze3A_1632 : f32 to vector<16xf32>
      %mul3A_1679 = arith.mulf %mul3A_1678, %get3A_1677 : vector<16xf32>
      %add3A_1680 = arith.addf %add3A_1614, %mul3A_1679 : vector<16xf32>
      %get3A_1681 = arith.constant 23 : i32
      %get3A_1682 = arith.index_cast %get3A_1681 : i32 to index
      %get3A_1683 = arith.constant 96 : index
      %get3A_1684 = tpu.vector_load %arg9[%get3A_1682, %get3A_1683] {strides = array<i32>} : memref<32x128xf32, #tpu.memory_space<vmem>>, vector<1x16xf32>,
      %get3A_1685 = vector.shape_cast %get3A_1684 : vector<1x16xf32> to vector<16xf32>
      %mul3A_1686 = vector.broadcast %squeeze3A_1632 : f32 to vector<16xf32>
      %mul3A_1687 = arith.mulf %mul3A_1686, %get3A_1685 : vector<16xf32>
      %add3A_1688 = arith.addf %add3A_1622, %mul3A_1687 : vector<16xf32>
      %get3A_1689 = arith.constant 23 : i32
      %get3A_1690 = arith.index_cast %get3A_1689 : i32 to index
      %get3A_1691 = arith.constant 112 : index
      %get3A_1692 = tpu.vector_load %arg9[%get3A_1690, %get3A_1691] {strides = array<i32>} : memref<32x128xf32, #tpu.memory_space<vmem>>, vector<1x16xf32>,
      %get3A_1693 = vector.shape_cast %get3A_1692 : vector<1x16xf32> to vector<16xf32>
      %mul3A_1694 = vector.broadcast %squeeze3A_1632 : f32 to vector<16xf32>
      %mul3A_1695 = arith.mulf %mul3A_1694, %get3A_1693 : vector<16xf32>
      %add3A_1696 = arith.addf %add3A_1630, %mul3A_1695 : vector<16xf32>
      %slice3A_1697 = vector.extract_strided_slice %mul3A_91 {offsets = [8], sizes = [1], strides = [1]} : vector<16xf32> to vector<1xf32>
      %squeeze3A_1698 = vector.extract %slice3A_1697[0] : f32 from vector<1xf32>
      %get3A_1699 = arith.constant 24 : i32
      %get3A_1700 = arith.index_cast %get3A_1699 : i32 to index
      %get3A_1701 = arith.constant 0 : index
      %get3A_1702 = tpu.vector_load %arg9[%get3A_1700, %get3A_1701] {strides = array<i32>} : memref<32x128xf32, #tpu.memory_space<vmem>>, vector<1x16xf32>,
      %get3A_1703 = vector.shape_cast %get3A_1702 : vector<1x16xf32> to vector<16xf32>
      %mul3A_1704 = vector.broadcast %squeeze3A_1698 : f32 to vector<16xf32>
      %mul3A_1705 = arith.mulf %mul3A_1704, %get3A_1703 : vector<16xf32>
      %add3A_1706 = arith.addf %add3A_1640, %mul3A_1705 : vector<16xf32>
      %get3A_1707 = arith.constant 24 : i32
      %get3A_1708 = arith.index_cast %get3A_1707 : i32 to index
      %get3A_1709 = arith.constant 16 : index
      %get3A_1710 = tpu.vector_load %arg9[%get3A_1708, %get3A_1709] {strides = array<i32>} : memref<32x128xf32, #tpu.memory_space<vmem>>, vector<1x16xf32>,
      %get3A_1711 = vector.shape_cast %get3A_1710 : vector<1x16xf32> to vector<16xf32>
      %mul3A_1712 = vector.broadcast %squeeze3A_1698 : f32 to vector<16xf32>
      %mul3A_1713 = arith.mulf %mul3A_1712, %get3A_1711 : vector<16xf32>
      %add3A_1714 = arith.addf %add3A_1648, %mul3A_1713 : vector<16xf32>
      %get3A_1715 = arith.constant 24 : i32
      %get3A_1716 = arith.index_cast %get3A_1715 : i32 to index
      %get3A_1717 = arith.constant 32 : index
      %get3A_1718 = tpu.vector_load %arg9[%get3A_1716, %get3A_1717] {strides = array<i32>} : memref<32x128xf32, #tpu.memory_space<vmem>>, vector<1x16xf32>,
      %get3A_1719 = vector.shape_cast %get3A_1718 : vector<1x16xf32> to vector<16xf32>
      %mul3A_1720 = vector.broadcast %squeeze3A_1698 : f32 to vector<16xf32>
      %mul3A_1721 = arith.mulf %mul3A_1720, %get3A_1719 : vector<16xf32>
      %add3A_1722 = arith.addf %add3A_1656, %mul3A_1721 : vector<16xf32>
      %get3A_1723 = arith.constant 24 : i32
      %get3A_1724 = arith.index_cast %get3A_1723 : i32 to index
      %get3A_1725 = arith.constant 48 : index
      %get3A_1726 = tpu.vector_load %arg9[%get3A_1724, %get3A_1725] {strides = array<i32>} : memref<32x128xf32, #tpu.memory_space<vmem>>, vector<1x16xf32>,
      %get3A_1727 = vector.shape_cast %get3A_1726 : vector<1x16xf32> to vector<16xf32>
      %mul3A_1728 = vector.broadcast %squeeze3A_1698 : f32 to vector<16xf32>
      %mul3A_1729 = arith.mulf %mul3A_1728, %get3A_1727 : vector<16xf32>
      %add3A_1730 = arith.addf %add3A_1664, %mul3A_1729 : vector<16xf32>
      %get3A_1731 = arith.constant 24 : i32
      %get3A_1732 = arith.index_cast %get3A_1731 : i32 to index
      %get3A_1733 = arith.constant 64 : index
      %get3A_1734 = tpu.vector_load %arg9[%get3A_1732, %get3A_1733] {strides = array<i32>} : memref<32x128xf32, #tpu.memory_space<vmem>>, vector<1x16xf32>,
      %get3A_1735 = vector.shape_cast %get3A_1734 : vector<1x16xf32> to vector<16xf32>
      %mul3A_1736 = vector.broadcast %squeeze3A_1698 : f32 to vector<16xf32>
      %mul3A_1737 = arith.mulf %mul3A_1736, %get3A_1735 : vector<16xf32>
      %add3A_1738 = arith.addf %add3A_1672, %mul3A_1737 : vector<16xf32>
      %get3A_1739 = arith.constant 24 : i32
      %get3A_1740 = arith.index_cast %get3A_1739 : i32 to index
      %get3A_1741 = arith.constant 80 : index
      %get3A_1742 = tpu.vector_load %arg9[%get3A_1740, %get3A_1741] {strides = array<i32>} : memref<32x128xf32, #tpu.memory_space<vmem>>, vector<1x16xf32>,
      %get3A_1743 = vector.shape_cast %get3A_1742 : vector<1x16xf32> to vector<16xf32>
      %mul3A_1744 = vector.broadcast %squeeze3A_1698 : f32 to vector<16xf32>
      %mul3A_1745 = arith.mulf %mul3A_1744, %get3A_1743 : vector<16xf32>
      %add3A_1746 = arith.addf %add3A_1680, %mul3A_1745 : vector<16xf32>
      %get3A_1747 = arith.constant 24 : i32
      %get3A_1748 = arith.index_cast %get3A_1747 : i32 to index
      %get3A_1749 = arith.constant 96 : index
      %get3A_1750 = tpu.vector_load %arg9[%get3A_1748, %get3A_1749] {strides = array<i32>} : memref<32x128xf32, #tpu.memory_space<vmem>>, vector<1x16xf32>,
      %get3A_1751 = vector.shape_cast %get3A_1750 : vector<1x16xf32> to vector<16xf32>
      %mul3A_1752 = vector.broadcast %squeeze3A_1698 : f32 to vector<16xf32>
      %mul3A_1753 = arith.mulf %mul3A_1752, %get3A_1751 : vector<16xf32>
      %add3A_1754 = arith.addf %add3A_1688, %mul3A_1753 : vector<16xf32>
      %get3A_1755 = arith.constant 24 : i32
      %get3A_1756 = arith.index_cast %get3A_1755 : i32 to index
      %get3A_1757 = arith.constant 112 : index
      %get3A_1758 = tpu.vector_load %arg9[%get3A_1756, %get3A_1757] {strides = array<i32>} : memref<32x128xf32, #tpu.memory_space<vmem>>, vector<1x16xf32>,
      %get3A_1759 = vector.shape_cast %get3A_1758 : vector<1x16xf32> to vector<16xf32>
      %mul3A_1760 = vector.broadcast %squeeze3A_1698 : f32 to vector<16xf32>
      %mul3A_1761 = arith.mulf %mul3A_1760, %get3A_1759 : vector<16xf32>
      %add3A_1762 = arith.addf %add3A_1696, %mul3A_1761 : vector<16xf32>
      %slice3A_1763 = vector.extract_strided_slice %mul3A_91 {offsets = [9], sizes = [1], strides = [1]} : vector<16xf32> to vector<1xf32>
      %squeeze3A_1764 = vector.extract %slice3A_1763[0] : f32 from vector<1xf32>
      %get3A_1765 = arith.constant 25 : i32
      %get3A_1766 = arith.index_cast %get3A_1765 : i32 to index
      %get3A_1767 = arith.constant 0 : index
      %get3A_1768 = tpu.vector_load %arg9[%get3A_1766, %get3A_1767] {strides = array<i32>} : memref<32x128xf32, #tpu.memory_space<vmem>>, vector<1x16xf32>,
      %get3A_1769 = vector.shape_cast %get3A_1768 : vector<1x16xf32> to vector<16xf32>
      %mul3A_1770 = vector.broadcast %squeeze3A_1764 : f32 to vector<16xf32>
      %mul3A_1771 = arith.mulf %mul3A_1770, %get3A_1769 : vector<16xf32>
      %add3A_1772 = arith.addf %add3A_1706, %mul3A_1771 : vector<16xf32>
      %get3A_1773 = arith.constant 25 : i32
      %get3A_1774 = arith.index_cast %get3A_1773 : i32 to index
      %get3A_1775 = arith.constant 16 : index
      %get3A_1776 = tpu.vector_load %arg9[%get3A_1774, %get3A_1775] {strides = array<i32>} : memref<32x128xf32, #tpu.memory_space<vmem>>, vector<1x16xf32>,
      %get3A_1777 = vector.shape_cast %get3A_1776 : vector<1x16xf32> to vector<16xf32>
      %mul3A_1778 = vector.broadcast %squeeze3A_1764 : f32 to vector<16xf32>
      %mul3A_1779 = arith.mulf %mul3A_1778, %get3A_1777 : vector<16xf32>
      %add3A_1780 = arith.addf %add3A_1714, %mul3A_1779 : vector<16xf32>
      %get3A_1781 = arith.constant 25 : i32
      %get3A_1782 = arith.index_cast %get3A_1781 : i32 to index
      %get3A_1783 = arith.constant 32 : index
      %get3A_1784 = tpu.vector_load %arg9[%get3A_1782, %get3A_1783] {strides = array<i32>} : memref<32x128xf32, #tpu.memory_space<vmem>>, vector<1x16xf32>,
      %get3A_1785 = vector.shape_cast %get3A_1784 : vector<1x16xf32> to vector<16xf32>
      %mul3A_1786 = vector.broadcast %squeeze3A_1764 : f32 to vector<16xf32>
      %mul3A_1787 = arith.mulf %mul3A_1786, %get3A_1785 : vector<16xf32>
      %add3A_1788 = arith.addf %add3A_1722, %mul3A_1787 : vector<16xf32>
      %get3A_1789 = arith.constant 25 : i32
      %get3A_1790 = arith.index_cast %get3A_1789 : i32 to index
      %get3A_1791 = arith.constant 48 : index
      %get3A_1792 = tpu.vector_load %arg9[%get3A_1790, %get3A_1791] {strides = array<i32>} : memref<32x128xf32, #tpu.memory_space<vmem>>, vector<1x16xf32>,
      %get3A_1793 = vector.shape_cast %get3A_1792 : vector<1x16xf32> to vector<16xf32>
      %mul3A_1794 = vector.broadcast %squeeze3A_1764 : f32 to vector<16xf32>
      %mul3A_1795 = arith.mulf %mul3A_1794, %get3A_1793 : vector<16xf32>
      %add3A_1796 = arith.addf %add3A_1730, %mul3A_1795 : vector<16xf32>
      %get3A_1797 = arith.constant 25 : i32
      %get3A_1798 = arith.index_cast %get3A_1797 : i32 to index
      %get3A_1799 = arith.constant 64 : index
      %get3A_1800 = tpu.vector_load %arg9[%get3A_1798, %get3A_1799] {strides = array<i32>} : memref<32x128xf32, #tpu.memory_space<vmem>>, vector<1x16xf32>,
      %get3A_1801 = vector.shape_cast %get3A_1800 : vector<1x16xf32> to vector<16xf32>
      %mul3A_1802 = vector.broadcast %squeeze3A_1764 : f32 to vector<16xf32>
      %mul3A_1803 = arith.mulf %mul3A_1802, %get3A_1801 : vector<16xf32>
      %add3A_1804 = arith.addf %add3A_1738, %mul3A_1803 : vector<16xf32>
      %get3A_1805 = arith.constant 25 : i32
      %get3A_1806 = arith.index_cast %get3A_1805 : i32 to index
      %get3A_1807 = arith.constant 80 : index
      %get3A_1808 = tpu.vector_load %arg9[%get3A_1806, %get3A_1807] {strides = array<i32>} : memref<32x128xf32, #tpu.memory_space<vmem>>, vector<1x16xf32>,
      %get3A_1809 = vector.shape_cast %get3A_1808 : vector<1x16xf32> to vector<16xf32>
      %mul3A_1810 = vector.broadcast %squeeze3A_1764 : f32 to vector<16xf32>
      %mul3A_1811 = arith.mulf %mul3A_1810, %get3A_1809 : vector<16xf32>
      %add3A_1812 = arith.addf %add3A_1746, %mul3A_1811 : vector<16xf32>
      %get3A_1813 = arith.constant 25 : i32
      %get3A_1814 = arith.index_cast %get3A_1813 : i32 to index
      %get3A_1815 = arith.constant 96 : index
      %get3A_1816 = tpu.vector_load %arg9[%get3A_1814, %get3A_1815] {strides = array<i32>} : memref<32x128xf32, #tpu.memory_space<vmem>>, vector<1x16xf32>,
      %get3A_1817 = vector.shape_cast %get3A_1816 : vector<1x16xf32> to vector<16xf32>
      %mul3A_1818 = vector.broadcast %squeeze3A_1764 : f32 to vector<16xf32>
      %mul3A_1819 = arith.mulf %mul3A_1818, %get3A_1817 : vector<16xf32>
      %add3A_1820 = arith.addf %add3A_1754, %mul3A_1819 : vector<16xf32>
      %get3A_1821 = arith.constant 25 : i32
      %get3A_1822 = arith.index_cast %get3A_1821 : i32 to index
      %get3A_1823 = arith.constant 112 : index
      %get3A_1824 = tpu.vector_load %arg9[%get3A_1822, %get3A_1823] {strides = array<i32>} : memref<32x128xf32, #tpu.memory_space<vmem>>, vector<1x16xf32>,
      %get3A_1825 = vector.shape_cast %get3A_1824 : vector<1x16xf32> to vector<16xf32>
      %mul3A_1826 = vector.broadcast %squeeze3A_1764 : f32 to vector<16xf32>
      %mul3A_1827 = arith.mulf %mul3A_1826, %get3A_1825 : vector<16xf32>
      %add3A_1828 = arith.addf %add3A_1762, %mul3A_1827 : vector<16xf32>
      %slice3A_1829 = vector.extract_strided_slice %mul3A_91 {offsets = [10], sizes = [1], strides = [1]} : vector<16xf32> to vector<1xf32>
      %squeeze3A_1830 = vector.extract %slice3A_1829[0] : f32 from vector<1xf32>
      %get3A_1831 = arith.constant 26 : i32
      %get3A_1832 = arith.index_cast %get3A_1831 : i32 to index
      %get3A_1833 = arith.constant 0 : index
      %get3A_1834 = tpu.vector_load %arg9[%get3A_1832, %get3A_1833] {strides = array<i32>} : memref<32x128xf32, #tpu.memory_space<vmem>>, vector<1x16xf32>,
      %get3A_1835 = vector.shape_cast %get3A_1834 : vector<1x16xf32> to vector<16xf32>
      %mul3A_1836 = vector.broadcast %squeeze3A_1830 : f32 to vector<16xf32>
      %mul3A_1837 = arith.mulf %mul3A_1836, %get3A_1835 : vector<16xf32>
      %add3A_1838 = arith.addf %add3A_1772, %mul3A_1837 : vector<16xf32>
      %get3A_1839 = arith.constant 26 : i32
      %get3A_1840 = arith.index_cast %get3A_1839 : i32 to index
      %get3A_1841 = arith.constant 16 : index
      %get3A_1842 = tpu.vector_load %arg9[%get3A_1840, %get3A_1841] {strides = array<i32>} : memref<32x128xf32, #tpu.memory_space<vmem>>, vector<1x16xf32>,
      %get3A_1843 = vector.shape_cast %get3A_1842 : vector<1x16xf32> to vector<16xf32>
      %mul3A_1844 = vector.broadcast %squeeze3A_1830 : f32 to vector<16xf32>
      %mul3A_1845 = arith.mulf %mul3A_1844, %get3A_1843 : vector<16xf32>
      %add3A_1846 = arith.addf %add3A_1780, %mul3A_1845 : vector<16xf32>
      %get3A_1847 = arith.constant 26 : i32
      %get3A_1848 = arith.index_cast %get3A_1847 : i32 to index
      %get3A_1849 = arith.constant 32 : index
      %get3A_1850 = tpu.vector_load %arg9[%get3A_1848, %get3A_1849] {strides = array<i32>} : memref<32x128xf32, #tpu.memory_space<vmem>>, vector<1x16xf32>,
      %get3A_1851 = vector.shape_cast %get3A_1850 : vector<1x16xf32> to vector<16xf32>
      %mul3A_1852 = vector.broadcast %squeeze3A_1830 : f32 to vector<16xf32>
      %mul3A_1853 = arith.mulf %mul3A_1852, %get3A_1851 : vector<16xf32>
      %add3A_1854 = arith.addf %add3A_1788, %mul3A_1853 : vector<16xf32>
      %get3A_1855 = arith.constant 26 : i32
      %get3A_1856 = arith.index_cast %get3A_1855 : i32 to index
      %get3A_1857 = arith.constant 48 : index
      %get3A_1858 = tpu.vector_load %arg9[%get3A_1856, %get3A_1857] {strides = array<i32>} : memref<32x128xf32, #tpu.memory_space<vmem>>, vector<1x16xf32>,
      %get3A_1859 = vector.shape_cast %get3A_1858 : vector<1x16xf32> to vector<16xf32>
      %mul3A_1860 = vector.broadcast %squeeze3A_1830 : f32 to vector<16xf32>
      %mul3A_1861 = arith.mulf %mul3A_1860, %get3A_1859 : vector<16xf32>
      %add3A_1862 = arith.addf %add3A_1796, %mul3A_1861 : vector<16xf32>
      %get3A_1863 = arith.constant 26 : i32
      %get3A_1864 = arith.index_cast %get3A_1863 : i32 to index
      %get3A_1865 = arith.constant 64 : index
      %get3A_1866 = tpu.vector_load %arg9[%get3A_1864, %get3A_1865] {strides = array<i32>} : memref<32x128xf32, #tpu.memory_space<vmem>>, vector<1x16xf32>,
      %get3A_1867 = vector.shape_cast %get3A_1866 : vector<1x16xf32> to vector<16xf32>
      %mul3A_1868 = vector.broadcast %squeeze3A_1830 : f32 to vector<16xf32>
      %mul3A_1869 = arith.mulf %mul3A_1868, %get3A_1867 : vector<16xf32>
      %add3A_1870 = arith.addf %add3A_1804, %mul3A_1869 : vector<16xf32>
      %get3A_1871 = arith.constant 26 : i32
      %get3A_1872 = arith.index_cast %get3A_1871 : i32 to index
      %get3A_1873 = arith.constant 80 : index
      %get3A_1874 = tpu.vector_load %arg9[%get3A_1872, %get3A_1873] {strides = array<i32>} : memref<32x128xf32, #tpu.memory_space<vmem>>, vector<1x16xf32>,
      %get3A_1875 = vector.shape_cast %get3A_1874 : vector<1x16xf32> to vector<16xf32>
      %mul3A_1876 = vector.broadcast %squeeze3A_1830 : f32 to vector<16xf32>
      %mul3A_1877 = arith.mulf %mul3A_1876, %get3A_1875 : vector<16xf32>
      %add3A_1878 = arith.addf %add3A_1812, %mul3A_1877 : vector<16xf32>
      %get3A_1879 = arith.constant 26 : i32
      %get3A_1880 = arith.index_cast %get3A_1879 : i32 to index
      %get3A_1881 = arith.constant 96 : index
      %get3A_1882 = tpu.vector_load %arg9[%get3A_1880, %get3A_1881] {strides = array<i32>} : memref<32x128xf32, #tpu.memory_space<vmem>>, vector<1x16xf32>,
      %get3A_1883 = vector.shape_cast %get3A_1882 : vector<1x16xf32> to vector<16xf32>
      %mul3A_1884 = vector.broadcast %squeeze3A_1830 : f32 to vector<16xf32>
      %mul3A_1885 = arith.mulf %mul3A_1884, %get3A_1883 : vector<16xf32>
      %add3A_1886 = arith.addf %add3A_1820, %mul3A_1885 : vector<16xf32>
      %get3A_1887 = arith.constant 26 : i32
      %get3A_1888 = arith.index_cast %get3A_1887 : i32 to index
      %get3A_1889 = arith.constant 112 : index
      %get3A_1890 = tpu.vector_load %arg9[%get3A_1888, %get3A_1889] {strides = array<i32>} : memref<32x128xf32, #tpu.memory_space<vmem>>, vector<1x16xf32>,
      %get3A_1891 = vector.shape_cast %get3A_1890 : vector<1x16xf32> to vector<16xf32>
      %mul3A_1892 = vector.broadcast %squeeze3A_1830 : f32 to vector<16xf32>
      %mul3A_1893 = arith.mulf %mul3A_1892, %get3A_1891 : vector<16xf32>
      %add3A_1894 = arith.addf %add3A_1828, %mul3A_1893 : vector<16xf32>
      %slice3A_1895 = vector.extract_strided_slice %mul3A_91 {offsets = [11], sizes = [1], strides = [1]} : vector<16xf32> to vector<1xf32>
      %squeeze3A_1896 = vector.extract %slice3A_1895[0] : f32 from vector<1xf32>
      %get3A_1897 = arith.constant 27 : i32
      %get3A_1898 = arith.index_cast %get3A_1897 : i32 to index
      %get3A_1899 = arith.constant 0 : index
      %get3A_1900 = tpu.vector_load %arg9[%get3A_1898, %get3A_1899] {strides = array<i32>} : memref<32x128xf32, #tpu.memory_space<vmem>>, vector<1x16xf32>,
      %get3A_1901 = vector.shape_cast %get3A_1900 : vector<1x16xf32> to vector<16xf32>
      %mul3A_1902 = vector.broadcast %squeeze3A_1896 : f32 to vector<16xf32>
      %mul3A_1903 = arith.mulf %mul3A_1902, %get3A_1901 : vector<16xf32>
      %add3A_1904 = arith.addf %add3A_1838, %mul3A_1903 : vector<16xf32>
      %get3A_1905 = arith.constant 27 : i32
      %get3A_1906 = arith.index_cast %get3A_1905 : i32 to index
      %get3A_1907 = arith.constant 16 : index
      %get3A_1908 = tpu.vector_load %arg9[%get3A_1906, %get3A_1907] {strides = array<i32>} : memref<32x128xf32, #tpu.memory_space<vmem>>, vector<1x16xf32>,
      %get3A_1909 = vector.shape_cast %get3A_1908 : vector<1x16xf32> to vector<16xf32>
      %mul3A_1910 = vector.broadcast %squeeze3A_1896 : f32 to vector<16xf32>
      %mul3A_1911 = arith.mulf %mul3A_1910, %get3A_1909 : vector<16xf32>
      %add3A_1912 = arith.addf %add3A_1846, %mul3A_1911 : vector<16xf32>
      %get3A_1913 = arith.constant 27 : i32
      %get3A_1914 = arith.index_cast %get3A_1913 : i32 to index
      %get3A_1915 = arith.constant 32 : index
      %get3A_1916 = tpu.vector_load %arg9[%get3A_1914, %get3A_1915] {strides = array<i32>} : memref<32x128xf32, #tpu.memory_space<vmem>>, vector<1x16xf32>,
      %get3A_1917 = vector.shape_cast %get3A_1916 : vector<1x16xf32> to vector<16xf32>
      %mul3A_1918 = vector.broadcast %squeeze3A_1896 : f32 to vector<16xf32>
      %mul3A_1919 = arith.mulf %mul3A_1918, %get3A_1917 : vector<16xf32>
      %add3A_1920 = arith.addf %add3A_1854, %mul3A_1919 : vector<16xf32>
      %get3A_1921 = arith.constant 27 : i32
      %get3A_1922 = arith.index_cast %get3A_1921 : i32 to index
      %get3A_1923 = arith.constant 48 : index
      %get3A_1924 = tpu.vector_load %arg9[%get3A_1922, %get3A_1923] {strides = array<i32>} : memref<32x128xf32, #tpu.memory_space<vmem>>, vector<1x16xf32>,
      %get3A_1925 = vector.shape_cast %get3A_1924 : vector<1x16xf32> to vector<16xf32>
      %mul3A_1926 = vector.broadcast %squeeze3A_1896 : f32 to vector<16xf32>
      %mul3A_1927 = arith.mulf %mul3A_1926, %get3A_1925 : vector<16xf32>
      %add3A_1928 = arith.addf %add3A_1862, %mul3A_1927 : vector<16xf32>
      %get3A_1929 = arith.constant 27 : i32
      %get3A_1930 = arith.index_cast %get3A_1929 : i32 to index
      %get3A_1931 = arith.constant 64 : index
      %get3A_1932 = tpu.vector_load %arg9[%get3A_1930, %get3A_1931] {strides = array<i32>} : memref<32x128xf32, #tpu.memory_space<vmem>>, vector<1x16xf32>,
      %get3A_1933 = vector.shape_cast %get3A_1932 : vector<1x16xf32> to vector<16xf32>
      %mul3A_1934 = vector.broadcast %squeeze3A_1896 : f32 to vector<16xf32>
      %mul3A_1935 = arith.mulf %mul3A_1934, %get3A_1933 : vector<16xf32>
      %add3A_1936 = arith.addf %add3A_1870, %mul3A_1935 : vector<16xf32>
      %get3A_1937 = arith.constant 27 : i32
      %get3A_1938 = arith.index_cast %get3A_1937 : i32 to index
      %get3A_1939 = arith.constant 80 : index
      %get3A_1940 = tpu.vector_load %arg9[%get3A_1938, %get3A_1939] {strides = array<i32>} : memref<32x128xf32, #tpu.memory_space<vmem>>, vector<1x16xf32>,
      %get3A_1941 = vector.shape_cast %get3A_1940 : vector<1x16xf32> to vector<16xf32>
      %mul3A_1942 = vector.broadcast %squeeze3A_1896 : f32 to vector<16xf32>
      %mul3A_1943 = arith.mulf %mul3A_1942, %get3A_1941 : vector<16xf32>
      %add3A_1944 = arith.addf %add3A_1878, %mul3A_1943 : vector<16xf32>
      %get3A_1945 = arith.constant 27 : i32
      %get3A_1946 = arith.index_cast %get3A_1945 : i32 to index
      %get3A_1947 = arith.constant 96 : index
      %get3A_1948 = tpu.vector_load %arg9[%get3A_1946, %get3A_1947] {strides = array<i32>} : memref<32x128xf32, #tpu.memory_space<vmem>>, vector<1x16xf32>,
      %get3A_1949 = vector.shape_cast %get3A_1948 : vector<1x16xf32> to vector<16xf32>
      %mul3A_1950 = vector.broadcast %squeeze3A_1896 : f32 to vector<16xf32>
      %mul3A_1951 = arith.mulf %mul3A_1950, %get3A_1949 : vector<16xf32>
      %add3A_1952 = arith.addf %add3A_1886, %mul3A_1951 : vector<16xf32>
      %get3A_1953 = arith.constant 27 : i32
      %get3A_1954 = arith.index_cast %get3A_1953 : i32 to index
      %get3A_1955 = arith.constant 112 : index
      %get3A_1956 = tpu.vector_load %arg9[%get3A_1954, %get3A_1955] {strides = array<i32>} : memref<32x128xf32, #tpu.memory_space<vmem>>, vector<1x16xf32>,
      %get3A_1957 = vector.shape_cast %get3A_1956 : vector<1x16xf32> to vector<16xf32>
      %mul3A_1958 = vector.broadcast %squeeze3A_1896 : f32 to vector<16xf32>
      %mul3A_1959 = arith.mulf %mul3A_1958, %get3A_1957 : vector<16xf32>
      %add3A_1960 = arith.addf %add3A_1894, %mul3A_1959 : vector<16xf32>
      %slice3A_1961 = vector.extract_strided_slice %mul3A_91 {offsets = [12], sizes = [1], strides = [1]} : vector<16xf32> to vector<1xf32>
      %squeeze3A_1962 = vector.extract %slice3A_1961[0] : f32 from vector<1xf32>
      %get3A_1963 = arith.constant 28 : i32
      %get3A_1964 = arith.index_cast %get3A_1963 : i32 to index
      %get3A_1965 = arith.constant 0 : index
      %get3A_1966 = tpu.vector_load %arg9[%get3A_1964, %get3A_1965] {strides = array<i32>} : memref<32x128xf32, #tpu.memory_space<vmem>>, vector<1x16xf32>,
      %get3A_1967 = vector.shape_cast %get3A_1966 : vector<1x16xf32> to vector<16xf32>
      %mul3A_1968 = vector.broadcast %squeeze3A_1962 : f32 to vector<16xf32>
      %mul3A_1969 = arith.mulf %mul3A_1968, %get3A_1967 : vector<16xf32>
      %add3A_1970 = arith.addf %add3A_1904, %mul3A_1969 : vector<16xf32>
      %get3A_1971 = arith.constant 28 : i32
      %get3A_1972 = arith.index_cast %get3A_1971 : i32 to index
      %get3A_1973 = arith.constant 16 : index
      %get3A_1974 = tpu.vector_load %arg9[%get3A_1972, %get3A_1973] {strides = array<i32>} : memref<32x128xf32, #tpu.memory_space<vmem>>, vector<1x16xf32>,
      %get3A_1975 = vector.shape_cast %get3A_1974 : vector<1x16xf32> to vector<16xf32>
      %mul3A_1976 = vector.broadcast %squeeze3A_1962 : f32 to vector<16xf32>
      %mul3A_1977 = arith.mulf %mul3A_1976, %get3A_1975 : vector<16xf32>
      %add3A_1978 = arith.addf %add3A_1912, %mul3A_1977 : vector<16xf32>
      %get3A_1979 = arith.constant 28 : i32
      %get3A_1980 = arith.index_cast %get3A_1979 : i32 to index
      %get3A_1981 = arith.constant 32 : index
      %get3A_1982 = tpu.vector_load %arg9[%get3A_1980, %get3A_1981] {strides = array<i32>} : memref<32x128xf32, #tpu.memory_space<vmem>>, vector<1x16xf32>,
      %get3A_1983 = vector.shape_cast %get3A_1982 : vector<1x16xf32> to vector<16xf32>
      %mul3A_1984 = vector.broadcast %squeeze3A_1962 : f32 to vector<16xf32>
      %mul3A_1985 = arith.mulf %mul3A_1984, %get3A_1983 : vector<16xf32>
      %add3A_1986 = arith.addf %add3A_1920, %mul3A_1985 : vector<16xf32>
      %get3A_1987 = arith.constant 28 : i32
      %get3A_1988 = arith.index_cast %get3A_1987 : i32 to index
      %get3A_1989 = arith.constant 48 : index
      %get3A_1990 = tpu.vector_load %arg9[%get3A_1988, %get3A_1989] {strides = array<i32>} : memref<32x128xf32, #tpu.memory_space<vmem>>, vector<1x16xf32>,
      %get3A_1991 = vector.shape_cast %get3A_1990 : vector<1x16xf32> to vector<16xf32>
      %mul3A_1992 = vector.broadcast %squeeze3A_1962 : f32 to vector<16xf32>
      %mul3A_1993 = arith.mulf %mul3A_1992, %get3A_1991 : vector<16xf32>
      %add3A_1994 = arith.addf %add3A_1928, %mul3A_1993 : vector<16xf32>
      %get3A_1995 = arith.constant 28 : i32
      %get3A_1996 = arith.index_cast %get3A_1995 : i32 to index
      %get3A_1997 = arith.constant 64 : index
      %get3A_1998 = tpu.vector_load %arg9[%get3A_1996, %get3A_1997] {strides = array<i32>} : memref<32x128xf32, #tpu.memory_space<vmem>>, vector<1x16xf32>,
      %get3A_1999 = vector.shape_cast %get3A_1998 : vector<1x16xf32> to vector<16xf32>
      %mul3A_2000 = vector.broadcast %squeeze3A_1962 : f32 to vector<16xf32>
      %mul3A_2001 = arith.mulf %mul3A_2000, %get3A_1999 : vector<16xf32>
      %add3A_2002 = arith.addf %add3A_1936, %mul3A_2001 : vector<16xf32>
      %get3A_2003 = arith.constant 28 : i32
      %get3A_2004 = arith.index_cast %get3A_2003 : i32 to index
      %get3A_2005 = arith.constant 80 : index
      %get3A_2006 = tpu.vector_load %arg9[%get3A_2004, %get3A_2005] {strides = array<i32>} : memref<32x128xf32, #tpu.memory_space<vmem>>, vector<1x16xf32>,
      %get3A_2007 = vector.shape_cast %get3A_2006 : vector<1x16xf32> to vector<16xf32>
      %mul3A_2008 = vector.broadcast %squeeze3A_1962 : f32 to vector<16xf32>
      %mul3A_2009 = arith.mulf %mul3A_2008, %get3A_2007 : vector<16xf32>
      %add3A_2010 = arith.addf %add3A_1944, %mul3A_2009 : vector<16xf32>
      %get3A_2011 = arith.constant 28 : i32
      %get3A_2012 = arith.index_cast %get3A_2011 : i32 to index
      %get3A_2013 = arith.constant 96 : index
      %get3A_2014 = tpu.vector_load %arg9[%get3A_2012, %get3A_2013] {strides = array<i32>} : memref<32x128xf32, #tpu.memory_space<vmem>>, vector<1x16xf32>,
      %get3A_2015 = vector.shape_cast %get3A_2014 : vector<1x16xf32> to vector<16xf32>
      %mul3A_2016 = vector.broadcast %squeeze3A_1962 : f32 to vector<16xf32>
      %mul3A_2017 = arith.mulf %mul3A_2016, %get3A_2015 : vector<16xf32>
      %add3A_2018 = arith.addf %add3A_1952, %mul3A_2017 : vector<16xf32>
      %get3A_2019 = arith.constant 28 : i32
      %get3A_2020 = arith.index_cast %get3A_2019 : i32 to index
      %get3A_2021 = arith.constant 112 : index
      %get3A_2022 = tpu.vector_load %arg9[%get3A_2020, %get3A_2021] {strides = array<i32>} : memref<32x128xf32, #tpu.memory_space<vmem>>, vector<1x16xf32>,
      %get3A_2023 = vector.shape_cast %get3A_2022 : vector<1x16xf32> to vector<16xf32>
      %mul3A_2024 = vector.broadcast %squeeze3A_1962 : f32 to vector<16xf32>
      %mul3A_2025 = arith.mulf %mul3A_2024, %get3A_2023 : vector<16xf32>
      %add3A_2026 = arith.addf %add3A_1960, %mul3A_2025 : vector<16xf32>
      %slice3A_2027 = vector.extract_strided_slice %mul3A_91 {offsets = [13], sizes = [1], strides = [1]} : vector<16xf32> to vector<1xf32>
      %squeeze3A_2028 = vector.extract %slice3A_2027[0] : f32 from vector<1xf32>
      %get3A_2029 = arith.constant 29 : i32
      %get3A_2030 = arith.index_cast %get3A_2029 : i32 to index
      %get3A_2031 = arith.constant 0 : index
      %get3A_2032 = tpu.vector_load %arg9[%get3A_2030, %get3A_2031] {strides = array<i32>} : memref<32x128xf32, #tpu.memory_space<vmem>>, vector<1x16xf32>,
      %get3A_2033 = vector.shape_cast %get3A_2032 : vector<1x16xf32> to vector<16xf32>
      %mul3A_2034 = vector.broadcast %squeeze3A_2028 : f32 to vector<16xf32>
      %mul3A_2035 = arith.mulf %mul3A_2034, %get3A_2033 : vector<16xf32>
      %add3A_2036 = arith.addf %add3A_1970, %mul3A_2035 : vector<16xf32>
      %get3A_2037 = arith.constant 29 : i32
      %get3A_2038 = arith.index_cast %get3A_2037 : i32 to index
      %get3A_2039 = arith.constant 16 : index
      %get3A_2040 = tpu.vector_load %arg9[%get3A_2038, %get3A_2039] {strides = array<i32>} : memref<32x128xf32, #tpu.memory_space<vmem>>, vector<1x16xf32>,
      %get3A_2041 = vector.shape_cast %get3A_2040 : vector<1x16xf32> to vector<16xf32>
      %mul3A_2042 = vector.broadcast %squeeze3A_2028 : f32 to vector<16xf32>
      %mul3A_2043 = arith.mulf %mul3A_2042, %get3A_2041 : vector<16xf32>
      %add3A_2044 = arith.addf %add3A_1978, %mul3A_2043 : vector<16xf32>
      %get3A_2045 = arith.constant 29 : i32
      %get3A_2046 = arith.index_cast %get3A_2045 : i32 to index
      %get3A_2047 = arith.constant 32 : index
      %get3A_2048 = tpu.vector_load %arg9[%get3A_2046, %get3A_2047] {strides = array<i32>} : memref<32x128xf32, #tpu.memory_space<vmem>>, vector<1x16xf32>,
      %get3A_2049 = vector.shape_cast %get3A_2048 : vector<1x16xf32> to vector<16xf32>
      %mul3A_2050 = vector.broadcast %squeeze3A_2028 : f32 to vector<16xf32>
      %mul3A_2051 = arith.mulf %mul3A_2050, %get3A_2049 : vector<16xf32>
      %add3A_2052 = arith.addf %add3A_1986, %mul3A_2051 : vector<16xf32>
      %get3A_2053 = arith.constant 29 : i32
      %get3A_2054 = arith.index_cast %get3A_2053 : i32 to index
      %get3A_2055 = arith.constant 48 : index
      %get3A_2056 = tpu.vector_load %arg9[%get3A_2054, %get3A_2055] {strides = array<i32>} : memref<32x128xf32, #tpu.memory_space<vmem>>, vector<1x16xf32>,
      %get3A_2057 = vector.shape_cast %get3A_2056 : vector<1x16xf32> to vector<16xf32>
      %mul3A_2058 = vector.broadcast %squeeze3A_2028 : f32 to vector<16xf32>
      %mul3A_2059 = arith.mulf %mul3A_2058, %get3A_2057 : vector<16xf32>
      %add3A_2060 = arith.addf %add3A_1994, %mul3A_2059 : vector<16xf32>
      %get3A_2061 = arith.constant 29 : i32
      %get3A_2062 = arith.index_cast %get3A_2061 : i32 to index
      %get3A_2063 = arith.constant 64 : index
      %get3A_2064 = tpu.vector_load %arg9[%get3A_2062, %get3A_2063] {strides = array<i32>} : memref<32x128xf32, #tpu.memory_space<vmem>>, vector<1x16xf32>,
      %get3A_2065 = vector.shape_cast %get3A_2064 : vector<1x16xf32> to vector<16xf32>
      %mul3A_2066 = vector.broadcast %squeeze3A_2028 : f32 to vector<16xf32>
      %mul3A_2067 = arith.mulf %mul3A_2066, %get3A_2065 : vector<16xf32>
      %add3A_2068 = arith.addf %add3A_2002, %mul3A_2067 : vector<16xf32>
      %get3A_2069 = arith.constant 29 : i32
      %get3A_2070 = arith.index_cast %get3A_2069 : i32 to index
      %get3A_2071 = arith.constant 80 : index
      %get3A_2072 = tpu.vector_load %arg9[%get3A_2070, %get3A_2071] {strides = array<i32>} : memref<32x128xf32, #tpu.memory_space<vmem>>, vector<1x16xf32>,
      %get3A_2073 = vector.shape_cast %get3A_2072 : vector<1x16xf32> to vector<16xf32>
      %mul3A_2074 = vector.broadcast %squeeze3A_2028 : f32 to vector<16xf32>
      %mul3A_2075 = arith.mulf %mul3A_2074, %get3A_2073 : vector<16xf32>
      %add3A_2076 = arith.addf %add3A_2010, %mul3A_2075 : vector<16xf32>
      %get3A_2077 = arith.constant 29 : i32
      %get3A_2078 = arith.index_cast %get3A_2077 : i32 to index
      %get3A_2079 = arith.constant 96 : index
      %get3A_2080 = tpu.vector_load %arg9[%get3A_2078, %get3A_2079] {strides = array<i32>} : memref<32x128xf32, #tpu.memory_space<vmem>>, vector<1x16xf32>,
      %get3A_2081 = vector.shape_cast %get3A_2080 : vector<1x16xf32> to vector<16xf32>
      %mul3A_2082 = vector.broadcast %squeeze3A_2028 : f32 to vector<16xf32>
      %mul3A_2083 = arith.mulf %mul3A_2082, %get3A_2081 : vector<16xf32>
      %add3A_2084 = arith.addf %add3A_2018, %mul3A_2083 : vector<16xf32>
      %get3A_2085 = arith.constant 29 : i32
      %get3A_2086 = arith.index_cast %get3A_2085 : i32 to index
      %get3A_2087 = arith.constant 112 : index
      %get3A_2088 = tpu.vector_load %arg9[%get3A_2086, %get3A_2087] {strides = array<i32>} : memref<32x128xf32, #tpu.memory_space<vmem>>, vector<1x16xf32>,
      %get3A_2089 = vector.shape_cast %get3A_2088 : vector<1x16xf32> to vector<16xf32>
      %mul3A_2090 = vector.broadcast %squeeze3A_2028 : f32 to vector<16xf32>
      %mul3A_2091 = arith.mulf %mul3A_2090, %get3A_2089 : vector<16xf32>
      %add3A_2092 = arith.addf %add3A_2026, %mul3A_2091 : vector<16xf32>
      %slice3A_2093 = vector.extract_strided_slice %mul3A_91 {offsets = [14], sizes = [1], strides = [1]} : vector<16xf32> to vector<1xf32>
      %squeeze3A_2094 = vector.extract %slice3A_2093[0] : f32 from vector<1xf32>
      %get3A_2095 = arith.constant 30 : i32
      %get3A_2096 = arith.index_cast %get3A_2095 : i32 to index
      %get3A_2097 = arith.constant 0 : index
      %get3A_2098 = tpu.vector_load %arg9[%get3A_2096, %get3A_2097] {strides = array<i32>} : memref<32x128xf32, #tpu.memory_space<vmem>>, vector<1x16xf32>,
      %get3A_2099 = vector.shape_cast %get3A_2098 : vector<1x16xf32> to vector<16xf32>
      %mul3A_2100 = vector.broadcast %squeeze3A_2094 : f32 to vector<16xf32>
      %mul3A_2101 = arith.mulf %mul3A_2100, %get3A_2099 : vector<16xf32>
      %add3A_2102 = arith.addf %add3A_2036, %mul3A_2101 : vector<16xf32>
      %get3A_2103 = arith.constant 30 : i32
      %get3A_2104 = arith.index_cast %get3A_2103 : i32 to index
      %get3A_2105 = arith.constant 16 : index
      %get3A_2106 = tpu.vector_load %arg9[%get3A_2104, %get3A_2105] {strides = array<i32>} : memref<32x128xf32, #tpu.memory_space<vmem>>, vector<1x16xf32>,
      %get3A_2107 = vector.shape_cast %get3A_2106 : vector<1x16xf32> to vector<16xf32>
      %mul3A_2108 = vector.broadcast %squeeze3A_2094 : f32 to vector<16xf32>
      %mul3A_2109 = arith.mulf %mul3A_2108, %get3A_2107 : vector<16xf32>
      %add3A_2110 = arith.addf %add3A_2044, %mul3A_2109 : vector<16xf32>
      %get3A_2111 = arith.constant 30 : i32
      %get3A_2112 = arith.index_cast %get3A_2111 : i32 to index
      %get3A_2113 = arith.constant 32 : index
      %get3A_2114 = tpu.vector_load %arg9[%get3A_2112, %get3A_2113] {strides = array<i32>} : memref<32x128xf32, #tpu.memory_space<vmem>>, vector<1x16xf32>,
      %get3A_2115 = vector.shape_cast %get3A_2114 : vector<1x16xf32> to vector<16xf32>
      %mul3A_2116 = vector.broadcast %squeeze3A_2094 : f32 to vector<16xf32>
      %mul3A_2117 = arith.mulf %mul3A_2116, %get3A_2115 : vector<16xf32>
      %add3A_2118 = arith.addf %add3A_2052, %mul3A_2117 : vector<16xf32>
      %get3A_2119 = arith.constant 30 : i32
      %get3A_2120 = arith.index_cast %get3A_2119 : i32 to index
      %get3A_2121 = arith.constant 48 : index
      %get3A_2122 = tpu.vector_load %arg9[%get3A_2120, %get3A_2121] {strides = array<i32>} : memref<32x128xf32, #tpu.memory_space<vmem>>, vector<1x16xf32>,
      %get3A_2123 = vector.shape_cast %get3A_2122 : vector<1x16xf32> to vector<16xf32>
      %mul3A_2124 = vector.broadcast %squeeze3A_2094 : f32 to vector<16xf32>
      %mul3A_2125 = arith.mulf %mul3A_2124, %get3A_2123 : vector<16xf32>
      %add3A_2126 = arith.addf %add3A_2060, %mul3A_2125 : vector<16xf32>
      %get3A_2127 = arith.constant 30 : i32
      %get3A_2128 = arith.index_cast %get3A_2127 : i32 to index
      %get3A_2129 = arith.constant 64 : index
      %get3A_2130 = tpu.vector_load %arg9[%get3A_2128, %get3A_2129] {strides = array<i32>} : memref<32x128xf32, #tpu.memory_space<vmem>>, vector<1x16xf32>,
      %get3A_2131 = vector.shape_cast %get3A_2130 : vector<1x16xf32> to vector<16xf32>
      %mul3A_2132 = vector.broadcast %squeeze3A_2094 : f32 to vector<16xf32>
      %mul3A_2133 = arith.mulf %mul3A_2132, %get3A_2131 : vector<16xf32>
      %add3A_2134 = arith.addf %add3A_2068, %mul3A_2133 : vector<16xf32>
      %get3A_2135 = arith.constant 30 : i32
      %get3A_2136 = arith.index_cast %get3A_2135 : i32 to index
      %get3A_2137 = arith.constant 80 : index
      %get3A_2138 = tpu.vector_load %arg9[%get3A_2136, %get3A_2137] {strides = array<i32>} : memref<32x128xf32, #tpu.memory_space<vmem>>, vector<1x16xf32>,
      %get3A_2139 = vector.shape_cast %get3A_2138 : vector<1x16xf32> to vector<16xf32>
      %mul3A_2140 = vector.broadcast %squeeze3A_2094 : f32 to vector<16xf32>
      %mul3A_2141 = arith.mulf %mul3A_2140, %get3A_2139 : vector<16xf32>
      %add3A_2142 = arith.addf %add3A_2076, %mul3A_2141 : vector<16xf32>
      %get3A_2143 = arith.constant 30 : i32
      %get3A_2144 = arith.index_cast %get3A_2143 : i32 to index
      %get3A_2145 = arith.constant 96 : index
      %get3A_2146 = tpu.vector_load %arg9[%get3A_2144, %get3A_2145] {strides = array<i32>} : memref<32x128xf32, #tpu.memory_space<vmem>>, vector<1x16xf32>,
      %get3A_2147 = vector.shape_cast %get3A_2146 : vector<1x16xf32> to vector<16xf32>
      %mul3A_2148 = vector.broadcast %squeeze3A_2094 : f32 to vector<16xf32>
      %mul3A_2149 = arith.mulf %mul3A_2148, %get3A_2147 : vector<16xf32>
      %add3A_2150 = arith.addf %add3A_2084, %mul3A_2149 : vector<16xf32>
      %get3A_2151 = arith.constant 30 : i32
      %get3A_2152 = arith.index_cast %get3A_2151 : i32 to index
      %get3A_2153 = arith.constant 112 : index
      %get3A_2154 = tpu.vector_load %arg9[%get3A_2152, %get3A_2153] {strides = array<i32>} : memref<32x128xf32, #tpu.memory_space<vmem>>, vector<1x16xf32>,
      %get3A_2155 = vector.shape_cast %get3A_2154 : vector<1x16xf32> to vector<16xf32>
      %mul3A_2156 = vector.broadcast %squeeze3A_2094 : f32 to vector<16xf32>
      %mul3A_2157 = arith.mulf %mul3A_2156, %get3A_2155 : vector<16xf32>
      %add3A_2158 = arith.addf %add3A_2092, %mul3A_2157 : vector<16xf32>
      %slice3A_2159 = vector.extract_strided_slice %mul3A_91 {offsets = [15], sizes = [1], strides = [1]} : vector<16xf32> to vector<1xf32>
      %squeeze3A_2160 = vector.extract %slice3A_2159[0] : f32 from vector<1xf32>
      %get3A_2161 = arith.constant 31 : i32
      %get3A_2162 = arith.index_cast %get3A_2161 : i32 to index
      %get3A_2163 = arith.constant 0 : index
      %get3A_2164 = tpu.vector_load %arg9[%get3A_2162, %get3A_2163] {strides = array<i32>} : memref<32x128xf32, #tpu.memory_space<vmem>>, vector<1x16xf32>,
      %get3A_2165 = vector.shape_cast %get3A_2164 : vector<1x16xf32> to vector<16xf32>
      %mul3A_2166 = vector.broadcast %squeeze3A_2160 : f32 to vector<16xf32>
      %mul3A_2167 = arith.mulf %mul3A_2166, %get3A_2165 : vector<16xf32>
      %add3A_2168 = arith.addf %add3A_2102, %mul3A_2167 : vector<16xf32>
      %get3A_2169 = arith.constant 31 : i32
      %get3A_2170 = arith.index_cast %get3A_2169 : i32 to index
      %get3A_2171 = arith.constant 16 : index
      %get3A_2172 = tpu.vector_load %arg9[%get3A_2170, %get3A_2171] {strides = array<i32>} : memref<32x128xf32, #tpu.memory_space<vmem>>, vector<1x16xf32>,
      %get3A_2173 = vector.shape_cast %get3A_2172 : vector<1x16xf32> to vector<16xf32>
      %mul3A_2174 = vector.broadcast %squeeze3A_2160 : f32 to vector<16xf32>
      %mul3A_2175 = arith.mulf %mul3A_2174, %get3A_2173 : vector<16xf32>
      %add3A_2176 = arith.addf %add3A_2110, %mul3A_2175 : vector<16xf32>
      %get3A_2177 = arith.constant 31 : i32
      %get3A_2178 = arith.index_cast %get3A_2177 : i32 to index
      %get3A_2179 = arith.constant 32 : index
      %get3A_2180 = tpu.vector_load %arg9[%get3A_2178, %get3A_2179] {strides = array<i32>} : memref<32x128xf32, #tpu.memory_space<vmem>>, vector<1x16xf32>,
      %get3A_2181 = vector.shape_cast %get3A_2180 : vector<1x16xf32> to vector<16xf32>
      %mul3A_2182 = vector.broadcast %squeeze3A_2160 : f32 to vector<16xf32>
      %mul3A_2183 = arith.mulf %mul3A_2182, %get3A_2181 : vector<16xf32>
      %add3A_2184 = arith.addf %add3A_2118, %mul3A_2183 : vector<16xf32>
      %get3A_2185 = arith.constant 31 : i32
      %get3A_2186 = arith.index_cast %get3A_2185 : i32 to index
      %get3A_2187 = arith.constant 48 : index
      %get3A_2188 = tpu.vector_load %arg9[%get3A_2186, %get3A_2187] {strides = array<i32>} : memref<32x128xf32, #tpu.memory_space<vmem>>, vector<1x16xf32>,
      %get3A_2189 = vector.shape_cast %get3A_2188 : vector<1x16xf32> to vector<16xf32>
      %mul3A_2190 = vector.broadcast %squeeze3A_2160 : f32 to vector<16xf32>
      %mul3A_2191 = arith.mulf %mul3A_2190, %get3A_2189 : vector<16xf32>
      %add3A_2192 = arith.addf %add3A_2126, %mul3A_2191 : vector<16xf32>
      %get3A_2193 = arith.constant 31 : i32
      %get3A_2194 = arith.index_cast %get3A_2193 : i32 to index
      %get3A_2195 = arith.constant 64 : index
      %get3A_2196 = tpu.vector_load %arg9[%get3A_2194, %get3A_2195] {strides = array<i32>} : memref<32x128xf32, #tpu.memory_space<vmem>>, vector<1x16xf32>,
      %get3A_2197 = vector.shape_cast %get3A_2196 : vector<1x16xf32> to vector<16xf32>
      %mul3A_2198 = vector.broadcast %squeeze3A_2160 : f32 to vector<16xf32>
      %mul3A_2199 = arith.mulf %mul3A_2198, %get3A_2197 : vector<16xf32>
      %add3A_2200 = arith.addf %add3A_2134, %mul3A_2199 : vector<16xf32>
      %get3A_2201 = arith.constant 31 : i32
      %get3A_2202 = arith.index_cast %get3A_2201 : i32 to index
      %get3A_2203 = arith.constant 80 : index
      %get3A_2204 = tpu.vector_load %arg9[%get3A_2202, %get3A_2203] {strides = array<i32>} : memref<32x128xf32, #tpu.memory_space<vmem>>, vector<1x16xf32>,
      %get3A_2205 = vector.shape_cast %get3A_2204 : vector<1x16xf32> to vector<16xf32>
      %mul3A_2206 = vector.broadcast %squeeze3A_2160 : f32 to vector<16xf32>
      %mul3A_2207 = arith.mulf %mul3A_2206, %get3A_2205 : vector<16xf32>
      %add3A_2208 = arith.addf %add3A_2142, %mul3A_2207 : vector<16xf32>
      %get3A_2209 = arith.constant 31 : i32
      %get3A_2210 = arith.index_cast %get3A_2209 : i32 to index
      %get3A_2211 = arith.constant 96 : index
      %get3A_2212 = tpu.vector_load %arg9[%get3A_2210, %get3A_2211] {strides = array<i32>} : memref<32x128xf32, #tpu.memory_space<vmem>>, vector<1x16xf32>,
      %get3A_2213 = vector.shape_cast %get3A_2212 : vector<1x16xf32> to vector<16xf32>
      %mul3A_2214 = vector.broadcast %squeeze3A_2160 : f32 to vector<16xf32>
      %mul3A_2215 = arith.mulf %mul3A_2214, %get3A_2213 : vector<16xf32>
      %add3A_2216 = arith.addf %add3A_2150, %mul3A_2215 : vector<16xf32>
      %get3A_2217 = arith.constant 31 : i32
      %get3A_2218 = arith.index_cast %get3A_2217 : i32 to index
      %get3A_2219 = arith.constant 112 : index
      %get3A_2220 = tpu.vector_load %arg9[%get3A_2218, %get3A_2219] {strides = array<i32>} : memref<32x128xf32, #tpu.memory_space<vmem>>, vector<1x16xf32>,
      %get3A_2221 = vector.shape_cast %get3A_2220 : vector<1x16xf32> to vector<16xf32>
      %mul3A_2222 = vector.broadcast %squeeze3A_2160 : f32 to vector<16xf32>
      %mul3A_2223 = arith.mulf %mul3A_2222, %get3A_2221 : vector<16xf32>
      %add3A_2224 = arith.addf %add3A_2158, %mul3A_2223 : vector<16xf32>
      %swap3A = arith.index_cast %mul3A_33 : i32 to index
      %swap3A_2225 = arith.constant 0 : index
      %swap3A_2226 = tpu.vector_load %arg11[%swap3A, %swap3A_2225] {strides = array<i32>} : memref<128x128xf32, #tpu.memory_space<vmem>>, vector<1x16xf32>,
      %swap3A_2227 = vector.shape_cast %swap3A_2226 : vector<1x16xf32> to vector<16xf32>
      %swap3A_2228 = vector.shape_cast %add3A_2168 : vector<16xf32> to vector<1x16xf32>
      tpu.vector_store %arg11[%swap3A, %swap3A_2225], %swap3A_2228 {strides = array<i32>} : memref<128x128xf32, #tpu.memory_space<vmem>>, vector<1x16xf32>,
      %swap3A_2229 = arith.index_cast %mul3A_33 : i32 to index
      %swap3A_2230 = arith.constant 16 : index
      %swap3A_2231 = tpu.vector_load %arg11[%swap3A_2229, %swap3A_2230] {strides = array<i32>} : memref<128x128xf32, #tpu.memory_space<vmem>>, vector<1x16xf32>,
      %swap3A_2232 = vector.shape_cast %swap3A_2231 : vector<1x16xf32> to vector<16xf32>
      %swap3A_2233 = vector.shape_cast %add3A_2176 : vector<16xf32> to vector<1x16xf32>
      tpu.vector_store %arg11[%swap3A_2229, %swap3A_2230], %swap3A_2233 {strides = array<i32>} : memref<128x128xf32, #tpu.memory_space<vmem>>, vector<1x16xf32>,
      %swap3A_2234 = arith.index_cast %mul3A_33 : i32 to index
      %swap3A_2235 = arith.constant 32 : index
      %swap3A_2236 = tpu.vector_load %arg11[%swap3A_2234, %swap3A_2235] {strides = array<i32>} : memref<128x128xf32, #tpu.memory_space<vmem>>, vector<1x16xf32>,
      %swap3A_2237 = vector.shape_cast %swap3A_2236 : vector<1x16xf32> to vector<16xf32>
      %swap3A_2238 = vector.shape_cast %add3A_2184 : vector<16xf32> to vector<1x16xf32>
      tpu.vector_store %arg11[%swap3A_2234, %swap3A_2235], %swap3A_2238 {strides = array<i32>} : memref<128x128xf32, #tpu.memory_space<vmem>>, vector<1x16xf32>,
      %swap3A_2239 = arith.index_cast %mul3A_33 : i32 to index
      %swap3A_2240 = arith.constant 48 : index
      %swap3A_2241 = tpu.vector_load %arg11[%swap3A_2239, %swap3A_2240] {strides = array<i32>} : memref<128x128xf32, #tpu.memory_space<vmem>>, vector<1x16xf32>,
      %swap3A_2242 = vector.shape_cast %swap3A_2241 : vector<1x16xf32> to vector<16xf32>
      %swap3A_2243 = vector.shape_cast %add3A_2192 : vector<16xf32> to vector<1x16xf32>
      tpu.vector_store %arg11[%swap3A_2239, %swap3A_2240], %swap3A_2243 {strides = array<i32>} : memref<128x128xf32, #tpu.memory_space<vmem>>, vector<1x16xf32>,
      %swap3A_2244 = arith.index_cast %mul3A_33 : i32 to index
      %swap3A_2245 = arith.constant 64 : index
      %swap3A_2246 = tpu.vector_load %arg11[%swap3A_2244, %swap3A_2245] {strides = array<i32>} : memref<128x128xf32, #tpu.memory_space<vmem>>, vector<1x16xf32>,
      %swap3A_2247 = vector.shape_cast %swap3A_2246 : vector<1x16xf32> to vector<16xf32>
      %swap3A_2248 = vector.shape_cast %add3A_2200 : vector<16xf32> to vector<1x16xf32>
      tpu.vector_store %arg11[%swap3A_2244, %swap3A_2245], %swap3A_2248 {strides = array<i32>} : memref<128x128xf32, #tpu.memory_space<vmem>>, vector<1x16xf32>,
      %swap3A_2249 = arith.index_cast %mul3A_33 : i32 to index
      %swap3A_2250 = arith.constant 80 : index
      %swap3A_2251 = tpu.vector_load %arg11[%swap3A_2249, %swap3A_2250] {strides = array<i32>} : memref<128x128xf32, #tpu.memory_space<vmem>>, vector<1x16xf32>,
      %swap3A_2252 = vector.shape_cast %swap3A_2251 : vector<1x16xf32> to vector<16xf32>
      %swap3A_2253 = vector.shape_cast %add3A_2208 : vector<16xf32> to vector<1x16xf32>
      tpu.vector_store %arg11[%swap3A_2249, %swap3A_2250], %swap3A_2253 {strides = array<i32>} : memref<128x128xf32, #tpu.memory_space<vmem>>, vector<1x16xf32>,
      %swap3A_2254 = arith.index_cast %mul3A_33 : i32 to index
      %swap3A_2255 = arith.constant 96 : index
      %swap3A_2256 = tpu.vector_load %arg11[%swap3A_2254, %swap3A_2255] {strides = array<i32>} : memref<128x128xf32, #tpu.memory_space<vmem>>, vector<1x16xf32>,
      %swap3A_2257 = vector.shape_cast %swap3A_2256 : vector<1x16xf32> to vector<16xf32>
      %swap3A_2258 = vector.shape_cast %add3A_2216 : vector<16xf32> to vector<1x16xf32>
      tpu.vector_store %arg11[%swap3A_2254, %swap3A_2255], %swap3A_2258 {strides = array<i32>} : memref<128x128xf32, #tpu.memory_space<vmem>>, vector<1x16xf32>,
      %swap3A_2259 = arith.index_cast %mul3A_33 : i32 to index
      %swap3A_2260 = arith.constant 112 : index
      %swap3A_2261 = tpu.vector_load %arg11[%swap3A_2259, %swap3A_2260] {strides = array<i32>} : memref<128x128xf32, #tpu.memory_space<vmem>>, vector<1x16xf32>,
      %swap3A_2262 = vector.shape_cast %swap3A_2261 : vector<1x16xf32> to vector<16xf32>
      %swap3A_2263 = vector.shape_cast %add3A_2224 : vector<16xf32> to vector<1x16xf32>
      tpu.vector_store %arg11[%swap3A_2259, %swap3A_2260], %swap3A_2263 {strides = array<i32>} : memref<128x128xf32, #tpu.memory_space<vmem>>, vector<1x16xf32>,
      %add3A_2264 = arith.constant 2 : i32
      %add3A_2265 = arith.addi %mul3A_33, %add3A_2264 : i32
      %lt3A = arith.constant 128 : i32
      %lt3A_2266 = arith.cmpi slt, %add3A_2265, %lt3A : i32
      %convert_element_type3A = arith.extui %lt3A_2266 : i1 to i32
      %cond3A = arith.constant 0 : i32
      %cond3A_2267 = arith.cmpi ne, %convert_element_type3A, %cond3A : i32
      scf.if %cond3A_2267 {
        %add3A_4484 = arith.constant 2 : i32
        %add3A_4485 = arith.addi %mul3A_33, %add3A_4484 : i32
        %dma_start3A_4486 = arith.constant 0 : i32
        %dma_start3A_4487 = arith.constant 0 : i32
        %dma_start3A_4488 = arith.constant 0 : i32
        %dma_start3A_4489 = tpu.memref_slice %arg8[%dma_start3A_4486, %dma_start3A_4487, %dma_start3A_4488] : memref<2x200x32xf32, #tpu.memory_space<vmem>> -> memref<1x128x32xf32, #tpu.memory_space<vmem>>
        %dma_start3A_4490 = tpu.memref_squeeze %dma_start3A_4489 : memref<1x128x32xf32, #tpu.memory_space<vmem>> -> memref<128x32xf32, #tpu.memory_space<vmem>>
        %dma_start3A_4491 = arith.constant 0 : i32
        %dma_start3A_4492 = tpu.memref_slice %arg7[%add3A_4485, %dma_start3A_4491] : memref<128x200xi32, #tpu.memory_space<vmem>> -> memref<1x128xi32, #tpu.memory_space<vmem>>
        %dma_start3A_4493 = tpu.memref_squeeze %dma_start3A_4492 : memref<1x128xi32, #tpu.memory_space<vmem>> -> memref<128xi32, #tpu.memory_space<vmem>>
        %dma_start3A_4494 = arith.constant 0 : i32
        %dma_start3A_4495 = arith.constant 0 : i32
        %dma_start3A_4496 = tpu.memref_slice %arg3[%dma_start3A_4494, %dma_start3A_4495] : memref<1000000x32xf32, #tpu.memory_space<hbm>> -> memref<1000000x32xf32, #tpu.memory_space<hbm>>
        tpu.enqueue_indirect_dma source(%dma_start3A_4496 : memref<1000000x32xf32, #tpu.memory_space<hbm>>) target(%dma_start3A_4490 : memref<128x32xf32, #tpu.memory_space<vmem>>) offsets(%dma_start3A_4493 : memref<128xi32, #tpu.memory_space<vmem>>) semaphore(%arg12 : memref<!tpu.dma_semaphore, #tpu.memory_space<semaphore_mem>>)
        %dma_start3A_4497 = arith.constant 0 : i32
        %dma_start3A_4498 = arith.constant 128 : i32
        %dma_start3A_4499 = arith.constant 0 : i32
        %dma_start3A_4500 = tpu.memref_slice %arg8[%dma_start3A_4497, %dma_start3A_4498, %dma_start3A_4499] : memref<2x200x32xf32, #tpu.memory_space<vmem>> -> memref<1x72x32xf32, #tpu.memory_space<vmem>>
        %dma_start3A_4501 = tpu.memref_squeeze %dma_start3A_4500 : memref<1x72x32xf32, #tpu.memory_space<vmem>> -> memref<72x32xf32, #tpu.memory_space<vmem>>
        %dma_start3A_4502 = arith.constant 128 : i32
        %dma_start3A_4503 = tpu.memref_slice %arg7[%add3A_4485, %dma_start3A_4502] : memref<128x200xi32, #tpu.memory_space<vmem>> -> memref<1x72xi32, #tpu.memory_space<vmem>>
        %dma_start3A_4504 = tpu.memref_squeeze %dma_start3A_4503 : memref<1x72xi32, #tpu.memory_space<vmem>> -> memref<72xi32, #tpu.memory_space<vmem>>
        %dma_start3A_4505 = arith.constant 0 : i32
        %dma_start3A_4506 = arith.constant 0 : i32
        %dma_start3A_4507 = tpu.memref_slice %arg3[%dma_start3A_4505, %dma_start3A_4506] : memref<1000000x32xf32, #tpu.memory_space<hbm>> -> memref<1000000x32xf32, #tpu.memory_space<hbm>>
        tpu.enqueue_indirect_dma source(%dma_start3A_4507 : memref<1000000x32xf32, #tpu.memory_space<hbm>>) target(%dma_start3A_4501 : memref<72x32xf32, #tpu.memory_space<vmem>>) offsets(%dma_start3A_4504 : memref<72xi32, #tpu.memory_space<vmem>>) semaphore(%arg12 : memref<!tpu.dma_semaphore, #tpu.memory_space<semaphore_mem>>)
      } else {
      }
      %add3A_2268 = arith.constant 1 : i32
      %add3A_2269 = arith.addi %mul3A_33, %add3A_2268 : i32
      %dma_wait3A_2270 = arith.constant 1 : i32
      %dma_wait3A_2271 = arith.constant 0 : i32
      %dma_wait3A_2272 = arith.constant 0 : i32
      %dma_wait3A_2273 = tpu.memref_slice %arg8[%dma_wait3A_2270, %dma_wait3A_2271, %dma_wait3A_2272] : memref<2x200x32xf32, #tpu.memory_space<vmem>> -> memref<1x128x32xf32, #tpu.memory_space<vmem>>
      %dma_wait3A_2274 = tpu.memref_squeeze %dma_wait3A_2273 : memref<1x128x32xf32, #tpu.memory_space<vmem>> -> memref<128x32xf32, #tpu.memory_space<vmem>>
      %dma_wait3A_2275 = arith.constant 0 : i32
      %dma_wait3A_2276 = tpu.memref_slice %arg7[%add3A_2269, %dma_wait3A_2275] : memref<128x200xi32, #tpu.memory_space<vmem>> -> memref<1x128xi32, #tpu.memory_space<vmem>>
      %dma_wait3A_2277 = tpu.memref_squeeze %dma_wait3A_2276 : memref<1x128xi32, #tpu.memory_space<vmem>> -> memref<128xi32, #tpu.memory_space<vmem>>
      %dma_wait3A_2278 = arith.constant 0 : i32
      %dma_wait3A_2279 = arith.constant 0 : i32
      %dma_wait3A_2280 = tpu.memref_slice %arg3[%dma_wait3A_2278, %dma_wait3A_2279] : memref<1000000x32xf32, #tpu.memory_space<hbm>> -> memref<1000000x32xf32, #tpu.memory_space<hbm>>
      tpu.wait_indirect_dma semaphore(%arg13 : memref<!tpu.dma_semaphore, #tpu.memory_space<semaphore_mem>>) src(%dma_wait3A_2280 : memref<1000000x32xf32, #tpu.memory_space<hbm>>) dst(%dma_wait3A_2274 : memref<128x32xf32, #tpu.memory_space<vmem>>)
      %dma_wait3A_2281 = arith.constant 1 : i32
      %dma_wait3A_2282 = arith.constant 128 : i32
      %dma_wait3A_2283 = arith.constant 0 : i32
      %dma_wait3A_2284 = tpu.memref_slice %arg8[%dma_wait3A_2281, %dma_wait3A_2282, %dma_wait3A_2283] : memref<2x200x32xf32, #tpu.memory_space<vmem>> -> memref<1x72x32xf32, #tpu.memory_space<vmem>>
      %dma_wait3A_2285 = tpu.memref_squeeze %dma_wait3A_2284 : memref<1x72x32xf32, #tpu.memory_space<vmem>> -> memref<72x32xf32, #tpu.memory_space<vmem>>
      %dma_wait3A_2286 = arith.constant 128 : i32
      %dma_wait3A_2287 = tpu.memref_slice %arg7[%add3A_2269, %dma_wait3A_2286] : memref<128x200xi32, #tpu.memory_space<vmem>> -> memref<1x72xi32, #tpu.memory_space<vmem>>
      %dma_wait3A_2288 = tpu.memref_squeeze %dma_wait3A_2287 : memref<1x72xi32, #tpu.memory_space<vmem>> -> memref<72xi32, #tpu.memory_space<vmem>>
      %dma_wait3A_2289 = arith.constant 0 : i32
      %dma_wait3A_2290 = arith.constant 0 : i32
      %dma_wait3A_2291 = tpu.memref_slice %arg3[%dma_wait3A_2289, %dma_wait3A_2290] : memref<1000000x32xf32, #tpu.memory_space<hbm>> -> memref<1000000x32xf32, #tpu.memory_space<hbm>>
      tpu.wait_indirect_dma semaphore(%arg13 : memref<!tpu.dma_semaphore, #tpu.memory_space<semaphore_mem>>) src(%dma_wait3A_2291 : memref<1000000x32xf32, #tpu.memory_space<hbm>>) dst(%dma_wait3A_2285 : memref<72x32xf32, #tpu.memory_space<vmem>>)
      %add3A_2292 = arith.constant 1 : i32
      %add3A_2293 = arith.addi %mul3A_33, %add3A_2292 : i32
      %broadcast_in_dim3A_2294 = arith.constant 0.000000e+00 : f32
      %broadcast_in_dim3A_2295 = vector.broadcast %broadcast_in_dim3A_2294 : f32 to vector<16xf32>
      %scan3A_2296 = arith.constant 0 : i32
      %scan3A_2297 = arith.constant 200 : i32
      %scan3A_2298 = arith.addi %scan3A_2296, %scan3A_2297 : i32
      %scan3A_2299 = arith.constant 1 : i32
      %scan3A_2300:2 = scf.for %scan3A_4484 = %scan3A_2296 to %scan3A_2298 step %scan3A_2299 iter_args(%scan3A_4485 = %broadcast_in_dim3A_2295, %scan3A_4486 = %broadcast_in_dim3A_2295) -> (vector<16xf32>, vector<16xf32>)  : i32 {
        %get3A_4487 = arith.constant 1 : i32
        %get3A_4488 = arith.index_cast %get3A_4487 : i32 to index
        %get3A_4489 = arith.index_cast %scan3A_4484 : i32 to index
        %get3A_4490 = arith.constant 0 : index
        %get3A_4491 = tpu.vector_load %arg8[%get3A_4488, %get3A_4489, %get3A_4490] {strides = array<i32>} : memref<2x200x32xf32, #tpu.memory_space<vmem>>, vector<1x1x16xf32>,
        %get3A_4492 = vector.shape_cast %get3A_4491 : vector<1x1x16xf32> to vector<16xf32>
        %add3A_4493 = arith.addf %scan3A_4485, %get3A_4492 : vector<16xf32>
        %get3A_4494 = arith.constant 1 : i32
        %get3A_4495 = arith.index_cast %get3A_4494 : i32 to index
        %get3A_4496 = arith.index_cast %scan3A_4484 : i32 to index
        %get3A_4497 = arith.constant 16 : index
        %get3A_4498 = tpu.vector_load %arg8[%get3A_4495, %get3A_4496, %get3A_4497] {strides = array<i32>} : memref<2x200x32xf32, #tpu.memory_space<vmem>>, vector<1x1x16xf32>,
        %get3A_4499 = vector.shape_cast %get3A_4498 : vector<1x1x16xf32> to vector<16xf32>
        %add3A_4500 = arith.addf %scan3A_4486, %get3A_4499 : vector<16xf32>
        scf.yield %add3A_4493, %add3A_4500 : vector<16xf32>, vector<16xf32>
      }
      %scan3A_2301 = arith.constant 200 : i32
      %mul3A_2302 = arith.constant 5.000000e-03 : f32
      %mul3A_2303 = vector.broadcast %mul3A_2302 : f32 to vector<16xf32>
      %mul3A_2304 = arith.mulf %scan3A_2300#0, %mul3A_2303 : vector<16xf32>
      %mul3A_2305 = arith.constant 5.000000e-03 : f32
      %mul3A_2306 = vector.broadcast %mul3A_2305 : f32 to vector<16xf32>
      %mul3A_2307 = arith.mulf %scan3A_2300#1, %mul3A_2306 : vector<16xf32>
      %get3A_2308 = arith.constant 0 : index
      %get3A_2309 = tpu.vector_load %arg10[%get3A_2308] {strides = array<i32>} : memref<128xf32, #tpu.memory_space<vmem>>, vector<16xf32>,
      %get3A_2310 = vector.shape_cast %get3A_2309 : vector<16xf32> to vector<16xf32>
      %get3A_2311 = arith.constant 16 : index
      %get3A_2312 = tpu.vector_load %arg10[%get3A_2311] {strides = array<i32>} : memref<128xf32, #tpu.memory_space<vmem>>, vector<16xf32>,
      %get3A_2313 = vector.shape_cast %get3A_2312 : vector<16xf32> to vector<16xf32>
      %get3A_2314 = arith.constant 32 : index
      %get3A_2315 = tpu.vector_load %arg10[%get3A_2314] {strides = array<i32>} : memref<128xf32, #tpu.memory_space<vmem>>, vector<16xf32>,
      %get3A_2316 = vector.shape_cast %get3A_2315 : vector<16xf32> to vector<16xf32>
      %get3A_2317 = arith.constant 48 : index
      %get3A_2318 = tpu.vector_load %arg10[%get3A_2317] {strides = array<i32>} : memref<128xf32, #tpu.memory_space<vmem>>, vector<16xf32>,
      %get3A_2319 = vector.shape_cast %get3A_2318 : vector<16xf32> to vector<16xf32>
      %get3A_2320 = arith.constant 64 : index
      %get3A_2321 = tpu.vector_load %arg10[%get3A_2320] {strides = array<i32>} : memref<128xf32, #tpu.memory_space<vmem>>, vector<16xf32>,
      %get3A_2322 = vector.shape_cast %get3A_2321 : vector<16xf32> to vector<16xf32>
      %get3A_2323 = arith.constant 80 : index
      %get3A_2324 = tpu.vector_load %arg10[%get3A_2323] {strides = array<i32>} : memref<128xf32, #tpu.memory_space<vmem>>, vector<16xf32>,
      %get3A_2325 = vector.shape_cast %get3A_2324 : vector<16xf32> to vector<16xf32>
      %get3A_2326 = arith.constant 96 : index
      %get3A_2327 = tpu.vector_load %arg10[%get3A_2326] {strides = array<i32>} : memref<128xf32, #tpu.memory_space<vmem>>, vector<16xf32>,
      %get3A_2328 = vector.shape_cast %get3A_2327 : vector<16xf32> to vector<16xf32>
      %get3A_2329 = arith.constant 112 : index
      %get3A_2330 = tpu.vector_load %arg10[%get3A_2329] {strides = array<i32>} : memref<128xf32, #tpu.memory_space<vmem>>, vector<16xf32>,
      %get3A_2331 = vector.shape_cast %get3A_2330 : vector<16xf32> to vector<16xf32>
      %slice3A_2332 = vector.extract_strided_slice %mul3A_2304 {offsets = [0], sizes = [1], strides = [1]} : vector<16xf32> to vector<1xf32>
      %squeeze3A_2333 = vector.extract %slice3A_2332[0] : f32 from vector<1xf32>
      %get3A_2334 = arith.constant 0 : i32
      %get3A_2335 = arith.index_cast %get3A_2334 : i32 to index
      %get3A_2336 = arith.constant 0 : index
      %get3A_2337 = tpu.vector_load %arg9[%get3A_2335, %get3A_2336] {strides = array<i32>} : memref<32x128xf32, #tpu.memory_space<vmem>>, vector<1x16xf32>,
      %get3A_2338 = vector.shape_cast %get3A_2337 : vector<1x16xf32> to vector<16xf32>
      %mul3A_2339 = vector.broadcast %squeeze3A_2333 : f32 to vector<16xf32>
      %mul3A_2340 = arith.mulf %mul3A_2339, %get3A_2338 : vector<16xf32>
      %add3A_2341 = arith.addf %get3A_2310, %mul3A_2340 : vector<16xf32>
      %get3A_2342 = arith.constant 0 : i32
      %get3A_2343 = arith.index_cast %get3A_2342 : i32 to index
      %get3A_2344 = arith.constant 16 : index
      %get3A_2345 = tpu.vector_load %arg9[%get3A_2343, %get3A_2344] {strides = array<i32>} : memref<32x128xf32, #tpu.memory_space<vmem>>, vector<1x16xf32>,
      %get3A_2346 = vector.shape_cast %get3A_2345 : vector<1x16xf32> to vector<16xf32>
      %mul3A_2347 = vector.broadcast %squeeze3A_2333 : f32 to vector<16xf32>
      %mul3A_2348 = arith.mulf %mul3A_2347, %get3A_2346 : vector<16xf32>
      %add3A_2349 = arith.addf %get3A_2313, %mul3A_2348 : vector<16xf32>
      %get3A_2350 = arith.constant 0 : i32
      %get3A_2351 = arith.index_cast %get3A_2350 : i32 to index
      %get3A_2352 = arith.constant 32 : index
      %get3A_2353 = tpu.vector_load %arg9[%get3A_2351, %get3A_2352] {strides = array<i32>} : memref<32x128xf32, #tpu.memory_space<vmem>>, vector<1x16xf32>,
      %get3A_2354 = vector.shape_cast %get3A_2353 : vector<1x16xf32> to vector<16xf32>
      %mul3A_2355 = vector.broadcast %squeeze3A_2333 : f32 to vector<16xf32>
      %mul3A_2356 = arith.mulf %mul3A_2355, %get3A_2354 : vector<16xf32>
      %add3A_2357 = arith.addf %get3A_2316, %mul3A_2356 : vector<16xf32>
      %get3A_2358 = arith.constant 0 : i32
      %get3A_2359 = arith.index_cast %get3A_2358 : i32 to index
      %get3A_2360 = arith.constant 48 : index
      %get3A_2361 = tpu.vector_load %arg9[%get3A_2359, %get3A_2360] {strides = array<i32>} : memref<32x128xf32, #tpu.memory_space<vmem>>, vector<1x16xf32>,
      %get3A_2362 = vector.shape_cast %get3A_2361 : vector<1x16xf32> to vector<16xf32>
      %mul3A_2363 = vector.broadcast %squeeze3A_2333 : f32 to vector<16xf32>
      %mul3A_2364 = arith.mulf %mul3A_2363, %get3A_2362 : vector<16xf32>
      %add3A_2365 = arith.addf %get3A_2319, %mul3A_2364 : vector<16xf32>
      %get3A_2366 = arith.constant 0 : i32
      %get3A_2367 = arith.index_cast %get3A_2366 : i32 to index
      %get3A_2368 = arith.constant 64 : index
      %get3A_2369 = tpu.vector_load %arg9[%get3A_2367, %get3A_2368] {strides = array<i32>} : memref<32x128xf32, #tpu.memory_space<vmem>>, vector<1x16xf32>,
      %get3A_2370 = vector.shape_cast %get3A_2369 : vector<1x16xf32> to vector<16xf32>
      %mul3A_2371 = vector.broadcast %squeeze3A_2333 : f32 to vector<16xf32>
      %mul3A_2372 = arith.mulf %mul3A_2371, %get3A_2370 : vector<16xf32>
      %add3A_2373 = arith.addf %get3A_2322, %mul3A_2372 : vector<16xf32>
      %get3A_2374 = arith.constant 0 : i32
      %get3A_2375 = arith.index_cast %get3A_2374 : i32 to index
      %get3A_2376 = arith.constant 80 : index
      %get3A_2377 = tpu.vector_load %arg9[%get3A_2375, %get3A_2376] {strides = array<i32>} : memref<32x128xf32, #tpu.memory_space<vmem>>, vector<1x16xf32>,
      %get3A_2378 = vector.shape_cast %get3A_2377 : vector<1x16xf32> to vector<16xf32>
      %mul3A_2379 = vector.broadcast %squeeze3A_2333 : f32 to vector<16xf32>
      %mul3A_2380 = arith.mulf %mul3A_2379, %get3A_2378 : vector<16xf32>
      %add3A_2381 = arith.addf %get3A_2325, %mul3A_2380 : vector<16xf32>
      %get3A_2382 = arith.constant 0 : i32
      %get3A_2383 = arith.index_cast %get3A_2382 : i32 to index
      %get3A_2384 = arith.constant 96 : index
      %get3A_2385 = tpu.vector_load %arg9[%get3A_2383, %get3A_2384] {strides = array<i32>} : memref<32x128xf32, #tpu.memory_space<vmem>>, vector<1x16xf32>,
      %get3A_2386 = vector.shape_cast %get3A_2385 : vector<1x16xf32> to vector<16xf32>
      %mul3A_2387 = vector.broadcast %squeeze3A_2333 : f32 to vector<16xf32>
      %mul3A_2388 = arith.mulf %mul3A_2387, %get3A_2386 : vector<16xf32>
      %add3A_2389 = arith.addf %get3A_2328, %mul3A_2388 : vector<16xf32>
      %get3A_2390 = arith.constant 0 : i32
      %get3A_2391 = arith.index_cast %get3A_2390 : i32 to index
      %get3A_2392 = arith.constant 112 : index
      %get3A_2393 = tpu.vector_load %arg9[%get3A_2391, %get3A_2392] {strides = array<i32>} : memref<32x128xf32, #tpu.memory_space<vmem>>, vector<1x16xf32>,
      %get3A_2394 = vector.shape_cast %get3A_2393 : vector<1x16xf32> to vector<16xf32>
      %mul3A_2395 = vector.broadcast %squeeze3A_2333 : f32 to vector<16xf32>
      %mul3A_2396 = arith.mulf %mul3A_2395, %get3A_2394 : vector<16xf32>
      %add3A_2397 = arith.addf %get3A_2331, %mul3A_2396 : vector<16xf32>
      %slice3A_2398 = vector.extract_strided_slice %mul3A_2304 {offsets = [1], sizes = [1], strides = [1]} : vector<16xf32> to vector<1xf32>
      %squeeze3A_2399 = vector.extract %slice3A_2398[0] : f32 from vector<1xf32>
      %get3A_2400 = arith.constant 1 : i32
      %get3A_2401 = arith.index_cast %get3A_2400 : i32 to index
      %get3A_2402 = arith.constant 0 : index
      %get3A_2403 = tpu.vector_load %arg9[%get3A_2401, %get3A_2402] {strides = array<i32>} : memref<32x128xf32, #tpu.memory_space<vmem>>, vector<1x16xf32>,
      %get3A_2404 = vector.shape_cast %get3A_2403 : vector<1x16xf32> to vector<16xf32>
      %mul3A_2405 = vector.broadcast %squeeze3A_2399 : f32 to vector<16xf32>
      %mul3A_2406 = arith.mulf %mul3A_2405, %get3A_2404 : vector<16xf32>
      %add3A_2407 = arith.addf %add3A_2341, %mul3A_2406 : vector<16xf32>
      %get3A_2408 = arith.constant 1 : i32
      %get3A_2409 = arith.index_cast %get3A_2408 : i32 to index
      %get3A_2410 = arith.constant 16 : index
      %get3A_2411 = tpu.vector_load %arg9[%get3A_2409, %get3A_2410] {strides = array<i32>} : memref<32x128xf32, #tpu.memory_space<vmem>>, vector<1x16xf32>,
      %get3A_2412 = vector.shape_cast %get3A_2411 : vector<1x16xf32> to vector<16xf32>
      %mul3A_2413 = vector.broadcast %squeeze3A_2399 : f32 to vector<16xf32>
      %mul3A_2414 = arith.mulf %mul3A_2413, %get3A_2412 : vector<16xf32>
      %add3A_2415 = arith.addf %add3A_2349, %mul3A_2414 : vector<16xf32>
      %get3A_2416 = arith.constant 1 : i32
      %get3A_2417 = arith.index_cast %get3A_2416 : i32 to index
      %get3A_2418 = arith.constant 32 : index
      %get3A_2419 = tpu.vector_load %arg9[%get3A_2417, %get3A_2418] {strides = array<i32>} : memref<32x128xf32, #tpu.memory_space<vmem>>, vector<1x16xf32>,
      %get3A_2420 = vector.shape_cast %get3A_2419 : vector<1x16xf32> to vector<16xf32>
      %mul3A_2421 = vector.broadcast %squeeze3A_2399 : f32 to vector<16xf32>
      %mul3A_2422 = arith.mulf %mul3A_2421, %get3A_2420 : vector<16xf32>
      %add3A_2423 = arith.addf %add3A_2357, %mul3A_2422 : vector<16xf32>
      %get3A_2424 = arith.constant 1 : i32
      %get3A_2425 = arith.index_cast %get3A_2424 : i32 to index
      %get3A_2426 = arith.constant 48 : index
      %get3A_2427 = tpu.vector_load %arg9[%get3A_2425, %get3A_2426] {strides = array<i32>} : memref<32x128xf32, #tpu.memory_space<vmem>>, vector<1x16xf32>,
      %get3A_2428 = vector.shape_cast %get3A_2427 : vector<1x16xf32> to vector<16xf32>
      %mul3A_2429 = vector.broadcast %squeeze3A_2399 : f32 to vector<16xf32>
      %mul3A_2430 = arith.mulf %mul3A_2429, %get3A_2428 : vector<16xf32>
      %add3A_2431 = arith.addf %add3A_2365, %mul3A_2430 : vector<16xf32>
      %get3A_2432 = arith.constant 1 : i32
      %get3A_2433 = arith.index_cast %get3A_2432 : i32 to index
      %get3A_2434 = arith.constant 64 : index
      %get3A_2435 = tpu.vector_load %arg9[%get3A_2433, %get3A_2434] {strides = array<i32>} : memref<32x128xf32, #tpu.memory_space<vmem>>, vector<1x16xf32>,
      %get3A_2436 = vector.shape_cast %get3A_2435 : vector<1x16xf32> to vector<16xf32>
      %mul3A_2437 = vector.broadcast %squeeze3A_2399 : f32 to vector<16xf32>
      %mul3A_2438 = arith.mulf %mul3A_2437, %get3A_2436 : vector<16xf32>
      %add3A_2439 = arith.addf %add3A_2373, %mul3A_2438 : vector<16xf32>
      %get3A_2440 = arith.constant 1 : i32
      %get3A_2441 = arith.index_cast %get3A_2440 : i32 to index
      %get3A_2442 = arith.constant 80 : index
      %get3A_2443 = tpu.vector_load %arg9[%get3A_2441, %get3A_2442] {strides = array<i32>} : memref<32x128xf32, #tpu.memory_space<vmem>>, vector<1x16xf32>,
      %get3A_2444 = vector.shape_cast %get3A_2443 : vector<1x16xf32> to vector<16xf32>
      %mul3A_2445 = vector.broadcast %squeeze3A_2399 : f32 to vector<16xf32>
      %mul3A_2446 = arith.mulf %mul3A_2445, %get3A_2444 : vector<16xf32>
      %add3A_2447 = arith.addf %add3A_2381, %mul3A_2446 : vector<16xf32>
      %get3A_2448 = arith.constant 1 : i32
      %get3A_2449 = arith.index_cast %get3A_2448 : i32 to index
      %get3A_2450 = arith.constant 96 : index
      %get3A_2451 = tpu.vector_load %arg9[%get3A_2449, %get3A_2450] {strides = array<i32>} : memref<32x128xf32, #tpu.memory_space<vmem>>, vector<1x16xf32>,
      %get3A_2452 = vector.shape_cast %get3A_2451 : vector<1x16xf32> to vector<16xf32>
      %mul3A_2453 = vector.broadcast %squeeze3A_2399 : f32 to vector<16xf32>
      %mul3A_2454 = arith.mulf %mul3A_2453, %get3A_2452 : vector<16xf32>
      %add3A_2455 = arith.addf %add3A_2389, %mul3A_2454 : vector<16xf32>
      %get3A_2456 = arith.constant 1 : i32
      %get3A_2457 = arith.index_cast %get3A_2456 : i32 to index
      %get3A_2458 = arith.constant 112 : index
      %get3A_2459 = tpu.vector_load %arg9[%get3A_2457, %get3A_2458] {strides = array<i32>} : memref<32x128xf32, #tpu.memory_space<vmem>>, vector<1x16xf32>,
      %get3A_2460 = vector.shape_cast %get3A_2459 : vector<1x16xf32> to vector<16xf32>
      %mul3A_2461 = vector.broadcast %squeeze3A_2399 : f32 to vector<16xf32>
      %mul3A_2462 = arith.mulf %mul3A_2461, %get3A_2460 : vector<16xf32>
      %add3A_2463 = arith.addf %add3A_2397, %mul3A_2462 : vector<16xf32>
      %slice3A_2464 = vector.extract_strided_slice %mul3A_2304 {offsets = [2], sizes = [1], strides = [1]} : vector<16xf32> to vector<1xf32>
      %squeeze3A_2465 = vector.extract %slice3A_2464[0] : f32 from vector<1xf32>
      %get3A_2466 = arith.constant 2 : i32
      %get3A_2467 = arith.index_cast %get3A_2466 : i32 to index
      %get3A_2468 = arith.constant 0 : index
      %get3A_2469 = tpu.vector_load %arg9[%get3A_2467, %get3A_2468] {strides = array<i32>} : memref<32x128xf32, #tpu.memory_space<vmem>>, vector<1x16xf32>,
      %get3A_2470 = vector.shape_cast %get3A_2469 : vector<1x16xf32> to vector<16xf32>
      %mul3A_2471 = vector.broadcast %squeeze3A_2465 : f32 to vector<16xf32>
      %mul3A_2472 = arith.mulf %mul3A_2471, %get3A_2470 : vector<16xf32>
      %add3A_2473 = arith.addf %add3A_2407, %mul3A_2472 : vector<16xf32>
      %get3A_2474 = arith.constant 2 : i32
      %get3A_2475 = arith.index_cast %get3A_2474 : i32 to index
      %get3A_2476 = arith.constant 16 : index
      %get3A_2477 = tpu.vector_load %arg9[%get3A_2475, %get3A_2476] {strides = array<i32>} : memref<32x128xf32, #tpu.memory_space<vmem>>, vector<1x16xf32>,
      %get3A_2478 = vector.shape_cast %get3A_2477 : vector<1x16xf32> to vector<16xf32>
      %mul3A_2479 = vector.broadcast %squeeze3A_2465 : f32 to vector<16xf32>
      %mul3A_2480 = arith.mulf %mul3A_2479, %get3A_2478 : vector<16xf32>
      %add3A_2481 = arith.addf %add3A_2415, %mul3A_2480 : vector<16xf32>
      %get3A_2482 = arith.constant 2 : i32
      %get3A_2483 = arith.index_cast %get3A_2482 : i32 to index
      %get3A_2484 = arith.constant 32 : index
      %get3A_2485 = tpu.vector_load %arg9[%get3A_2483, %get3A_2484] {strides = array<i32>} : memref<32x128xf32, #tpu.memory_space<vmem>>, vector<1x16xf32>,
      %get3A_2486 = vector.shape_cast %get3A_2485 : vector<1x16xf32> to vector<16xf32>
      %mul3A_2487 = vector.broadcast %squeeze3A_2465 : f32 to vector<16xf32>
      %mul3A_2488 = arith.mulf %mul3A_2487, %get3A_2486 : vector<16xf32>
      %add3A_2489 = arith.addf %add3A_2423, %mul3A_2488 : vector<16xf32>
      %get3A_2490 = arith.constant 2 : i32
      %get3A_2491 = arith.index_cast %get3A_2490 : i32 to index
      %get3A_2492 = arith.constant 48 : index
      %get3A_2493 = tpu.vector_load %arg9[%get3A_2491, %get3A_2492] {strides = array<i32>} : memref<32x128xf32, #tpu.memory_space<vmem>>, vector<1x16xf32>,
      %get3A_2494 = vector.shape_cast %get3A_2493 : vector<1x16xf32> to vector<16xf32>
      %mul3A_2495 = vector.broadcast %squeeze3A_2465 : f32 to vector<16xf32>
      %mul3A_2496 = arith.mulf %mul3A_2495, %get3A_2494 : vector<16xf32>
      %add3A_2497 = arith.addf %add3A_2431, %mul3A_2496 : vector<16xf32>
      %get3A_2498 = arith.constant 2 : i32
      %get3A_2499 = arith.index_cast %get3A_2498 : i32 to index
      %get3A_2500 = arith.constant 64 : index
      %get3A_2501 = tpu.vector_load %arg9[%get3A_2499, %get3A_2500] {strides = array<i32>} : memref<32x128xf32, #tpu.memory_space<vmem>>, vector<1x16xf32>,
      %get3A_2502 = vector.shape_cast %get3A_2501 : vector<1x16xf32> to vector<16xf32>
      %mul3A_2503 = vector.broadcast %squeeze3A_2465 : f32 to vector<16xf32>
      %mul3A_2504 = arith.mulf %mul3A_2503, %get3A_2502 : vector<16xf32>
      %add3A_2505 = arith.addf %add3A_2439, %mul3A_2504 : vector<16xf32>
      %get3A_2506 = arith.constant 2 : i32
      %get3A_2507 = arith.index_cast %get3A_2506 : i32 to index
      %get3A_2508 = arith.constant 80 : index
      %get3A_2509 = tpu.vector_load %arg9[%get3A_2507, %get3A_2508] {strides = array<i32>} : memref<32x128xf32, #tpu.memory_space<vmem>>, vector<1x16xf32>,
      %get3A_2510 = vector.shape_cast %get3A_2509 : vector<1x16xf32> to vector<16xf32>
      %mul3A_2511 = vector.broadcast %squeeze3A_2465 : f32 to vector<16xf32>
      %mul3A_2512 = arith.mulf %mul3A_2511, %get3A_2510 : vector<16xf32>
      %add3A_2513 = arith.addf %add3A_2447, %mul3A_2512 : vector<16xf32>
      %get3A_2514 = arith.constant 2 : i32
      %get3A_2515 = arith.index_cast %get3A_2514 : i32 to index
      %get3A_2516 = arith.constant 96 : index
      %get3A_2517 = tpu.vector_load %arg9[%get3A_2515, %get3A_2516] {strides = array<i32>} : memref<32x128xf32, #tpu.memory_space<vmem>>, vector<1x16xf32>,
      %get3A_2518 = vector.shape_cast %get3A_2517 : vector<1x16xf32> to vector<16xf32>
      %mul3A_2519 = vector.broadcast %squeeze3A_2465 : f32 to vector<16xf32>
      %mul3A_2520 = arith.mulf %mul3A_2519, %get3A_2518 : vector<16xf32>
      %add3A_2521 = arith.addf %add3A_2455, %mul3A_2520 : vector<16xf32>
      %get3A_2522 = arith.constant 2 : i32
      %get3A_2523 = arith.index_cast %get3A_2522 : i32 to index
      %get3A_2524 = arith.constant 112 : index
      %get3A_2525 = tpu.vector_load %arg9[%get3A_2523, %get3A_2524] {strides = array<i32>} : memref<32x128xf32, #tpu.memory_space<vmem>>, vector<1x16xf32>,
      %get3A_2526 = vector.shape_cast %get3A_2525 : vector<1x16xf32> to vector<16xf32>
      %mul3A_2527 = vector.broadcast %squeeze3A_2465 : f32 to vector<16xf32>
      %mul3A_2528 = arith.mulf %mul3A_2527, %get3A_2526 : vector<16xf32>
      %add3A_2529 = arith.addf %add3A_2463, %mul3A_2528 : vector<16xf32>
      %slice3A_2530 = vector.extract_strided_slice %mul3A_2304 {offsets = [3], sizes = [1], strides = [1]} : vector<16xf32> to vector<1xf32>
      %squeeze3A_2531 = vector.extract %slice3A_2530[0] : f32 from vector<1xf32>
      %get3A_2532 = arith.constant 3 : i32
      %get3A_2533 = arith.index_cast %get3A_2532 : i32 to index
      %get3A_2534 = arith.constant 0 : index
      %get3A_2535 = tpu.vector_load %arg9[%get3A_2533, %get3A_2534] {strides = array<i32>} : memref<32x128xf32, #tpu.memory_space<vmem>>, vector<1x16xf32>,
      %get3A_2536 = vector.shape_cast %get3A_2535 : vector<1x16xf32> to vector<16xf32>
      %mul3A_2537 = vector.broadcast %squeeze3A_2531 : f32 to vector<16xf32>
      %mul3A_2538 = arith.mulf %mul3A_2537, %get3A_2536 : vector<16xf32>
      %add3A_2539 = arith.addf %add3A_2473, %mul3A_2538 : vector<16xf32>
      %get3A_2540 = arith.constant 3 : i32
      %get3A_2541 = arith.index_cast %get3A_2540 : i32 to index
      %get3A_2542 = arith.constant 16 : index
      %get3A_2543 = tpu.vector_load %arg9[%get3A_2541, %get3A_2542] {strides = array<i32>} : memref<32x128xf32, #tpu.memory_space<vmem>>, vector<1x16xf32>,
      %get3A_2544 = vector.shape_cast %get3A_2543 : vector<1x16xf32> to vector<16xf32>
      %mul3A_2545 = vector.broadcast %squeeze3A_2531 : f32 to vector<16xf32>
      %mul3A_2546 = arith.mulf %mul3A_2545, %get3A_2544 : vector<16xf32>
      %add3A_2547 = arith.addf %add3A_2481, %mul3A_2546 : vector<16xf32>
      %get3A_2548 = arith.constant 3 : i32
      %get3A_2549 = arith.index_cast %get3A_2548 : i32 to index
      %get3A_2550 = arith.constant 32 : index
      %get3A_2551 = tpu.vector_load %arg9[%get3A_2549, %get3A_2550] {strides = array<i32>} : memref<32x128xf32, #tpu.memory_space<vmem>>, vector<1x16xf32>,
      %get3A_2552 = vector.shape_cast %get3A_2551 : vector<1x16xf32> to vector<16xf32>
      %mul3A_2553 = vector.broadcast %squeeze3A_2531 : f32 to vector<16xf32>
      %mul3A_2554 = arith.mulf %mul3A_2553, %get3A_2552 : vector<16xf32>
      %add3A_2555 = arith.addf %add3A_2489, %mul3A_2554 : vector<16xf32>
      %get3A_2556 = arith.constant 3 : i32
      %get3A_2557 = arith.index_cast %get3A_2556 : i32 to index
      %get3A_2558 = arith.constant 48 : index
      %get3A_2559 = tpu.vector_load %arg9[%get3A_2557, %get3A_2558] {strides = array<i32>} : memref<32x128xf32, #tpu.memory_space<vmem>>, vector<1x16xf32>,
      %get3A_2560 = vector.shape_cast %get3A_2559 : vector<1x16xf32> to vector<16xf32>
      %mul3A_2561 = vector.broadcast %squeeze3A_2531 : f32 to vector<16xf32>
      %mul3A_2562 = arith.mulf %mul3A_2561, %get3A_2560 : vector<16xf32>
      %add3A_2563 = arith.addf %add3A_2497, %mul3A_2562 : vector<16xf32>
      %get3A_2564 = arith.constant 3 : i32
      %get3A_2565 = arith.index_cast %get3A_2564 : i32 to index
      %get3A_2566 = arith.constant 64 : index
      %get3A_2567 = tpu.vector_load %arg9[%get3A_2565, %get3A_2566] {strides = array<i32>} : memref<32x128xf32, #tpu.memory_space<vmem>>, vector<1x16xf32>,
      %get3A_2568 = vector.shape_cast %get3A_2567 : vector<1x16xf32> to vector<16xf32>
      %mul3A_2569 = vector.broadcast %squeeze3A_2531 : f32 to vector<16xf32>
      %mul3A_2570 = arith.mulf %mul3A_2569, %get3A_2568 : vector<16xf32>
      %add3A_2571 = arith.addf %add3A_2505, %mul3A_2570 : vector<16xf32>
      %get3A_2572 = arith.constant 3 : i32
      %get3A_2573 = arith.index_cast %get3A_2572 : i32 to index
      %get3A_2574 = arith.constant 80 : index
      %get3A_2575 = tpu.vector_load %arg9[%get3A_2573, %get3A_2574] {strides = array<i32>} : memref<32x128xf32, #tpu.memory_space<vmem>>, vector<1x16xf32>,
      %get3A_2576 = vector.shape_cast %get3A_2575 : vector<1x16xf32> to vector<16xf32>
      %mul3A_2577 = vector.broadcast %squeeze3A_2531 : f32 to vector<16xf32>
      %mul3A_2578 = arith.mulf %mul3A_2577, %get3A_2576 : vector<16xf32>
      %add3A_2579 = arith.addf %add3A_2513, %mul3A_2578 : vector<16xf32>
      %get3A_2580 = arith.constant 3 : i32
      %get3A_2581 = arith.index_cast %get3A_2580 : i32 to index
      %get3A_2582 = arith.constant 96 : index
      %get3A_2583 = tpu.vector_load %arg9[%get3A_2581, %get3A_2582] {strides = array<i32>} : memref<32x128xf32, #tpu.memory_space<vmem>>, vector<1x16xf32>,
      %get3A_2584 = vector.shape_cast %get3A_2583 : vector<1x16xf32> to vector<16xf32>
      %mul3A_2585 = vector.broadcast %squeeze3A_2531 : f32 to vector<16xf32>
      %mul3A_2586 = arith.mulf %mul3A_2585, %get3A_2584 : vector<16xf32>
      %add3A_2587 = arith.addf %add3A_2521, %mul3A_2586 : vector<16xf32>
      %get3A_2588 = arith.constant 3 : i32
      %get3A_2589 = arith.index_cast %get3A_2588 : i32 to index
      %get3A_2590 = arith.constant 112 : index
      %get3A_2591 = tpu.vector_load %arg9[%get3A_2589, %get3A_2590] {strides = array<i32>} : memref<32x128xf32, #tpu.memory_space<vmem>>, vector<1x16xf32>,
      %get3A_2592 = vector.shape_cast %get3A_2591 : vector<1x16xf32> to vector<16xf32>
      %mul3A_2593 = vector.broadcast %squeeze3A_2531 : f32 to vector<16xf32>
      %mul3A_2594 = arith.mulf %mul3A_2593, %get3A_2592 : vector<16xf32>
      %add3A_2595 = arith.addf %add3A_2529, %mul3A_2594 : vector<16xf32>
      %slice3A_2596 = vector.extract_strided_slice %mul3A_2304 {offsets = [4], sizes = [1], strides = [1]} : vector<16xf32> to vector<1xf32>
      %squeeze3A_2597 = vector.extract %slice3A_2596[0] : f32 from vector<1xf32>
      %get3A_2598 = arith.constant 4 : i32
      %get3A_2599 = arith.index_cast %get3A_2598 : i32 to index
      %get3A_2600 = arith.constant 0 : index
      %get3A_2601 = tpu.vector_load %arg9[%get3A_2599, %get3A_2600] {strides = array<i32>} : memref<32x128xf32, #tpu.memory_space<vmem>>, vector<1x16xf32>,
      %get3A_2602 = vector.shape_cast %get3A_2601 : vector<1x16xf32> to vector<16xf32>
      %mul3A_2603 = vector.broadcast %squeeze3A_2597 : f32 to vector<16xf32>
      %mul3A_2604 = arith.mulf %mul3A_2603, %get3A_2602 : vector<16xf32>
      %add3A_2605 = arith.addf %add3A_2539, %mul3A_2604 : vector<16xf32>
      %get3A_2606 = arith.constant 4 : i32
      %get3A_2607 = arith.index_cast %get3A_2606 : i32 to index
      %get3A_2608 = arith.constant 16 : index
      %get3A_2609 = tpu.vector_load %arg9[%get3A_2607, %get3A_2608] {strides = array<i32>} : memref<32x128xf32, #tpu.memory_space<vmem>>, vector<1x16xf32>,
      %get3A_2610 = vector.shape_cast %get3A_2609 : vector<1x16xf32> to vector<16xf32>
      %mul3A_2611 = vector.broadcast %squeeze3A_2597 : f32 to vector<16xf32>
      %mul3A_2612 = arith.mulf %mul3A_2611, %get3A_2610 : vector<16xf32>
      %add3A_2613 = arith.addf %add3A_2547, %mul3A_2612 : vector<16xf32>
      %get3A_2614 = arith.constant 4 : i32
      %get3A_2615 = arith.index_cast %get3A_2614 : i32 to index
      %get3A_2616 = arith.constant 32 : index
      %get3A_2617 = tpu.vector_load %arg9[%get3A_2615, %get3A_2616] {strides = array<i32>} : memref<32x128xf32, #tpu.memory_space<vmem>>, vector<1x16xf32>,
      %get3A_2618 = vector.shape_cast %get3A_2617 : vector<1x16xf32> to vector<16xf32>
      %mul3A_2619 = vector.broadcast %squeeze3A_2597 : f32 to vector<16xf32>
      %mul3A_2620 = arith.mulf %mul3A_2619, %get3A_2618 : vector<16xf32>
      %add3A_2621 = arith.addf %add3A_2555, %mul3A_2620 : vector<16xf32>
      %get3A_2622 = arith.constant 4 : i32
      %get3A_2623 = arith.index_cast %get3A_2622 : i32 to index
      %get3A_2624 = arith.constant 48 : index
      %get3A_2625 = tpu.vector_load %arg9[%get3A_2623, %get3A_2624] {strides = array<i32>} : memref<32x128xf32, #tpu.memory_space<vmem>>, vector<1x16xf32>,
      %get3A_2626 = vector.shape_cast %get3A_2625 : vector<1x16xf32> to vector<16xf32>
      %mul3A_2627 = vector.broadcast %squeeze3A_2597 : f32 to vector<16xf32>
      %mul3A_2628 = arith.mulf %mul3A_2627, %get3A_2626 : vector<16xf32>
      %add3A_2629 = arith.addf %add3A_2563, %mul3A_2628 : vector<16xf32>
      %get3A_2630 = arith.constant 4 : i32
      %get3A_2631 = arith.index_cast %get3A_2630 : i32 to index
      %get3A_2632 = arith.constant 64 : index
      %get3A_2633 = tpu.vector_load %arg9[%get3A_2631, %get3A_2632] {strides = array<i32>} : memref<32x128xf32, #tpu.memory_space<vmem>>, vector<1x16xf32>,
      %get3A_2634 = vector.shape_cast %get3A_2633 : vector<1x16xf32> to vector<16xf32>
      %mul3A_2635 = vector.broadcast %squeeze3A_2597 : f32 to vector<16xf32>
      %mul3A_2636 = arith.mulf %mul3A_2635, %get3A_2634 : vector<16xf32>
      %add3A_2637 = arith.addf %add3A_2571, %mul3A_2636 : vector<16xf32>
      %get3A_2638 = arith.constant 4 : i32
      %get3A_2639 = arith.index_cast %get3A_2638 : i32 to index
      %get3A_2640 = arith.constant 80 : index
      %get3A_2641 = tpu.vector_load %arg9[%get3A_2639, %get3A_2640] {strides = array<i32>} : memref<32x128xf32, #tpu.memory_space<vmem>>, vector<1x16xf32>,
      %get3A_2642 = vector.shape_cast %get3A_2641 : vector<1x16xf32> to vector<16xf32>
      %mul3A_2643 = vector.broadcast %squeeze3A_2597 : f32 to vector<16xf32>
      %mul3A_2644 = arith.mulf %mul3A_2643, %get3A_2642 : vector<16xf32>
      %add3A_2645 = arith.addf %add3A_2579, %mul3A_2644 : vector<16xf32>
      %get3A_2646 = arith.constant 4 : i32
      %get3A_2647 = arith.index_cast %get3A_2646 : i32 to index
      %get3A_2648 = arith.constant 96 : index
      %get3A_2649 = tpu.vector_load %arg9[%get3A_2647, %get3A_2648] {strides = array<i32>} : memref<32x128xf32, #tpu.memory_space<vmem>>, vector<1x16xf32>,
      %get3A_2650 = vector.shape_cast %get3A_2649 : vector<1x16xf32> to vector<16xf32>
      %mul3A_2651 = vector.broadcast %squeeze3A_2597 : f32 to vector<16xf32>
      %mul3A_2652 = arith.mulf %mul3A_2651, %get3A_2650 : vector<16xf32>
      %add3A_2653 = arith.addf %add3A_2587, %mul3A_2652 : vector<16xf32>
      %get3A_2654 = arith.constant 4 : i32
      %get3A_2655 = arith.index_cast %get3A_2654 : i32 to index
      %get3A_2656 = arith.constant 112 : index
      %get3A_2657 = tpu.vector_load %arg9[%get3A_2655, %get3A_2656] {strides = array<i32>} : memref<32x128xf32, #tpu.memory_space<vmem>>, vector<1x16xf32>,
      %get3A_2658 = vector.shape_cast %get3A_2657 : vector<1x16xf32> to vector<16xf32>
      %mul3A_2659 = vector.broadcast %squeeze3A_2597 : f32 to vector<16xf32>
      %mul3A_2660 = arith.mulf %mul3A_2659, %get3A_2658 : vector<16xf32>
      %add3A_2661 = arith.addf %add3A_2595, %mul3A_2660 : vector<16xf32>
      %slice3A_2662 = vector.extract_strided_slice %mul3A_2304 {offsets = [5], sizes = [1], strides = [1]} : vector<16xf32> to vector<1xf32>
      %squeeze3A_2663 = vector.extract %slice3A_2662[0] : f32 from vector<1xf32>
      %get3A_2664 = arith.constant 5 : i32
      %get3A_2665 = arith.index_cast %get3A_2664 : i32 to index
      %get3A_2666 = arith.constant 0 : index
      %get3A_2667 = tpu.vector_load %arg9[%get3A_2665, %get3A_2666] {strides = array<i32>} : memref<32x128xf32, #tpu.memory_space<vmem>>, vector<1x16xf32>,
      %get3A_2668 = vector.shape_cast %get3A_2667 : vector<1x16xf32> to vector<16xf32>
      %mul3A_2669 = vector.broadcast %squeeze3A_2663 : f32 to vector<16xf32>
      %mul3A_2670 = arith.mulf %mul3A_2669, %get3A_2668 : vector<16xf32>
      %add3A_2671 = arith.addf %add3A_2605, %mul3A_2670 : vector<16xf32>
      %get3A_2672 = arith.constant 5 : i32
      %get3A_2673 = arith.index_cast %get3A_2672 : i32 to index
      %get3A_2674 = arith.constant 16 : index
      %get3A_2675 = tpu.vector_load %arg9[%get3A_2673, %get3A_2674] {strides = array<i32>} : memref<32x128xf32, #tpu.memory_space<vmem>>, vector<1x16xf32>,
      %get3A_2676 = vector.shape_cast %get3A_2675 : vector<1x16xf32> to vector<16xf32>
      %mul3A_2677 = vector.broadcast %squeeze3A_2663 : f32 to vector<16xf32>
      %mul3A_2678 = arith.mulf %mul3A_2677, %get3A_2676 : vector<16xf32>
      %add3A_2679 = arith.addf %add3A_2613, %mul3A_2678 : vector<16xf32>
      %get3A_2680 = arith.constant 5 : i32
      %get3A_2681 = arith.index_cast %get3A_2680 : i32 to index
      %get3A_2682 = arith.constant 32 : index
      %get3A_2683 = tpu.vector_load %arg9[%get3A_2681, %get3A_2682] {strides = array<i32>} : memref<32x128xf32, #tpu.memory_space<vmem>>, vector<1x16xf32>,
      %get3A_2684 = vector.shape_cast %get3A_2683 : vector<1x16xf32> to vector<16xf32>
      %mul3A_2685 = vector.broadcast %squeeze3A_2663 : f32 to vector<16xf32>
      %mul3A_2686 = arith.mulf %mul3A_2685, %get3A_2684 : vector<16xf32>
      %add3A_2687 = arith.addf %add3A_2621, %mul3A_2686 : vector<16xf32>
      %get3A_2688 = arith.constant 5 : i32
      %get3A_2689 = arith.index_cast %get3A_2688 : i32 to index
      %get3A_2690 = arith.constant 48 : index
      %get3A_2691 = tpu.vector_load %arg9[%get3A_2689, %get3A_2690] {strides = array<i32>} : memref<32x128xf32, #tpu.memory_space<vmem>>, vector<1x16xf32>,
      %get3A_2692 = vector.shape_cast %get3A_2691 : vector<1x16xf32> to vector<16xf32>
      %mul3A_2693 = vector.broadcast %squeeze3A_2663 : f32 to vector<16xf32>
      %mul3A_2694 = arith.mulf %mul3A_2693, %get3A_2692 : vector<16xf32>
      %add3A_2695 = arith.addf %add3A_2629, %mul3A_2694 : vector<16xf32>
      %get3A_2696 = arith.constant 5 : i32
      %get3A_2697 = arith.index_cast %get3A_2696 : i32 to index
      %get3A_2698 = arith.constant 64 : index
      %get3A_2699 = tpu.vector_load %arg9[%get3A_2697, %get3A_2698] {strides = array<i32>} : memref<32x128xf32, #tpu.memory_space<vmem>>, vector<1x16xf32>,
      %get3A_2700 = vector.shape_cast %get3A_2699 : vector<1x16xf32> to vector<16xf32>
      %mul3A_2701 = vector.broadcast %squeeze3A_2663 : f32 to vector<16xf32>
      %mul3A_2702 = arith.mulf %mul3A_2701, %get3A_2700 : vector<16xf32>
      %add3A_2703 = arith.addf %add3A_2637, %mul3A_2702 : vector<16xf32>
      %get3A_2704 = arith.constant 5 : i32
      %get3A_2705 = arith.index_cast %get3A_2704 : i32 to index
      %get3A_2706 = arith.constant 80 : index
      %get3A_2707 = tpu.vector_load %arg9[%get3A_2705, %get3A_2706] {strides = array<i32>} : memref<32x128xf32, #tpu.memory_space<vmem>>, vector<1x16xf32>,
      %get3A_2708 = vector.shape_cast %get3A_2707 : vector<1x16xf32> to vector<16xf32>
      %mul3A_2709 = vector.broadcast %squeeze3A_2663 : f32 to vector<16xf32>
      %mul3A_2710 = arith.mulf %mul3A_2709, %get3A_2708 : vector<16xf32>
      %add3A_2711 = arith.addf %add3A_2645, %mul3A_2710 : vector<16xf32>
      %get3A_2712 = arith.constant 5 : i32
      %get3A_2713 = arith.index_cast %get3A_2712 : i32 to index
      %get3A_2714 = arith.constant 96 : index
      %get3A_2715 = tpu.vector_load %arg9[%get3A_2713, %get3A_2714] {strides = array<i32>} : memref<32x128xf32, #tpu.memory_space<vmem>>, vector<1x16xf32>,
      %get3A_2716 = vector.shape_cast %get3A_2715 : vector<1x16xf32> to vector<16xf32>
      %mul3A_2717 = vector.broadcast %squeeze3A_2663 : f32 to vector<16xf32>
      %mul3A_2718 = arith.mulf %mul3A_2717, %get3A_2716 : vector<16xf32>
      %add3A_2719 = arith.addf %add3A_2653, %mul3A_2718 : vector<16xf32>
      %get3A_2720 = arith.constant 5 : i32
      %get3A_2721 = arith.index_cast %get3A_2720 : i32 to index
      %get3A_2722 = arith.constant 112 : index
      %get3A_2723 = tpu.vector_load %arg9[%get3A_2721, %get3A_2722] {strides = array<i32>} : memref<32x128xf32, #tpu.memory_space<vmem>>, vector<1x16xf32>,
      %get3A_2724 = vector.shape_cast %get3A_2723 : vector<1x16xf32> to vector<16xf32>
      %mul3A_2725 = vector.broadcast %squeeze3A_2663 : f32 to vector<16xf32>
      %mul3A_2726 = arith.mulf %mul3A_2725, %get3A_2724 : vector<16xf32>
      %add3A_2727 = arith.addf %add3A_2661, %mul3A_2726 : vector<16xf32>
      %slice3A_2728 = vector.extract_strided_slice %mul3A_2304 {offsets = [6], sizes = [1], strides = [1]} : vector<16xf32> to vector<1xf32>
      %squeeze3A_2729 = vector.extract %slice3A_2728[0] : f32 from vector<1xf32>
      %get3A_2730 = arith.constant 6 : i32
      %get3A_2731 = arith.index_cast %get3A_2730 : i32 to index
      %get3A_2732 = arith.constant 0 : index
      %get3A_2733 = tpu.vector_load %arg9[%get3A_2731, %get3A_2732] {strides = array<i32>} : memref<32x128xf32, #tpu.memory_space<vmem>>, vector<1x16xf32>,
      %get3A_2734 = vector.shape_cast %get3A_2733 : vector<1x16xf32> to vector<16xf32>
      %mul3A_2735 = vector.broadcast %squeeze3A_2729 : f32 to vector<16xf32>
      %mul3A_2736 = arith.mulf %mul3A_2735, %get3A_2734 : vector<16xf32>
      %add3A_2737 = arith.addf %add3A_2671, %mul3A_2736 : vector<16xf32>
      %get3A_2738 = arith.constant 6 : i32
      %get3A_2739 = arith.index_cast %get3A_2738 : i32 to index
      %get3A_2740 = arith.constant 16 : index
      %get3A_2741 = tpu.vector_load %arg9[%get3A_2739, %get3A_2740] {strides = array<i32>} : memref<32x128xf32, #tpu.memory_space<vmem>>, vector<1x16xf32>,
      %get3A_2742 = vector.shape_cast %get3A_2741 : vector<1x16xf32> to vector<16xf32>
      %mul3A_2743 = vector.broadcast %squeeze3A_2729 : f32 to vector<16xf32>
      %mul3A_2744 = arith.mulf %mul3A_2743, %get3A_2742 : vector<16xf32>
      %add3A_2745 = arith.addf %add3A_2679, %mul3A_2744 : vector<16xf32>
      %get3A_2746 = arith.constant 6 : i32
      %get3A_2747 = arith.index_cast %get3A_2746 : i32 to index
      %get3A_2748 = arith.constant 32 : index
      %get3A_2749 = tpu.vector_load %arg9[%get3A_2747, %get3A_2748] {strides = array<i32>} : memref<32x128xf32, #tpu.memory_space<vmem>>, vector<1x16xf32>,
      %get3A_2750 = vector.shape_cast %get3A_2749 : vector<1x16xf32> to vector<16xf32>
      %mul3A_2751 = vector.broadcast %squeeze3A_2729 : f32 to vector<16xf32>
      %mul3A_2752 = arith.mulf %mul3A_2751, %get3A_2750 : vector<16xf32>
      %add3A_2753 = arith.addf %add3A_2687, %mul3A_2752 : vector<16xf32>
      %get3A_2754 = arith.constant 6 : i32
      %get3A_2755 = arith.index_cast %get3A_2754 : i32 to index
      %get3A_2756 = arith.constant 48 : index
      %get3A_2757 = tpu.vector_load %arg9[%get3A_2755, %get3A_2756] {strides = array<i32>} : memref<32x128xf32, #tpu.memory_space<vmem>>, vector<1x16xf32>,
      %get3A_2758 = vector.shape_cast %get3A_2757 : vector<1x16xf32> to vector<16xf32>
      %mul3A_2759 = vector.broadcast %squeeze3A_2729 : f32 to vector<16xf32>
      %mul3A_2760 = arith.mulf %mul3A_2759, %get3A_2758 : vector<16xf32>
      %add3A_2761 = arith.addf %add3A_2695, %mul3A_2760 : vector<16xf32>
      %get3A_2762 = arith.constant 6 : i32
      %get3A_2763 = arith.index_cast %get3A_2762 : i32 to index
      %get3A_2764 = arith.constant 64 : index
      %get3A_2765 = tpu.vector_load %arg9[%get3A_2763, %get3A_2764] {strides = array<i32>} : memref<32x128xf32, #tpu.memory_space<vmem>>, vector<1x16xf32>,
      %get3A_2766 = vector.shape_cast %get3A_2765 : vector<1x16xf32> to vector<16xf32>
      %mul3A_2767 = vector.broadcast %squeeze3A_2729 : f32 to vector<16xf32>
      %mul3A_2768 = arith.mulf %mul3A_2767, %get3A_2766 : vector<16xf32>
      %add3A_2769 = arith.addf %add3A_2703, %mul3A_2768 : vector<16xf32>
      %get3A_2770 = arith.constant 6 : i32
      %get3A_2771 = arith.index_cast %get3A_2770 : i32 to index
      %get3A_2772 = arith.constant 80 : index
      %get3A_2773 = tpu.vector_load %arg9[%get3A_2771, %get3A_2772] {strides = array<i32>} : memref<32x128xf32, #tpu.memory_space<vmem>>, vector<1x16xf32>,
      %get3A_2774 = vector.shape_cast %get3A_2773 : vector<1x16xf32> to vector<16xf32>
      %mul3A_2775 = vector.broadcast %squeeze3A_2729 : f32 to vector<16xf32>
      %mul3A_2776 = arith.mulf %mul3A_2775, %get3A_2774 : vector<16xf32>
      %add3A_2777 = arith.addf %add3A_2711, %mul3A_2776 : vector<16xf32>
      %get3A_2778 = arith.constant 6 : i32
      %get3A_2779 = arith.index_cast %get3A_2778 : i32 to index
      %get3A_2780 = arith.constant 96 : index
      %get3A_2781 = tpu.vector_load %arg9[%get3A_2779, %get3A_2780] {strides = array<i32>} : memref<32x128xf32, #tpu.memory_space<vmem>>, vector<1x16xf32>,
      %get3A_2782 = vector.shape_cast %get3A_2781 : vector<1x16xf32> to vector<16xf32>
      %mul3A_2783 = vector.broadcast %squeeze3A_2729 : f32 to vector<16xf32>
      %mul3A_2784 = arith.mulf %mul3A_2783, %get3A_2782 : vector<16xf32>
      %add3A_2785 = arith.addf %add3A_2719, %mul3A_2784 : vector<16xf32>
      %get3A_2786 = arith.constant 6 : i32
      %get3A_2787 = arith.index_cast %get3A_2786 : i32 to index
      %get3A_2788 = arith.constant 112 : index
      %get3A_2789 = tpu.vector_load %arg9[%get3A_2787, %get3A_2788] {strides = array<i32>} : memref<32x128xf32, #tpu.memory_space<vmem>>, vector<1x16xf32>,
      %get3A_2790 = vector.shape_cast %get3A_2789 : vector<1x16xf32> to vector<16xf32>
      %mul3A_2791 = vector.broadcast %squeeze3A_2729 : f32 to vector<16xf32>
      %mul3A_2792 = arith.mulf %mul3A_2791, %get3A_2790 : vector<16xf32>
      %add3A_2793 = arith.addf %add3A_2727, %mul3A_2792 : vector<16xf32>
      %slice3A_2794 = vector.extract_strided_slice %mul3A_2304 {offsets = [7], sizes = [1], strides = [1]} : vector<16xf32> to vector<1xf32>
      %squeeze3A_2795 = vector.extract %slice3A_2794[0] : f32 from vector<1xf32>
      %get3A_2796 = arith.constant 7 : i32
      %get3A_2797 = arith.index_cast %get3A_2796 : i32 to index
      %get3A_2798 = arith.constant 0 : index
      %get3A_2799 = tpu.vector_load %arg9[%get3A_2797, %get3A_2798] {strides = array<i32>} : memref<32x128xf32, #tpu.memory_space<vmem>>, vector<1x16xf32>,
      %get3A_2800 = vector.shape_cast %get3A_2799 : vector<1x16xf32> to vector<16xf32>
      %mul3A_2801 = vector.broadcast %squeeze3A_2795 : f32 to vector<16xf32>
      %mul3A_2802 = arith.mulf %mul3A_2801, %get3A_2800 : vector<16xf32>
      %add3A_2803 = arith.addf %add3A_2737, %mul3A_2802 : vector<16xf32>
      %get3A_2804 = arith.constant 7 : i32
      %get3A_2805 = arith.index_cast %get3A_2804 : i32 to index
      %get3A_2806 = arith.constant 16 : index
      %get3A_2807 = tpu.vector_load %arg9[%get3A_2805, %get3A_2806] {strides = array<i32>} : memref<32x128xf32, #tpu.memory_space<vmem>>, vector<1x16xf32>,
      %get3A_2808 = vector.shape_cast %get3A_2807 : vector<1x16xf32> to vector<16xf32>
      %mul3A_2809 = vector.broadcast %squeeze3A_2795 : f32 to vector<16xf32>
      %mul3A_2810 = arith.mulf %mul3A_2809, %get3A_2808 : vector<16xf32>
      %add3A_2811 = arith.addf %add3A_2745, %mul3A_2810 : vector<16xf32>
      %get3A_2812 = arith.constant 7 : i32
      %get3A_2813 = arith.index_cast %get3A_2812 : i32 to index
      %get3A_2814 = arith.constant 32 : index
      %get3A_2815 = tpu.vector_load %arg9[%get3A_2813, %get3A_2814] {strides = array<i32>} : memref<32x128xf32, #tpu.memory_space<vmem>>, vector<1x16xf32>,
      %get3A_2816 = vector.shape_cast %get3A_2815 : vector<1x16xf32> to vector<16xf32>
      %mul3A_2817 = vector.broadcast %squeeze3A_2795 : f32 to vector<16xf32>
      %mul3A_2818 = arith.mulf %mul3A_2817, %get3A_2816 : vector<16xf32>
      %add3A_2819 = arith.addf %add3A_2753, %mul3A_2818 : vector<16xf32>
      %get3A_2820 = arith.constant 7 : i32
      %get3A_2821 = arith.index_cast %get3A_2820 : i32 to index
      %get3A_2822 = arith.constant 48 : index
      %get3A_2823 = tpu.vector_load %arg9[%get3A_2821, %get3A_2822] {strides = array<i32>} : memref<32x128xf32, #tpu.memory_space<vmem>>, vector<1x16xf32>,
      %get3A_2824 = vector.shape_cast %get3A_2823 : vector<1x16xf32> to vector<16xf32>
      %mul3A_2825 = vector.broadcast %squeeze3A_2795 : f32 to vector<16xf32>
      %mul3A_2826 = arith.mulf %mul3A_2825, %get3A_2824 : vector<16xf32>
      %add3A_2827 = arith.addf %add3A_2761, %mul3A_2826 : vector<16xf32>
      %get3A_2828 = arith.constant 7 : i32
      %get3A_2829 = arith.index_cast %get3A_2828 : i32 to index
      %get3A_2830 = arith.constant 64 : index
      %get3A_2831 = tpu.vector_load %arg9[%get3A_2829, %get3A_2830] {strides = array<i32>} : memref<32x128xf32, #tpu.memory_space<vmem>>, vector<1x16xf32>,
      %get3A_2832 = vector.shape_cast %get3A_2831 : vector<1x16xf32> to vector<16xf32>
      %mul3A_2833 = vector.broadcast %squeeze3A_2795 : f32 to vector<16xf32>
      %mul3A_2834 = arith.mulf %mul3A_2833, %get3A_2832 : vector<16xf32>
      %add3A_2835 = arith.addf %add3A_2769, %mul3A_2834 : vector<16xf32>
      %get3A_2836 = arith.constant 7 : i32
      %get3A_2837 = arith.index_cast %get3A_2836 : i32 to index
      %get3A_2838 = arith.constant 80 : index
      %get3A_2839 = tpu.vector_load %arg9[%get3A_2837, %get3A_2838] {strides = array<i32>} : memref<32x128xf32, #tpu.memory_space<vmem>>, vector<1x16xf32>,
      %get3A_2840 = vector.shape_cast %get3A_2839 : vector<1x16xf32> to vector<16xf32>
      %mul3A_2841 = vector.broadcast %squeeze3A_2795 : f32 to vector<16xf32>
      %mul3A_2842 = arith.mulf %mul3A_2841, %get3A_2840 : vector<16xf32>
      %add3A_2843 = arith.addf %add3A_2777, %mul3A_2842 : vector<16xf32>
      %get3A_2844 = arith.constant 7 : i32
      %get3A_2845 = arith.index_cast %get3A_2844 : i32 to index
      %get3A_2846 = arith.constant 96 : index
      %get3A_2847 = tpu.vector_load %arg9[%get3A_2845, %get3A_2846] {strides = array<i32>} : memref<32x128xf32, #tpu.memory_space<vmem>>, vector<1x16xf32>,
      %get3A_2848 = vector.shape_cast %get3A_2847 : vector<1x16xf32> to vector<16xf32>
      %mul3A_2849 = vector.broadcast %squeeze3A_2795 : f32 to vector<16xf32>
      %mul3A_2850 = arith.mulf %mul3A_2849, %get3A_2848 : vector<16xf32>
      %add3A_2851 = arith.addf %add3A_2785, %mul3A_2850 : vector<16xf32>
      %get3A_2852 = arith.constant 7 : i32
      %get3A_2853 = arith.index_cast %get3A_2852 : i32 to index
      %get3A_2854 = arith.constant 112 : index
      %get3A_2855 = tpu.vector_load %arg9[%get3A_2853, %get3A_2854] {strides = array<i32>} : memref<32x128xf32, #tpu.memory_space<vmem>>, vector<1x16xf32>,
      %get3A_2856 = vector.shape_cast %get3A_2855 : vector<1x16xf32> to vector<16xf32>
      %mul3A_2857 = vector.broadcast %squeeze3A_2795 : f32 to vector<16xf32>
      %mul3A_2858 = arith.mulf %mul3A_2857, %get3A_2856 : vector<16xf32>
      %add3A_2859 = arith.addf %add3A_2793, %mul3A_2858 : vector<16xf32>
      %slice3A_2860 = vector.extract_strided_slice %mul3A_2304 {offsets = [8], sizes = [1], strides = [1]} : vector<16xf32> to vector<1xf32>
      %squeeze3A_2861 = vector.extract %slice3A_2860[0] : f32 from vector<1xf32>
      %get3A_2862 = arith.constant 8 : i32
      %get3A_2863 = arith.index_cast %get3A_2862 : i32 to index
      %get3A_2864 = arith.constant 0 : index
      %get3A_2865 = tpu.vector_load %arg9[%get3A_2863, %get3A_2864] {strides = array<i32>} : memref<32x128xf32, #tpu.memory_space<vmem>>, vector<1x16xf32>,
      %get3A_2866 = vector.shape_cast %get3A_2865 : vector<1x16xf32> to vector<16xf32>
      %mul3A_2867 = vector.broadcast %squeeze3A_2861 : f32 to vector<16xf32>
      %mul3A_2868 = arith.mulf %mul3A_2867, %get3A_2866 : vector<16xf32>
      %add3A_2869 = arith.addf %add3A_2803, %mul3A_2868 : vector<16xf32>
      %get3A_2870 = arith.constant 8 : i32
      %get3A_2871 = arith.index_cast %get3A_2870 : i32 to index
      %get3A_2872 = arith.constant 16 : index
      %get3A_2873 = tpu.vector_load %arg9[%get3A_2871, %get3A_2872] {strides = array<i32>} : memref<32x128xf32, #tpu.memory_space<vmem>>, vector<1x16xf32>,
      %get3A_2874 = vector.shape_cast %get3A_2873 : vector<1x16xf32> to vector<16xf32>
      %mul3A_2875 = vector.broadcast %squeeze3A_2861 : f32 to vector<16xf32>
      %mul3A_2876 = arith.mulf %mul3A_2875, %get3A_2874 : vector<16xf32>
      %add3A_2877 = arith.addf %add3A_2811, %mul3A_2876 : vector<16xf32>
      %get3A_2878 = arith.constant 8 : i32
      %get3A_2879 = arith.index_cast %get3A_2878 : i32 to index
      %get3A_2880 = arith.constant 32 : index
      %get3A_2881 = tpu.vector_load %arg9[%get3A_2879, %get3A_2880] {strides = array<i32>} : memref<32x128xf32, #tpu.memory_space<vmem>>, vector<1x16xf32>,
      %get3A_2882 = vector.shape_cast %get3A_2881 : vector<1x16xf32> to vector<16xf32>
      %mul3A_2883 = vector.broadcast %squeeze3A_2861 : f32 to vector<16xf32>
      %mul3A_2884 = arith.mulf %mul3A_2883, %get3A_2882 : vector<16xf32>
      %add3A_2885 = arith.addf %add3A_2819, %mul3A_2884 : vector<16xf32>
      %get3A_2886 = arith.constant 8 : i32
      %get3A_2887 = arith.index_cast %get3A_2886 : i32 to index
      %get3A_2888 = arith.constant 48 : index
      %get3A_2889 = tpu.vector_load %arg9[%get3A_2887, %get3A_2888] {strides = array<i32>} : memref<32x128xf32, #tpu.memory_space<vmem>>, vector<1x16xf32>,
      %get3A_2890 = vector.shape_cast %get3A_2889 : vector<1x16xf32> to vector<16xf32>
      %mul3A_2891 = vector.broadcast %squeeze3A_2861 : f32 to vector<16xf32>
      %mul3A_2892 = arith.mulf %mul3A_2891, %get3A_2890 : vector<16xf32>
      %add3A_2893 = arith.addf %add3A_2827, %mul3A_2892 : vector<16xf32>
      %get3A_2894 = arith.constant 8 : i32
      %get3A_2895 = arith.index_cast %get3A_2894 : i32 to index
      %get3A_2896 = arith.constant 64 : index
      %get3A_2897 = tpu.vector_load %arg9[%get3A_2895, %get3A_2896] {strides = array<i32>} : memref<32x128xf32, #tpu.memory_space<vmem>>, vector<1x16xf32>,
      %get3A_2898 = vector.shape_cast %get3A_2897 : vector<1x16xf32> to vector<16xf32>
      %mul3A_2899 = vector.broadcast %squeeze3A_2861 : f32 to vector<16xf32>
      %mul3A_2900 = arith.mulf %mul3A_2899, %get3A_2898 : vector<16xf32>
      %add3A_2901 = arith.addf %add3A_2835, %mul3A_2900 : vector<16xf32>
      %get3A_2902 = arith.constant 8 : i32
      %get3A_2903 = arith.index_cast %get3A_2902 : i32 to index
      %get3A_2904 = arith.constant 80 : index
      %get3A_2905 = tpu.vector_load %arg9[%get3A_2903, %get3A_2904] {strides = array<i32>} : memref<32x128xf32, #tpu.memory_space<vmem>>, vector<1x16xf32>,
      %get3A_2906 = vector.shape_cast %get3A_2905 : vector<1x16xf32> to vector<16xf32>
      %mul3A_2907 = vector.broadcast %squeeze3A_2861 : f32 to vector<16xf32>
      %mul3A_2908 = arith.mulf %mul3A_2907, %get3A_2906 : vector<16xf32>
      %add3A_2909 = arith.addf %add3A_2843, %mul3A_2908 : vector<16xf32>
      %get3A_2910 = arith.constant 8 : i32
      %get3A_2911 = arith.index_cast %get3A_2910 : i32 to index
      %get3A_2912 = arith.constant 96 : index
      %get3A_2913 = tpu.vector_load %arg9[%get3A_2911, %get3A_2912] {strides = array<i32>} : memref<32x128xf32, #tpu.memory_space<vmem>>, vector<1x16xf32>,
      %get3A_2914 = vector.shape_cast %get3A_2913 : vector<1x16xf32> to vector<16xf32>
      %mul3A_2915 = vector.broadcast %squeeze3A_2861 : f32 to vector<16xf32>
      %mul3A_2916 = arith.mulf %mul3A_2915, %get3A_2914 : vector<16xf32>
      %add3A_2917 = arith.addf %add3A_2851, %mul3A_2916 : vector<16xf32>
      %get3A_2918 = arith.constant 8 : i32
      %get3A_2919 = arith.index_cast %get3A_2918 : i32 to index
      %get3A_2920 = arith.constant 112 : index
      %get3A_2921 = tpu.vector_load %arg9[%get3A_2919, %get3A_2920] {strides = array<i32>} : memref<32x128xf32, #tpu.memory_space<vmem>>, vector<1x16xf32>,
      %get3A_2922 = vector.shape_cast %get3A_2921 : vector<1x16xf32> to vector<16xf32>
      %mul3A_2923 = vector.broadcast %squeeze3A_2861 : f32 to vector<16xf32>
      %mul3A_2924 = arith.mulf %mul3A_2923, %get3A_2922 : vector<16xf32>
      %add3A_2925 = arith.addf %add3A_2859, %mul3A_2924 : vector<16xf32>
      %slice3A_2926 = vector.extract_strided_slice %mul3A_2304 {offsets = [9], sizes = [1], strides = [1]} : vector<16xf32> to vector<1xf32>
      %squeeze3A_2927 = vector.extract %slice3A_2926[0] : f32 from vector<1xf32>
      %get3A_2928 = arith.constant 9 : i32
      %get3A_2929 = arith.index_cast %get3A_2928 : i32 to index
      %get3A_2930 = arith.constant 0 : index
      %get3A_2931 = tpu.vector_load %arg9[%get3A_2929, %get3A_2930] {strides = array<i32>} : memref<32x128xf32, #tpu.memory_space<vmem>>, vector<1x16xf32>,
      %get3A_2932 = vector.shape_cast %get3A_2931 : vector<1x16xf32> to vector<16xf32>
      %mul3A_2933 = vector.broadcast %squeeze3A_2927 : f32 to vector<16xf32>
      %mul3A_2934 = arith.mulf %mul3A_2933, %get3A_2932 : vector<16xf32>
      %add3A_2935 = arith.addf %add3A_2869, %mul3A_2934 : vector<16xf32>
      %get3A_2936 = arith.constant 9 : i32
      %get3A_2937 = arith.index_cast %get3A_2936 : i32 to index
      %get3A_2938 = arith.constant 16 : index
      %get3A_2939 = tpu.vector_load %arg9[%get3A_2937, %get3A_2938] {strides = array<i32>} : memref<32x128xf32, #tpu.memory_space<vmem>>, vector<1x16xf32>,
      %get3A_2940 = vector.shape_cast %get3A_2939 : vector<1x16xf32> to vector<16xf32>
      %mul3A_2941 = vector.broadcast %squeeze3A_2927 : f32 to vector<16xf32>
      %mul3A_2942 = arith.mulf %mul3A_2941, %get3A_2940 : vector<16xf32>
      %add3A_2943 = arith.addf %add3A_2877, %mul3A_2942 : vector<16xf32>
      %get3A_2944 = arith.constant 9 : i32
      %get3A_2945 = arith.index_cast %get3A_2944 : i32 to index
      %get3A_2946 = arith.constant 32 : index
      %get3A_2947 = tpu.vector_load %arg9[%get3A_2945, %get3A_2946] {strides = array<i32>} : memref<32x128xf32, #tpu.memory_space<vmem>>, vector<1x16xf32>,
      %get3A_2948 = vector.shape_cast %get3A_2947 : vector<1x16xf32> to vector<16xf32>
      %mul3A_2949 = vector.broadcast %squeeze3A_2927 : f32 to vector<16xf32>
      %mul3A_2950 = arith.mulf %mul3A_2949, %get3A_2948 : vector<16xf32>
      %add3A_2951 = arith.addf %add3A_2885, %mul3A_2950 : vector<16xf32>
      %get3A_2952 = arith.constant 9 : i32
      %get3A_2953 = arith.index_cast %get3A_2952 : i32 to index
      %get3A_2954 = arith.constant 48 : index
      %get3A_2955 = tpu.vector_load %arg9[%get3A_2953, %get3A_2954] {strides = array<i32>} : memref<32x128xf32, #tpu.memory_space<vmem>>, vector<1x16xf32>,
      %get3A_2956 = vector.shape_cast %get3A_2955 : vector<1x16xf32> to vector<16xf32>
      %mul3A_2957 = vector.broadcast %squeeze3A_2927 : f32 to vector<16xf32>
      %mul3A_2958 = arith.mulf %mul3A_2957, %get3A_2956 : vector<16xf32>
      %add3A_2959 = arith.addf %add3A_2893, %mul3A_2958 : vector<16xf32>
      %get3A_2960 = arith.constant 9 : i32
      %get3A_2961 = arith.index_cast %get3A_2960 : i32 to index
      %get3A_2962 = arith.constant 64 : index
      %get3A_2963 = tpu.vector_load %arg9[%get3A_2961, %get3A_2962] {strides = array<i32>} : memref<32x128xf32, #tpu.memory_space<vmem>>, vector<1x16xf32>,
      %get3A_2964 = vector.shape_cast %get3A_2963 : vector<1x16xf32> to vector<16xf32>
      %mul3A_2965 = vector.broadcast %squeeze3A_2927 : f32 to vector<16xf32>
      %mul3A_2966 = arith.mulf %mul3A_2965, %get3A_2964 : vector<16xf32>
      %add3A_2967 = arith.addf %add3A_2901, %mul3A_2966 : vector<16xf32>
      %get3A_2968 = arith.constant 9 : i32
      %get3A_2969 = arith.index_cast %get3A_2968 : i32 to index
      %get3A_2970 = arith.constant 80 : index
      %get3A_2971 = tpu.vector_load %arg9[%get3A_2969, %get3A_2970] {strides = array<i32>} : memref<32x128xf32, #tpu.memory_space<vmem>>, vector<1x16xf32>,
      %get3A_2972 = vector.shape_cast %get3A_2971 : vector<1x16xf32> to vector<16xf32>
      %mul3A_2973 = vector.broadcast %squeeze3A_2927 : f32 to vector<16xf32>
      %mul3A_2974 = arith.mulf %mul3A_2973, %get3A_2972 : vector<16xf32>
      %add3A_2975 = arith.addf %add3A_2909, %mul3A_2974 : vector<16xf32>
      %get3A_2976 = arith.constant 9 : i32
      %get3A_2977 = arith.index_cast %get3A_2976 : i32 to index
      %get3A_2978 = arith.constant 96 : index
      %get3A_2979 = tpu.vector_load %arg9[%get3A_2977, %get3A_2978] {strides = array<i32>} : memref<32x128xf32, #tpu.memory_space<vmem>>, vector<1x16xf32>,
      %get3A_2980 = vector.shape_cast %get3A_2979 : vector<1x16xf32> to vector<16xf32>
      %mul3A_2981 = vector.broadcast %squeeze3A_2927 : f32 to vector<16xf32>
      %mul3A_2982 = arith.mulf %mul3A_2981, %get3A_2980 : vector<16xf32>
      %add3A_2983 = arith.addf %add3A_2917, %mul3A_2982 : vector<16xf32>
      %get3A_2984 = arith.constant 9 : i32
      %get3A_2985 = arith.index_cast %get3A_2984 : i32 to index
      %get3A_2986 = arith.constant 112 : index
      %get3A_2987 = tpu.vector_load %arg9[%get3A_2985, %get3A_2986] {strides = array<i32>} : memref<32x128xf32, #tpu.memory_space<vmem>>, vector<1x16xf32>,
      %get3A_2988 = vector.shape_cast %get3A_2987 : vector<1x16xf32> to vector<16xf32>
      %mul3A_2989 = vector.broadcast %squeeze3A_2927 : f32 to vector<16xf32>
      %mul3A_2990 = arith.mulf %mul3A_2989, %get3A_2988 : vector<16xf32>
      %add3A_2991 = arith.addf %add3A_2925, %mul3A_2990 : vector<16xf32>
      %slice3A_2992 = vector.extract_strided_slice %mul3A_2304 {offsets = [10], sizes = [1], strides = [1]} : vector<16xf32> to vector<1xf32>
      %squeeze3A_2993 = vector.extract %slice3A_2992[0] : f32 from vector<1xf32>
      %get3A_2994 = arith.constant 10 : i32
      %get3A_2995 = arith.index_cast %get3A_2994 : i32 to index
      %get3A_2996 = arith.constant 0 : index
      %get3A_2997 = tpu.vector_load %arg9[%get3A_2995, %get3A_2996] {strides = array<i32>} : memref<32x128xf32, #tpu.memory_space<vmem>>, vector<1x16xf32>,
      %get3A_2998 = vector.shape_cast %get3A_2997 : vector<1x16xf32> to vector<16xf32>
      %mul3A_2999 = vector.broadcast %squeeze3A_2993 : f32 to vector<16xf32>
      %mul3A_3000 = arith.mulf %mul3A_2999, %get3A_2998 : vector<16xf32>
      %add3A_3001 = arith.addf %add3A_2935, %mul3A_3000 : vector<16xf32>
      %get3A_3002 = arith.constant 10 : i32
      %get3A_3003 = arith.index_cast %get3A_3002 : i32 to index
      %get3A_3004 = arith.constant 16 : index
      %get3A_3005 = tpu.vector_load %arg9[%get3A_3003, %get3A_3004] {strides = array<i32>} : memref<32x128xf32, #tpu.memory_space<vmem>>, vector<1x16xf32>,
      %get3A_3006 = vector.shape_cast %get3A_3005 : vector<1x16xf32> to vector<16xf32>
      %mul3A_3007 = vector.broadcast %squeeze3A_2993 : f32 to vector<16xf32>
      %mul3A_3008 = arith.mulf %mul3A_3007, %get3A_3006 : vector<16xf32>
      %add3A_3009 = arith.addf %add3A_2943, %mul3A_3008 : vector<16xf32>
      %get3A_3010 = arith.constant 10 : i32
      %get3A_3011 = arith.index_cast %get3A_3010 : i32 to index
      %get3A_3012 = arith.constant 32 : index
      %get3A_3013 = tpu.vector_load %arg9[%get3A_3011, %get3A_3012] {strides = array<i32>} : memref<32x128xf32, #tpu.memory_space<vmem>>, vector<1x16xf32>,
      %get3A_3014 = vector.shape_cast %get3A_3013 : vector<1x16xf32> to vector<16xf32>
      %mul3A_3015 = vector.broadcast %squeeze3A_2993 : f32 to vector<16xf32>
      %mul3A_3016 = arith.mulf %mul3A_3015, %get3A_3014 : vector<16xf32>
      %add3A_3017 = arith.addf %add3A_2951, %mul3A_3016 : vector<16xf32>
      %get3A_3018 = arith.constant 10 : i32
      %get3A_3019 = arith.index_cast %get3A_3018 : i32 to index
      %get3A_3020 = arith.constant 48 : index
      %get3A_3021 = tpu.vector_load %arg9[%get3A_3019, %get3A_3020] {strides = array<i32>} : memref<32x128xf32, #tpu.memory_space<vmem>>, vector<1x16xf32>,
      %get3A_3022 = vector.shape_cast %get3A_3021 : vector<1x16xf32> to vector<16xf32>
      %mul3A_3023 = vector.broadcast %squeeze3A_2993 : f32 to vector<16xf32>
      %mul3A_3024 = arith.mulf %mul3A_3023, %get3A_3022 : vector<16xf32>
      %add3A_3025 = arith.addf %add3A_2959, %mul3A_3024 : vector<16xf32>
      %get3A_3026 = arith.constant 10 : i32
      %get3A_3027 = arith.index_cast %get3A_3026 : i32 to index
      %get3A_3028 = arith.constant 64 : index
      %get3A_3029 = tpu.vector_load %arg9[%get3A_3027, %get3A_3028] {strides = array<i32>} : memref<32x128xf32, #tpu.memory_space<vmem>>, vector<1x16xf32>,
      %get3A_3030 = vector.shape_cast %get3A_3029 : vector<1x16xf32> to vector<16xf32>
      %mul3A_3031 = vector.broadcast %squeeze3A_2993 : f32 to vector<16xf32>
      %mul3A_3032 = arith.mulf %mul3A_3031, %get3A_3030 : vector<16xf32>
      %add3A_3033 = arith.addf %add3A_2967, %mul3A_3032 : vector<16xf32>
      %get3A_3034 = arith.constant 10 : i32
      %get3A_3035 = arith.index_cast %get3A_3034 : i32 to index
      %get3A_3036 = arith.constant 80 : index
      %get3A_3037 = tpu.vector_load %arg9[%get3A_3035, %get3A_3036] {strides = array<i32>} : memref<32x128xf32, #tpu.memory_space<vmem>>, vector<1x16xf32>,
      %get3A_3038 = vector.shape_cast %get3A_3037 : vector<1x16xf32> to vector<16xf32>
      %mul3A_3039 = vector.broadcast %squeeze3A_2993 : f32 to vector<16xf32>
      %mul3A_3040 = arith.mulf %mul3A_3039, %get3A_3038 : vector<16xf32>
      %add3A_3041 = arith.addf %add3A_2975, %mul3A_3040 : vector<16xf32>
      %get3A_3042 = arith.constant 10 : i32
      %get3A_3043 = arith.index_cast %get3A_3042 : i32 to index
      %get3A_3044 = arith.constant 96 : index
      %get3A_3045 = tpu.vector_load %arg9[%get3A_3043, %get3A_3044] {strides = array<i32>} : memref<32x128xf32, #tpu.memory_space<vmem>>, vector<1x16xf32>,
      %get3A_3046 = vector.shape_cast %get3A_3045 : vector<1x16xf32> to vector<16xf32>
      %mul3A_3047 = vector.broadcast %squeeze3A_2993 : f32 to vector<16xf32>
      %mul3A_3048 = arith.mulf %mul3A_3047, %get3A_3046 : vector<16xf32>
      %add3A_3049 = arith.addf %add3A_2983, %mul3A_3048 : vector<16xf32>
      %get3A_3050 = arith.constant 10 : i32
      %get3A_3051 = arith.index_cast %get3A_3050 : i32 to index
      %get3A_3052 = arith.constant 112 : index
      %get3A_3053 = tpu.vector_load %arg9[%get3A_3051, %get3A_3052] {strides = array<i32>} : memref<32x128xf32, #tpu.memory_space<vmem>>, vector<1x16xf32>,
      %get3A_3054 = vector.shape_cast %get3A_3053 : vector<1x16xf32> to vector<16xf32>
      %mul3A_3055 = vector.broadcast %squeeze3A_2993 : f32 to vector<16xf32>
      %mul3A_3056 = arith.mulf %mul3A_3055, %get3A_3054 : vector<16xf32>
      %add3A_3057 = arith.addf %add3A_2991, %mul3A_3056 : vector<16xf32>
      %slice3A_3058 = vector.extract_strided_slice %mul3A_2304 {offsets = [11], sizes = [1], strides = [1]} : vector<16xf32> to vector<1xf32>
      %squeeze3A_3059 = vector.extract %slice3A_3058[0] : f32 from vector<1xf32>
      %get3A_3060 = arith.constant 11 : i32
      %get3A_3061 = arith.index_cast %get3A_3060 : i32 to index
      %get3A_3062 = arith.constant 0 : index
      %get3A_3063 = tpu.vector_load %arg9[%get3A_3061, %get3A_3062] {strides = array<i32>} : memref<32x128xf32, #tpu.memory_space<vmem>>, vector<1x16xf32>,
      %get3A_3064 = vector.shape_cast %get3A_3063 : vector<1x16xf32> to vector<16xf32>
      %mul3A_3065 = vector.broadcast %squeeze3A_3059 : f32 to vector<16xf32>
      %mul3A_3066 = arith.mulf %mul3A_3065, %get3A_3064 : vector<16xf32>
      %add3A_3067 = arith.addf %add3A_3001, %mul3A_3066 : vector<16xf32>
      %get3A_3068 = arith.constant 11 : i32
      %get3A_3069 = arith.index_cast %get3A_3068 : i32 to index
      %get3A_3070 = arith.constant 16 : index
      %get3A_3071 = tpu.vector_load %arg9[%get3A_3069, %get3A_3070] {strides = array<i32>} : memref<32x128xf32, #tpu.memory_space<vmem>>, vector<1x16xf32>,
      %get3A_3072 = vector.shape_cast %get3A_3071 : vector<1x16xf32> to vector<16xf32>
      %mul3A_3073 = vector.broadcast %squeeze3A_3059 : f32 to vector<16xf32>
      %mul3A_3074 = arith.mulf %mul3A_3073, %get3A_3072 : vector<16xf32>
      %add3A_3075 = arith.addf %add3A_3009, %mul3A_3074 : vector<16xf32>
      %get3A_3076 = arith.constant 11 : i32
      %get3A_3077 = arith.index_cast %get3A_3076 : i32 to index
      %get3A_3078 = arith.constant 32 : index
      %get3A_3079 = tpu.vector_load %arg9[%get3A_3077, %get3A_3078] {strides = array<i32>} : memref<32x128xf32, #tpu.memory_space<vmem>>, vector<1x16xf32>,
      %get3A_3080 = vector.shape_cast %get3A_3079 : vector<1x16xf32> to vector<16xf32>
      %mul3A_3081 = vector.broadcast %squeeze3A_3059 : f32 to vector<16xf32>
      %mul3A_3082 = arith.mulf %mul3A_3081, %get3A_3080 : vector<16xf32>
      %add3A_3083 = arith.addf %add3A_3017, %mul3A_3082 : vector<16xf32>
      %get3A_3084 = arith.constant 11 : i32
      %get3A_3085 = arith.index_cast %get3A_3084 : i32 to index
      %get3A_3086 = arith.constant 48 : index
      %get3A_3087 = tpu.vector_load %arg9[%get3A_3085, %get3A_3086] {strides = array<i32>} : memref<32x128xf32, #tpu.memory_space<vmem>>, vector<1x16xf32>,
      %get3A_3088 = vector.shape_cast %get3A_3087 : vector<1x16xf32> to vector<16xf32>
      %mul3A_3089 = vector.broadcast %squeeze3A_3059 : f32 to vector<16xf32>
      %mul3A_3090 = arith.mulf %mul3A_3089, %get3A_3088 : vector<16xf32>
      %add3A_3091 = arith.addf %add3A_3025, %mul3A_3090 : vector<16xf32>
      %get3A_3092 = arith.constant 11 : i32
      %get3A_3093 = arith.index_cast %get3A_3092 : i32 to index
      %get3A_3094 = arith.constant 64 : index
      %get3A_3095 = tpu.vector_load %arg9[%get3A_3093, %get3A_3094] {strides = array<i32>} : memref<32x128xf32, #tpu.memory_space<vmem>>, vector<1x16xf32>,
      %get3A_3096 = vector.shape_cast %get3A_3095 : vector<1x16xf32> to vector<16xf32>
      %mul3A_3097 = vector.broadcast %squeeze3A_3059 : f32 to vector<16xf32>
      %mul3A_3098 = arith.mulf %mul3A_3097, %get3A_3096 : vector<16xf32>
      %add3A_3099 = arith.addf %add3A_3033, %mul3A_3098 : vector<16xf32>
      %get3A_3100 = arith.constant 11 : i32
      %get3A_3101 = arith.index_cast %get3A_3100 : i32 to index
      %get3A_3102 = arith.constant 80 : index
      %get3A_3103 = tpu.vector_load %arg9[%get3A_3101, %get3A_3102] {strides = array<i32>} : memref<32x128xf32, #tpu.memory_space<vmem>>, vector<1x16xf32>,
      %get3A_3104 = vector.shape_cast %get3A_3103 : vector<1x16xf32> to vector<16xf32>
      %mul3A_3105 = vector.broadcast %squeeze3A_3059 : f32 to vector<16xf32>
      %mul3A_3106 = arith.mulf %mul3A_3105, %get3A_3104 : vector<16xf32>
      %add3A_3107 = arith.addf %add3A_3041, %mul3A_3106 : vector<16xf32>
      %get3A_3108 = arith.constant 11 : i32
      %get3A_3109 = arith.index_cast %get3A_3108 : i32 to index
      %get3A_3110 = arith.constant 96 : index
      %get3A_3111 = tpu.vector_load %arg9[%get3A_3109, %get3A_3110] {strides = array<i32>} : memref<32x128xf32, #tpu.memory_space<vmem>>, vector<1x16xf32>,
      %get3A_3112 = vector.shape_cast %get3A_3111 : vector<1x16xf32> to vector<16xf32>
      %mul3A_3113 = vector.broadcast %squeeze3A_3059 : f32 to vector<16xf32>
      %mul3A_3114 = arith.mulf %mul3A_3113, %get3A_3112 : vector<16xf32>
      %add3A_3115 = arith.addf %add3A_3049, %mul3A_3114 : vector<16xf32>
      %get3A_3116 = arith.constant 11 : i32
      %get3A_3117 = arith.index_cast %get3A_3116 : i32 to index
      %get3A_3118 = arith.constant 112 : index
      %get3A_3119 = tpu.vector_load %arg9[%get3A_3117, %get3A_3118] {strides = array<i32>} : memref<32x128xf32, #tpu.memory_space<vmem>>, vector<1x16xf32>,
      %get3A_3120 = vector.shape_cast %get3A_3119 : vector<1x16xf32> to vector<16xf32>
      %mul3A_3121 = vector.broadcast %squeeze3A_3059 : f32 to vector<16xf32>
      %mul3A_3122 = arith.mulf %mul3A_3121, %get3A_3120 : vector<16xf32>
      %add3A_3123 = arith.addf %add3A_3057, %mul3A_3122 : vector<16xf32>
      %slice3A_3124 = vector.extract_strided_slice %mul3A_2304 {offsets = [12], sizes = [1], strides = [1]} : vector<16xf32> to vector<1xf32>
      %squeeze3A_3125 = vector.extract %slice3A_3124[0] : f32 from vector<1xf32>
      %get3A_3126 = arith.constant 12 : i32
      %get3A_3127 = arith.index_cast %get3A_3126 : i32 to index
      %get3A_3128 = arith.constant 0 : index
      %get3A_3129 = tpu.vector_load %arg9[%get3A_3127, %get3A_3128] {strides = array<i32>} : memref<32x128xf32, #tpu.memory_space<vmem>>, vector<1x16xf32>,
      %get3A_3130 = vector.shape_cast %get3A_3129 : vector<1x16xf32> to vector<16xf32>
      %mul3A_3131 = vector.broadcast %squeeze3A_3125 : f32 to vector<16xf32>
      %mul3A_3132 = arith.mulf %mul3A_3131, %get3A_3130 : vector<16xf32>
      %add3A_3133 = arith.addf %add3A_3067, %mul3A_3132 : vector<16xf32>
      %get3A_3134 = arith.constant 12 : i32
      %get3A_3135 = arith.index_cast %get3A_3134 : i32 to index
      %get3A_3136 = arith.constant 16 : index
      %get3A_3137 = tpu.vector_load %arg9[%get3A_3135, %get3A_3136] {strides = array<i32>} : memref<32x128xf32, #tpu.memory_space<vmem>>, vector<1x16xf32>,
      %get3A_3138 = vector.shape_cast %get3A_3137 : vector<1x16xf32> to vector<16xf32>
      %mul3A_3139 = vector.broadcast %squeeze3A_3125 : f32 to vector<16xf32>
      %mul3A_3140 = arith.mulf %mul3A_3139, %get3A_3138 : vector<16xf32>
      %add3A_3141 = arith.addf %add3A_3075, %mul3A_3140 : vector<16xf32>
      %get3A_3142 = arith.constant 12 : i32
      %get3A_3143 = arith.index_cast %get3A_3142 : i32 to index
      %get3A_3144 = arith.constant 32 : index
      %get3A_3145 = tpu.vector_load %arg9[%get3A_3143, %get3A_3144] {strides = array<i32>} : memref<32x128xf32, #tpu.memory_space<vmem>>, vector<1x16xf32>,
      %get3A_3146 = vector.shape_cast %get3A_3145 : vector<1x16xf32> to vector<16xf32>
      %mul3A_3147 = vector.broadcast %squeeze3A_3125 : f32 to vector<16xf32>
      %mul3A_3148 = arith.mulf %mul3A_3147, %get3A_3146 : vector<16xf32>
      %add3A_3149 = arith.addf %add3A_3083, %mul3A_3148 : vector<16xf32>
      %get3A_3150 = arith.constant 12 : i32
      %get3A_3151 = arith.index_cast %get3A_3150 : i32 to index
      %get3A_3152 = arith.constant 48 : index
      %get3A_3153 = tpu.vector_load %arg9[%get3A_3151, %get3A_3152] {strides = array<i32>} : memref<32x128xf32, #tpu.memory_space<vmem>>, vector<1x16xf32>,
      %get3A_3154 = vector.shape_cast %get3A_3153 : vector<1x16xf32> to vector<16xf32>
      %mul3A_3155 = vector.broadcast %squeeze3A_3125 : f32 to vector<16xf32>
      %mul3A_3156 = arith.mulf %mul3A_3155, %get3A_3154 : vector<16xf32>
      %add3A_3157 = arith.addf %add3A_3091, %mul3A_3156 : vector<16xf32>
      %get3A_3158 = arith.constant 12 : i32
      %get3A_3159 = arith.index_cast %get3A_3158 : i32 to index
      %get3A_3160 = arith.constant 64 : index
      %get3A_3161 = tpu.vector_load %arg9[%get3A_3159, %get3A_3160] {strides = array<i32>} : memref<32x128xf32, #tpu.memory_space<vmem>>, vector<1x16xf32>,
      %get3A_3162 = vector.shape_cast %get3A_3161 : vector<1x16xf32> to vector<16xf32>
      %mul3A_3163 = vector.broadcast %squeeze3A_3125 : f32 to vector<16xf32>
      %mul3A_3164 = arith.mulf %mul3A_3163, %get3A_3162 : vector<16xf32>
      %add3A_3165 = arith.addf %add3A_3099, %mul3A_3164 : vector<16xf32>
      %get3A_3166 = arith.constant 12 : i32
      %get3A_3167 = arith.index_cast %get3A_3166 : i32 to index
      %get3A_3168 = arith.constant 80 : index
      %get3A_3169 = tpu.vector_load %arg9[%get3A_3167, %get3A_3168] {strides = array<i32>} : memref<32x128xf32, #tpu.memory_space<vmem>>, vector<1x16xf32>,
      %get3A_3170 = vector.shape_cast %get3A_3169 : vector<1x16xf32> to vector<16xf32>
      %mul3A_3171 = vector.broadcast %squeeze3A_3125 : f32 to vector<16xf32>
      %mul3A_3172 = arith.mulf %mul3A_3171, %get3A_3170 : vector<16xf32>
      %add3A_3173 = arith.addf %add3A_3107, %mul3A_3172 : vector<16xf32>
      %get3A_3174 = arith.constant 12 : i32
      %get3A_3175 = arith.index_cast %get3A_3174 : i32 to index
      %get3A_3176 = arith.constant 96 : index
      %get3A_3177 = tpu.vector_load %arg9[%get3A_3175, %get3A_3176] {strides = array<i32>} : memref<32x128xf32, #tpu.memory_space<vmem>>, vector<1x16xf32>,
      %get3A_3178 = vector.shape_cast %get3A_3177 : vector<1x16xf32> to vector<16xf32>
      %mul3A_3179 = vector.broadcast %squeeze3A_3125 : f32 to vector<16xf32>
      %mul3A_3180 = arith.mulf %mul3A_3179, %get3A_3178 : vector<16xf32>
      %add3A_3181 = arith.addf %add3A_3115, %mul3A_3180 : vector<16xf32>
      %get3A_3182 = arith.constant 12 : i32
      %get3A_3183 = arith.index_cast %get3A_3182 : i32 to index
      %get3A_3184 = arith.constant 112 : index
      %get3A_3185 = tpu.vector_load %arg9[%get3A_3183, %get3A_3184] {strides = array<i32>} : memref<32x128xf32, #tpu.memory_space<vmem>>, vector<1x16xf32>,
      %get3A_3186 = vector.shape_cast %get3A_3185 : vector<1x16xf32> to vector<16xf32>
      %mul3A_3187 = vector.broadcast %squeeze3A_3125 : f32 to vector<16xf32>
      %mul3A_3188 = arith.mulf %mul3A_3187, %get3A_3186 : vector<16xf32>
      %add3A_3189 = arith.addf %add3A_3123, %mul3A_3188 : vector<16xf32>
      %slice3A_3190 = vector.extract_strided_slice %mul3A_2304 {offsets = [13], sizes = [1], strides = [1]} : vector<16xf32> to vector<1xf32>
      %squeeze3A_3191 = vector.extract %slice3A_3190[0] : f32 from vector<1xf32>
      %get3A_3192 = arith.constant 13 : i32
      %get3A_3193 = arith.index_cast %get3A_3192 : i32 to index
      %get3A_3194 = arith.constant 0 : index
      %get3A_3195 = tpu.vector_load %arg9[%get3A_3193, %get3A_3194] {strides = array<i32>} : memref<32x128xf32, #tpu.memory_space<vmem>>, vector<1x16xf32>,
      %get3A_3196 = vector.shape_cast %get3A_3195 : vector<1x16xf32> to vector<16xf32>
      %mul3A_3197 = vector.broadcast %squeeze3A_3191 : f32 to vector<16xf32>
      %mul3A_3198 = arith.mulf %mul3A_3197, %get3A_3196 : vector<16xf32>
      %add3A_3199 = arith.addf %add3A_3133, %mul3A_3198 : vector<16xf32>
      %get3A_3200 = arith.constant 13 : i32
      %get3A_3201 = arith.index_cast %get3A_3200 : i32 to index
      %get3A_3202 = arith.constant 16 : index
      %get3A_3203 = tpu.vector_load %arg9[%get3A_3201, %get3A_3202] {strides = array<i32>} : memref<32x128xf32, #tpu.memory_space<vmem>>, vector<1x16xf32>,
      %get3A_3204 = vector.shape_cast %get3A_3203 : vector<1x16xf32> to vector<16xf32>
      %mul3A_3205 = vector.broadcast %squeeze3A_3191 : f32 to vector<16xf32>
      %mul3A_3206 = arith.mulf %mul3A_3205, %get3A_3204 : vector<16xf32>
      %add3A_3207 = arith.addf %add3A_3141, %mul3A_3206 : vector<16xf32>
      %get3A_3208 = arith.constant 13 : i32
      %get3A_3209 = arith.index_cast %get3A_3208 : i32 to index
      %get3A_3210 = arith.constant 32 : index
      %get3A_3211 = tpu.vector_load %arg9[%get3A_3209, %get3A_3210] {strides = array<i32>} : memref<32x128xf32, #tpu.memory_space<vmem>>, vector<1x16xf32>,
      %get3A_3212 = vector.shape_cast %get3A_3211 : vector<1x16xf32> to vector<16xf32>
      %mul3A_3213 = vector.broadcast %squeeze3A_3191 : f32 to vector<16xf32>
      %mul3A_3214 = arith.mulf %mul3A_3213, %get3A_3212 : vector<16xf32>
      %add3A_3215 = arith.addf %add3A_3149, %mul3A_3214 : vector<16xf32>
      %get3A_3216 = arith.constant 13 : i32
      %get3A_3217 = arith.index_cast %get3A_3216 : i32 to index
      %get3A_3218 = arith.constant 48 : index
      %get3A_3219 = tpu.vector_load %arg9[%get3A_3217, %get3A_3218] {strides = array<i32>} : memref<32x128xf32, #tpu.memory_space<vmem>>, vector<1x16xf32>,
      %get3A_3220 = vector.shape_cast %get3A_3219 : vector<1x16xf32> to vector<16xf32>
      %mul3A_3221 = vector.broadcast %squeeze3A_3191 : f32 to vector<16xf32>
      %mul3A_3222 = arith.mulf %mul3A_3221, %get3A_3220 : vector<16xf32>
      %add3A_3223 = arith.addf %add3A_3157, %mul3A_3222 : vector<16xf32>
      %get3A_3224 = arith.constant 13 : i32
      %get3A_3225 = arith.index_cast %get3A_3224 : i32 to index
      %get3A_3226 = arith.constant 64 : index
      %get3A_3227 = tpu.vector_load %arg9[%get3A_3225, %get3A_3226] {strides = array<i32>} : memref<32x128xf32, #tpu.memory_space<vmem>>, vector<1x16xf32>,
      %get3A_3228 = vector.shape_cast %get3A_3227 : vector<1x16xf32> to vector<16xf32>
      %mul3A_3229 = vector.broadcast %squeeze3A_3191 : f32 to vector<16xf32>
      %mul3A_3230 = arith.mulf %mul3A_3229, %get3A_3228 : vector<16xf32>
      %add3A_3231 = arith.addf %add3A_3165, %mul3A_3230 : vector<16xf32>
      %get3A_3232 = arith.constant 13 : i32
      %get3A_3233 = arith.index_cast %get3A_3232 : i32 to index
      %get3A_3234 = arith.constant 80 : index
      %get3A_3235 = tpu.vector_load %arg9[%get3A_3233, %get3A_3234] {strides = array<i32>} : memref<32x128xf32, #tpu.memory_space<vmem>>, vector<1x16xf32>,
      %get3A_3236 = vector.shape_cast %get3A_3235 : vector<1x16xf32> to vector<16xf32>
      %mul3A_3237 = vector.broadcast %squeeze3A_3191 : f32 to vector<16xf32>
      %mul3A_3238 = arith.mulf %mul3A_3237, %get3A_3236 : vector<16xf32>
      %add3A_3239 = arith.addf %add3A_3173, %mul3A_3238 : vector<16xf32>
      %get3A_3240 = arith.constant 13 : i32
      %get3A_3241 = arith.index_cast %get3A_3240 : i32 to index
      %get3A_3242 = arith.constant 96 : index
      %get3A_3243 = tpu.vector_load %arg9[%get3A_3241, %get3A_3242] {strides = array<i32>} : memref<32x128xf32, #tpu.memory_space<vmem>>, vector<1x16xf32>,
      %get3A_3244 = vector.shape_cast %get3A_3243 : vector<1x16xf32> to vector<16xf32>
      %mul3A_3245 = vector.broadcast %squeeze3A_3191 : f32 to vector<16xf32>
      %mul3A_3246 = arith.mulf %mul3A_3245, %get3A_3244 : vector<16xf32>
      %add3A_3247 = arith.addf %add3A_3181, %mul3A_3246 : vector<16xf32>
      %get3A_3248 = arith.constant 13 : i32
      %get3A_3249 = arith.index_cast %get3A_3248 : i32 to index
      %get3A_3250 = arith.constant 112 : index
      %get3A_3251 = tpu.vector_load %arg9[%get3A_3249, %get3A_3250] {strides = array<i32>} : memref<32x128xf32, #tpu.memory_space<vmem>>, vector<1x16xf32>,
      %get3A_3252 = vector.shape_cast %get3A_3251 : vector<1x16xf32> to vector<16xf32>
      %mul3A_3253 = vector.broadcast %squeeze3A_3191 : f32 to vector<16xf32>
      %mul3A_3254 = arith.mulf %mul3A_3253, %get3A_3252 : vector<16xf32>
      %add3A_3255 = arith.addf %add3A_3189, %mul3A_3254 : vector<16xf32>
      %slice3A_3256 = vector.extract_strided_slice %mul3A_2304 {offsets = [14], sizes = [1], strides = [1]} : vector<16xf32> to vector<1xf32>
      %squeeze3A_3257 = vector.extract %slice3A_3256[0] : f32 from vector<1xf32>
      %get3A_3258 = arith.constant 14 : i32
      %get3A_3259 = arith.index_cast %get3A_3258 : i32 to index
      %get3A_3260 = arith.constant 0 : index
      %get3A_3261 = tpu.vector_load %arg9[%get3A_3259, %get3A_3260] {strides = array<i32>} : memref<32x128xf32, #tpu.memory_space<vmem>>, vector<1x16xf32>,
      %get3A_3262 = vector.shape_cast %get3A_3261 : vector<1x16xf32> to vector<16xf32>
      %mul3A_3263 = vector.broadcast %squeeze3A_3257 : f32 to vector<16xf32>
      %mul3A_3264 = arith.mulf %mul3A_3263, %get3A_3262 : vector<16xf32>
      %add3A_3265 = arith.addf %add3A_3199, %mul3A_3264 : vector<16xf32>
      %get3A_3266 = arith.constant 14 : i32
      %get3A_3267 = arith.index_cast %get3A_3266 : i32 to index
      %get3A_3268 = arith.constant 16 : index
      %get3A_3269 = tpu.vector_load %arg9[%get3A_3267, %get3A_3268] {strides = array<i32>} : memref<32x128xf32, #tpu.memory_space<vmem>>, vector<1x16xf32>,
      %get3A_3270 = vector.shape_cast %get3A_3269 : vector<1x16xf32> to vector<16xf32>
      %mul3A_3271 = vector.broadcast %squeeze3A_3257 : f32 to vector<16xf32>
      %mul3A_3272 = arith.mulf %mul3A_3271, %get3A_3270 : vector<16xf32>
      %add3A_3273 = arith.addf %add3A_3207, %mul3A_3272 : vector<16xf32>
      %get3A_3274 = arith.constant 14 : i32
      %get3A_3275 = arith.index_cast %get3A_3274 : i32 to index
      %get3A_3276 = arith.constant 32 : index
      %get3A_3277 = tpu.vector_load %arg9[%get3A_3275, %get3A_3276] {strides = array<i32>} : memref<32x128xf32, #tpu.memory_space<vmem>>, vector<1x16xf32>,
      %get3A_3278 = vector.shape_cast %get3A_3277 : vector<1x16xf32> to vector<16xf32>
      %mul3A_3279 = vector.broadcast %squeeze3A_3257 : f32 to vector<16xf32>
      %mul3A_3280 = arith.mulf %mul3A_3279, %get3A_3278 : vector<16xf32>
      %add3A_3281 = arith.addf %add3A_3215, %mul3A_3280 : vector<16xf32>
      %get3A_3282 = arith.constant 14 : i32
      %get3A_3283 = arith.index_cast %get3A_3282 : i32 to index
      %get3A_3284 = arith.constant 48 : index
      %get3A_3285 = tpu.vector_load %arg9[%get3A_3283, %get3A_3284] {strides = array<i32>} : memref<32x128xf32, #tpu.memory_space<vmem>>, vector<1x16xf32>,
      %get3A_3286 = vector.shape_cast %get3A_3285 : vector<1x16xf32> to vector<16xf32>
      %mul3A_3287 = vector.broadcast %squeeze3A_3257 : f32 to vector<16xf32>
      %mul3A_3288 = arith.mulf %mul3A_3287, %get3A_3286 : vector<16xf32>
      %add3A_3289 = arith.addf %add3A_3223, %mul3A_3288 : vector<16xf32>
      %get3A_3290 = arith.constant 14 : i32
      %get3A_3291 = arith.index_cast %get3A_3290 : i32 to index
      %get3A_3292 = arith.constant 64 : index
      %get3A_3293 = tpu.vector_load %arg9[%get3A_3291, %get3A_3292] {strides = array<i32>} : memref<32x128xf32, #tpu.memory_space<vmem>>, vector<1x16xf32>,
      %get3A_3294 = vector.shape_cast %get3A_3293 : vector<1x16xf32> to vector<16xf32>
      %mul3A_3295 = vector.broadcast %squeeze3A_3257 : f32 to vector<16xf32>
      %mul3A_3296 = arith.mulf %mul3A_3295, %get3A_3294 : vector<16xf32>
      %add3A_3297 = arith.addf %add3A_3231, %mul3A_3296 : vector<16xf32>
      %get3A_3298 = arith.constant 14 : i32
      %get3A_3299 = arith.index_cast %get3A_3298 : i32 to index
      %get3A_3300 = arith.constant 80 : index
      %get3A_3301 = tpu.vector_load %arg9[%get3A_3299, %get3A_3300] {strides = array<i32>} : memref<32x128xf32, #tpu.memory_space<vmem>>, vector<1x16xf32>,
      %get3A_3302 = vector.shape_cast %get3A_3301 : vector<1x16xf32> to vector<16xf32>
      %mul3A_3303 = vector.broadcast %squeeze3A_3257 : f32 to vector<16xf32>
      %mul3A_3304 = arith.mulf %mul3A_3303, %get3A_3302 : vector<16xf32>
      %add3A_3305 = arith.addf %add3A_3239, %mul3A_3304 : vector<16xf32>
      %get3A_3306 = arith.constant 14 : i32
      %get3A_3307 = arith.index_cast %get3A_3306 : i32 to index
      %get3A_3308 = arith.constant 96 : index
      %get3A_3309 = tpu.vector_load %arg9[%get3A_3307, %get3A_3308] {strides = array<i32>} : memref<32x128xf32, #tpu.memory_space<vmem>>, vector<1x16xf32>,
      %get3A_3310 = vector.shape_cast %get3A_3309 : vector<1x16xf32> to vector<16xf32>
      %mul3A_3311 = vector.broadcast %squeeze3A_3257 : f32 to vector<16xf32>
      %mul3A_3312 = arith.mulf %mul3A_3311, %get3A_3310 : vector<16xf32>
      %add3A_3313 = arith.addf %add3A_3247, %mul3A_3312 : vector<16xf32>
      %get3A_3314 = arith.constant 14 : i32
      %get3A_3315 = arith.index_cast %get3A_3314 : i32 to index
      %get3A_3316 = arith.constant 112 : index
      %get3A_3317 = tpu.vector_load %arg9[%get3A_3315, %get3A_3316] {strides = array<i32>} : memref<32x128xf32, #tpu.memory_space<vmem>>, vector<1x16xf32>,
      %get3A_3318 = vector.shape_cast %get3A_3317 : vector<1x16xf32> to vector<16xf32>
      %mul3A_3319 = vector.broadcast %squeeze3A_3257 : f32 to vector<16xf32>
      %mul3A_3320 = arith.mulf %mul3A_3319, %get3A_3318 : vector<16xf32>
      %add3A_3321 = arith.addf %add3A_3255, %mul3A_3320 : vector<16xf32>
      %slice3A_3322 = vector.extract_strided_slice %mul3A_2304 {offsets = [15], sizes = [1], strides = [1]} : vector<16xf32> to vector<1xf32>
      %squeeze3A_3323 = vector.extract %slice3A_3322[0] : f32 from vector<1xf32>
      %get3A_3324 = arith.constant 15 : i32
      %get3A_3325 = arith.index_cast %get3A_3324 : i32 to index
      %get3A_3326 = arith.constant 0 : index
      %get3A_3327 = tpu.vector_load %arg9[%get3A_3325, %get3A_3326] {strides = array<i32>} : memref<32x128xf32, #tpu.memory_space<vmem>>, vector<1x16xf32>,
      %get3A_3328 = vector.shape_cast %get3A_3327 : vector<1x16xf32> to vector<16xf32>
      %mul3A_3329 = vector.broadcast %squeeze3A_3323 : f32 to vector<16xf32>
      %mul3A_3330 = arith.mulf %mul3A_3329, %get3A_3328 : vector<16xf32>
      %add3A_3331 = arith.addf %add3A_3265, %mul3A_3330 : vector<16xf32>
      %get3A_3332 = arith.constant 15 : i32
      %get3A_3333 = arith.index_cast %get3A_3332 : i32 to index
      %get3A_3334 = arith.constant 16 : index
      %get3A_3335 = tpu.vector_load %arg9[%get3A_3333, %get3A_3334] {strides = array<i32>} : memref<32x128xf32, #tpu.memory_space<vmem>>, vector<1x16xf32>,
      %get3A_3336 = vector.shape_cast %get3A_3335 : vector<1x16xf32> to vector<16xf32>
      %mul3A_3337 = vector.broadcast %squeeze3A_3323 : f32 to vector<16xf32>
      %mul3A_3338 = arith.mulf %mul3A_3337, %get3A_3336 : vector<16xf32>
      %add3A_3339 = arith.addf %add3A_3273, %mul3A_3338 : vector<16xf32>
      %get3A_3340 = arith.constant 15 : i32
      %get3A_3341 = arith.index_cast %get3A_3340 : i32 to index
      %get3A_3342 = arith.constant 32 : index
      %get3A_3343 = tpu.vector_load %arg9[%get3A_3341, %get3A_3342] {strides = array<i32>} : memref<32x128xf32, #tpu.memory_space<vmem>>, vector<1x16xf32>,
      %get3A_3344 = vector.shape_cast %get3A_3343 : vector<1x16xf32> to vector<16xf32>
      %mul3A_3345 = vector.broadcast %squeeze3A_3323 : f32 to vector<16xf32>
      %mul3A_3346 = arith.mulf %mul3A_3345, %get3A_3344 : vector<16xf32>
      %add3A_3347 = arith.addf %add3A_3281, %mul3A_3346 : vector<16xf32>
      %get3A_3348 = arith.constant 15 : i32
      %get3A_3349 = arith.index_cast %get3A_3348 : i32 to index
      %get3A_3350 = arith.constant 48 : index
      %get3A_3351 = tpu.vector_load %arg9[%get3A_3349, %get3A_3350] {strides = array<i32>} : memref<32x128xf32, #tpu.memory_space<vmem>>, vector<1x16xf32>,
      %get3A_3352 = vector.shape_cast %get3A_3351 : vector<1x16xf32> to vector<16xf32>
      %mul3A_3353 = vector.broadcast %squeeze3A_3323 : f32 to vector<16xf32>
      %mul3A_3354 = arith.mulf %mul3A_3353, %get3A_3352 : vector<16xf32>
      %add3A_3355 = arith.addf %add3A_3289, %mul3A_3354 : vector<16xf32>
      %get3A_3356 = arith.constant 15 : i32
      %get3A_3357 = arith.index_cast %get3A_3356 : i32 to index
      %get3A_3358 = arith.constant 64 : index
      %get3A_3359 = tpu.vector_load %arg9[%get3A_3357, %get3A_3358] {strides = array<i32>} : memref<32x128xf32, #tpu.memory_space<vmem>>, vector<1x16xf32>,
      %get3A_3360 = vector.shape_cast %get3A_3359 : vector<1x16xf32> to vector<16xf32>
      %mul3A_3361 = vector.broadcast %squeeze3A_3323 : f32 to vector<16xf32>
      %mul3A_3362 = arith.mulf %mul3A_3361, %get3A_3360 : vector<16xf32>
      %add3A_3363 = arith.addf %add3A_3297, %mul3A_3362 : vector<16xf32>
      %get3A_3364 = arith.constant 15 : i32
      %get3A_3365 = arith.index_cast %get3A_3364 : i32 to index
      %get3A_3366 = arith.constant 80 : index
      %get3A_3367 = tpu.vector_load %arg9[%get3A_3365, %get3A_3366] {strides = array<i32>} : memref<32x128xf32, #tpu.memory_space<vmem>>, vector<1x16xf32>,
      %get3A_3368 = vector.shape_cast %get3A_3367 : vector<1x16xf32> to vector<16xf32>
      %mul3A_3369 = vector.broadcast %squeeze3A_3323 : f32 to vector<16xf32>
      %mul3A_3370 = arith.mulf %mul3A_3369, %get3A_3368 : vector<16xf32>
      %add3A_3371 = arith.addf %add3A_3305, %mul3A_3370 : vector<16xf32>
      %get3A_3372 = arith.constant 15 : i32
      %get3A_3373 = arith.index_cast %get3A_3372 : i32 to index
      %get3A_3374 = arith.constant 96 : index
      %get3A_3375 = tpu.vector_load %arg9[%get3A_3373, %get3A_3374] {strides = array<i32>} : memref<32x128xf32, #tpu.memory_space<vmem>>, vector<1x16xf32>,
      %get3A_3376 = vector.shape_cast %get3A_3375 : vector<1x16xf32> to vector<16xf32>
      %mul3A_3377 = vector.broadcast %squeeze3A_3323 : f32 to vector<16xf32>
      %mul3A_3378 = arith.mulf %mul3A_3377, %get3A_3376 : vector<16xf32>
      %add3A_3379 = arith.addf %add3A_3313, %mul3A_3378 : vector<16xf32>
      %get3A_3380 = arith.constant 15 : i32
      %get3A_3381 = arith.index_cast %get3A_3380 : i32 to index
      %get3A_3382 = arith.constant 112 : index
      %get3A_3383 = tpu.vector_load %arg9[%get3A_3381, %get3A_3382] {strides = array<i32>} : memref<32x128xf32, #tpu.memory_space<vmem>>, vector<1x16xf32>,
      %get3A_3384 = vector.shape_cast %get3A_3383 : vector<1x16xf32> to vector<16xf32>
      %mul3A_3385 = vector.broadcast %squeeze3A_3323 : f32 to vector<16xf32>
      %mul3A_3386 = arith.mulf %mul3A_3385, %get3A_3384 : vector<16xf32>
      %add3A_3387 = arith.addf %add3A_3321, %mul3A_3386 : vector<16xf32>
      %slice3A_3388 = vector.extract_strided_slice %mul3A_2307 {offsets = [0], sizes = [1], strides = [1]} : vector<16xf32> to vector<1xf32>
      %squeeze3A_3389 = vector.extract %slice3A_3388[0] : f32 from vector<1xf32>
      %get3A_3390 = arith.constant 16 : i32
      %get3A_3391 = arith.index_cast %get3A_3390 : i32 to index
      %get3A_3392 = arith.constant 0 : index
      %get3A_3393 = tpu.vector_load %arg9[%get3A_3391, %get3A_3392] {strides = array<i32>} : memref<32x128xf32, #tpu.memory_space<vmem>>, vector<1x16xf32>,
      %get3A_3394 = vector.shape_cast %get3A_3393 : vector<1x16xf32> to vector<16xf32>
      %mul3A_3395 = vector.broadcast %squeeze3A_3389 : f32 to vector<16xf32>
      %mul3A_3396 = arith.mulf %mul3A_3395, %get3A_3394 : vector<16xf32>
      %add3A_3397 = arith.addf %add3A_3331, %mul3A_3396 : vector<16xf32>
      %get3A_3398 = arith.constant 16 : i32
      %get3A_3399 = arith.index_cast %get3A_3398 : i32 to index
      %get3A_3400 = arith.constant 16 : index
      %get3A_3401 = tpu.vector_load %arg9[%get3A_3399, %get3A_3400] {strides = array<i32>} : memref<32x128xf32, #tpu.memory_space<vmem>>, vector<1x16xf32>,
      %get3A_3402 = vector.shape_cast %get3A_3401 : vector<1x16xf32> to vector<16xf32>
      %mul3A_3403 = vector.broadcast %squeeze3A_3389 : f32 to vector<16xf32>
      %mul3A_3404 = arith.mulf %mul3A_3403, %get3A_3402 : vector<16xf32>
      %add3A_3405 = arith.addf %add3A_3339, %mul3A_3404 : vector<16xf32>
      %get3A_3406 = arith.constant 16 : i32
      %get3A_3407 = arith.index_cast %get3A_3406 : i32 to index
      %get3A_3408 = arith.constant 32 : index
      %get3A_3409 = tpu.vector_load %arg9[%get3A_3407, %get3A_3408] {strides = array<i32>} : memref<32x128xf32, #tpu.memory_space<vmem>>, vector<1x16xf32>,
      %get3A_3410 = vector.shape_cast %get3A_3409 : vector<1x16xf32> to vector<16xf32>
      %mul3A_3411 = vector.broadcast %squeeze3A_3389 : f32 to vector<16xf32>
      %mul3A_3412 = arith.mulf %mul3A_3411, %get3A_3410 : vector<16xf32>
      %add3A_3413 = arith.addf %add3A_3347, %mul3A_3412 : vector<16xf32>
      %get3A_3414 = arith.constant 16 : i32
      %get3A_3415 = arith.index_cast %get3A_3414 : i32 to index
      %get3A_3416 = arith.constant 48 : index
      %get3A_3417 = tpu.vector_load %arg9[%get3A_3415, %get3A_3416] {strides = array<i32>} : memref<32x128xf32, #tpu.memory_space<vmem>>, vector<1x16xf32>,
      %get3A_3418 = vector.shape_cast %get3A_3417 : vector<1x16xf32> to vector<16xf32>
      %mul3A_3419 = vector.broadcast %squeeze3A_3389 : f32 to vector<16xf32>
      %mul3A_3420 = arith.mulf %mul3A_3419, %get3A_3418 : vector<16xf32>
      %add3A_3421 = arith.addf %add3A_3355, %mul3A_3420 : vector<16xf32>
      %get3A_3422 = arith.constant 16 : i32
      %get3A_3423 = arith.index_cast %get3A_3422 : i32 to index
      %get3A_3424 = arith.constant 64 : index
      %get3A_3425 = tpu.vector_load %arg9[%get3A_3423, %get3A_3424] {strides = array<i32>} : memref<32x128xf32, #tpu.memory_space<vmem>>, vector<1x16xf32>,
      %get3A_3426 = vector.shape_cast %get3A_3425 : vector<1x16xf32> to vector<16xf32>
      %mul3A_3427 = vector.broadcast %squeeze3A_3389 : f32 to vector<16xf32>
      %mul3A_3428 = arith.mulf %mul3A_3427, %get3A_3426 : vector<16xf32>
      %add3A_3429 = arith.addf %add3A_3363, %mul3A_3428 : vector<16xf32>
      %get3A_3430 = arith.constant 16 : i32
      %get3A_3431 = arith.index_cast %get3A_3430 : i32 to index
      %get3A_3432 = arith.constant 80 : index
      %get3A_3433 = tpu.vector_load %arg9[%get3A_3431, %get3A_3432] {strides = array<i32>} : memref<32x128xf32, #tpu.memory_space<vmem>>, vector<1x16xf32>,
      %get3A_3434 = vector.shape_cast %get3A_3433 : vector<1x16xf32> to vector<16xf32>
      %mul3A_3435 = vector.broadcast %squeeze3A_3389 : f32 to vector<16xf32>
      %mul3A_3436 = arith.mulf %mul3A_3435, %get3A_3434 : vector<16xf32>
      %add3A_3437 = arith.addf %add3A_3371, %mul3A_3436 : vector<16xf32>
      %get3A_3438 = arith.constant 16 : i32
      %get3A_3439 = arith.index_cast %get3A_3438 : i32 to index
      %get3A_3440 = arith.constant 96 : index
      %get3A_3441 = tpu.vector_load %arg9[%get3A_3439, %get3A_3440] {strides = array<i32>} : memref<32x128xf32, #tpu.memory_space<vmem>>, vector<1x16xf32>,
      %get3A_3442 = vector.shape_cast %get3A_3441 : vector<1x16xf32> to vector<16xf32>
      %mul3A_3443 = vector.broadcast %squeeze3A_3389 : f32 to vector<16xf32>
      %mul3A_3444 = arith.mulf %mul3A_3443, %get3A_3442 : vector<16xf32>
      %add3A_3445 = arith.addf %add3A_3379, %mul3A_3444 : vector<16xf32>
      %get3A_3446 = arith.constant 16 : i32
      %get3A_3447 = arith.index_cast %get3A_3446 : i32 to index
      %get3A_3448 = arith.constant 112 : index
      %get3A_3449 = tpu.vector_load %arg9[%get3A_3447, %get3A_3448] {strides = array<i32>} : memref<32x128xf32, #tpu.memory_space<vmem>>, vector<1x16xf32>,
      %get3A_3450 = vector.shape_cast %get3A_3449 : vector<1x16xf32> to vector<16xf32>
      %mul3A_3451 = vector.broadcast %squeeze3A_3389 : f32 to vector<16xf32>
      %mul3A_3452 = arith.mulf %mul3A_3451, %get3A_3450 : vector<16xf32>
      %add3A_3453 = arith.addf %add3A_3387, %mul3A_3452 : vector<16xf32>
      %slice3A_3454 = vector.extract_strided_slice %mul3A_2307 {offsets = [1], sizes = [1], strides = [1]} : vector<16xf32> to vector<1xf32>
      %squeeze3A_3455 = vector.extract %slice3A_3454[0] : f32 from vector<1xf32>
      %get3A_3456 = arith.constant 17 : i32
      %get3A_3457 = arith.index_cast %get3A_3456 : i32 to index
      %get3A_3458 = arith.constant 0 : index
      %get3A_3459 = tpu.vector_load %arg9[%get3A_3457, %get3A_3458] {strides = array<i32>} : memref<32x128xf32, #tpu.memory_space<vmem>>, vector<1x16xf32>,
      %get3A_3460 = vector.shape_cast %get3A_3459 : vector<1x16xf32> to vector<16xf32>
      %mul3A_3461 = vector.broadcast %squeeze3A_3455 : f32 to vector<16xf32>
      %mul3A_3462 = arith.mulf %mul3A_3461, %get3A_3460 : vector<16xf32>
      %add3A_3463 = arith.addf %add3A_3397, %mul3A_3462 : vector<16xf32>
      %get3A_3464 = arith.constant 17 : i32
      %get3A_3465 = arith.index_cast %get3A_3464 : i32 to index
      %get3A_3466 = arith.constant 16 : index
      %get3A_3467 = tpu.vector_load %arg9[%get3A_3465, %get3A_3466] {strides = array<i32>} : memref<32x128xf32, #tpu.memory_space<vmem>>, vector<1x16xf32>,
      %get3A_3468 = vector.shape_cast %get3A_3467 : vector<1x16xf32> to vector<16xf32>
      %mul3A_3469 = vector.broadcast %squeeze3A_3455 : f32 to vector<16xf32>
      %mul3A_3470 = arith.mulf %mul3A_3469, %get3A_3468 : vector<16xf32>
      %add3A_3471 = arith.addf %add3A_3405, %mul3A_3470 : vector<16xf32>
      %get3A_3472 = arith.constant 17 : i32
      %get3A_3473 = arith.index_cast %get3A_3472 : i32 to index
      %get3A_3474 = arith.constant 32 : index
      %get3A_3475 = tpu.vector_load %arg9[%get3A_3473, %get3A_3474] {strides = array<i32>} : memref<32x128xf32, #tpu.memory_space<vmem>>, vector<1x16xf32>,
      %get3A_3476 = vector.shape_cast %get3A_3475 : vector<1x16xf32> to vector<16xf32>
      %mul3A_3477 = vector.broadcast %squeeze3A_3455 : f32 to vector<16xf32>
      %mul3A_3478 = arith.mulf %mul3A_3477, %get3A_3476 : vector<16xf32>
      %add3A_3479 = arith.addf %add3A_3413, %mul3A_3478 : vector<16xf32>
      %get3A_3480 = arith.constant 17 : i32
      %get3A_3481 = arith.index_cast %get3A_3480 : i32 to index
      %get3A_3482 = arith.constant 48 : index
      %get3A_3483 = tpu.vector_load %arg9[%get3A_3481, %get3A_3482] {strides = array<i32>} : memref<32x128xf32, #tpu.memory_space<vmem>>, vector<1x16xf32>,
      %get3A_3484 = vector.shape_cast %get3A_3483 : vector<1x16xf32> to vector<16xf32>
      %mul3A_3485 = vector.broadcast %squeeze3A_3455 : f32 to vector<16xf32>
      %mul3A_3486 = arith.mulf %mul3A_3485, %get3A_3484 : vector<16xf32>
      %add3A_3487 = arith.addf %add3A_3421, %mul3A_3486 : vector<16xf32>
      %get3A_3488 = arith.constant 17 : i32
      %get3A_3489 = arith.index_cast %get3A_3488 : i32 to index
      %get3A_3490 = arith.constant 64 : index
      %get3A_3491 = tpu.vector_load %arg9[%get3A_3489, %get3A_3490] {strides = array<i32>} : memref<32x128xf32, #tpu.memory_space<vmem>>, vector<1x16xf32>,
      %get3A_3492 = vector.shape_cast %get3A_3491 : vector<1x16xf32> to vector<16xf32>
      %mul3A_3493 = vector.broadcast %squeeze3A_3455 : f32 to vector<16xf32>
      %mul3A_3494 = arith.mulf %mul3A_3493, %get3A_3492 : vector<16xf32>
      %add3A_3495 = arith.addf %add3A_3429, %mul3A_3494 : vector<16xf32>
      %get3A_3496 = arith.constant 17 : i32
      %get3A_3497 = arith.index_cast %get3A_3496 : i32 to index
      %get3A_3498 = arith.constant 80 : index
      %get3A_3499 = tpu.vector_load %arg9[%get3A_3497, %get3A_3498] {strides = array<i32>} : memref<32x128xf32, #tpu.memory_space<vmem>>, vector<1x16xf32>,
      %get3A_3500 = vector.shape_cast %get3A_3499 : vector<1x16xf32> to vector<16xf32>
      %mul3A_3501 = vector.broadcast %squeeze3A_3455 : f32 to vector<16xf32>
      %mul3A_3502 = arith.mulf %mul3A_3501, %get3A_3500 : vector<16xf32>
      %add3A_3503 = arith.addf %add3A_3437, %mul3A_3502 : vector<16xf32>
      %get3A_3504 = arith.constant 17 : i32
      %get3A_3505 = arith.index_cast %get3A_3504 : i32 to index
      %get3A_3506 = arith.constant 96 : index
      %get3A_3507 = tpu.vector_load %arg9[%get3A_3505, %get3A_3506] {strides = array<i32>} : memref<32x128xf32, #tpu.memory_space<vmem>>, vector<1x16xf32>,
      %get3A_3508 = vector.shape_cast %get3A_3507 : vector<1x16xf32> to vector<16xf32>
      %mul3A_3509 = vector.broadcast %squeeze3A_3455 : f32 to vector<16xf32>
      %mul3A_3510 = arith.mulf %mul3A_3509, %get3A_3508 : vector<16xf32>
      %add3A_3511 = arith.addf %add3A_3445, %mul3A_3510 : vector<16xf32>
      %get3A_3512 = arith.constant 17 : i32
      %get3A_3513 = arith.index_cast %get3A_3512 : i32 to index
      %get3A_3514 = arith.constant 112 : index
      %get3A_3515 = tpu.vector_load %arg9[%get3A_3513, %get3A_3514] {strides = array<i32>} : memref<32x128xf32, #tpu.memory_space<vmem>>, vector<1x16xf32>,
      %get3A_3516 = vector.shape_cast %get3A_3515 : vector<1x16xf32> to vector<16xf32>
      %mul3A_3517 = vector.broadcast %squeeze3A_3455 : f32 to vector<16xf32>
      %mul3A_3518 = arith.mulf %mul3A_3517, %get3A_3516 : vector<16xf32>
      %add3A_3519 = arith.addf %add3A_3453, %mul3A_3518 : vector<16xf32>
      %slice3A_3520 = vector.extract_strided_slice %mul3A_2307 {offsets = [2], sizes = [1], strides = [1]} : vector<16xf32> to vector<1xf32>
      %squeeze3A_3521 = vector.extract %slice3A_3520[0] : f32 from vector<1xf32>
      %get3A_3522 = arith.constant 18 : i32
      %get3A_3523 = arith.index_cast %get3A_3522 : i32 to index
      %get3A_3524 = arith.constant 0 : index
      %get3A_3525 = tpu.vector_load %arg9[%get3A_3523, %get3A_3524] {strides = array<i32>} : memref<32x128xf32, #tpu.memory_space<vmem>>, vector<1x16xf32>,
      %get3A_3526 = vector.shape_cast %get3A_3525 : vector<1x16xf32> to vector<16xf32>
      %mul3A_3527 = vector.broadcast %squeeze3A_3521 : f32 to vector<16xf32>
      %mul3A_3528 = arith.mulf %mul3A_3527, %get3A_3526 : vector<16xf32>
      %add3A_3529 = arith.addf %add3A_3463, %mul3A_3528 : vector<16xf32>
      %get3A_3530 = arith.constant 18 : i32
      %get3A_3531 = arith.index_cast %get3A_3530 : i32 to index
      %get3A_3532 = arith.constant 16 : index
      %get3A_3533 = tpu.vector_load %arg9[%get3A_3531, %get3A_3532] {strides = array<i32>} : memref<32x128xf32, #tpu.memory_space<vmem>>, vector<1x16xf32>,
      %get3A_3534 = vector.shape_cast %get3A_3533 : vector<1x16xf32> to vector<16xf32>
      %mul3A_3535 = vector.broadcast %squeeze3A_3521 : f32 to vector<16xf32>
      %mul3A_3536 = arith.mulf %mul3A_3535, %get3A_3534 : vector<16xf32>
      %add3A_3537 = arith.addf %add3A_3471, %mul3A_3536 : vector<16xf32>
      %get3A_3538 = arith.constant 18 : i32
      %get3A_3539 = arith.index_cast %get3A_3538 : i32 to index
      %get3A_3540 = arith.constant 32 : index
      %get3A_3541 = tpu.vector_load %arg9[%get3A_3539, %get3A_3540] {strides = array<i32>} : memref<32x128xf32, #tpu.memory_space<vmem>>, vector<1x16xf32>,
      %get3A_3542 = vector.shape_cast %get3A_3541 : vector<1x16xf32> to vector<16xf32>
      %mul3A_3543 = vector.broadcast %squeeze3A_3521 : f32 to vector<16xf32>
      %mul3A_3544 = arith.mulf %mul3A_3543, %get3A_3542 : vector<16xf32>
      %add3A_3545 = arith.addf %add3A_3479, %mul3A_3544 : vector<16xf32>
      %get3A_3546 = arith.constant 18 : i32
      %get3A_3547 = arith.index_cast %get3A_3546 : i32 to index
      %get3A_3548 = arith.constant 48 : index
      %get3A_3549 = tpu.vector_load %arg9[%get3A_3547, %get3A_3548] {strides = array<i32>} : memref<32x128xf32, #tpu.memory_space<vmem>>, vector<1x16xf32>,
      %get3A_3550 = vector.shape_cast %get3A_3549 : vector<1x16xf32> to vector<16xf32>
      %mul3A_3551 = vector.broadcast %squeeze3A_3521 : f32 to vector<16xf32>
      %mul3A_3552 = arith.mulf %mul3A_3551, %get3A_3550 : vector<16xf32>
      %add3A_3553 = arith.addf %add3A_3487, %mul3A_3552 : vector<16xf32>
      %get3A_3554 = arith.constant 18 : i32
      %get3A_3555 = arith.index_cast %get3A_3554 : i32 to index
      %get3A_3556 = arith.constant 64 : index
      %get3A_3557 = tpu.vector_load %arg9[%get3A_3555, %get3A_3556] {strides = array<i32>} : memref<32x128xf32, #tpu.memory_space<vmem>>, vector<1x16xf32>,
      %get3A_3558 = vector.shape_cast %get3A_3557 : vector<1x16xf32> to vector<16xf32>
      %mul3A_3559 = vector.broadcast %squeeze3A_3521 : f32 to vector<16xf32>
      %mul3A_3560 = arith.mulf %mul3A_3559, %get3A_3558 : vector<16xf32>
      %add3A_3561 = arith.addf %add3A_3495, %mul3A_3560 : vector<16xf32>
      %get3A_3562 = arith.constant 18 : i32
      %get3A_3563 = arith.index_cast %get3A_3562 : i32 to index
      %get3A_3564 = arith.constant 80 : index
      %get3A_3565 = tpu.vector_load %arg9[%get3A_3563, %get3A_3564] {strides = array<i32>} : memref<32x128xf32, #tpu.memory_space<vmem>>, vector<1x16xf32>,
      %get3A_3566 = vector.shape_cast %get3A_3565 : vector<1x16xf32> to vector<16xf32>
      %mul3A_3567 = vector.broadcast %squeeze3A_3521 : f32 to vector<16xf32>
      %mul3A_3568 = arith.mulf %mul3A_3567, %get3A_3566 : vector<16xf32>
      %add3A_3569 = arith.addf %add3A_3503, %mul3A_3568 : vector<16xf32>
      %get3A_3570 = arith.constant 18 : i32
      %get3A_3571 = arith.index_cast %get3A_3570 : i32 to index
      %get3A_3572 = arith.constant 96 : index
      %get3A_3573 = tpu.vector_load %arg9[%get3A_3571, %get3A_3572] {strides = array<i32>} : memref<32x128xf32, #tpu.memory_space<vmem>>, vector<1x16xf32>,
      %get3A_3574 = vector.shape_cast %get3A_3573 : vector<1x16xf32> to vector<16xf32>
      %mul3A_3575 = vector.broadcast %squeeze3A_3521 : f32 to vector<16xf32>
      %mul3A_3576 = arith.mulf %mul3A_3575, %get3A_3574 : vector<16xf32>
      %add3A_3577 = arith.addf %add3A_3511, %mul3A_3576 : vector<16xf32>
      %get3A_3578 = arith.constant 18 : i32
      %get3A_3579 = arith.index_cast %get3A_3578 : i32 to index
      %get3A_3580 = arith.constant 112 : index
      %get3A_3581 = tpu.vector_load %arg9[%get3A_3579, %get3A_3580] {strides = array<i32>} : memref<32x128xf32, #tpu.memory_space<vmem>>, vector<1x16xf32>,
      %get3A_3582 = vector.shape_cast %get3A_3581 : vector<1x16xf32> to vector<16xf32>
      %mul3A_3583 = vector.broadcast %squeeze3A_3521 : f32 to vector<16xf32>
      %mul3A_3584 = arith.mulf %mul3A_3583, %get3A_3582 : vector<16xf32>
      %add3A_3585 = arith.addf %add3A_3519, %mul3A_3584 : vector<16xf32>
      %slice3A_3586 = vector.extract_strided_slice %mul3A_2307 {offsets = [3], sizes = [1], strides = [1]} : vector<16xf32> to vector<1xf32>
      %squeeze3A_3587 = vector.extract %slice3A_3586[0] : f32 from vector<1xf32>
      %get3A_3588 = arith.constant 19 : i32
      %get3A_3589 = arith.index_cast %get3A_3588 : i32 to index
      %get3A_3590 = arith.constant 0 : index
      %get3A_3591 = tpu.vector_load %arg9[%get3A_3589, %get3A_3590] {strides = array<i32>} : memref<32x128xf32, #tpu.memory_space<vmem>>, vector<1x16xf32>,
      %get3A_3592 = vector.shape_cast %get3A_3591 : vector<1x16xf32> to vector<16xf32>
      %mul3A_3593 = vector.broadcast %squeeze3A_3587 : f32 to vector<16xf32>
      %mul3A_3594 = arith.mulf %mul3A_3593, %get3A_3592 : vector<16xf32>
      %add3A_3595 = arith.addf %add3A_3529, %mul3A_3594 : vector<16xf32>
      %get3A_3596 = arith.constant 19 : i32
      %get3A_3597 = arith.index_cast %get3A_3596 : i32 to index
      %get3A_3598 = arith.constant 16 : index
      %get3A_3599 = tpu.vector_load %arg9[%get3A_3597, %get3A_3598] {strides = array<i32>} : memref<32x128xf32, #tpu.memory_space<vmem>>, vector<1x16xf32>,
      %get3A_3600 = vector.shape_cast %get3A_3599 : vector<1x16xf32> to vector<16xf32>
      %mul3A_3601 = vector.broadcast %squeeze3A_3587 : f32 to vector<16xf32>
      %mul3A_3602 = arith.mulf %mul3A_3601, %get3A_3600 : vector<16xf32>
      %add3A_3603 = arith.addf %add3A_3537, %mul3A_3602 : vector<16xf32>
      %get3A_3604 = arith.constant 19 : i32
      %get3A_3605 = arith.index_cast %get3A_3604 : i32 to index
      %get3A_3606 = arith.constant 32 : index
      %get3A_3607 = tpu.vector_load %arg9[%get3A_3605, %get3A_3606] {strides = array<i32>} : memref<32x128xf32, #tpu.memory_space<vmem>>, vector<1x16xf32>,
      %get3A_3608 = vector.shape_cast %get3A_3607 : vector<1x16xf32> to vector<16xf32>
      %mul3A_3609 = vector.broadcast %squeeze3A_3587 : f32 to vector<16xf32>
      %mul3A_3610 = arith.mulf %mul3A_3609, %get3A_3608 : vector<16xf32>
      %add3A_3611 = arith.addf %add3A_3545, %mul3A_3610 : vector<16xf32>
      %get3A_3612 = arith.constant 19 : i32
      %get3A_3613 = arith.index_cast %get3A_3612 : i32 to index
      %get3A_3614 = arith.constant 48 : index
      %get3A_3615 = tpu.vector_load %arg9[%get3A_3613, %get3A_3614] {strides = array<i32>} : memref<32x128xf32, #tpu.memory_space<vmem>>, vector<1x16xf32>,
      %get3A_3616 = vector.shape_cast %get3A_3615 : vector<1x16xf32> to vector<16xf32>
      %mul3A_3617 = vector.broadcast %squeeze3A_3587 : f32 to vector<16xf32>
      %mul3A_3618 = arith.mulf %mul3A_3617, %get3A_3616 : vector<16xf32>
      %add3A_3619 = arith.addf %add3A_3553, %mul3A_3618 : vector<16xf32>
      %get3A_3620 = arith.constant 19 : i32
      %get3A_3621 = arith.index_cast %get3A_3620 : i32 to index
      %get3A_3622 = arith.constant 64 : index
      %get3A_3623 = tpu.vector_load %arg9[%get3A_3621, %get3A_3622] {strides = array<i32>} : memref<32x128xf32, #tpu.memory_space<vmem>>, vector<1x16xf32>,
      %get3A_3624 = vector.shape_cast %get3A_3623 : vector<1x16xf32> to vector<16xf32>
      %mul3A_3625 = vector.broadcast %squeeze3A_3587 : f32 to vector<16xf32>
      %mul3A_3626 = arith.mulf %mul3A_3625, %get3A_3624 : vector<16xf32>
      %add3A_3627 = arith.addf %add3A_3561, %mul3A_3626 : vector<16xf32>
      %get3A_3628 = arith.constant 19 : i32
      %get3A_3629 = arith.index_cast %get3A_3628 : i32 to index
      %get3A_3630 = arith.constant 80 : index
      %get3A_3631 = tpu.vector_load %arg9[%get3A_3629, %get3A_3630] {strides = array<i32>} : memref<32x128xf32, #tpu.memory_space<vmem>>, vector<1x16xf32>,
      %get3A_3632 = vector.shape_cast %get3A_3631 : vector<1x16xf32> to vector<16xf32>
      %mul3A_3633 = vector.broadcast %squeeze3A_3587 : f32 to vector<16xf32>
      %mul3A_3634 = arith.mulf %mul3A_3633, %get3A_3632 : vector<16xf32>
      %add3A_3635 = arith.addf %add3A_3569, %mul3A_3634 : vector<16xf32>
      %get3A_3636 = arith.constant 19 : i32
      %get3A_3637 = arith.index_cast %get3A_3636 : i32 to index
      %get3A_3638 = arith.constant 96 : index
      %get3A_3639 = tpu.vector_load %arg9[%get3A_3637, %get3A_3638] {strides = array<i32>} : memref<32x128xf32, #tpu.memory_space<vmem>>, vector<1x16xf32>,
      %get3A_3640 = vector.shape_cast %get3A_3639 : vector<1x16xf32> to vector<16xf32>
      %mul3A_3641 = vector.broadcast %squeeze3A_3587 : f32 to vector<16xf32>
      %mul3A_3642 = arith.mulf %mul3A_3641, %get3A_3640 : vector<16xf32>
      %add3A_3643 = arith.addf %add3A_3577, %mul3A_3642 : vector<16xf32>
      %get3A_3644 = arith.constant 19 : i32
      %get3A_3645 = arith.index_cast %get3A_3644 : i32 to index
      %get3A_3646 = arith.constant 112 : index
      %get3A_3647 = tpu.vector_load %arg9[%get3A_3645, %get3A_3646] {strides = array<i32>} : memref<32x128xf32, #tpu.memory_space<vmem>>, vector<1x16xf32>,
      %get3A_3648 = vector.shape_cast %get3A_3647 : vector<1x16xf32> to vector<16xf32>
      %mul3A_3649 = vector.broadcast %squeeze3A_3587 : f32 to vector<16xf32>
      %mul3A_3650 = arith.mulf %mul3A_3649, %get3A_3648 : vector<16xf32>
      %add3A_3651 = arith.addf %add3A_3585, %mul3A_3650 : vector<16xf32>
      %slice3A_3652 = vector.extract_strided_slice %mul3A_2307 {offsets = [4], sizes = [1], strides = [1]} : vector<16xf32> to vector<1xf32>
      %squeeze3A_3653 = vector.extract %slice3A_3652[0] : f32 from vector<1xf32>
      %get3A_3654 = arith.constant 20 : i32
      %get3A_3655 = arith.index_cast %get3A_3654 : i32 to index
      %get3A_3656 = arith.constant 0 : index
      %get3A_3657 = tpu.vector_load %arg9[%get3A_3655, %get3A_3656] {strides = array<i32>} : memref<32x128xf32, #tpu.memory_space<vmem>>, vector<1x16xf32>,
      %get3A_3658 = vector.shape_cast %get3A_3657 : vector<1x16xf32> to vector<16xf32>
      %mul3A_3659 = vector.broadcast %squeeze3A_3653 : f32 to vector<16xf32>
      %mul3A_3660 = arith.mulf %mul3A_3659, %get3A_3658 : vector<16xf32>
      %add3A_3661 = arith.addf %add3A_3595, %mul3A_3660 : vector<16xf32>
      %get3A_3662 = arith.constant 20 : i32
      %get3A_3663 = arith.index_cast %get3A_3662 : i32 to index
      %get3A_3664 = arith.constant 16 : index
      %get3A_3665 = tpu.vector_load %arg9[%get3A_3663, %get3A_3664] {strides = array<i32>} : memref<32x128xf32, #tpu.memory_space<vmem>>, vector<1x16xf32>,
      %get3A_3666 = vector.shape_cast %get3A_3665 : vector<1x16xf32> to vector<16xf32>
      %mul3A_3667 = vector.broadcast %squeeze3A_3653 : f32 to vector<16xf32>
      %mul3A_3668 = arith.mulf %mul3A_3667, %get3A_3666 : vector<16xf32>
      %add3A_3669 = arith.addf %add3A_3603, %mul3A_3668 : vector<16xf32>
      %get3A_3670 = arith.constant 20 : i32
      %get3A_3671 = arith.index_cast %get3A_3670 : i32 to index
      %get3A_3672 = arith.constant 32 : index
      %get3A_3673 = tpu.vector_load %arg9[%get3A_3671, %get3A_3672] {strides = array<i32>} : memref<32x128xf32, #tpu.memory_space<vmem>>, vector<1x16xf32>,
      %get3A_3674 = vector.shape_cast %get3A_3673 : vector<1x16xf32> to vector<16xf32>
      %mul3A_3675 = vector.broadcast %squeeze3A_3653 : f32 to vector<16xf32>
      %mul3A_3676 = arith.mulf %mul3A_3675, %get3A_3674 : vector<16xf32>
      %add3A_3677 = arith.addf %add3A_3611, %mul3A_3676 : vector<16xf32>
      %get3A_3678 = arith.constant 20 : i32
      %get3A_3679 = arith.index_cast %get3A_3678 : i32 to index
      %get3A_3680 = arith.constant 48 : index
      %get3A_3681 = tpu.vector_load %arg9[%get3A_3679, %get3A_3680] {strides = array<i32>} : memref<32x128xf32, #tpu.memory_space<vmem>>, vector<1x16xf32>,
      %get3A_3682 = vector.shape_cast %get3A_3681 : vector<1x16xf32> to vector<16xf32>
      %mul3A_3683 = vector.broadcast %squeeze3A_3653 : f32 to vector<16xf32>
      %mul3A_3684 = arith.mulf %mul3A_3683, %get3A_3682 : vector<16xf32>
      %add3A_3685 = arith.addf %add3A_3619, %mul3A_3684 : vector<16xf32>
      %get3A_3686 = arith.constant 20 : i32
      %get3A_3687 = arith.index_cast %get3A_3686 : i32 to index
      %get3A_3688 = arith.constant 64 : index
      %get3A_3689 = tpu.vector_load %arg9[%get3A_3687, %get3A_3688] {strides = array<i32>} : memref<32x128xf32, #tpu.memory_space<vmem>>, vector<1x16xf32>,
      %get3A_3690 = vector.shape_cast %get3A_3689 : vector<1x16xf32> to vector<16xf32>
      %mul3A_3691 = vector.broadcast %squeeze3A_3653 : f32 to vector<16xf32>
      %mul3A_3692 = arith.mulf %mul3A_3691, %get3A_3690 : vector<16xf32>
      %add3A_3693 = arith.addf %add3A_3627, %mul3A_3692 : vector<16xf32>
      %get3A_3694 = arith.constant 20 : i32
      %get3A_3695 = arith.index_cast %get3A_3694 : i32 to index
      %get3A_3696 = arith.constant 80 : index
      %get3A_3697 = tpu.vector_load %arg9[%get3A_3695, %get3A_3696] {strides = array<i32>} : memref<32x128xf32, #tpu.memory_space<vmem>>, vector<1x16xf32>,
      %get3A_3698 = vector.shape_cast %get3A_3697 : vector<1x16xf32> to vector<16xf32>
      %mul3A_3699 = vector.broadcast %squeeze3A_3653 : f32 to vector<16xf32>
      %mul3A_3700 = arith.mulf %mul3A_3699, %get3A_3698 : vector<16xf32>
      %add3A_3701 = arith.addf %add3A_3635, %mul3A_3700 : vector<16xf32>
      %get3A_3702 = arith.constant 20 : i32
      %get3A_3703 = arith.index_cast %get3A_3702 : i32 to index
      %get3A_3704 = arith.constant 96 : index
      %get3A_3705 = tpu.vector_load %arg9[%get3A_3703, %get3A_3704] {strides = array<i32>} : memref<32x128xf32, #tpu.memory_space<vmem>>, vector<1x16xf32>,
      %get3A_3706 = vector.shape_cast %get3A_3705 : vector<1x16xf32> to vector<16xf32>
      %mul3A_3707 = vector.broadcast %squeeze3A_3653 : f32 to vector<16xf32>
      %mul3A_3708 = arith.mulf %mul3A_3707, %get3A_3706 : vector<16xf32>
      %add3A_3709 = arith.addf %add3A_3643, %mul3A_3708 : vector<16xf32>
      %get3A_3710 = arith.constant 20 : i32
      %get3A_3711 = arith.index_cast %get3A_3710 : i32 to index
      %get3A_3712 = arith.constant 112 : index
      %get3A_3713 = tpu.vector_load %arg9[%get3A_3711, %get3A_3712] {strides = array<i32>} : memref<32x128xf32, #tpu.memory_space<vmem>>, vector<1x16xf32>,
      %get3A_3714 = vector.shape_cast %get3A_3713 : vector<1x16xf32> to vector<16xf32>
      %mul3A_3715 = vector.broadcast %squeeze3A_3653 : f32 to vector<16xf32>
      %mul3A_3716 = arith.mulf %mul3A_3715, %get3A_3714 : vector<16xf32>
      %add3A_3717 = arith.addf %add3A_3651, %mul3A_3716 : vector<16xf32>
      %slice3A_3718 = vector.extract_strided_slice %mul3A_2307 {offsets = [5], sizes = [1], strides = [1]} : vector<16xf32> to vector<1xf32>
      %squeeze3A_3719 = vector.extract %slice3A_3718[0] : f32 from vector<1xf32>
      %get3A_3720 = arith.constant 21 : i32
      %get3A_3721 = arith.index_cast %get3A_3720 : i32 to index
      %get3A_3722 = arith.constant 0 : index
      %get3A_3723 = tpu.vector_load %arg9[%get3A_3721, %get3A_3722] {strides = array<i32>} : memref<32x128xf32, #tpu.memory_space<vmem>>, vector<1x16xf32>,
      %get3A_3724 = vector.shape_cast %get3A_3723 : vector<1x16xf32> to vector<16xf32>
      %mul3A_3725 = vector.broadcast %squeeze3A_3719 : f32 to vector<16xf32>
      %mul3A_3726 = arith.mulf %mul3A_3725, %get3A_3724 : vector<16xf32>
      %add3A_3727 = arith.addf %add3A_3661, %mul3A_3726 : vector<16xf32>
      %get3A_3728 = arith.constant 21 : i32
      %get3A_3729 = arith.index_cast %get3A_3728 : i32 to index
      %get3A_3730 = arith.constant 16 : index
      %get3A_3731 = tpu.vector_load %arg9[%get3A_3729, %get3A_3730] {strides = array<i32>} : memref<32x128xf32, #tpu.memory_space<vmem>>, vector<1x16xf32>,
      %get3A_3732 = vector.shape_cast %get3A_3731 : vector<1x16xf32> to vector<16xf32>
      %mul3A_3733 = vector.broadcast %squeeze3A_3719 : f32 to vector<16xf32>
      %mul3A_3734 = arith.mulf %mul3A_3733, %get3A_3732 : vector<16xf32>
      %add3A_3735 = arith.addf %add3A_3669, %mul3A_3734 : vector<16xf32>
      %get3A_3736 = arith.constant 21 : i32
      %get3A_3737 = arith.index_cast %get3A_3736 : i32 to index
      %get3A_3738 = arith.constant 32 : index
      %get3A_3739 = tpu.vector_load %arg9[%get3A_3737, %get3A_3738] {strides = array<i32>} : memref<32x128xf32, #tpu.memory_space<vmem>>, vector<1x16xf32>,
      %get3A_3740 = vector.shape_cast %get3A_3739 : vector<1x16xf32> to vector<16xf32>
      %mul3A_3741 = vector.broadcast %squeeze3A_3719 : f32 to vector<16xf32>
      %mul3A_3742 = arith.mulf %mul3A_3741, %get3A_3740 : vector<16xf32>
      %add3A_3743 = arith.addf %add3A_3677, %mul3A_3742 : vector<16xf32>
      %get3A_3744 = arith.constant 21 : i32
      %get3A_3745 = arith.index_cast %get3A_3744 : i32 to index
      %get3A_3746 = arith.constant 48 : index
      %get3A_3747 = tpu.vector_load %arg9[%get3A_3745, %get3A_3746] {strides = array<i32>} : memref<32x128xf32, #tpu.memory_space<vmem>>, vector<1x16xf32>,
      %get3A_3748 = vector.shape_cast %get3A_3747 : vector<1x16xf32> to vector<16xf32>
      %mul3A_3749 = vector.broadcast %squeeze3A_3719 : f32 to vector<16xf32>
      %mul3A_3750 = arith.mulf %mul3A_3749, %get3A_3748 : vector<16xf32>
      %add3A_3751 = arith.addf %add3A_3685, %mul3A_3750 : vector<16xf32>
      %get3A_3752 = arith.constant 21 : i32
      %get3A_3753 = arith.index_cast %get3A_3752 : i32 to index
      %get3A_3754 = arith.constant 64 : index
      %get3A_3755 = tpu.vector_load %arg9[%get3A_3753, %get3A_3754] {strides = array<i32>} : memref<32x128xf32, #tpu.memory_space<vmem>>, vector<1x16xf32>,
      %get3A_3756 = vector.shape_cast %get3A_3755 : vector<1x16xf32> to vector<16xf32>
      %mul3A_3757 = vector.broadcast %squeeze3A_3719 : f32 to vector<16xf32>
      %mul3A_3758 = arith.mulf %mul3A_3757, %get3A_3756 : vector<16xf32>
      %add3A_3759 = arith.addf %add3A_3693, %mul3A_3758 : vector<16xf32>
      %get3A_3760 = arith.constant 21 : i32
      %get3A_3761 = arith.index_cast %get3A_3760 : i32 to index
      %get3A_3762 = arith.constant 80 : index
      %get3A_3763 = tpu.vector_load %arg9[%get3A_3761, %get3A_3762] {strides = array<i32>} : memref<32x128xf32, #tpu.memory_space<vmem>>, vector<1x16xf32>,
      %get3A_3764 = vector.shape_cast %get3A_3763 : vector<1x16xf32> to vector<16xf32>
      %mul3A_3765 = vector.broadcast %squeeze3A_3719 : f32 to vector<16xf32>
      %mul3A_3766 = arith.mulf %mul3A_3765, %get3A_3764 : vector<16xf32>
      %add3A_3767 = arith.addf %add3A_3701, %mul3A_3766 : vector<16xf32>
      %get3A_3768 = arith.constant 21 : i32
      %get3A_3769 = arith.index_cast %get3A_3768 : i32 to index
      %get3A_3770 = arith.constant 96 : index
      %get3A_3771 = tpu.vector_load %arg9[%get3A_3769, %get3A_3770] {strides = array<i32>} : memref<32x128xf32, #tpu.memory_space<vmem>>, vector<1x16xf32>,
      %get3A_3772 = vector.shape_cast %get3A_3771 : vector<1x16xf32> to vector<16xf32>
      %mul3A_3773 = vector.broadcast %squeeze3A_3719 : f32 to vector<16xf32>
      %mul3A_3774 = arith.mulf %mul3A_3773, %get3A_3772 : vector<16xf32>
      %add3A_3775 = arith.addf %add3A_3709, %mul3A_3774 : vector<16xf32>
      %get3A_3776 = arith.constant 21 : i32
      %get3A_3777 = arith.index_cast %get3A_3776 : i32 to index
      %get3A_3778 = arith.constant 112 : index
      %get3A_3779 = tpu.vector_load %arg9[%get3A_3777, %get3A_3778] {strides = array<i32>} : memref<32x128xf32, #tpu.memory_space<vmem>>, vector<1x16xf32>,
      %get3A_3780 = vector.shape_cast %get3A_3779 : vector<1x16xf32> to vector<16xf32>
      %mul3A_3781 = vector.broadcast %squeeze3A_3719 : f32 to vector<16xf32>
      %mul3A_3782 = arith.mulf %mul3A_3781, %get3A_3780 : vector<16xf32>
      %add3A_3783 = arith.addf %add3A_3717, %mul3A_3782 : vector<16xf32>
      %slice3A_3784 = vector.extract_strided_slice %mul3A_2307 {offsets = [6], sizes = [1], strides = [1]} : vector<16xf32> to vector<1xf32>
      %squeeze3A_3785 = vector.extract %slice3A_3784[0] : f32 from vector<1xf32>
      %get3A_3786 = arith.constant 22 : i32
      %get3A_3787 = arith.index_cast %get3A_3786 : i32 to index
      %get3A_3788 = arith.constant 0 : index
      %get3A_3789 = tpu.vector_load %arg9[%get3A_3787, %get3A_3788] {strides = array<i32>} : memref<32x128xf32, #tpu.memory_space<vmem>>, vector<1x16xf32>,
      %get3A_3790 = vector.shape_cast %get3A_3789 : vector<1x16xf32> to vector<16xf32>
      %mul3A_3791 = vector.broadcast %squeeze3A_3785 : f32 to vector<16xf32>
      %mul3A_3792 = arith.mulf %mul3A_3791, %get3A_3790 : vector<16xf32>
      %add3A_3793 = arith.addf %add3A_3727, %mul3A_3792 : vector<16xf32>
      %get3A_3794 = arith.constant 22 : i32
      %get3A_3795 = arith.index_cast %get3A_3794 : i32 to index
      %get3A_3796 = arith.constant 16 : index
      %get3A_3797 = tpu.vector_load %arg9[%get3A_3795, %get3A_3796] {strides = array<i32>} : memref<32x128xf32, #tpu.memory_space<vmem>>, vector<1x16xf32>,
      %get3A_3798 = vector.shape_cast %get3A_3797 : vector<1x16xf32> to vector<16xf32>
      %mul3A_3799 = vector.broadcast %squeeze3A_3785 : f32 to vector<16xf32>
      %mul3A_3800 = arith.mulf %mul3A_3799, %get3A_3798 : vector<16xf32>
      %add3A_3801 = arith.addf %add3A_3735, %mul3A_3800 : vector<16xf32>
      %get3A_3802 = arith.constant 22 : i32
      %get3A_3803 = arith.index_cast %get3A_3802 : i32 to index
      %get3A_3804 = arith.constant 32 : index
      %get3A_3805 = tpu.vector_load %arg9[%get3A_3803, %get3A_3804] {strides = array<i32>} : memref<32x128xf32, #tpu.memory_space<vmem>>, vector<1x16xf32>,
      %get3A_3806 = vector.shape_cast %get3A_3805 : vector<1x16xf32> to vector<16xf32>
      %mul3A_3807 = vector.broadcast %squeeze3A_3785 : f32 to vector<16xf32>
      %mul3A_3808 = arith.mulf %mul3A_3807, %get3A_3806 : vector<16xf32>
      %add3A_3809 = arith.addf %add3A_3743, %mul3A_3808 : vector<16xf32>
      %get3A_3810 = arith.constant 22 : i32
      %get3A_3811 = arith.index_cast %get3A_3810 : i32 to index
      %get3A_3812 = arith.constant 48 : index
      %get3A_3813 = tpu.vector_load %arg9[%get3A_3811, %get3A_3812] {strides = array<i32>} : memref<32x128xf32, #tpu.memory_space<vmem>>, vector<1x16xf32>,
      %get3A_3814 = vector.shape_cast %get3A_3813 : vector<1x16xf32> to vector<16xf32>
      %mul3A_3815 = vector.broadcast %squeeze3A_3785 : f32 to vector<16xf32>
      %mul3A_3816 = arith.mulf %mul3A_3815, %get3A_3814 : vector<16xf32>
      %add3A_3817 = arith.addf %add3A_3751, %mul3A_3816 : vector<16xf32>
      %get3A_3818 = arith.constant 22 : i32
      %get3A_3819 = arith.index_cast %get3A_3818 : i32 to index
      %get3A_3820 = arith.constant 64 : index
      %get3A_3821 = tpu.vector_load %arg9[%get3A_3819, %get3A_3820] {strides = array<i32>} : memref<32x128xf32, #tpu.memory_space<vmem>>, vector<1x16xf32>,
      %get3A_3822 = vector.shape_cast %get3A_3821 : vector<1x16xf32> to vector<16xf32>
      %mul3A_3823 = vector.broadcast %squeeze3A_3785 : f32 to vector<16xf32>
      %mul3A_3824 = arith.mulf %mul3A_3823, %get3A_3822 : vector<16xf32>
      %add3A_3825 = arith.addf %add3A_3759, %mul3A_3824 : vector<16xf32>
      %get3A_3826 = arith.constant 22 : i32
      %get3A_3827 = arith.index_cast %get3A_3826 : i32 to index
      %get3A_3828 = arith.constant 80 : index
      %get3A_3829 = tpu.vector_load %arg9[%get3A_3827, %get3A_3828] {strides = array<i32>} : memref<32x128xf32, #tpu.memory_space<vmem>>, vector<1x16xf32>,
      %get3A_3830 = vector.shape_cast %get3A_3829 : vector<1x16xf32> to vector<16xf32>
      %mul3A_3831 = vector.broadcast %squeeze3A_3785 : f32 to vector<16xf32>
      %mul3A_3832 = arith.mulf %mul3A_3831, %get3A_3830 : vector<16xf32>
      %add3A_3833 = arith.addf %add3A_3767, %mul3A_3832 : vector<16xf32>
      %get3A_3834 = arith.constant 22 : i32
      %get3A_3835 = arith.index_cast %get3A_3834 : i32 to index
      %get3A_3836 = arith.constant 96 : index
      %get3A_3837 = tpu.vector_load %arg9[%get3A_3835, %get3A_3836] {strides = array<i32>} : memref<32x128xf32, #tpu.memory_space<vmem>>, vector<1x16xf32>,
      %get3A_3838 = vector.shape_cast %get3A_3837 : vector<1x16xf32> to vector<16xf32>
      %mul3A_3839 = vector.broadcast %squeeze3A_3785 : f32 to vector<16xf32>
      %mul3A_3840 = arith.mulf %mul3A_3839, %get3A_3838 : vector<16xf32>
      %add3A_3841 = arith.addf %add3A_3775, %mul3A_3840 : vector<16xf32>
      %get3A_3842 = arith.constant 22 : i32
      %get3A_3843 = arith.index_cast %get3A_3842 : i32 to index
      %get3A_3844 = arith.constant 112 : index
      %get3A_3845 = tpu.vector_load %arg9[%get3A_3843, %get3A_3844] {strides = array<i32>} : memref<32x128xf32, #tpu.memory_space<vmem>>, vector<1x16xf32>,
      %get3A_3846 = vector.shape_cast %get3A_3845 : vector<1x16xf32> to vector<16xf32>
      %mul3A_3847 = vector.broadcast %squeeze3A_3785 : f32 to vector<16xf32>
      %mul3A_3848 = arith.mulf %mul3A_3847, %get3A_3846 : vector<16xf32>
      %add3A_3849 = arith.addf %add3A_3783, %mul3A_3848 : vector<16xf32>
      %slice3A_3850 = vector.extract_strided_slice %mul3A_2307 {offsets = [7], sizes = [1], strides = [1]} : vector<16xf32> to vector<1xf32>
      %squeeze3A_3851 = vector.extract %slice3A_3850[0] : f32 from vector<1xf32>
      %get3A_3852 = arith.constant 23 : i32
      %get3A_3853 = arith.index_cast %get3A_3852 : i32 to index
      %get3A_3854 = arith.constant 0 : index
      %get3A_3855 = tpu.vector_load %arg9[%get3A_3853, %get3A_3854] {strides = array<i32>} : memref<32x128xf32, #tpu.memory_space<vmem>>, vector<1x16xf32>,
      %get3A_3856 = vector.shape_cast %get3A_3855 : vector<1x16xf32> to vector<16xf32>
      %mul3A_3857 = vector.broadcast %squeeze3A_3851 : f32 to vector<16xf32>
      %mul3A_3858 = arith.mulf %mul3A_3857, %get3A_3856 : vector<16xf32>
      %add3A_3859 = arith.addf %add3A_3793, %mul3A_3858 : vector<16xf32>
      %get3A_3860 = arith.constant 23 : i32
      %get3A_3861 = arith.index_cast %get3A_3860 : i32 to index
      %get3A_3862 = arith.constant 16 : index
      %get3A_3863 = tpu.vector_load %arg9[%get3A_3861, %get3A_3862] {strides = array<i32>} : memref<32x128xf32, #tpu.memory_space<vmem>>, vector<1x16xf32>,
      %get3A_3864 = vector.shape_cast %get3A_3863 : vector<1x16xf32> to vector<16xf32>
      %mul3A_3865 = vector.broadcast %squeeze3A_3851 : f32 to vector<16xf32>
      %mul3A_3866 = arith.mulf %mul3A_3865, %get3A_3864 : vector<16xf32>
      %add3A_3867 = arith.addf %add3A_3801, %mul3A_3866 : vector<16xf32>
      %get3A_3868 = arith.constant 23 : i32
      %get3A_3869 = arith.index_cast %get3A_3868 : i32 to index
      %get3A_3870 = arith.constant 32 : index
      %get3A_3871 = tpu.vector_load %arg9[%get3A_3869, %get3A_3870] {strides = array<i32>} : memref<32x128xf32, #tpu.memory_space<vmem>>, vector<1x16xf32>,
      %get3A_3872 = vector.shape_cast %get3A_3871 : vector<1x16xf32> to vector<16xf32>
      %mul3A_3873 = vector.broadcast %squeeze3A_3851 : f32 to vector<16xf32>
      %mul3A_3874 = arith.mulf %mul3A_3873, %get3A_3872 : vector<16xf32>
      %add3A_3875 = arith.addf %add3A_3809, %mul3A_3874 : vector<16xf32>
      %get3A_3876 = arith.constant 23 : i32
      %get3A_3877 = arith.index_cast %get3A_3876 : i32 to index
      %get3A_3878 = arith.constant 48 : index
      %get3A_3879 = tpu.vector_load %arg9[%get3A_3877, %get3A_3878] {strides = array<i32>} : memref<32x128xf32, #tpu.memory_space<vmem>>, vector<1x16xf32>,
      %get3A_3880 = vector.shape_cast %get3A_3879 : vector<1x16xf32> to vector<16xf32>
      %mul3A_3881 = vector.broadcast %squeeze3A_3851 : f32 to vector<16xf32>
      %mul3A_3882 = arith.mulf %mul3A_3881, %get3A_3880 : vector<16xf32>
      %add3A_3883 = arith.addf %add3A_3817, %mul3A_3882 : vector<16xf32>
      %get3A_3884 = arith.constant 23 : i32
      %get3A_3885 = arith.index_cast %get3A_3884 : i32 to index
      %get3A_3886 = arith.constant 64 : index
      %get3A_3887 = tpu.vector_load %arg9[%get3A_3885, %get3A_3886] {strides = array<i32>} : memref<32x128xf32, #tpu.memory_space<vmem>>, vector<1x16xf32>,
      %get3A_3888 = vector.shape_cast %get3A_3887 : vector<1x16xf32> to vector<16xf32>
      %mul3A_3889 = vector.broadcast %squeeze3A_3851 : f32 to vector<16xf32>
      %mul3A_3890 = arith.mulf %mul3A_3889, %get3A_3888 : vector<16xf32>
      %add3A_3891 = arith.addf %add3A_3825, %mul3A_3890 : vector<16xf32>
      %get3A_3892 = arith.constant 23 : i32
      %get3A_3893 = arith.index_cast %get3A_3892 : i32 to index
      %get3A_3894 = arith.constant 80 : index
      %get3A_3895 = tpu.vector_load %arg9[%get3A_3893, %get3A_3894] {strides = array<i32>} : memref<32x128xf32, #tpu.memory_space<vmem>>, vector<1x16xf32>,
      %get3A_3896 = vector.shape_cast %get3A_3895 : vector<1x16xf32> to vector<16xf32>
      %mul3A_3897 = vector.broadcast %squeeze3A_3851 : f32 to vector<16xf32>
      %mul3A_3898 = arith.mulf %mul3A_3897, %get3A_3896 : vector<16xf32>
      %add3A_3899 = arith.addf %add3A_3833, %mul3A_3898 : vector<16xf32>
      %get3A_3900 = arith.constant 23 : i32
      %get3A_3901 = arith.index_cast %get3A_3900 : i32 to index
      %get3A_3902 = arith.constant 96 : index
      %get3A_3903 = tpu.vector_load %arg9[%get3A_3901, %get3A_3902] {strides = array<i32>} : memref<32x128xf32, #tpu.memory_space<vmem>>, vector<1x16xf32>,
      %get3A_3904 = vector.shape_cast %get3A_3903 : vector<1x16xf32> to vector<16xf32>
      %mul3A_3905 = vector.broadcast %squeeze3A_3851 : f32 to vector<16xf32>
      %mul3A_3906 = arith.mulf %mul3A_3905, %get3A_3904 : vector<16xf32>
      %add3A_3907 = arith.addf %add3A_3841, %mul3A_3906 : vector<16xf32>
      %get3A_3908 = arith.constant 23 : i32
      %get3A_3909 = arith.index_cast %get3A_3908 : i32 to index
      %get3A_3910 = arith.constant 112 : index
      %get3A_3911 = tpu.vector_load %arg9[%get3A_3909, %get3A_3910] {strides = array<i32>} : memref<32x128xf32, #tpu.memory_space<vmem>>, vector<1x16xf32>,
      %get3A_3912 = vector.shape_cast %get3A_3911 : vector<1x16xf32> to vector<16xf32>
      %mul3A_3913 = vector.broadcast %squeeze3A_3851 : f32 to vector<16xf32>
      %mul3A_3914 = arith.mulf %mul3A_3913, %get3A_3912 : vector<16xf32>
      %add3A_3915 = arith.addf %add3A_3849, %mul3A_3914 : vector<16xf32>
      %slice3A_3916 = vector.extract_strided_slice %mul3A_2307 {offsets = [8], sizes = [1], strides = [1]} : vector<16xf32> to vector<1xf32>
      %squeeze3A_3917 = vector.extract %slice3A_3916[0] : f32 from vector<1xf32>
      %get3A_3918 = arith.constant 24 : i32
      %get3A_3919 = arith.index_cast %get3A_3918 : i32 to index
      %get3A_3920 = arith.constant 0 : index
      %get3A_3921 = tpu.vector_load %arg9[%get3A_3919, %get3A_3920] {strides = array<i32>} : memref<32x128xf32, #tpu.memory_space<vmem>>, vector<1x16xf32>,
      %get3A_3922 = vector.shape_cast %get3A_3921 : vector<1x16xf32> to vector<16xf32>
      %mul3A_3923 = vector.broadcast %squeeze3A_3917 : f32 to vector<16xf32>
      %mul3A_3924 = arith.mulf %mul3A_3923, %get3A_3922 : vector<16xf32>
      %add3A_3925 = arith.addf %add3A_3859, %mul3A_3924 : vector<16xf32>
      %get3A_3926 = arith.constant 24 : i32
      %get3A_3927 = arith.index_cast %get3A_3926 : i32 to index
      %get3A_3928 = arith.constant 16 : index
      %get3A_3929 = tpu.vector_load %arg9[%get3A_3927, %get3A_3928] {strides = array<i32>} : memref<32x128xf32, #tpu.memory_space<vmem>>, vector<1x16xf32>,
      %get3A_3930 = vector.shape_cast %get3A_3929 : vector<1x16xf32> to vector<16xf32>
      %mul3A_3931 = vector.broadcast %squeeze3A_3917 : f32 to vector<16xf32>
      %mul3A_3932 = arith.mulf %mul3A_3931, %get3A_3930 : vector<16xf32>
      %add3A_3933 = arith.addf %add3A_3867, %mul3A_3932 : vector<16xf32>
      %get3A_3934 = arith.constant 24 : i32
      %get3A_3935 = arith.index_cast %get3A_3934 : i32 to index
      %get3A_3936 = arith.constant 32 : index
      %get3A_3937 = tpu.vector_load %arg9[%get3A_3935, %get3A_3936] {strides = array<i32>} : memref<32x128xf32, #tpu.memory_space<vmem>>, vector<1x16xf32>,
      %get3A_3938 = vector.shape_cast %get3A_3937 : vector<1x16xf32> to vector<16xf32>
      %mul3A_3939 = vector.broadcast %squeeze3A_3917 : f32 to vector<16xf32>
      %mul3A_3940 = arith.mulf %mul3A_3939, %get3A_3938 : vector<16xf32>
      %add3A_3941 = arith.addf %add3A_3875, %mul3A_3940 : vector<16xf32>
      %get3A_3942 = arith.constant 24 : i32
      %get3A_3943 = arith.index_cast %get3A_3942 : i32 to index
      %get3A_3944 = arith.constant 48 : index
      %get3A_3945 = tpu.vector_load %arg9[%get3A_3943, %get3A_3944] {strides = array<i32>} : memref<32x128xf32, #tpu.memory_space<vmem>>, vector<1x16xf32>,
      %get3A_3946 = vector.shape_cast %get3A_3945 : vector<1x16xf32> to vector<16xf32>
      %mul3A_3947 = vector.broadcast %squeeze3A_3917 : f32 to vector<16xf32>
      %mul3A_3948 = arith.mulf %mul3A_3947, %get3A_3946 : vector<16xf32>
      %add3A_3949 = arith.addf %add3A_3883, %mul3A_3948 : vector<16xf32>
      %get3A_3950 = arith.constant 24 : i32
      %get3A_3951 = arith.index_cast %get3A_3950 : i32 to index
      %get3A_3952 = arith.constant 64 : index
      %get3A_3953 = tpu.vector_load %arg9[%get3A_3951, %get3A_3952] {strides = array<i32>} : memref<32x128xf32, #tpu.memory_space<vmem>>, vector<1x16xf32>,
      %get3A_3954 = vector.shape_cast %get3A_3953 : vector<1x16xf32> to vector<16xf32>
      %mul3A_3955 = vector.broadcast %squeeze3A_3917 : f32 to vector<16xf32>
      %mul3A_3956 = arith.mulf %mul3A_3955, %get3A_3954 : vector<16xf32>
      %add3A_3957 = arith.addf %add3A_3891, %mul3A_3956 : vector<16xf32>
      %get3A_3958 = arith.constant 24 : i32
      %get3A_3959 = arith.index_cast %get3A_3958 : i32 to index
      %get3A_3960 = arith.constant 80 : index
      %get3A_3961 = tpu.vector_load %arg9[%get3A_3959, %get3A_3960] {strides = array<i32>} : memref<32x128xf32, #tpu.memory_space<vmem>>, vector<1x16xf32>,
      %get3A_3962 = vector.shape_cast %get3A_3961 : vector<1x16xf32> to vector<16xf32>
      %mul3A_3963 = vector.broadcast %squeeze3A_3917 : f32 to vector<16xf32>
      %mul3A_3964 = arith.mulf %mul3A_3963, %get3A_3962 : vector<16xf32>
      %add3A_3965 = arith.addf %add3A_3899, %mul3A_3964 : vector<16xf32>
      %get3A_3966 = arith.constant 24 : i32
      %get3A_3967 = arith.index_cast %get3A_3966 : i32 to index
      %get3A_3968 = arith.constant 96 : index
      %get3A_3969 = tpu.vector_load %arg9[%get3A_3967, %get3A_3968] {strides = array<i32>} : memref<32x128xf32, #tpu.memory_space<vmem>>, vector<1x16xf32>,
      %get3A_3970 = vector.shape_cast %get3A_3969 : vector<1x16xf32> to vector<16xf32>
      %mul3A_3971 = vector.broadcast %squeeze3A_3917 : f32 to vector<16xf32>
      %mul3A_3972 = arith.mulf %mul3A_3971, %get3A_3970 : vector<16xf32>
      %add3A_3973 = arith.addf %add3A_3907, %mul3A_3972 : vector<16xf32>
      %get3A_3974 = arith.constant 24 : i32
      %get3A_3975 = arith.index_cast %get3A_3974 : i32 to index
      %get3A_3976 = arith.constant 112 : index
      %get3A_3977 = tpu.vector_load %arg9[%get3A_3975, %get3A_3976] {strides = array<i32>} : memref<32x128xf32, #tpu.memory_space<vmem>>, vector<1x16xf32>,
      %get3A_3978 = vector.shape_cast %get3A_3977 : vector<1x16xf32> to vector<16xf32>
      %mul3A_3979 = vector.broadcast %squeeze3A_3917 : f32 to vector<16xf32>
      %mul3A_3980 = arith.mulf %mul3A_3979, %get3A_3978 : vector<16xf32>
      %add3A_3981 = arith.addf %add3A_3915, %mul3A_3980 : vector<16xf32>
      %slice3A_3982 = vector.extract_strided_slice %mul3A_2307 {offsets = [9], sizes = [1], strides = [1]} : vector<16xf32> to vector<1xf32>
      %squeeze3A_3983 = vector.extract %slice3A_3982[0] : f32 from vector<1xf32>
      %get3A_3984 = arith.constant 25 : i32
      %get3A_3985 = arith.index_cast %get3A_3984 : i32 to index
      %get3A_3986 = arith.constant 0 : index
      %get3A_3987 = tpu.vector_load %arg9[%get3A_3985, %get3A_3986] {strides = array<i32>} : memref<32x128xf32, #tpu.memory_space<vmem>>, vector<1x16xf32>,
      %get3A_3988 = vector.shape_cast %get3A_3987 : vector<1x16xf32> to vector<16xf32>
      %mul3A_3989 = vector.broadcast %squeeze3A_3983 : f32 to vector<16xf32>
      %mul3A_3990 = arith.mulf %mul3A_3989, %get3A_3988 : vector<16xf32>
      %add3A_3991 = arith.addf %add3A_3925, %mul3A_3990 : vector<16xf32>
      %get3A_3992 = arith.constant 25 : i32
      %get3A_3993 = arith.index_cast %get3A_3992 : i32 to index
      %get3A_3994 = arith.constant 16 : index
      %get3A_3995 = tpu.vector_load %arg9[%get3A_3993, %get3A_3994] {strides = array<i32>} : memref<32x128xf32, #tpu.memory_space<vmem>>, vector<1x16xf32>,
      %get3A_3996 = vector.shape_cast %get3A_3995 : vector<1x16xf32> to vector<16xf32>
      %mul3A_3997 = vector.broadcast %squeeze3A_3983 : f32 to vector<16xf32>
      %mul3A_3998 = arith.mulf %mul3A_3997, %get3A_3996 : vector<16xf32>
      %add3A_3999 = arith.addf %add3A_3933, %mul3A_3998 : vector<16xf32>
      %get3A_4000 = arith.constant 25 : i32
      %get3A_4001 = arith.index_cast %get3A_4000 : i32 to index
      %get3A_4002 = arith.constant 32 : index
      %get3A_4003 = tpu.vector_load %arg9[%get3A_4001, %get3A_4002] {strides = array<i32>} : memref<32x128xf32, #tpu.memory_space<vmem>>, vector<1x16xf32>,
      %get3A_4004 = vector.shape_cast %get3A_4003 : vector<1x16xf32> to vector<16xf32>
      %mul3A_4005 = vector.broadcast %squeeze3A_3983 : f32 to vector<16xf32>
      %mul3A_4006 = arith.mulf %mul3A_4005, %get3A_4004 : vector<16xf32>
      %add3A_4007 = arith.addf %add3A_3941, %mul3A_4006 : vector<16xf32>
      %get3A_4008 = arith.constant 25 : i32
      %get3A_4009 = arith.index_cast %get3A_4008 : i32 to index
      %get3A_4010 = arith.constant 48 : index
      %get3A_4011 = tpu.vector_load %arg9[%get3A_4009, %get3A_4010] {strides = array<i32>} : memref<32x128xf32, #tpu.memory_space<vmem>>, vector<1x16xf32>,
      %get3A_4012 = vector.shape_cast %get3A_4011 : vector<1x16xf32> to vector<16xf32>
      %mul3A_4013 = vector.broadcast %squeeze3A_3983 : f32 to vector<16xf32>
      %mul3A_4014 = arith.mulf %mul3A_4013, %get3A_4012 : vector<16xf32>
      %add3A_4015 = arith.addf %add3A_3949, %mul3A_4014 : vector<16xf32>
      %get3A_4016 = arith.constant 25 : i32
      %get3A_4017 = arith.index_cast %get3A_4016 : i32 to index
      %get3A_4018 = arith.constant 64 : index
      %get3A_4019 = tpu.vector_load %arg9[%get3A_4017, %get3A_4018] {strides = array<i32>} : memref<32x128xf32, #tpu.memory_space<vmem>>, vector<1x16xf32>,
      %get3A_4020 = vector.shape_cast %get3A_4019 : vector<1x16xf32> to vector<16xf32>
      %mul3A_4021 = vector.broadcast %squeeze3A_3983 : f32 to vector<16xf32>
      %mul3A_4022 = arith.mulf %mul3A_4021, %get3A_4020 : vector<16xf32>
      %add3A_4023 = arith.addf %add3A_3957, %mul3A_4022 : vector<16xf32>
      %get3A_4024 = arith.constant 25 : i32
      %get3A_4025 = arith.index_cast %get3A_4024 : i32 to index
      %get3A_4026 = arith.constant 80 : index
      %get3A_4027 = tpu.vector_load %arg9[%get3A_4025, %get3A_4026] {strides = array<i32>} : memref<32x128xf32, #tpu.memory_space<vmem>>, vector<1x16xf32>,
      %get3A_4028 = vector.shape_cast %get3A_4027 : vector<1x16xf32> to vector<16xf32>
      %mul3A_4029 = vector.broadcast %squeeze3A_3983 : f32 to vector<16xf32>
      %mul3A_4030 = arith.mulf %mul3A_4029, %get3A_4028 : vector<16xf32>
      %add3A_4031 = arith.addf %add3A_3965, %mul3A_4030 : vector<16xf32>
      %get3A_4032 = arith.constant 25 : i32
      %get3A_4033 = arith.index_cast %get3A_4032 : i32 to index
      %get3A_4034 = arith.constant 96 : index
      %get3A_4035 = tpu.vector_load %arg9[%get3A_4033, %get3A_4034] {strides = array<i32>} : memref<32x128xf32, #tpu.memory_space<vmem>>, vector<1x16xf32>,
      %get3A_4036 = vector.shape_cast %get3A_4035 : vector<1x16xf32> to vector<16xf32>
      %mul3A_4037 = vector.broadcast %squeeze3A_3983 : f32 to vector<16xf32>
      %mul3A_4038 = arith.mulf %mul3A_4037, %get3A_4036 : vector<16xf32>
      %add3A_4039 = arith.addf %add3A_3973, %mul3A_4038 : vector<16xf32>
      %get3A_4040 = arith.constant 25 : i32
      %get3A_4041 = arith.index_cast %get3A_4040 : i32 to index
      %get3A_4042 = arith.constant 112 : index
      %get3A_4043 = tpu.vector_load %arg9[%get3A_4041, %get3A_4042] {strides = array<i32>} : memref<32x128xf32, #tpu.memory_space<vmem>>, vector<1x16xf32>,
      %get3A_4044 = vector.shape_cast %get3A_4043 : vector<1x16xf32> to vector<16xf32>
      %mul3A_4045 = vector.broadcast %squeeze3A_3983 : f32 to vector<16xf32>
      %mul3A_4046 = arith.mulf %mul3A_4045, %get3A_4044 : vector<16xf32>
      %add3A_4047 = arith.addf %add3A_3981, %mul3A_4046 : vector<16xf32>
      %slice3A_4048 = vector.extract_strided_slice %mul3A_2307 {offsets = [10], sizes = [1], strides = [1]} : vector<16xf32> to vector<1xf32>
      %squeeze3A_4049 = vector.extract %slice3A_4048[0] : f32 from vector<1xf32>
      %get3A_4050 = arith.constant 26 : i32
      %get3A_4051 = arith.index_cast %get3A_4050 : i32 to index
      %get3A_4052 = arith.constant 0 : index
      %get3A_4053 = tpu.vector_load %arg9[%get3A_4051, %get3A_4052] {strides = array<i32>} : memref<32x128xf32, #tpu.memory_space<vmem>>, vector<1x16xf32>,
      %get3A_4054 = vector.shape_cast %get3A_4053 : vector<1x16xf32> to vector<16xf32>
      %mul3A_4055 = vector.broadcast %squeeze3A_4049 : f32 to vector<16xf32>
      %mul3A_4056 = arith.mulf %mul3A_4055, %get3A_4054 : vector<16xf32>
      %add3A_4057 = arith.addf %add3A_3991, %mul3A_4056 : vector<16xf32>
      %get3A_4058 = arith.constant 26 : i32
      %get3A_4059 = arith.index_cast %get3A_4058 : i32 to index
      %get3A_4060 = arith.constant 16 : index
      %get3A_4061 = tpu.vector_load %arg9[%get3A_4059, %get3A_4060] {strides = array<i32>} : memref<32x128xf32, #tpu.memory_space<vmem>>, vector<1x16xf32>,
      %get3A_4062 = vector.shape_cast %get3A_4061 : vector<1x16xf32> to vector<16xf32>
      %mul3A_4063 = vector.broadcast %squeeze3A_4049 : f32 to vector<16xf32>
      %mul3A_4064 = arith.mulf %mul3A_4063, %get3A_4062 : vector<16xf32>
      %add3A_4065 = arith.addf %add3A_3999, %mul3A_4064 : vector<16xf32>
      %get3A_4066 = arith.constant 26 : i32
      %get3A_4067 = arith.index_cast %get3A_4066 : i32 to index
      %get3A_4068 = arith.constant 32 : index
      %get3A_4069 = tpu.vector_load %arg9[%get3A_4067, %get3A_4068] {strides = array<i32>} : memref<32x128xf32, #tpu.memory_space<vmem>>, vector<1x16xf32>,
      %get3A_4070 = vector.shape_cast %get3A_4069 : vector<1x16xf32> to vector<16xf32>
      %mul3A_4071 = vector.broadcast %squeeze3A_4049 : f32 to vector<16xf32>
      %mul3A_4072 = arith.mulf %mul3A_4071, %get3A_4070 : vector<16xf32>
      %add3A_4073 = arith.addf %add3A_4007, %mul3A_4072 : vector<16xf32>
      %get3A_4074 = arith.constant 26 : i32
      %get3A_4075 = arith.index_cast %get3A_4074 : i32 to index
      %get3A_4076 = arith.constant 48 : index
      %get3A_4077 = tpu.vector_load %arg9[%get3A_4075, %get3A_4076] {strides = array<i32>} : memref<32x128xf32, #tpu.memory_space<vmem>>, vector<1x16xf32>,
      %get3A_4078 = vector.shape_cast %get3A_4077 : vector<1x16xf32> to vector<16xf32>
      %mul3A_4079 = vector.broadcast %squeeze3A_4049 : f32 to vector<16xf32>
      %mul3A_4080 = arith.mulf %mul3A_4079, %get3A_4078 : vector<16xf32>
      %add3A_4081 = arith.addf %add3A_4015, %mul3A_4080 : vector<16xf32>
      %get3A_4082 = arith.constant 26 : i32
      %get3A_4083 = arith.index_cast %get3A_4082 : i32 to index
      %get3A_4084 = arith.constant 64 : index
      %get3A_4085 = tpu.vector_load %arg9[%get3A_4083, %get3A_4084] {strides = array<i32>} : memref<32x128xf32, #tpu.memory_space<vmem>>, vector<1x16xf32>,
      %get3A_4086 = vector.shape_cast %get3A_4085 : vector<1x16xf32> to vector<16xf32>
      %mul3A_4087 = vector.broadcast %squeeze3A_4049 : f32 to vector<16xf32>
      %mul3A_4088 = arith.mulf %mul3A_4087, %get3A_4086 : vector<16xf32>
      %add3A_4089 = arith.addf %add3A_4023, %mul3A_4088 : vector<16xf32>
      %get3A_4090 = arith.constant 26 : i32
      %get3A_4091 = arith.index_cast %get3A_4090 : i32 to index
      %get3A_4092 = arith.constant 80 : index
      %get3A_4093 = tpu.vector_load %arg9[%get3A_4091, %get3A_4092] {strides = array<i32>} : memref<32x128xf32, #tpu.memory_space<vmem>>, vector<1x16xf32>,
      %get3A_4094 = vector.shape_cast %get3A_4093 : vector<1x16xf32> to vector<16xf32>
      %mul3A_4095 = vector.broadcast %squeeze3A_4049 : f32 to vector<16xf32>
      %mul3A_4096 = arith.mulf %mul3A_4095, %get3A_4094 : vector<16xf32>
      %add3A_4097 = arith.addf %add3A_4031, %mul3A_4096 : vector<16xf32>
      %get3A_4098 = arith.constant 26 : i32
      %get3A_4099 = arith.index_cast %get3A_4098 : i32 to index
      %get3A_4100 = arith.constant 96 : index
      %get3A_4101 = tpu.vector_load %arg9[%get3A_4099, %get3A_4100] {strides = array<i32>} : memref<32x128xf32, #tpu.memory_space<vmem>>, vector<1x16xf32>,
      %get3A_4102 = vector.shape_cast %get3A_4101 : vector<1x16xf32> to vector<16xf32>
      %mul3A_4103 = vector.broadcast %squeeze3A_4049 : f32 to vector<16xf32>
      %mul3A_4104 = arith.mulf %mul3A_4103, %get3A_4102 : vector<16xf32>
      %add3A_4105 = arith.addf %add3A_4039, %mul3A_4104 : vector<16xf32>
      %get3A_4106 = arith.constant 26 : i32
      %get3A_4107 = arith.index_cast %get3A_4106 : i32 to index
      %get3A_4108 = arith.constant 112 : index
      %get3A_4109 = tpu.vector_load %arg9[%get3A_4107, %get3A_4108] {strides = array<i32>} : memref<32x128xf32, #tpu.memory_space<vmem>>, vector<1x16xf32>,
      %get3A_4110 = vector.shape_cast %get3A_4109 : vector<1x16xf32> to vector<16xf32>
      %mul3A_4111 = vector.broadcast %squeeze3A_4049 : f32 to vector<16xf32>
      %mul3A_4112 = arith.mulf %mul3A_4111, %get3A_4110 : vector<16xf32>
      %add3A_4113 = arith.addf %add3A_4047, %mul3A_4112 : vector<16xf32>
      %slice3A_4114 = vector.extract_strided_slice %mul3A_2307 {offsets = [11], sizes = [1], strides = [1]} : vector<16xf32> to vector<1xf32>
      %squeeze3A_4115 = vector.extract %slice3A_4114[0] : f32 from vector<1xf32>
      %get3A_4116 = arith.constant 27 : i32
      %get3A_4117 = arith.index_cast %get3A_4116 : i32 to index
      %get3A_4118 = arith.constant 0 : index
      %get3A_4119 = tpu.vector_load %arg9[%get3A_4117, %get3A_4118] {strides = array<i32>} : memref<32x128xf32, #tpu.memory_space<vmem>>, vector<1x16xf32>,
      %get3A_4120 = vector.shape_cast %get3A_4119 : vector<1x16xf32> to vector<16xf32>
      %mul3A_4121 = vector.broadcast %squeeze3A_4115 : f32 to vector<16xf32>
      %mul3A_4122 = arith.mulf %mul3A_4121, %get3A_4120 : vector<16xf32>
      %add3A_4123 = arith.addf %add3A_4057, %mul3A_4122 : vector<16xf32>
      %get3A_4124 = arith.constant 27 : i32
      %get3A_4125 = arith.index_cast %get3A_4124 : i32 to index
      %get3A_4126 = arith.constant 16 : index
      %get3A_4127 = tpu.vector_load %arg9[%get3A_4125, %get3A_4126] {strides = array<i32>} : memref<32x128xf32, #tpu.memory_space<vmem>>, vector<1x16xf32>,
      %get3A_4128 = vector.shape_cast %get3A_4127 : vector<1x16xf32> to vector<16xf32>
      %mul3A_4129 = vector.broadcast %squeeze3A_4115 : f32 to vector<16xf32>
      %mul3A_4130 = arith.mulf %mul3A_4129, %get3A_4128 : vector<16xf32>
      %add3A_4131 = arith.addf %add3A_4065, %mul3A_4130 : vector<16xf32>
      %get3A_4132 = arith.constant 27 : i32
      %get3A_4133 = arith.index_cast %get3A_4132 : i32 to index
      %get3A_4134 = arith.constant 32 : index
      %get3A_4135 = tpu.vector_load %arg9[%get3A_4133, %get3A_4134] {strides = array<i32>} : memref<32x128xf32, #tpu.memory_space<vmem>>, vector<1x16xf32>,
      %get3A_4136 = vector.shape_cast %get3A_4135 : vector<1x16xf32> to vector<16xf32>
      %mul3A_4137 = vector.broadcast %squeeze3A_4115 : f32 to vector<16xf32>
      %mul3A_4138 = arith.mulf %mul3A_4137, %get3A_4136 : vector<16xf32>
      %add3A_4139 = arith.addf %add3A_4073, %mul3A_4138 : vector<16xf32>
      %get3A_4140 = arith.constant 27 : i32
      %get3A_4141 = arith.index_cast %get3A_4140 : i32 to index
      %get3A_4142 = arith.constant 48 : index
      %get3A_4143 = tpu.vector_load %arg9[%get3A_4141, %get3A_4142] {strides = array<i32>} : memref<32x128xf32, #tpu.memory_space<vmem>>, vector<1x16xf32>,
      %get3A_4144 = vector.shape_cast %get3A_4143 : vector<1x16xf32> to vector<16xf32>
      %mul3A_4145 = vector.broadcast %squeeze3A_4115 : f32 to vector<16xf32>
      %mul3A_4146 = arith.mulf %mul3A_4145, %get3A_4144 : vector<16xf32>
      %add3A_4147 = arith.addf %add3A_4081, %mul3A_4146 : vector<16xf32>
      %get3A_4148 = arith.constant 27 : i32
      %get3A_4149 = arith.index_cast %get3A_4148 : i32 to index
      %get3A_4150 = arith.constant 64 : index
      %get3A_4151 = tpu.vector_load %arg9[%get3A_4149, %get3A_4150] {strides = array<i32>} : memref<32x128xf32, #tpu.memory_space<vmem>>, vector<1x16xf32>,
      %get3A_4152 = vector.shape_cast %get3A_4151 : vector<1x16xf32> to vector<16xf32>
      %mul3A_4153 = vector.broadcast %squeeze3A_4115 : f32 to vector<16xf32>
      %mul3A_4154 = arith.mulf %mul3A_4153, %get3A_4152 : vector<16xf32>
      %add3A_4155 = arith.addf %add3A_4089, %mul3A_4154 : vector<16xf32>
      %get3A_4156 = arith.constant 27 : i32
      %get3A_4157 = arith.index_cast %get3A_4156 : i32 to index
      %get3A_4158 = arith.constant 80 : index
      %get3A_4159 = tpu.vector_load %arg9[%get3A_4157, %get3A_4158] {strides = array<i32>} : memref<32x128xf32, #tpu.memory_space<vmem>>, vector<1x16xf32>,
      %get3A_4160 = vector.shape_cast %get3A_4159 : vector<1x16xf32> to vector<16xf32>
      %mul3A_4161 = vector.broadcast %squeeze3A_4115 : f32 to vector<16xf32>
      %mul3A_4162 = arith.mulf %mul3A_4161, %get3A_4160 : vector<16xf32>
      %add3A_4163 = arith.addf %add3A_4097, %mul3A_4162 : vector<16xf32>
      %get3A_4164 = arith.constant 27 : i32
      %get3A_4165 = arith.index_cast %get3A_4164 : i32 to index
      %get3A_4166 = arith.constant 96 : index
      %get3A_4167 = tpu.vector_load %arg9[%get3A_4165, %get3A_4166] {strides = array<i32>} : memref<32x128xf32, #tpu.memory_space<vmem>>, vector<1x16xf32>,
      %get3A_4168 = vector.shape_cast %get3A_4167 : vector<1x16xf32> to vector<16xf32>
      %mul3A_4169 = vector.broadcast %squeeze3A_4115 : f32 to vector<16xf32>
      %mul3A_4170 = arith.mulf %mul3A_4169, %get3A_4168 : vector<16xf32>
      %add3A_4171 = arith.addf %add3A_4105, %mul3A_4170 : vector<16xf32>
      %get3A_4172 = arith.constant 27 : i32
      %get3A_4173 = arith.index_cast %get3A_4172 : i32 to index
      %get3A_4174 = arith.constant 112 : index
      %get3A_4175 = tpu.vector_load %arg9[%get3A_4173, %get3A_4174] {strides = array<i32>} : memref<32x128xf32, #tpu.memory_space<vmem>>, vector<1x16xf32>,
      %get3A_4176 = vector.shape_cast %get3A_4175 : vector<1x16xf32> to vector<16xf32>
      %mul3A_4177 = vector.broadcast %squeeze3A_4115 : f32 to vector<16xf32>
      %mul3A_4178 = arith.mulf %mul3A_4177, %get3A_4176 : vector<16xf32>
      %add3A_4179 = arith.addf %add3A_4113, %mul3A_4178 : vector<16xf32>
      %slice3A_4180 = vector.extract_strided_slice %mul3A_2307 {offsets = [12], sizes = [1], strides = [1]} : vector<16xf32> to vector<1xf32>
      %squeeze3A_4181 = vector.extract %slice3A_4180[0] : f32 from vector<1xf32>
      %get3A_4182 = arith.constant 28 : i32
      %get3A_4183 = arith.index_cast %get3A_4182 : i32 to index
      %get3A_4184 = arith.constant 0 : index
      %get3A_4185 = tpu.vector_load %arg9[%get3A_4183, %get3A_4184] {strides = array<i32>} : memref<32x128xf32, #tpu.memory_space<vmem>>, vector<1x16xf32>,
      %get3A_4186 = vector.shape_cast %get3A_4185 : vector<1x16xf32> to vector<16xf32>
      %mul3A_4187 = vector.broadcast %squeeze3A_4181 : f32 to vector<16xf32>
      %mul3A_4188 = arith.mulf %mul3A_4187, %get3A_4186 : vector<16xf32>
      %add3A_4189 = arith.addf %add3A_4123, %mul3A_4188 : vector<16xf32>
      %get3A_4190 = arith.constant 28 : i32
      %get3A_4191 = arith.index_cast %get3A_4190 : i32 to index
      %get3A_4192 = arith.constant 16 : index
      %get3A_4193 = tpu.vector_load %arg9[%get3A_4191, %get3A_4192] {strides = array<i32>} : memref<32x128xf32, #tpu.memory_space<vmem>>, vector<1x16xf32>,
      %get3A_4194 = vector.shape_cast %get3A_4193 : vector<1x16xf32> to vector<16xf32>
      %mul3A_4195 = vector.broadcast %squeeze3A_4181 : f32 to vector<16xf32>
      %mul3A_4196 = arith.mulf %mul3A_4195, %get3A_4194 : vector<16xf32>
      %add3A_4197 = arith.addf %add3A_4131, %mul3A_4196 : vector<16xf32>
      %get3A_4198 = arith.constant 28 : i32
      %get3A_4199 = arith.index_cast %get3A_4198 : i32 to index
      %get3A_4200 = arith.constant 32 : index
      %get3A_4201 = tpu.vector_load %arg9[%get3A_4199, %get3A_4200] {strides = array<i32>} : memref<32x128xf32, #tpu.memory_space<vmem>>, vector<1x16xf32>,
      %get3A_4202 = vector.shape_cast %get3A_4201 : vector<1x16xf32> to vector<16xf32>
      %mul3A_4203 = vector.broadcast %squeeze3A_4181 : f32 to vector<16xf32>
      %mul3A_4204 = arith.mulf %mul3A_4203, %get3A_4202 : vector<16xf32>
      %add3A_4205 = arith.addf %add3A_4139, %mul3A_4204 : vector<16xf32>
      %get3A_4206 = arith.constant 28 : i32
      %get3A_4207 = arith.index_cast %get3A_4206 : i32 to index
      %get3A_4208 = arith.constant 48 : index
      %get3A_4209 = tpu.vector_load %arg9[%get3A_4207, %get3A_4208] {strides = array<i32>} : memref<32x128xf32, #tpu.memory_space<vmem>>, vector<1x16xf32>,
      %get3A_4210 = vector.shape_cast %get3A_4209 : vector<1x16xf32> to vector<16xf32>
      %mul3A_4211 = vector.broadcast %squeeze3A_4181 : f32 to vector<16xf32>
      %mul3A_4212 = arith.mulf %mul3A_4211, %get3A_4210 : vector<16xf32>
      %add3A_4213 = arith.addf %add3A_4147, %mul3A_4212 : vector<16xf32>
      %get3A_4214 = arith.constant 28 : i32
      %get3A_4215 = arith.index_cast %get3A_4214 : i32 to index
      %get3A_4216 = arith.constant 64 : index
      %get3A_4217 = tpu.vector_load %arg9[%get3A_4215, %get3A_4216] {strides = array<i32>} : memref<32x128xf32, #tpu.memory_space<vmem>>, vector<1x16xf32>,
      %get3A_4218 = vector.shape_cast %get3A_4217 : vector<1x16xf32> to vector<16xf32>
      %mul3A_4219 = vector.broadcast %squeeze3A_4181 : f32 to vector<16xf32>
      %mul3A_4220 = arith.mulf %mul3A_4219, %get3A_4218 : vector<16xf32>
      %add3A_4221 = arith.addf %add3A_4155, %mul3A_4220 : vector<16xf32>
      %get3A_4222 = arith.constant 28 : i32
      %get3A_4223 = arith.index_cast %get3A_4222 : i32 to index
      %get3A_4224 = arith.constant 80 : index
      %get3A_4225 = tpu.vector_load %arg9[%get3A_4223, %get3A_4224] {strides = array<i32>} : memref<32x128xf32, #tpu.memory_space<vmem>>, vector<1x16xf32>,
      %get3A_4226 = vector.shape_cast %get3A_4225 : vector<1x16xf32> to vector<16xf32>
      %mul3A_4227 = vector.broadcast %squeeze3A_4181 : f32 to vector<16xf32>
      %mul3A_4228 = arith.mulf %mul3A_4227, %get3A_4226 : vector<16xf32>
      %add3A_4229 = arith.addf %add3A_4163, %mul3A_4228 : vector<16xf32>
      %get3A_4230 = arith.constant 28 : i32
      %get3A_4231 = arith.index_cast %get3A_4230 : i32 to index
      %get3A_4232 = arith.constant 96 : index
      %get3A_4233 = tpu.vector_load %arg9[%get3A_4231, %get3A_4232] {strides = array<i32>} : memref<32x128xf32, #tpu.memory_space<vmem>>, vector<1x16xf32>,
      %get3A_4234 = vector.shape_cast %get3A_4233 : vector<1x16xf32> to vector<16xf32>
      %mul3A_4235 = vector.broadcast %squeeze3A_4181 : f32 to vector<16xf32>
      %mul3A_4236 = arith.mulf %mul3A_4235, %get3A_4234 : vector<16xf32>
      %add3A_4237 = arith.addf %add3A_4171, %mul3A_4236 : vector<16xf32>
      %get3A_4238 = arith.constant 28 : i32
      %get3A_4239 = arith.index_cast %get3A_4238 : i32 to index
      %get3A_4240 = arith.constant 112 : index
      %get3A_4241 = tpu.vector_load %arg9[%get3A_4239, %get3A_4240] {strides = array<i32>} : memref<32x128xf32, #tpu.memory_space<vmem>>, vector<1x16xf32>,
      %get3A_4242 = vector.shape_cast %get3A_4241 : vector<1x16xf32> to vector<16xf32>
      %mul3A_4243 = vector.broadcast %squeeze3A_4181 : f32 to vector<16xf32>
      %mul3A_4244 = arith.mulf %mul3A_4243, %get3A_4242 : vector<16xf32>
      %add3A_4245 = arith.addf %add3A_4179, %mul3A_4244 : vector<16xf32>
      %slice3A_4246 = vector.extract_strided_slice %mul3A_2307 {offsets = [13], sizes = [1], strides = [1]} : vector<16xf32> to vector<1xf32>
      %squeeze3A_4247 = vector.extract %slice3A_4246[0] : f32 from vector<1xf32>
      %get3A_4248 = arith.constant 29 : i32
      %get3A_4249 = arith.index_cast %get3A_4248 : i32 to index
      %get3A_4250 = arith.constant 0 : index
      %get3A_4251 = tpu.vector_load %arg9[%get3A_4249, %get3A_4250] {strides = array<i32>} : memref<32x128xf32, #tpu.memory_space<vmem>>, vector<1x16xf32>,
      %get3A_4252 = vector.shape_cast %get3A_4251 : vector<1x16xf32> to vector<16xf32>
      %mul3A_4253 = vector.broadcast %squeeze3A_4247 : f32 to vector<16xf32>
      %mul3A_4254 = arith.mulf %mul3A_4253, %get3A_4252 : vector<16xf32>
      %add3A_4255 = arith.addf %add3A_4189, %mul3A_4254 : vector<16xf32>
      %get3A_4256 = arith.constant 29 : i32
      %get3A_4257 = arith.index_cast %get3A_4256 : i32 to index
      %get3A_4258 = arith.constant 16 : index
      %get3A_4259 = tpu.vector_load %arg9[%get3A_4257, %get3A_4258] {strides = array<i32>} : memref<32x128xf32, #tpu.memory_space<vmem>>, vector<1x16xf32>,
      %get3A_4260 = vector.shape_cast %get3A_4259 : vector<1x16xf32> to vector<16xf32>
      %mul3A_4261 = vector.broadcast %squeeze3A_4247 : f32 to vector<16xf32>
      %mul3A_4262 = arith.mulf %mul3A_4261, %get3A_4260 : vector<16xf32>
      %add3A_4263 = arith.addf %add3A_4197, %mul3A_4262 : vector<16xf32>
      %get3A_4264 = arith.constant 29 : i32
      %get3A_4265 = arith.index_cast %get3A_4264 : i32 to index
      %get3A_4266 = arith.constant 32 : index
      %get3A_4267 = tpu.vector_load %arg9[%get3A_4265, %get3A_4266] {strides = array<i32>} : memref<32x128xf32, #tpu.memory_space<vmem>>, vector<1x16xf32>,
      %get3A_4268 = vector.shape_cast %get3A_4267 : vector<1x16xf32> to vector<16xf32>
      %mul3A_4269 = vector.broadcast %squeeze3A_4247 : f32 to vector<16xf32>
      %mul3A_4270 = arith.mulf %mul3A_4269, %get3A_4268 : vector<16xf32>
      %add3A_4271 = arith.addf %add3A_4205, %mul3A_4270 : vector<16xf32>
      %get3A_4272 = arith.constant 29 : i32
      %get3A_4273 = arith.index_cast %get3A_4272 : i32 to index
      %get3A_4274 = arith.constant 48 : index
      %get3A_4275 = tpu.vector_load %arg9[%get3A_4273, %get3A_4274] {strides = array<i32>} : memref<32x128xf32, #tpu.memory_space<vmem>>, vector<1x16xf32>,
      %get3A_4276 = vector.shape_cast %get3A_4275 : vector<1x16xf32> to vector<16xf32>
      %mul3A_4277 = vector.broadcast %squeeze3A_4247 : f32 to vector<16xf32>
      %mul3A_4278 = arith.mulf %mul3A_4277, %get3A_4276 : vector<16xf32>
      %add3A_4279 = arith.addf %add3A_4213, %mul3A_4278 : vector<16xf32>
      %get3A_4280 = arith.constant 29 : i32
      %get3A_4281 = arith.index_cast %get3A_4280 : i32 to index
      %get3A_4282 = arith.constant 64 : index
      %get3A_4283 = tpu.vector_load %arg9[%get3A_4281, %get3A_4282] {strides = array<i32>} : memref<32x128xf32, #tpu.memory_space<vmem>>, vector<1x16xf32>,
      %get3A_4284 = vector.shape_cast %get3A_4283 : vector<1x16xf32> to vector<16xf32>
      %mul3A_4285 = vector.broadcast %squeeze3A_4247 : f32 to vector<16xf32>
      %mul3A_4286 = arith.mulf %mul3A_4285, %get3A_4284 : vector<16xf32>
      %add3A_4287 = arith.addf %add3A_4221, %mul3A_4286 : vector<16xf32>
      %get3A_4288 = arith.constant 29 : i32
      %get3A_4289 = arith.index_cast %get3A_4288 : i32 to index
      %get3A_4290 = arith.constant 80 : index
      %get3A_4291 = tpu.vector_load %arg9[%get3A_4289, %get3A_4290] {strides = array<i32>} : memref<32x128xf32, #tpu.memory_space<vmem>>, vector<1x16xf32>,
      %get3A_4292 = vector.shape_cast %get3A_4291 : vector<1x16xf32> to vector<16xf32>
      %mul3A_4293 = vector.broadcast %squeeze3A_4247 : f32 to vector<16xf32>
      %mul3A_4294 = arith.mulf %mul3A_4293, %get3A_4292 : vector<16xf32>
      %add3A_4295 = arith.addf %add3A_4229, %mul3A_4294 : vector<16xf32>
      %get3A_4296 = arith.constant 29 : i32
      %get3A_4297 = arith.index_cast %get3A_4296 : i32 to index
      %get3A_4298 = arith.constant 96 : index
      %get3A_4299 = tpu.vector_load %arg9[%get3A_4297, %get3A_4298] {strides = array<i32>} : memref<32x128xf32, #tpu.memory_space<vmem>>, vector<1x16xf32>,
      %get3A_4300 = vector.shape_cast %get3A_4299 : vector<1x16xf32> to vector<16xf32>
      %mul3A_4301 = vector.broadcast %squeeze3A_4247 : f32 to vector<16xf32>
      %mul3A_4302 = arith.mulf %mul3A_4301, %get3A_4300 : vector<16xf32>
      %add3A_4303 = arith.addf %add3A_4237, %mul3A_4302 : vector<16xf32>
      %get3A_4304 = arith.constant 29 : i32
      %get3A_4305 = arith.index_cast %get3A_4304 : i32 to index
      %get3A_4306 = arith.constant 112 : index
      %get3A_4307 = tpu.vector_load %arg9[%get3A_4305, %get3A_4306] {strides = array<i32>} : memref<32x128xf32, #tpu.memory_space<vmem>>, vector<1x16xf32>,
      %get3A_4308 = vector.shape_cast %get3A_4307 : vector<1x16xf32> to vector<16xf32>
      %mul3A_4309 = vector.broadcast %squeeze3A_4247 : f32 to vector<16xf32>
      %mul3A_4310 = arith.mulf %mul3A_4309, %get3A_4308 : vector<16xf32>
      %add3A_4311 = arith.addf %add3A_4245, %mul3A_4310 : vector<16xf32>
      %slice3A_4312 = vector.extract_strided_slice %mul3A_2307 {offsets = [14], sizes = [1], strides = [1]} : vector<16xf32> to vector<1xf32>
      %squeeze3A_4313 = vector.extract %slice3A_4312[0] : f32 from vector<1xf32>
      %get3A_4314 = arith.constant 30 : i32
      %get3A_4315 = arith.index_cast %get3A_4314 : i32 to index
      %get3A_4316 = arith.constant 0 : index
      %get3A_4317 = tpu.vector_load %arg9[%get3A_4315, %get3A_4316] {strides = array<i32>} : memref<32x128xf32, #tpu.memory_space<vmem>>, vector<1x16xf32>,
      %get3A_4318 = vector.shape_cast %get3A_4317 : vector<1x16xf32> to vector<16xf32>
      %mul3A_4319 = vector.broadcast %squeeze3A_4313 : f32 to vector<16xf32>
      %mul3A_4320 = arith.mulf %mul3A_4319, %get3A_4318 : vector<16xf32>
      %add3A_4321 = arith.addf %add3A_4255, %mul3A_4320 : vector<16xf32>
      %get3A_4322 = arith.constant 30 : i32
      %get3A_4323 = arith.index_cast %get3A_4322 : i32 to index
      %get3A_4324 = arith.constant 16 : index
      %get3A_4325 = tpu.vector_load %arg9[%get3A_4323, %get3A_4324] {strides = array<i32>} : memref<32x128xf32, #tpu.memory_space<vmem>>, vector<1x16xf32>,
      %get3A_4326 = vector.shape_cast %get3A_4325 : vector<1x16xf32> to vector<16xf32>
      %mul3A_4327 = vector.broadcast %squeeze3A_4313 : f32 to vector<16xf32>
      %mul3A_4328 = arith.mulf %mul3A_4327, %get3A_4326 : vector<16xf32>
      %add3A_4329 = arith.addf %add3A_4263, %mul3A_4328 : vector<16xf32>
      %get3A_4330 = arith.constant 30 : i32
      %get3A_4331 = arith.index_cast %get3A_4330 : i32 to index
      %get3A_4332 = arith.constant 32 : index
      %get3A_4333 = tpu.vector_load %arg9[%get3A_4331, %get3A_4332] {strides = array<i32>} : memref<32x128xf32, #tpu.memory_space<vmem>>, vector<1x16xf32>,
      %get3A_4334 = vector.shape_cast %get3A_4333 : vector<1x16xf32> to vector<16xf32>
      %mul3A_4335 = vector.broadcast %squeeze3A_4313 : f32 to vector<16xf32>
      %mul3A_4336 = arith.mulf %mul3A_4335, %get3A_4334 : vector<16xf32>
      %add3A_4337 = arith.addf %add3A_4271, %mul3A_4336 : vector<16xf32>
      %get3A_4338 = arith.constant 30 : i32
      %get3A_4339 = arith.index_cast %get3A_4338 : i32 to index
      %get3A_4340 = arith.constant 48 : index
      %get3A_4341 = tpu.vector_load %arg9[%get3A_4339, %get3A_4340] {strides = array<i32>} : memref<32x128xf32, #tpu.memory_space<vmem>>, vector<1x16xf32>,
      %get3A_4342 = vector.shape_cast %get3A_4341 : vector<1x16xf32> to vector<16xf32>
      %mul3A_4343 = vector.broadcast %squeeze3A_4313 : f32 to vector<16xf32>
      %mul3A_4344 = arith.mulf %mul3A_4343, %get3A_4342 : vector<16xf32>
      %add3A_4345 = arith.addf %add3A_4279, %mul3A_4344 : vector<16xf32>
      %get3A_4346 = arith.constant 30 : i32
      %get3A_4347 = arith.index_cast %get3A_4346 : i32 to index
      %get3A_4348 = arith.constant 64 : index
      %get3A_4349 = tpu.vector_load %arg9[%get3A_4347, %get3A_4348] {strides = array<i32>} : memref<32x128xf32, #tpu.memory_space<vmem>>, vector<1x16xf32>,
      %get3A_4350 = vector.shape_cast %get3A_4349 : vector<1x16xf32> to vector<16xf32>
      %mul3A_4351 = vector.broadcast %squeeze3A_4313 : f32 to vector<16xf32>
      %mul3A_4352 = arith.mulf %mul3A_4351, %get3A_4350 : vector<16xf32>
      %add3A_4353 = arith.addf %add3A_4287, %mul3A_4352 : vector<16xf32>
      %get3A_4354 = arith.constant 30 : i32
      %get3A_4355 = arith.index_cast %get3A_4354 : i32 to index
      %get3A_4356 = arith.constant 80 : index
      %get3A_4357 = tpu.vector_load %arg9[%get3A_4355, %get3A_4356] {strides = array<i32>} : memref<32x128xf32, #tpu.memory_space<vmem>>, vector<1x16xf32>,
      %get3A_4358 = vector.shape_cast %get3A_4357 : vector<1x16xf32> to vector<16xf32>
      %mul3A_4359 = vector.broadcast %squeeze3A_4313 : f32 to vector<16xf32>
      %mul3A_4360 = arith.mulf %mul3A_4359, %get3A_4358 : vector<16xf32>
      %add3A_4361 = arith.addf %add3A_4295, %mul3A_4360 : vector<16xf32>
      %get3A_4362 = arith.constant 30 : i32
      %get3A_4363 = arith.index_cast %get3A_4362 : i32 to index
      %get3A_4364 = arith.constant 96 : index
      %get3A_4365 = tpu.vector_load %arg9[%get3A_4363, %get3A_4364] {strides = array<i32>} : memref<32x128xf32, #tpu.memory_space<vmem>>, vector<1x16xf32>,
      %get3A_4366 = vector.shape_cast %get3A_4365 : vector<1x16xf32> to vector<16xf32>
      %mul3A_4367 = vector.broadcast %squeeze3A_4313 : f32 to vector<16xf32>
      %mul3A_4368 = arith.mulf %mul3A_4367, %get3A_4366 : vector<16xf32>
      %add3A_4369 = arith.addf %add3A_4303, %mul3A_4368 : vector<16xf32>
      %get3A_4370 = arith.constant 30 : i32
      %get3A_4371 = arith.index_cast %get3A_4370 : i32 to index
      %get3A_4372 = arith.constant 112 : index
      %get3A_4373 = tpu.vector_load %arg9[%get3A_4371, %get3A_4372] {strides = array<i32>} : memref<32x128xf32, #tpu.memory_space<vmem>>, vector<1x16xf32>,
      %get3A_4374 = vector.shape_cast %get3A_4373 : vector<1x16xf32> to vector<16xf32>
      %mul3A_4375 = vector.broadcast %squeeze3A_4313 : f32 to vector<16xf32>
      %mul3A_4376 = arith.mulf %mul3A_4375, %get3A_4374 : vector<16xf32>
      %add3A_4377 = arith.addf %add3A_4311, %mul3A_4376 : vector<16xf32>
      %slice3A_4378 = vector.extract_strided_slice %mul3A_2307 {offsets = [15], sizes = [1], strides = [1]} : vector<16xf32> to vector<1xf32>
      %squeeze3A_4379 = vector.extract %slice3A_4378[0] : f32 from vector<1xf32>
      %get3A_4380 = arith.constant 31 : i32
      %get3A_4381 = arith.index_cast %get3A_4380 : i32 to index
      %get3A_4382 = arith.constant 0 : index
      %get3A_4383 = tpu.vector_load %arg9[%get3A_4381, %get3A_4382] {strides = array<i32>} : memref<32x128xf32, #tpu.memory_space<vmem>>, vector<1x16xf32>,
      %get3A_4384 = vector.shape_cast %get3A_4383 : vector<1x16xf32> to vector<16xf32>
      %mul3A_4385 = vector.broadcast %squeeze3A_4379 : f32 to vector<16xf32>
      %mul3A_4386 = arith.mulf %mul3A_4385, %get3A_4384 : vector<16xf32>
      %add3A_4387 = arith.addf %add3A_4321, %mul3A_4386 : vector<16xf32>
      %get3A_4388 = arith.constant 31 : i32
      %get3A_4389 = arith.index_cast %get3A_4388 : i32 to index
      %get3A_4390 = arith.constant 16 : index
      %get3A_4391 = tpu.vector_load %arg9[%get3A_4389, %get3A_4390] {strides = array<i32>} : memref<32x128xf32, #tpu.memory_space<vmem>>, vector<1x16xf32>,
      %get3A_4392 = vector.shape_cast %get3A_4391 : vector<1x16xf32> to vector<16xf32>
      %mul3A_4393 = vector.broadcast %squeeze3A_4379 : f32 to vector<16xf32>
      %mul3A_4394 = arith.mulf %mul3A_4393, %get3A_4392 : vector<16xf32>
      %add3A_4395 = arith.addf %add3A_4329, %mul3A_4394 : vector<16xf32>
      %get3A_4396 = arith.constant 31 : i32
      %get3A_4397 = arith.index_cast %get3A_4396 : i32 to index
      %get3A_4398 = arith.constant 32 : index
      %get3A_4399 = tpu.vector_load %arg9[%get3A_4397, %get3A_4398] {strides = array<i32>} : memref<32x128xf32, #tpu.memory_space<vmem>>, vector<1x16xf32>,
      %get3A_4400 = vector.shape_cast %get3A_4399 : vector<1x16xf32> to vector<16xf32>
      %mul3A_4401 = vector.broadcast %squeeze3A_4379 : f32 to vector<16xf32>
      %mul3A_4402 = arith.mulf %mul3A_4401, %get3A_4400 : vector<16xf32>
      %add3A_4403 = arith.addf %add3A_4337, %mul3A_4402 : vector<16xf32>
      %get3A_4404 = arith.constant 31 : i32
      %get3A_4405 = arith.index_cast %get3A_4404 : i32 to index
      %get3A_4406 = arith.constant 48 : index
      %get3A_4407 = tpu.vector_load %arg9[%get3A_4405, %get3A_4406] {strides = array<i32>} : memref<32x128xf32, #tpu.memory_space<vmem>>, vector<1x16xf32>,
      %get3A_4408 = vector.shape_cast %get3A_4407 : vector<1x16xf32> to vector<16xf32>
      %mul3A_4409 = vector.broadcast %squeeze3A_4379 : f32 to vector<16xf32>
      %mul3A_4410 = arith.mulf %mul3A_4409, %get3A_4408 : vector<16xf32>
      %add3A_4411 = arith.addf %add3A_4345, %mul3A_4410 : vector<16xf32>
      %get3A_4412 = arith.constant 31 : i32
      %get3A_4413 = arith.index_cast %get3A_4412 : i32 to index
      %get3A_4414 = arith.constant 64 : index
      %get3A_4415 = tpu.vector_load %arg9[%get3A_4413, %get3A_4414] {strides = array<i32>} : memref<32x128xf32, #tpu.memory_space<vmem>>, vector<1x16xf32>,
      %get3A_4416 = vector.shape_cast %get3A_4415 : vector<1x16xf32> to vector<16xf32>
      %mul3A_4417 = vector.broadcast %squeeze3A_4379 : f32 to vector<16xf32>
      %mul3A_4418 = arith.mulf %mul3A_4417, %get3A_4416 : vector<16xf32>
      %add3A_4419 = arith.addf %add3A_4353, %mul3A_4418 : vector<16xf32>
      %get3A_4420 = arith.constant 31 : i32
      %get3A_4421 = arith.index_cast %get3A_4420 : i32 to index
      %get3A_4422 = arith.constant 80 : index
      %get3A_4423 = tpu.vector_load %arg9[%get3A_4421, %get3A_4422] {strides = array<i32>} : memref<32x128xf32, #tpu.memory_space<vmem>>, vector<1x16xf32>,
      %get3A_4424 = vector.shape_cast %get3A_4423 : vector<1x16xf32> to vector<16xf32>
      %mul3A_4425 = vector.broadcast %squeeze3A_4379 : f32 to vector<16xf32>
      %mul3A_4426 = arith.mulf %mul3A_4425, %get3A_4424 : vector<16xf32>
      %add3A_4427 = arith.addf %add3A_4361, %mul3A_4426 : vector<16xf32>
      %get3A_4428 = arith.constant 31 : i32
      %get3A_4429 = arith.index_cast %get3A_4428 : i32 to index
      %get3A_4430 = arith.constant 96 : index
      %get3A_4431 = tpu.vector_load %arg9[%get3A_4429, %get3A_4430] {strides = array<i32>} : memref<32x128xf32, #tpu.memory_space<vmem>>, vector<1x16xf32>,
      %get3A_4432 = vector.shape_cast %get3A_4431 : vector<1x16xf32> to vector<16xf32>
      %mul3A_4433 = vector.broadcast %squeeze3A_4379 : f32 to vector<16xf32>
      %mul3A_4434 = arith.mulf %mul3A_4433, %get3A_4432 : vector<16xf32>
      %add3A_4435 = arith.addf %add3A_4369, %mul3A_4434 : vector<16xf32>
      %get3A_4436 = arith.constant 31 : i32
      %get3A_4437 = arith.index_cast %get3A_4436 : i32 to index
      %get3A_4438 = arith.constant 112 : index
      %get3A_4439 = tpu.vector_load %arg9[%get3A_4437, %get3A_4438] {strides = array<i32>} : memref<32x128xf32, #tpu.memory_space<vmem>>, vector<1x16xf32>,
      %get3A_4440 = vector.shape_cast %get3A_4439 : vector<1x16xf32> to vector<16xf32>
      %mul3A_4441 = vector.broadcast %squeeze3A_4379 : f32 to vector<16xf32>
      %mul3A_4442 = arith.mulf %mul3A_4441, %get3A_4440 : vector<16xf32>
      %add3A_4443 = arith.addf %add3A_4377, %mul3A_4442 : vector<16xf32>
      %swap3A_4444 = arith.index_cast %add3A_2293 : i32 to index
      %swap3A_4445 = arith.constant 0 : index
      %swap3A_4446 = tpu.vector_load %arg11[%swap3A_4444, %swap3A_4445] {strides = array<i32>} : memref<128x128xf32, #tpu.memory_space<vmem>>, vector<1x16xf32>,
      %swap3A_4447 = vector.shape_cast %swap3A_4446 : vector<1x16xf32> to vector<16xf32>
      %swap3A_4448 = vector.shape_cast %add3A_4387 : vector<16xf32> to vector<1x16xf32>
      tpu.vector_store %arg11[%swap3A_4444, %swap3A_4445], %swap3A_4448 {strides = array<i32>} : memref<128x128xf32, #tpu.memory_space<vmem>>, vector<1x16xf32>,
      %swap3A_4449 = arith.index_cast %add3A_2293 : i32 to index
      %swap3A_4450 = arith.constant 16 : index
      %swap3A_4451 = tpu.vector_load %arg11[%swap3A_4449, %swap3A_4450] {strides = array<i32>} : memref<128x128xf32, #tpu.memory_space<vmem>>, vector<1x16xf32>,
      %swap3A_4452 = vector.shape_cast %swap3A_4451 : vector<1x16xf32> to vector<16xf32>
      %swap3A_4453 = vector.shape_cast %add3A_4395 : vector<16xf32> to vector<1x16xf32>
      tpu.vector_store %arg11[%swap3A_4449, %swap3A_4450], %swap3A_4453 {strides = array<i32>} : memref<128x128xf32, #tpu.memory_space<vmem>>, vector<1x16xf32>,
      %swap3A_4454 = arith.index_cast %add3A_2293 : i32 to index
      %swap3A_4455 = arith.constant 32 : index
      %swap3A_4456 = tpu.vector_load %arg11[%swap3A_4454, %swap3A_4455] {strides = array<i32>} : memref<128x128xf32, #tpu.memory_space<vmem>>, vector<1x16xf32>,
      %swap3A_4457 = vector.shape_cast %swap3A_4456 : vector<1x16xf32> to vector<16xf32>
      %swap3A_4458 = vector.shape_cast %add3A_4403 : vector<16xf32> to vector<1x16xf32>
      tpu.vector_store %arg11[%swap3A_4454, %swap3A_4455], %swap3A_4458 {strides = array<i32>} : memref<128x128xf32, #tpu.memory_space<vmem>>, vector<1x16xf32>,
      %swap3A_4459 = arith.index_cast %add3A_2293 : i32 to index
      %swap3A_4460 = arith.constant 48 : index
      %swap3A_4461 = tpu.vector_load %arg11[%swap3A_4459, %swap3A_4460] {strides = array<i32>} : memref<128x128xf32, #tpu.memory_space<vmem>>, vector<1x16xf32>,
      %swap3A_4462 = vector.shape_cast %swap3A_4461 : vector<1x16xf32> to vector<16xf32>
      %swap3A_4463 = vector.shape_cast %add3A_4411 : vector<16xf32> to vector<1x16xf32>
      tpu.vector_store %arg11[%swap3A_4459, %swap3A_4460], %swap3A_4463 {strides = array<i32>} : memref<128x128xf32, #tpu.memory_space<vmem>>, vector<1x16xf32>,
      %swap3A_4464 = arith.index_cast %add3A_2293 : i32 to index
      %swap3A_4465 = arith.constant 64 : index
      %swap3A_4466 = tpu.vector_load %arg11[%swap3A_4464, %swap3A_4465] {strides = array<i32>} : memref<128x128xf32, #tpu.memory_space<vmem>>, vector<1x16xf32>,
      %swap3A_4467 = vector.shape_cast %swap3A_4466 : vector<1x16xf32> to vector<16xf32>
      %swap3A_4468 = vector.shape_cast %add3A_4419 : vector<16xf32> to vector<1x16xf32>
      tpu.vector_store %arg11[%swap3A_4464, %swap3A_4465], %swap3A_4468 {strides = array<i32>} : memref<128x128xf32, #tpu.memory_space<vmem>>, vector<1x16xf32>,
      %swap3A_4469 = arith.index_cast %add3A_2293 : i32 to index
      %swap3A_4470 = arith.constant 80 : index
      %swap3A_4471 = tpu.vector_load %arg11[%swap3A_4469, %swap3A_4470] {strides = array<i32>} : memref<128x128xf32, #tpu.memory_space<vmem>>, vector<1x16xf32>,
      %swap3A_4472 = vector.shape_cast %swap3A_4471 : vector<1x16xf32> to vector<16xf32>
      %swap3A_4473 = vector.shape_cast %add3A_4427 : vector<16xf32> to vector<1x16xf32>
      tpu.vector_store %arg11[%swap3A_4469, %swap3A_4470], %swap3A_4473 {strides = array<i32>} : memref<128x128xf32, #tpu.memory_space<vmem>>, vector<1x16xf32>,
      %swap3A_4474 = arith.index_cast %add3A_2293 : i32 to index
      %swap3A_4475 = arith.constant 96 : index
      %swap3A_4476 = tpu.vector_load %arg11[%swap3A_4474, %swap3A_4475] {strides = array<i32>} : memref<128x128xf32, #tpu.memory_space<vmem>>, vector<1x16xf32>,
      %swap3A_4477 = vector.shape_cast %swap3A_4476 : vector<1x16xf32> to vector<16xf32>
      %swap3A_4478 = vector.shape_cast %add3A_4435 : vector<16xf32> to vector<1x16xf32>
      tpu.vector_store %arg11[%swap3A_4474, %swap3A_4475], %swap3A_4478 {strides = array<i32>} : memref<128x128xf32, #tpu.memory_space<vmem>>, vector<1x16xf32>,
      %swap3A_4479 = arith.index_cast %add3A_2293 : i32 to index
      %swap3A_4480 = arith.constant 112 : index
      %swap3A_4481 = tpu.vector_load %arg11[%swap3A_4479, %swap3A_4480] {strides = array<i32>} : memref<128x128xf32, #tpu.memory_space<vmem>>, vector<1x16xf32>,
      %swap3A_4482 = vector.shape_cast %swap3A_4481 : vector<1x16xf32> to vector<16xf32>
      %swap3A_4483 = vector.shape_cast %add3A_4443 : vector<16xf32> to vector<1x16xf32>
      tpu.vector_store %arg11[%swap3A_4479, %swap3A_4480], %swap3A_4483 {strides = array<i32>} : memref<128x128xf32, #tpu.memory_space<vmem>>, vector<1x16xf32>,
    }
    %scan3A_30 = arith.constant 64 : i32
    "tpu.region"() ({
      %run_scoped3A = tpu.sem_alloc : memref<!tpu.dma_semaphore, #tpu.memory_space<semaphore_mem>>
      %dma_start3A_31 = arith.constant 0 : i32
      %dma_start3A_32 = tpu.memref_slice %arg6[%mul3A_2, %dma_start3A_31] : memref<4096x128xf32, #tpu.memory_space<hbm>> -> memref<128x128xf32, #tpu.memory_space<hbm>>
      %dma_start3A_33 = arith.constant 0 : i32
      %dma_start3A_34 = tpu.memref_slice %arg6[%mul3A_2, %dma_start3A_33] : memref<4096x128xf32, #tpu.memory_space<hbm>> -> memref<128x128xf32, #tpu.memory_space<hbm>>
      tpu.enqueue_dma source(%arg11 : memref<128x128xf32, #tpu.memory_space<vmem>>) target(%dma_start3A_34 : memref<128x128xf32, #tpu.memory_space<hbm>>) target_semaphore(%run_scoped3A : memref<!tpu.dma_semaphore, #tpu.memory_space<semaphore_mem>>)
      %dma_wait3A = arith.constant 0 : i32
      %dma_wait3A_35 = tpu.memref_slice %arg6[%mul3A_2, %dma_wait3A] : memref<4096x128xf32, #tpu.memory_space<hbm>> -> memref<128x128xf32, #tpu.memory_space<hbm>>
      %dma_wait3A_36 = arith.constant 0 : i32
      %dma_wait3A_37 = tpu.memref_slice %arg6[%mul3A_2, %dma_wait3A_36] : memref<4096x128xf32, #tpu.memory_space<hbm>> -> memref<128x128xf32, #tpu.memory_space<hbm>>
      tpu.wait_dma2 semaphore(%run_scoped3A : memref<!tpu.dma_semaphore, #tpu.memory_space<semaphore_mem>>) src(%arg11 : memref<128x128xf32, #tpu.memory_space<vmem>>) dst(%dma_wait3A_37 : memref<128x128xf32, #tpu.memory_space<hbm>>)
      tpu.yield
    }) : () -> ()
    return
  }
}

</mosaic_0001>

<sc_bundles>
// kernel: kernel.3.cloned.1.call-start
scs
__scs_entry_jumppad:
0x0: {  	(pc) =	sbr.rel $0x88, $3  }
0x1: {  	(tag) =	ssettag $0x0;
	lr =	simm.s32 $0x1  }
0x2: {  	[smem:$0x3F9D] =	sst lr;
	_ =	strace $0xD0000000  }
0x3: {  	_ = 	snop  }
0x4: {  	_ = 	snop  }
0x5: {  	_ = 	snop  }
0x6: {  	_ = 	snop  }
0x7: {  	_ = 	snop  }
__scs_overlays_trampoline_lowered:
0x8: {  	[smem:$0x3FAC] =	sst s0  }
0x9: {  	[smem:$0x3FAD] =	sst s1  }
0xa: {  	[smem:$0x3FAE] =	sst s2  }
0xb: {  	[smem:$0x3FAF] =	sst s3  }
0xc: {  	[smem:$0x3FB0] =	sst s4  }
0xd: {  	[smem:$0x3FB1] =	sst s5  }
0xe: {  	[smem:$0x3FB2] =	sst s6  }
0xf: {  	[smem:$0x3FB3] =	sst s7  }
0x10: {  	[smem:$0x3FB4] =	sst s8  }
0x11: {  	[smem:$0x3FB5] =	sst s9;
	s0 =	simm.s32 @!p0 $0x0  }
0x12: {  	s1 =	sld [smem:$0x3F9B];
	s0 =	simm.s32 @p0 $0x1  }
0x13: {  	[smem:$0x3FB6] =	sst s0;
	s0 =	simm.s32 @!p1 $0x0  }
0x14: {  	s2 =	sld [smem:$0x3F9A];
	s0 =	simm.s32 @p1 $0x1  }
0x15: {  	[smem:$0x3FB7] =	sst s0;
	s0 =	simm.s32 @!p2 $0x0  }
0x16: {  	s3 =	sld [smem:$0x3FDB];
	s0 =	simm.s32 @p2 $0x1  }
0x17: {  	s4 =	simm.s32 $0x1BF5;
	[smem:$0x3FB9] =	sst s0  }
0x18: {  	s0 =	sld [smem:$0x3F9C];
	_ =	swait.ge [sflag:s4], $0x0  }
0x19: {  	s7 =	sld [smem:$0x3F9D]  }
0x1a: {  	s8 =	sadd.s32 $0xFFFFE003, lr  }
0x1b: {  	s9 =	sadd.s32 $0xFFFFFEF7, lr;
	s5 =	simm.s32 $0xFFFFFFFF;
	p2 =	slt.u32 s8, $0xFFFFF086  }
0x1c: {  	p1 =	slt.u32 s9, $0xF7A;
	s5 =	simm.s32 @!p2 $0x0  }
0x1d: {  	s5 =	simm.s32 @p1 $0x1;
	p0 =	seq.s32 s7, s2  }
0x1e: {  	s7 =	smul.u32 @!p0 $0xF7A, s2;
	p2 =	seq.s32 @!p0 s5, $0x0  }
0x1f: {  	s9 =	smul.u32 $0xF7A, s1;
	s8 =	simm.s32 @!p0 $0x1BF5;
	p2 =	por !p2, p0  }
0x20: {  	[sflag:s8] =	ssyncset.s32 @!p0 $0xFFFFF086;
	s6 =	sadd.s32 @!p0 s3, s7;
	s7 =	simm.s32 @!p0 $0x108  }
0x21: {  	s3 =	sadd.s32 s3, s9;
	s6 =	sadd.s32 @!p0 $0x88, s6;
	s7 =	simm.s32 @p2 $0x1082  }
0x22: {  	[simem:s7], [sflag:s8] =	dma.local @!p0 [hbm:s6], $0xF7A  }
0x23: {  	s9 =	sor.u32 $0xD0000000, s2;
	s6 =	simm.s32 $0x108;
	_ =	swait.ge @!p0 [sflag:s8], $0x0  }
0x24: {  	s3 =	sadd.s32 $0x88, s3;
	s6 =	simm.s32 @!p1 $0x1082;
	[sflag:s4] =	ssyncset.s32 $0xFFFFF086  }
0x25: {  	[simem:s6], [sflag:s4] =	dma.local [hbm:s3], $0xF7A  }
0x26: {  	[smem:$0x3F9D] =	sst s1;
	(tag) =	ssettag s2;
	_ =	strace s9  }
0x27: {  	s1 =	sld [smem:$0x3FAD]  }
0x28: {  	s2 =	sld [smem:$0x3FAE]  }
0x29: {  	s4 =	sld [smem:$0x3FB0]  }
0x2a: {  	p0 =	seq.s32 s5, $0x0;
	s5 =	sld [smem:$0x3FB1]  }
0x2b: {  	s6 =	sld [smem:$0x3FB2]  }
0x2c: {  	s7 =	sld [smem:$0x3FB3]  }
0x2d: {  	s3 =	simm.s32 $0x108;
	s8 =	sld [smem:$0x3FB4]  }
0x2e: {  	s3 =	simm.s32 @!p0 $0x1082;
	s9 =	sld [smem:$0x3FB5]  }
0x2f: {  	lr =	sadd.s32 s0, s3;
	s0 =	sld [smem:$0x3FAC]  }
0x30: {  	s3 =	sld [smem:$0x3FAF]  }
0x31: {  	[smem:$0x3FB8] =	sst s10  }
0x32: {  	s10 =	sld [smem:$0x3FB6];
	_ =	sdelay $0x3  }
0x33: {  	p0 =	seq.s32 s10, $0x1;
	s10 =	sld [smem:$0x3FB8];
	_ =	sdelay $0x3  }
0x34: {  	[smem:$0x3FB8] =	sst s10  }
0x35: {  	s10 =	sld [smem:$0x3FB7];
	_ =	sdelay $0x3  }
0x36: {  	p1 =	seq.s32 s10, $0x1;
	s10 =	sld [smem:$0x3FB8];
	_ =	sdelay $0x3  }
0x37: {  	[smem:$0x3FB8] =	sst s10  }
0x38: {  	s10 =	sld [smem:$0x3FB9]  }
0x39: {  	_ = 	snop;
	(pc) =	sbr.ind lr, $3  }
0x3a: {  	_ = 	snop  }
0x3b: {  	_ = 	snop  }
0x3c: {  	p2 =	seq.s32 s10, $0x1;
	s10 =	sld [smem:$0x3FB8]  }
0x3d: {  	_ =	shalt  }
0x3e: {  	_ =	shalt  }
0x3f: {  	_ =	shalt  }
0x40: {  	_ =	shalt  }
0x41: {  	_ =	shalt  }
0x42: {  	_ =	shalt  }
0x43: {  	_ =	shalt  }
0x44: {  	_ =	shalt  }
0x45: {  	_ =	shalt  }
0x46: {  	_ =	shalt  }
0x47: {  	_ =	shalt  }
0x48: {  	_ =	shalt  }
0x49: {  	_ =	shalt  }
0x4a: {  	_ =	shalt  }
0x4b: {  	_ =	shalt  }
0x4c: {  	_ =	shalt  }
0x4d: {  	_ =	shalt  }
0x4e: {  	_ =	shalt  }
0x4f: {  	_ =	shalt  }
0x50: {  	_ =	shalt  }
0x51: {  	_ =	shalt  }
0x52: {  	_ =	shalt  }
0x53: {  	_ =	shalt  }
0x54: {  	_ =	shalt  }
0x55: {  	_ =	shalt  }
0x56: {  	_ =	shalt  }
0x57: {  	_ =	shalt  }
0x58: {  	_ =	shalt  }
0x59: {  	_ =	shalt  }
0x5a: {  	_ =	shalt  }
0x5b: {  	_ =	shalt  }
0x5c: {  	_ =	shalt  }
0x5d: {  	_ =	shalt  }
0x5e: {  	_ =	shalt  }
0x5f: {  	_ =	shalt  }
0x60: {  	_ =	shalt  }
0x61: {  	_ =	shalt  }
0x62: {  	_ =	shalt  }
0x63: {  	_ =	shalt  }
0x64: {  	_ =	shalt  }
0x65: {  	_ =	shalt  }
0x66: {  	_ =	shalt  }
0x67: {  	_ =	shalt  }
0x68: {  	_ =	shalt  }
0x69: {  	_ =	shalt  }
0x6a: {  	_ =	shalt  }
0x6b: {  	_ =	shalt  }
0x6c: {  	_ =	shalt  }
0x6d: {  	_ =	shalt  }
0x6e: {  	_ =	shalt  }
0x6f: {  	_ =	shalt  }
0x70: {  	_ =	shalt  }
0x71: {  	_ =	shalt  }
0x72: {  	_ =	shalt  }
0x73: {  	_ =	shalt  }
0x74: {  	_ =	shalt  }
0x75: {  	_ =	shalt  }
0x76: {  	_ =	shalt  }
0x77: {  	_ =	shalt  }
0x78: {  	_ =	shalt  }
0x79: {  	_ =	shalt  }
0x7a: {  	_ =	shalt  }
0x7b: {  	_ =	shalt  }
0x7c: {  	_ =	shalt  }
0x7d: {  	_ =	shalt  }
0x7e: {  	_ =	shalt  }
0x7f: {  	_ =	shalt  }
0x80: {  	_ =	shalt  }
0x81: {  	_ =	shalt  }
0x82: {  	_ =	shalt  }
0x83: {  	_ =	shalt  }
0x84: {  	_ =	shalt  }
0x85: {  	_ =	shalt  }
0x86: {  	_ =	shalt  }
0x87: {  	_ =	shalt  }
.Lfunc_end0:
.L_simem_size_0:
called_computation_lowered:
.L_overlay_start_0:
0x88: {  	s2 =	sld [smem:$0x3FD9]  }
0x89: {  	s3 =	sld [smem:$0x3FFE];
	_ =	sdelay $0x1  }
0x8a: {  	s1 =	srdreg.scid  }
0x8b: {  	s0 =	sand.u32 $0x1, s1  }
0x8c: {  	s17 =	sshll.u32 s0, $0xA;
	s2 =	sadd.s32 s3, s2  }
0x8d: {  	s2 =	sadd.s32 s2, s17  }
0x8e: {  	[smem:$0x3FC4] =	sst s2  }
0x8f: {  	_ = 	snop  }
0x90: {  	s2 =	sld [smem:$0x3FC7]  }
0x91: {  	s18 =	sld [smem:$0x3FC6]  }
0x92: {  	s4 =	sld [smem:$0x3FD0];
	(tm) =	ssettm $0x1  }
0x93: {  	s5 =	sld [smem:$0x3FFB];
	_ =	sdelay $0x3  }
0x94: {  	_ =	strace s5  }
0x95: {  	s5 =	sld [smem:$0x3FFC];
	_ =	sdelay $0x3  }
0x96: {  	_ =	strace s5  }
0x97: {  	s5 =	sld [smem:$0x3FFD];
	_ =	sdelay $0x3  }
0x98: {  	_ =	strace s5  }
0x99: {  	_ =	strace $0x8FFFFFFF  }
0x9a: {  	s19 =	sld [smem:$0x3FDB];
	_ =	sdelay $0x1  }
0x9b: {  	s6 =	simm.s32 $_scs_section_size  }
0x9c: {  	s7 =	simm.s32 $_size__tile_overlayer_lowered;
	s8 =	simm.s32 $_tile_overlayer_lowered  }
0x9d: {  	s22 =	simm.s32 $0x1BFF;
	s21 =	sshll.u32 s8, $0x1;
	s5 =	sadd.s32 s6, s19  }
0x9e: {  	s9 =	simm.s32 $0x0;
	s20 =	sshll.u32 s7, $0x1;
	s7 =	sadd.s32 s21, s5  }
0x9f: {  	[timem:s9], [sflag:s22] =	dma.local [hbm:s7], s20  }
0xa0: {  	_ =	swait.ge [sflag:s22], s20  }
0xa1: {  	s6 =	ssub.s32 $0x0, s20;
	[sflag:s22] =	ssyncset.done $0x0  }
0xa2: {  	[sflag:s22] =	ssyncadd.s32 s6;
	_ =	sdelay $0x1  }
0xa3: {  	s23 =	simm.s32 $0x1B8B  }
0xa4: {  	_ =	swait.ge [sflag:s23], $0x1  }
0xa5: {  	[sflag:s23] =	ssyncset.done $0x0  }
0xa6: {  	s25 =	simm.s32 $0x1B8E;
	s24 =	sld [smem:$0x3FFE];
	[sflag:s23] =	ssyncadd.s32 $0xFFFFFFFF  }
0xa7: {  	s26 =	simm.s32 $execute0_lowered;
	[smem:$0x3FD2] =	sst s25  }
0xa8: {  	s7 =	sshll.u32 s26, $0x1;
	_ =	strace $0x80000046;
	[dreg:$0x1] =	wrdreg $0xFFFFFFFF  }
0xa9: {  	s28 =	simm.s32 $_size_execute0_lowered;
	s5 =	sadd.s32 s5, s7;
	[dreg:$0x0] =	wrdreg $0x0  }
0xaa: {  	s7 =	sshll.u32 s28, $0x1;
	[dreg:$0x2] =	wrdreg s5  }
0xab: {  	[dreg:$0x3] =	wrdreg s7  }
0xac: {  	[dreg:$0x4] =	wrdreg $0xC0  }
0xad: {  	_ =	task [dreg:s9], $0x5FFFF  }
0xae: {  	[dreg:$0x1] =	wrdreg $0xFFFFFFFF  }
0xaf: {  	[dreg:$0x0] =	wrdreg $0x60  }
0xb0: {  	[dreg:$0x2] =	wrdreg s24  }
0xb1: {  	[dreg:$0x3] =	wrdreg s2  }
0xb2: {  	[dreg:$0x4] =	wrdreg s18  }
0xb3: {  	[dreg:$0x5] =	wrdreg s4  }
0xb4: {  	[dreg:$0x6] =	wrdreg $0x9  }
0xb5: {  	_ =	task.clear_ibuf [dreg:s9], $0x7FFFF;
	_ =	strace $0x90000046  }
0xb6: {  	s29 =	simm.s32 $0x9;
	_ =	strace $0x80000048  }
0xb7: {  	_ =	swait.ge [sflag:s29], $0x1  }
0xb8: {  	[sflag:s29] =	ssyncadd.s32 $0xFFFFFFFF  }
0xb9: {  	_ =	strace $0x90000048  }
0xba: {  	_ =	sfence  }
0xbb: {  	s30 =	sld [smem:$0x0];
	_ =	sdelay $0x2  }
0xbc: {  	s31 =	sshll.u32 s1, $0xD;
	s1 =	sshrl.u32 s1, $0x2  }
0xbd: {  	s3 =	sand.u32 $0x4000, s31;
	s1 =	sadd.s32 s1, s30  }
0xbe: {  	s0 =	sor.u32 s3, s0;
	s1 =	sshll.u32 s1, $0x11  }
0xbf: {  	s0 =	sor.u32 s1, s0  }
0xc0: {  	s0 =	sadd.s32 $0x8F2B, s0  }
0xc1: {  	[sflag:s0] =	ssyncadd.remote.s32 $0x1  }
0xc2: {  	_ =	sfence.sel $0xFFFF  }
0xc3: {  	[dreg:$0x0] =	wrdreg $0xFFFFFFFF;
	(pc) =	sbr.abs _section_cstart, $3  }
0xc4: {  	[dreg:$0x1] =	wrdreg $0xFFFFFFFF  }
0xc5: {  	_ =	task.clear_ibuf [dreg:s9], $0x2FFFF;
	_ =	strace $0x9FFFFFFF  }
0xc6: {  	(tm) =	ssettm $0x7FFFFFFF  }
0xc7: {  	_ =	shalt  }
tec
execute0_lowered:
.L_overlay_start_1:
0x0: {  	(tag) =	ssettag $0x1  }
0x1: {  	s5 =	rddreg [dreg:$0x0]  }
0x2: {  	s1 =	rddreg [dreg:$0x1]  }
0x3: {  	s2 =	srdreg.scid;
	s3 =	rddreg [dreg:$0x2]  }
0x4: {  	s0 =	stileid.u32;
	s7 =	rddreg [dreg:$0x3];
	s4 =	simm.s32 $0x0  }
0x5: {  	s11 =	simm.s32 $0xA600;
	s12 =	simm.s32 $0x80;
	s13 =	simm.s32 $0x6400  }
0x6: {  	s14 =	simm.s32 $0x48;
	s15 =	simm.s32 $0x7400;
	s16 =	simm.s32 $0x7D00  }
0x7: {  	s17 =	simm.s32 $0x8D00;
	s18 =	simm.s32 $0x1;
	s19 =	simm.s32 $0x2  }
0x8: {  	s20 =	simm.s32 $0xA680;
	s21 =	simm.s32 $0x0;
	s6 =	sand.u32 $0x1, s2  }
0x9: {  	s8 =	sshll.u32 s0, $0x8;
	s2 =	rddreg [dreg:$0x4];
	s9 =	sshll.u32 s6, $0x7  }
0xa: {  	[smem:$0x7FF] =	sst s4;
	s6 =	ssub.s32 $0x2, s6;
	s8 =	sor.u32 s9, s8  }
0xb: {  	s10 =	sshrl.u32 s6, $0x1;
	s9 =	smul.u32 $0x19, s8;
	s8 =	sshll.u32 s8, $0x4  }
0xc: {  	_ =	strace $0x80000047;
	s10 =	ssub.s32 s6, s10;
	s7 =	sadd.s32 s7, s8  }
0xd: {  	s8 =	smax.u32 s10, $0x1;
	s10 =	simm.s32 $0x9600;
	s9 =	sadd.s32 s9, s5  }
0xe: {  	s5 =	sadd.s32 $0xF42A00, s5;
	s6 =	sadd.s32 $0x600, s9;
	s9 =	simm.s32 $0x3  }
.LBB2_1:
0xf: {  	[tilespmem:s4], [sflag:$0x3] =	stream.linear.gather [hbm4b:s6+s4], $0x6400, $0x38;
	[tilespmem:$0xE680] =	vst v63  }
0x10: {  	_ =	swait.ge [sflag:s9], $0x6400  }
0x11: {  	[sflag:s9] =	ssyncset.done $0x0  }
0x12: {  	[sflag:s9] =	ssyncadd.s32 $0xFFFF9C00  }
0x13: {  	[tilespmem:s10], [sflag:$0x3] =	stream.linear.gather [hbm4b:s1+s4], $0x1000, $0x38;
	[tilespmem:$0xE680] =	vst v63  }
0x14: {  	_ =	swait.ge [sflag:s9], $0x1000  }
0x15: {  	[sflag:s9] =	ssyncset.done $0x0  }
0x16: {  	[sflag:s9] =	ssyncadd.s32 $0xFFFFF000  }
0x17: {  	[tilespmem:s11], [sflag:$0x3] =	stream.linear.gather [hbm4b:s3+s4], $0x80, $0x38;
	[tilespmem:$0xE680] =	vst v63  }
0x18: {  	_ =	swait.ge [sflag:s9], $0x80  }
0x19: {  	[sflag:s9] =	ssyncset.done $0x0  }
0x1a: {  	[sflag:s9] =	ssyncadd.s32 $0xFFFFFF80  }
0x1b: {  	[tilespmem:s13], [sflag:$0x1] =	stream.indirect.gather [hbm4b:s5+s12], $0x20, s4, s12, $0xb8;
	[tilespmem:$0xE680] =	vst v63  }
0x1c: {  	s22 =	simm.s32 $0x0  }
0x1d: {  	[tilespmem:s15], [sflag:$0x1] =	stream.indirect.gather [hbm4b:s5+s14], $0x20, s12, s14, $0xb8;
	[tilespmem:$0xE680] =	vst v63  }
.LBB2_2:
0x1e: {  	s23 =	sshllo.u32 s22, $0x1  }
0x1f: {  	s24 =	smul.u32 $0x320, s23;
	_ =	sdelay $0x1  }
0x20: {  	s24 =	sshra.s32 s24, $0x2  }
0x21: {  	[tilespmem:s16], [sflag:$0x2] =	stream.indirect.gather [hbm4b:s5+s12], $0x20, s24, s12, $0xb8;
	[tilespmem:$0xE680] =	vst v63  }
0x22: {  	s24 =	sadd.s32 $0x80, s24  }
0x23: {  	[tilespmem:s17], [sflag:$0x2] =	stream.indirect.gather [hbm4b:s5+s14], $0x20, s24, s14, $0xb8;
	[tilespmem:$0xE680] =	vst v63  }
0x24: {  	_ =	swait.ge [sflag:s18], $0x1000  }
0x25: {  	[sflag:s18] =	ssyncset.done $0x0  }
0x26: {  	[sflag:s18] =	ssyncadd.s32 $0xFFFFF000  }
0x27: {  	_ =	swait.ge [sflag:s18], $0x900  }
0x28: {  	[sflag:s18] =	ssyncset.done $0x0  }
0x29: {  	s25 =	simm.s32 $0x0;
	[sflag:s18] =	ssyncadd.s32 $0xFFFFF700  }
0x2a: {  	v11 =	vld [tilespmem:s25+$0x6410]  }
0x2b: {  	v10 =	vimm.f32 $0.0e+00;
	v0 =	vimm.f32 $0.0e+00;
	s24 =	simm.s32 $0x80;
	v12 =	vld [tilespmem:s25+$0x6400]  }
.LBB2_3:
0x2c: {  	p0 =	sne.s32 s24, $0x6380  }
.Ltmp0:
0x2d: {  	_ = 	snop;
	(pc) =	sbr.rel @p0 .LBB2_3-.Ltmp0, $4  }
0x2e: {  	_ = 	snop  }
0x2f: {  	s25 =	sshra.s32 s24, $0x2;
	s24 =	sadd.s32 $0x80, s24;
	v10 =	vadd.f32 v11, v10  }
0x30: {  	v11 =	vld [tilespmem:s25+$0x6410];
	v0 =	vadd.f32 v12, v0  }
0x31: {  	v12 =	vld [tilespmem:s25+$0x6400]  }
0x32: {  	v1 =	vld [tilespmem:$0x9930];
	_ =	sdelay $0x4  }
0x33: {  	[tilespmem:$0x1FD80] =	vst v1;
	v1 =	vld [tilespmem:$0x9940];
	_ =	sdelay $0x4  }
0x34: {  	[tilespmem:$0x1FD90] =	vst v1;
	v1 =	vld [tilespmem:$0x9950];
	_ =	sdelay $0x4  }
0x35: {  	[tilespmem:$0x1FDA0] =	vst v1;
	v1 =	vld [tilespmem:$0x9960];
	_ =	sdelay $0x4  }
0x36: {  	[tilespmem:$0x1FDB0] =	vst v1;
	v1 =	vld [tilespmem:$0x9970];
	_ =	sdelay $0x4  }
0x37: {  	[tilespmem:$0x1FDC0] =	vst v1;
	v1 =	vld [tilespmem:$0x9980];
	_ =	sdelay $0x4  }
0x38: {  	[tilespmem:$0x1FDD0] =	vst v1;
	v1 =	vld [tilespmem:$0x9990];
	_ =	sdelay $0x4  }
0x39: {  	[tilespmem:$0x1FDE0] =	vst v1;
	v1 =	vld [tilespmem:$0x99A0];
	_ =	sdelay $0x4  }
0x3a: {  	[tilespmem:$0x1FDF0] =	vst v1;
	v1 =	vld [tilespmem:$0x99B0];
	_ =	sdelay $0x4  }
0x3b: {  	[tilespmem:$0x1FE00] =	vst v1;
	v1 =	vld [tilespmem:$0x99C0];
	_ =	sdelay $0x4  }
0x3c: {  	[tilespmem:$0x1FE10] =	vst v1;
	v1 =	vld [tilespmem:$0x99D0];
	_ =	sdelay $0x4  }
0x3d: {  	[tilespmem:$0x1FE20] =	vst v1;
	v1 =	vld [tilespmem:$0x99E0];
	_ =	sdelay $0x4  }
0x3e: {  	[tilespmem:$0x1FE30] =	vst v1;
	v1 =	vld [tilespmem:$0x99F0];
	_ =	sdelay $0x4  }
0x3f: {  	[tilespmem:$0x1FE40] =	vst v1;
	v1 =	vld [tilespmem:$0x9A00];
	_ =	sdelay $0x4  }
0x40: {  	[tilespmem:$0x1FE50] =	vst v1;
	v1 =	vld [tilespmem:$0x9A10];
	_ =	sdelay $0x4  }
0x41: {  	[tilespmem:$0x1FE60] =	vst v1;
	v1 =	vld [tilespmem:$0x9A20];
	_ =	sdelay $0x4  }
0x42: {  	[tilespmem:$0x1FE70] =	vst v1;
	v1 =	vld [tilespmem:$0x9A30];
	_ =	sdelay $0x4  }
0x43: {  	[tilespmem:$0x1FE80] =	vst v1;
	v1 =	vld [tilespmem:$0x9A40];
	_ =	sdelay $0x4  }
0x44: {  	[tilespmem:$0x1FE90] =	vst v1;
	v1 =	vld [tilespmem:$0x9A50];
	_ =	sdelay $0x4  }
0x45: {  	[tilespmem:$0x1FEA0] =	vst v1;
	v1 =	vld [tilespmem:$0x9A60];
	_ =	sdelay $0x4  }
0x46: {  	[tilespmem:$0x1FEB0] =	vst v1;
	v1 =	vld [tilespmem:$0x9A70];
	_ =	sdelay $0x2  }
0x47: {  	v13 =	vld [tilespmem:$0xA600]  }
0x48: {  	v16 =	vld [tilespmem:$0xA610]  }
0x49: {  	[tilespmem:$0x1FEC0] =	vst v1;
	v1 =	vld [tilespmem:$0x9A80]  }
0x4a: {  	v20 =	vld [tilespmem:$0xA620]  }
0x4b: {  	v21 =	vld [tilespmem:$0xA630]  }
0x4c: {  	v22 =	vld [tilespmem:$0xA640]  }
0x4d: {  	v23 =	vld [tilespmem:$0xA650]  }
0x4e: {  	[tilespmem:$0x1FED0] =	vst v1;
	v1 =	vld [tilespmem:$0x9A90]  }
0x4f: {  	v25 =	vld [tilespmem:$0xA660]  }
0x50: {  	v26 =	vld [tilespmem:$0xA670]  }
0x51: {  	v27 =	vld [tilespmem:$0x9600]  }
0x52: {  	v28 =	vld [tilespmem:$0x9610]  }
0x53: {  	[tilespmem:$0x1FEE0] =	vst v1;
	v1 =	vld [tilespmem:$0x9AA0]  }
0x54: {  	v32 =	vld [tilespmem:$0x9620]  }
0x55: {  	v33 =	vld [tilespmem:$0x9630]  }
0x56: {  	v2 =	vld [tilespmem:$0x9640]  }
0x57: {  	v3 =	vld [tilespmem:$0x9650]  }
0x58: {  	[tilespmem:$0x1FEF0] =	vst v1;
	v1 =	vld [tilespmem:$0x9AD0]  }
0x59: {  	v5 =	vld [tilespmem:$0x9660]  }
0x5a: {  	v4 =	vld [tilespmem:$0x9670]  }
0x5b: {  	v7 =	vld [tilespmem:$0x9680]  }
0x5c: {  	v6 =	vld [tilespmem:$0x9690]  }
0x5d: {  	v0 =	vadd.f32 v12, v0;
	[tilespmem:$0x1FF20] =	vst v1;
	v1 =	vld [tilespmem:$0x9AE0]  }
0x5e: {  	v8 =	vld [tilespmem:$0x96A0]  }
0x5f: {  	v12 =	vmul.f32 $4.999999890e-03, v0;
	v0 =	vld [tilespmem:$0x9AB0]  }
0x60: {  	v9 =	vld [tilespmem:$0x96B0]  }
0x61: {  	v14 =	vld [tilespmem:$0x96C0]  }
0x62: {  	[tilespmem:$0x1FF30] =	vst v1;
	v1 =	vld [tilespmem:$0x9AF0]  }
0x63: {  	v17 =	vld [tilespmem:$0x96D0]  }
0x64: {  	[tilespmem:$0x1FF00] =	vst v0;
	v0 =	vld [tilespmem:$0x9AC0]  }
0x65: {  	v15 =	vld [tilespmem:$0x96E0]  }
0x66: {  	v19 =	vld [tilespmem:$0x96F0]  }
0x67: {  	[tilespmem:$0x1FF40] =	vst v1;
	v1 =	vld [tilespmem:$0x9B00]  }
0x68: {  	v18 =	vld [tilespmem:$0x9700]  }
0x69: {  	v24 =	vld [tilespmem:$0x9710];
	[tilespmem:$0x1FF10] =	vst v0;
	v0 =	vbroadcast v12, $0x0  }
0x6a: {  	v29 =	vld [tilespmem:$0x9720]  }
0x6b: {  	v31 =	vld [tilespmem:$0x9730];
	v10 =	vadd.f32 v11, v10;
	v27 =	vmul.f32 v27, v0  }
0x6c: {  	v28 =	vmul.f32 v28, v0;
	v32 =	vmul.f32 v32, v0;
	[tilespmem:$0x1FF50] =	vst v1;
	v1 =	vld [tilespmem:$0x9B10]  }
0x6d: {  	v30 =	vld [tilespmem:$0x9740];
	[tilespmem:$0x1FFF0] =	vst v10;
	v10 =	vmul.f32 v33, v0;
	v2 =	vmul.f32 v2, v0  }
0x6e: {  	v34 =	vld [tilespmem:$0x9750];
	v3 =	vmul.f32 v3, v0;
	v33 =	vbroadcast v12, $0x1  }
0x6f: {  	v35 =	vld [tilespmem:$0x9760];
	v5 =	vmul.f32 v5, v0;
	v27 =	vadd.f32 v27, v13;
	v16 =	vadd.f32 v28, v16  }
0x70: {  	v37 =	vld [tilespmem:$0x9770];
	v0 =	vmul.f32 v4, v0;
	v20 =	vadd.f32 v32, v20;
	v21 =	vadd.f32 v10, v21  }
0x71: {  	v2 =	vadd.f32 v2, v22;
	v3 =	vadd.f32 v3, v23;
	v23 =	vmul.f32 v7, v33;
	[tilespmem:$0x1FF60] =	vst v1;
	v1 =	vld [tilespmem:$0x9B20]  }
0x72: {  	v36 =	vld [tilespmem:$0x9780];
	v6 =	vmul.f32 v6, v33;
	v5 =	vadd.f32 v5, v25;
	v32 =	vmul.f32 v8, v33  }
0x73: {  	v39 =	vld [tilespmem:$0x9790];
	v0 =	vadd.f32 v0, v26;
	v8 =	vmul.f32 v9, v33;
	v9 =	vmul.f32 v14, v33  }
0x74: {  	v38 =	vld [tilespmem:$0x97A0];
	v14 =	vbroadcast v12, $0x2;
	v17 =	vmul.f32 v17, v33;
	v4 =	vadd.f32 v23, v27  }
0x75: {  	v40 =	vld [tilespmem:$0x97B0];
	v15 =	vmul.f32 v15, v33;
	v6 =	vadd.f32 v6, v16;
	v7 =	vadd.f32 v32, v20  }
0x76: {  	v8 =	vadd.f32 v8, v21;
	v2 =	vadd.f32 v9, v2;
	v9 =	vmul.f32 v19, v33;
	[tilespmem:$0x1FF70] =	vst v1;
	v1 =	vld [tilespmem:$0x9B30]  }
0x77: {  	v41 =	vld [tilespmem:$0x97C0];
	v18 =	vmul.f32 v18, v14;
	v5 =	vadd.f32 v15, v5;
	v15 =	vmul.f32 v24, v14  }
0x78: {  	v42 =	vld [tilespmem:$0x97D0];
	v3 =	vadd.f32 v17, v3;
	v0 =	vadd.f32 v9, v0;
	v9 =	vmul.f32 v29, v14  }
0x79: {  	v44 =	vld [tilespmem:$0x97E0];
	v33 =	vmul.f32 v30, v14;
	v6 =	vadd.f32 v15, v6;
	v15 =	vmul.f32 v31, v14  }
0x7a: {  	v43 =	vld [tilespmem:$0x97F0];
	v7 =	vadd.f32 v9, v7;
	v9 =	vmul.f32 v34, v14;
	v34 =	vbroadcast v12, $0x3  }
0x7b: {  	v4 =	vadd.f32 v18, v4;
	v8 =	vadd.f32 v15, v8;
	v15 =	vmul.f32 v35, v14;
	[tilespmem:$0x1FF80] =	vst v1;
	v1 =	vld [tilespmem:$0x9B50]  }
0x7c: {  	v45 =	vld [tilespmem:$0x9800];
	v3 =	vadd.f32 v9, v3;
	v9 =	vmul.f32 v37, v14;
	v14 =	vmul.f32 v36, v34  }
0x7d: {  	v47 =	vld [tilespmem:$0x9820];
	v2 =	vadd.f32 v33, v2;
	v5 =	vadd.f32 v15, v5;
	v15 =	vmul.f32 v39, v34  }
0x7e: {  	v48 =	vld [tilespmem:$0x9830];
	v39 =	vmul.f32 v38, v34;
	v4 =	vadd.f32 v14, v4;
	v14 =	vmul.f32 v41, v34  }
0x7f: {  	v49 =	vld [tilespmem:$0x9840];
	v0 =	vadd.f32 v9, v0;
	v9 =	vmul.f32 v40, v34;
	v6 =	vadd.f32 v15, v6  }
0x80: {  	v15 =	vbroadcast v12, $0x4;
	v2 =	vadd.f32 v14, v2;
	v14 =	vmul.f32 v44, v34;
	[tilespmem:$0x1FF90] =	vst v1;
	v1 =	vld [tilespmem:$0x9B70]  }
0x81: {  	v53 =	vld [tilespmem:$0x9870];
	v8 =	vadd.f32 v9, v8;
	v9 =	vmul.f32 v42, v34  }
0x82: {  	v50 =	vld [tilespmem:$0x9850];
	v7 =	vadd.f32 v39, v7;
	v5 =	vadd.f32 v14, v5;
	v14 =	vmul.f32 v47, v15  }
0x83: {  	v55 =	vld [tilespmem:$0x98A0];
	v3 =	vadd.f32 v9, v3;
	v9 =	vmul.f32 v45, v15  }
0x84: {  	v58 =	vld [tilespmem:$0x98D0];
	v44 =	vmul.f32 v43, v34;
	v7 =	vadd.f32 v14, v7;
	v14 =	vmul.f32 v49, v15  }
0x85: {  	v24 =	vbroadcast v12, $0x5;
	v4 =	vadd.f32 v9, v4;
	v9 =	vmul.f32 v48, v15;
	[tilespmem:$0x1FFA0] =	vst v1;
	v1 =	vld [tilespmem:$0x9BA0]  }
0x86: {  	v0 =	vadd.f32 v44, v0;
	v2 =	vadd.f32 v14, v2;
	v14 =	vmul.f32 v53, v15  }
0x87: {  	v61 =	vld [tilespmem:$0x98F0];
	v8 =	vadd.f32 v9, v8  }
0x88: {  	v9 =	vmul.f32 v50, v15;
	v0 =	vadd.f32 v14, v0;
	v14 =	vmul.f32 v55, v24  }
0x89: {  	v46 =	vld [tilespmem:$0x9810]  }
0x8a: {  	v3 =	vadd.f32 v9, v3;
	v7 =	vadd.f32 v14, v7;
	v14 =	vmul.f32 v58, v24;
	[tilespmem:$0x1FFB0] =	vst v1;
	v1 =	vld [tilespmem:$0x9BB0]  }
0x8b: {  	v54 =	vld [tilespmem:$0x9890]  }
0x8c: {  	v3 =	vadd.f32 v14, v3;
	v14 =	vmul.f32 v61, v24  }
0x8d: {  	v56 =	vld [tilespmem:$0x98B0]  }
0x8e: {  	v46 =	vmul.f32 v46, v15;
	v14 =	vadd.f32 v14, v0;
	v0 =	vld [tilespmem:$0x1FD80]  }
0x8f: {  	[tilespmem:$0x1FFC0] =	vst v1;
	v1 =	vld [tilespmem:$0x9BF0]  }
0x90: {  	v6 =	vadd.f32 v46, v6;
	v9 =	vmul.f32 v54, v24;
	_ =	sdelay $0x1  }
0x91: {  	v51 =	vld [tilespmem:$0x9860];
	v30 =	vbroadcast v12, $0x6;
	v6 =	vadd.f32 v9, v6;
	v9 =	vmul.f32 v56, v24  }
0x92: {  	v52 =	vld [tilespmem:$0x9880]  }
0x93: {  	v8 =	vadd.f32 v9, v8;
	v0 =	vmul.f32 v0, v30;
	[tilespmem:$0x1FFD0] =	vst v1;
	v1 =	vld [tilespmem:$0x9C10]  }
0x94: {  	v57 =	vld [tilespmem:$0x98C0]  }
0x95: {  	v8 =	vadd.f32 v0, v8;
	v0 =	vld [tilespmem:$0x1FDA0]  }
0x96: {  	v60 =	vld [tilespmem:$0x9900]  }
0x97: {  	v29 =	vmul.f32 v51, v15;
	v15 =	vmul.f32 v52, v24  }
0x98: {  	[tilespmem:$0x1FFE0] =	vst v1;
	v1 =	vld [tilespmem:$0x1FD90]  }
0x99: {  	v4 =	vadd.f32 v15, v4;
	v15 =	vmul.f32 v57, v24  }
0x9a: {  	v34 =	vmul.f32 v0, v30;
	v0 =	vld [tilespmem:$0x1FDB0]  }
0x9b: {  	v9 =	vadd.f32 v15, v2;
	v15 =	vmul.f32 v60, v30;
	_ =	sdelay $0x1  }
0x9c: {  	v4 =	vadd.f32 v15, v4;
	v15 =	vmul.f32 v1, v30;
	_ =	sdelay $0x1  }
0x9d: {  	v9 =	vadd.f32 v15, v9;
	v15 =	vmul.f32 v0, v30;
	v0 =	vld [tilespmem:$0x1FDC0];
	_ =	sdelay $0x4  }
0x9e: {  	v18 =	vmul.f32 v0, v30;
	v0 =	vld [tilespmem:$0x1FDD0];
	_ =	sdelay $0x2  }
0x9f: {  	v40 =	vbroadcast v12, $0x7;
	_ =	sdelay $0x1  }
0xa0: {  	v17 =	vadd.f32 v34, v3;
	v3 =	vmul.f32 v0, v40;
	v0 =	vld [tilespmem:$0x1FDE0]  }
0xa1: {  	v59 =	vld [tilespmem:$0x98E0];
	_ =	sdelay $0x3  }
0xa2: {  	v41 =	vmul.f32 v0, v40;
	v0 =	vld [tilespmem:$0x1FDF0]  }
0xa3: {  	v5 =	vadd.f32 v29, v5;
	v2 =	vmul.f32 v59, v24;
	_ =	sdelay $0x1  }
0xa4: {  	v5 =	vadd.f32 v2, v5;
	_ =	sdelay $0x1  }
0xa5: {  	v5 =	vadd.f32 v15, v5;
	v15 =	vmul.f32 v0, v40;
	v0 =	vld [tilespmem:$0x1FE00]  }
0xa6: {  	v63 =	vld [tilespmem:$0x9920];
	_ =	sdelay $0x3  }
0xa7: {  	v4 =	vadd.f32 v3, v4;
	v3 =	vmul.f32 v0, v40;
	v0 =	vld [tilespmem:$0x1FE10]  }
0xa8: {  	v31 =	vmul.f32 v63, v30;
	_ =	sdelay $0x1  }
0xa9: {  	v7 =	vadd.f32 v31, v7;
	_ =	sdelay $0x1  }
0xaa: {  	v7 =	vadd.f32 v15, v7;
	v15 =	vmul.f32 v0, v40;
	v0 =	vld [tilespmem:$0x1FE20];
	_ =	sdelay $0x4  }
0xab: {  	v42 =	vmul.f32 v0, v40;
	v0 =	vld [tilespmem:$0x1FE30];
	_ =	sdelay $0x4  }
0xac: {  	v43 =	vmul.f32 v0, v40;
	v0 =	vld [tilespmem:$0x1FE40];
	_ =	sdelay $0x4  }
0xad: {  	v9 =	vadd.f32 v15, v9;
	v15 =	vmul.f32 v0, v40;
	v0 =	vld [tilespmem:$0x1FE50];
	_ =	sdelay $0x2  }
0xae: {  	v14 =	vadd.f32 v18, v14;
	v18 =	vbroadcast v12, $0x8  }
0xaf: {  	v62 =	vld [tilespmem:$0x9910]  }
0xb0: {  	v57 =	vmul.f32 v0, v18;
	v0 =	vld [tilespmem:$0x1FE60];
	_ =	sdelay $0x4  }
0xb1: {  	v2 =	vmul.f32 v62, v30;
	v62 =	vmul.f32 v0, v18;
	v0 =	vld [tilespmem:$0x1FE70];
	_ =	sdelay $0x4  }
0xb2: {  	v29 =	vmul.f32 v0, v18;
	v0 =	vld [tilespmem:$0x1FE80];
	_ =	sdelay $0x4  }
0xb3: {  	v15 =	vadd.f32 v15, v14;
	v14 =	vmul.f32 v0, v18;
	v0 =	vld [tilespmem:$0x1FE90];
	_ =	sdelay $0x4  }
0xb4: {  	v31 =	vmul.f32 v0, v18;
	v0 =	vld [tilespmem:$0x1FEA0];
	_ =	sdelay $0x4  }
0xb5: {  	v30 =	vadd.f32 v57, v4;
	v57 =	vmul.f32 v0, v18;
	v0 =	vld [tilespmem:$0x1FEB0];
	_ =	sdelay $0x2  }
0xb6: {  	v11 =	vld [tilespmem:$0x9B60];
	v8 =	vadd.f32 v3, v8  }
0xb7: {  	v10 =	vld [tilespmem:$0x9B40]  }
0xb8: {  	v8 =	vadd.f32 v14, v8;
	v14 =	vmul.f32 v0, v18;
	v0 =	vld [tilespmem:$0x1FEC0]  }
0xb9: {  	v13 =	vld [tilespmem:$0x9B80]  }
0xba: {  	v22 =	vld [tilespmem:$0x9BE0]  }
0xbb: {  	v25 =	vld [tilespmem:$0x9C20]  }
0xbc: {  	v26 =	vld [tilespmem:$0x9C30]  }
0xbd: {  	v18 =	vmul.f32 v0, v18;
	v0 =	vld [tilespmem:$0x1FED0]  }
0xbe: {  	v28 =	vld [tilespmem:$0x9C70]  }
0xbf: {  	v16 =	vld [tilespmem:$0x9B90]  }
0xc0: {  	v20 =	vld [tilespmem:$0x9BC0];
	v6 =	vadd.f32 v2, v6;
	v40 =	vbroadcast v12, $0x9  }
0xc1: {  	v21 =	vld [tilespmem:$0x9BD0]  }
0xc2: {  	v6 =	vadd.f32 v41, v6;
	v41 =	vmul.f32 v0, v40;
	v0 =	vld [tilespmem:$0x1FEE0]  }
0xc3: {  	v23 =	vld [tilespmem:$0x9C00]  }
0xc4: {  	v27 =	vld [tilespmem:$0x9C40]  }
0xc5: {  	v32 =	vld [tilespmem:$0x9C90];
	v5 =	vadd.f32 v43, v5  }
0xc6: {  	v19 =	vld [tilespmem:$0x9E40]  }
0xc7: {  	v43 =	vadd.f32 v14, v5;
	v5 =	vmul.f32 v0, v40;
	v0 =	vld [tilespmem:$0x1FEF0]  }
0xc8: {  	v33 =	vld [tilespmem:$0x9CA0]  }
0xc9: {  	v63 =	vld [tilespmem:$0x9D30]  }
0xca: {  	v35 =	vld [tilespmem:$0x9CC0]  }
0xcb: {  	v38 =	vld [tilespmem:$0x9C50]  }
0xcc: {  	v6 =	vadd.f32 v62, v6;
	v62 =	vmul.f32 v0, v40;
	v0 =	vld [tilespmem:$0x1FF00]  }
0xcd: {  	v37 =	vld [tilespmem:$0x9C80]  }
0xce: {  	v36 =	vld [tilespmem:$0x9CB0]  }
0xcf: {  	v39 =	vld [tilespmem:$0x9C60]  }
0xd0: {  	v51 =	vld [tilespmem:$0x9D40]  }
0xd1: {  	v18 =	vadd.f32 v18, v15;
	v15 =	vmul.f32 v0, v40;
	v0 =	vld [tilespmem:$0x1FF10]  }
0xd2: {  	v47 =	vld [tilespmem:$0x9DB0]  }
0xd3: {  	v1 =	vld [tilespmem:$0x1FF30]  }
0xd4: {  	v45 =	vld [tilespmem:$0x9DC0];
	v17 =	vadd.f32 v42, v17;
	v7 =	vadd.f32 v29, v7  }
0xd5: {  	v44 =	vld [tilespmem:$0x9DD0];
	v9 =	vadd.f32 v31, v9  }
0xd6: {  	v46 =	vld [tilespmem:$0x9DE0];
	v24 =	vadd.f32 v57, v17;
	v57 =	vadd.f32 v62, v7;
	v7 =	vmul.f32 v0, v40  }
0xd7: {  	v0 =	vld [tilespmem:$0x1FF20]  }
0xd8: {  	v3 =	vadd.f32 v7, v9;
	v9 =	vmul.f32 v1, v40;
	v1 =	vld [tilespmem:$0x1FF40]  }
0xd9: {  	v49 =	vld [tilespmem:$0x9D50]  }
0xda: {  	v48 =	vld [tilespmem:$0x9DA0]  }
0xdb: {  	v52 =	vld [tilespmem:$0x9CD0]  }
0xdc: {  	v53 =	vld [tilespmem:$0x9D80]  }
0xdd: {  	v62 =	vadd.f32 v15, v8;
	v8 =	vmul.f32 v0, v40;
	v40 =	vmul.f32 v1, v40;
	v1 =	vld [tilespmem:$0x1FF50]  }
0xde: {  	v50 =	vld [tilespmem:$0x9D90]  }
0xdf: {  	v54 =	vld [tilespmem:$0x9CE0]  }
0xe0: {  	v55 =	vld [tilespmem:$0x9CF0];
	v0 =	vbroadcast v12, $0xA  }
0xe1: {  	v58 =	vld [tilespmem:$0x9D00]  }
0xe2: {  	v24 =	vadd.f32 v8, v24;
	v8 =	vmul.f32 v1, v0;
	v1 =	vld [tilespmem:$0x1FF60]  }
0xe3: {  	v56 =	vld [tilespmem:$0x9D70]  }
0xe4: {  	v59 =	vld [tilespmem:$0x9D10]  }
0xe5: {  	v2 =	vld [tilespmem:$0x1FF70]  }
0xe6: {  	v60 =	vld [tilespmem:$0x9D20]  }
0xe7: {  	v61 =	vld [tilespmem:$0x9D60];
	v30 =	vadd.f32 v41, v30;
	v41 =	vadd.f32 v5, v6;
	v1 =	vmul.f32 v1, v0  }
0xe8: {  	v34 =	vld [tilespmem:$0x9E00]  }
0xe9: {  	v8 =	vadd.f32 v8, v30;
	v30 =	vadd.f32 v1, v41;
	v1 =	vld [tilespmem:$0x1FF80]  }
0xea: {  	v42 =	vld [tilespmem:$0x9DF0];
	v43 =	vadd.f32 v9, v43;
	v9 =	vmul.f32 v2, v0  }
0xeb: {  	v2 =	vld [tilespmem:$0x1FF90]  }
0xec: {  	v9 =	vadd.f32 v9, v57;
	v57 =	vld [tilespmem:$0x1FFA0]  }
0xed: {  	v29 =	vld [tilespmem:$0x9E30]  }
0xee: {  	v31 =	vld [tilespmem:$0x9E10];
	v41 =	vmul.f32 v1, v0  }
0xef: {  	v17 =	vld [tilespmem:$0x9E20]  }
0xf0: {  	v14 =	vld [tilespmem:$0x9E60];
	v4 =	vmul.f32 v10, v0;
	v41 =	vadd.f32 v41, v62;
	v62 =	vmul.f32 v2, v0  }
0xf1: {  	v6 =	vld [tilespmem:$0x9E50];
	v18 =	vadd.f32 v40, v18;
	v2 =	vmul.f32 v11, v0;
	v0 =	vmul.f32 v57, v0  }
0xf2: {  	v5 =	vld [tilespmem:$0x9EA0]  }
0xf3: {  	v3 =	vadd.f32 v4, v3;
	v4 =	vadd.f32 v0, v18;
	v0 =	vld [tilespmem:$0x1FFB0]  }
0xf4: {  	v15 =	vld [tilespmem:$0x9E70];
	v1 =	vbroadcast v12, $0xB  }
0xf5: {  	v7 =	vld [tilespmem:$0x9E80]  }
0xf6: {  	v10 =	vld [tilespmem:$0x9EB0];
	v57 =	vmul.f32 v13, v1  }
0xf7: {  	v40 =	vld [tilespmem:$0x9E90];
	v24 =	vadd.f32 v62, v24  }
0xf8: {  	v62 =	vmul.f32 v16, v1;
	v8 =	vadd.f32 v57, v8;
	v57 =	vmul.f32 v0, v1;
	v0 =	vld [tilespmem:$0x1FFC0]  }
0xf9: {  	v11 =	vld [tilespmem:$0x9EC0]  }
0xfa: {  	v13 =	vld [tilespmem:$0x9ED0];
	v30 =	vadd.f32 v62, v30;
	v62 =	vmul.f32 v20, v1  }
0xfb: {  	v16 =	vld [tilespmem:$0x9EE0]  }
0xfc: {  	v3 =	vadd.f32 v62, v3;
	v62 =	vld [tilespmem:$0x1FFD0]  }
0xfd: {  	v2 =	vadd.f32 v2, v43;
	v18 =	vld [tilespmem:$0x9EF0];
	v43 =	vmul.f32 v0, v1  }
0xfe: {  	v20 =	vld [tilespmem:$0x9F00];
	v9 =	vadd.f32 v57, v9;
	v57 =	vmul.f32 v21, v1  }
0xff: {  	v21 =	vld [tilespmem:$0x9F10];
	v0 =	vbroadcast v12, $0xC;
	v41 =	vadd.f32 v43, v41;
	v43 =	vmul.f32 v22, v1  }
0x100: {  	v57 =	vadd.f32 v57, v24;
	v24 =	vld [tilespmem:$0x9F40]  }
0x101: {  	v1 =	vmul.f32 v62, v1;
	v62 =	vmul.f32 v23, v0;
	v2 =	vadd.f32 v43, v2;
	v43 =	vld [tilespmem:$0x1FFE0]  }
0x102: {  	v22 =	vld [tilespmem:$0x9F20];
	v25 =	vmul.f32 v25, v0  }
0x103: {  	v23 =	vld [tilespmem:$0x9F30];
	v1 =	vadd.f32 v1, v4;
	v4 =	vadd.f32 v62, v8;
	v8 =	vmul.f32 v26, v0  }
0x104: {  	v38 =	vmul.f32 v38, v0;
	v39 =	vmul.f32 v39, v0;
	v26 =	vld [tilespmem:$0x9F50];
	v9 =	vadd.f32 v25, v9  }
0x105: {  	v62 =	vmul.f32 v27, v0;
	v25 =	vld [tilespmem:$0x9F60];
	v8 =	vadd.f32 v8, v41;
	v41 =	vbroadcast v12, $0xD  }
0x106: {  	v27 =	vld [tilespmem:$0x9F70];
	v43 =	vmul.f32 v43, v0;
	v0 =	vmul.f32 v28, v0  }
0x107: {  	v3 =	vadd.f32 v62, v3;
	v2 =	vadd.f32 v39, v2;
	v39 =	vld [tilespmem:$0xA000];
	v62 =	vmul.f32 v32, v41  }
0x108: {  	v32 =	vld [tilespmem:$0x9FA0];
	v36 =	vmul.f32 v36, v41;
	v0 =	vadd.f32 v0, v1;
	v1 =	vmul.f32 v33, v41  }
0x109: {  	v38 =	vadd.f32 v38, v57;
	v57 =	vbroadcast v12, $0xE;
	v37 =	vmul.f32 v37, v41;
	v28 =	vld [tilespmem:$0x9F80]  }
0x10a: {  	v8 =	vadd.f32 v36, v8;
	v36 =	vld [tilespmem:$0x9FD0];
	v1 =	vadd.f32 v1, v9;
	v9 =	vmul.f32 v35, v41  }
0x10b: {  	v4 =	vadd.f32 v37, v4;
	v37 =	vld [tilespmem:$0x9FE0];
	v43 =	vadd.f32 v43, v30  }
0x10c: {  	v51 =	vmul.f32 v51, v57;
	v30 =	vld [tilespmem:$0x9F90];
	v3 =	vadd.f32 v9, v3;
	v9 =	vmul.f32 v55, v41  }
0x10d: {  	v33 =	vld [tilespmem:$0x9FB0];
	v43 =	vadd.f32 v62, v43;
	v62 =	vmul.f32 v52, v41;
	v52 =	vmul.f32 v54, v41  }
0x10e: {  	v12 =	vbroadcast v12, $0xF;
	v35 =	vld [tilespmem:$0x9FC0];
	v9 =	vadd.f32 v9, v0;
	v0 =	vmul.f32 v60, v57  }
0x10f: {  	v41 =	vmul.f32 v58, v57;
	v62 =	vadd.f32 v62, v38;
	v2 =	vadd.f32 v52, v2;
	v38 =	vld [tilespmem:$0x9FF0]  }
0x110: {  	v58 =	vmul.f32 v59, v57;
	v52 =	vld [tilespmem:$0xA010];
	v1 =	vadd.f32 v0, v1;
	v0 =	vmul.f32 v49, v57  }
0x111: {  	v59 =	vmul.f32 v63, v57;
	v63 =	vmul.f32 v47, v12;
	v47 =	vld [tilespmem:$0xA070]  }
0x112: {  	v53 =	vmul.f32 v53, v12;
	v54 =	vadd.f32 v0, v62;
	v0 =	vld [tilespmem:$0x1FFF0]  }
0x113: {  	v48 =	vmul.f32 v48, v12;
	v45 =	vmul.f32 v45, v12;
	v3 =	vadd.f32 v51, v3;
	v51 =	vld [tilespmem:$0xA030]  }
0x114: {  	v60 =	vmul.f32 v61, v57;
	v61 =	vmul.f32 v56, v57;
	v56 =	vld [tilespmem:$0xA040]  }
0x115: {  	v44 =	vmul.f32 v44, v12;
	v4 =	vadd.f32 v41, v4;
	v41 =	vadd.f32 v58, v43;
	v58 =	vld [tilespmem:$0xA080]  }
0x116: {  	v8 =	vadd.f32 v59, v8;
	v59 =	vmul.f32 v46, v12;
	v43 =	vld [tilespmem:$0xA0B0];
	v2 =	vadd.f32 v60, v2  }
0x117: {  	v49 =	vld [tilespmem:$0xA020];
	v9 =	vadd.f32 v61, v9;
	v4 =	vadd.f32 v53, v4;
	v0 =	vmul.f32 $4.999999890e-03, v0  }
0x118: {  	v53 =	vld [tilespmem:$0xA060];
	v8 =	vadd.f32 v63, v8;
	v3 =	vadd.f32 v45, v3;
	v62 =	vmul.f32 v50, v12  }
0x119: {  	v45 =	vld [tilespmem:$0xA090];
	v1 =	vadd.f32 v48, v1;
	v12 =	vmul.f32 v42, v12;
	v57 =	vbroadcast v0, $0x0  }
0x11a: {  	v50 =	vld [tilespmem:$0xA050];
	v44 =	vadd.f32 v44, v54;
	v48 =	vbroadcast v0, $0x4;
	v54 =	vbroadcast v0, $0x5  }
0x11b: {  	v42 =	vld [tilespmem:$0xA0A0];
	v2 =	vadd.f32 v59, v2;
	v34 =	vmul.f32 v34, v57;
	v31 =	vmul.f32 v31, v57  }
0x11c: {  	v59 =	vld [tilespmem:$0xA260];
	v9 =	vadd.f32 v12, v9;
	v17 =	vmul.f32 v17, v57;
	v12 =	vmul.f32 v29, v57  }
0x11d: {  	v41 =	vadd.f32 v62, v41;
	v29 =	vld [tilespmem:$0xA0C0];
	v60 =	vmul.f32 v19, v57;
	v6 =	vmul.f32 v6, v57  }
0x11e: {  	v19 =	vld [tilespmem:$0xA0D0];
	v14 =	vmul.f32 v14, v57;
	v15 =	vmul.f32 v15, v57;
	v4 =	vadd.f32 v34, v4  }
0x11f: {  	v57 =	vld [tilespmem:$0xA250];
	v31 =	vadd.f32 v31, v41;
	v8 =	vadd.f32 v12, v8;
	v12 =	vbroadcast v0, $0x1  }
0x120: {  	v1 =	vadd.f32 v17, v1;
	v34 =	vld [tilespmem:$0xA0E0];
	v6 =	vadd.f32 v6, v44;
	v44 =	vbroadcast v0, $0x3  }
0x121: {  	v3 =	vadd.f32 v60, v3;
	v17 =	vld [tilespmem:$0xA0F0];
	v7 =	vmul.f32 v7, v12;
	v40 =	vmul.f32 v40, v12  }
0x122: {  	v41 =	vld [tilespmem:$0xA100];
	v2 =	vadd.f32 v14, v2;
	v5 =	vmul.f32 v5, v12;
	v10 =	vmul.f32 v10, v12  }
0x123: {  	v9 =	vadd.f32 v15, v9;
	v14 =	vld [tilespmem:$0xA110];
	v62 =	vmul.f32 v11, v12;
	v11 =	vbroadcast v0, $0x2  }
0x124: {  	v15 =	vld [tilespmem:$0xA120];
	v63 =	vmul.f32 v18, v12;
	v8 =	vadd.f32 v10, v8;
	v10 =	vmul.f32 v13, v12  }
0x125: {  	v60 =	vld [tilespmem:$0xA280];
	v46 =	vmul.f32 v32, v44;
	v4 =	vadd.f32 v7, v4;
	v61 =	vadd.f32 v40, v31  }
0x126: {  	v18 =	vld [tilespmem:$0xA150];
	v1 =	vadd.f32 v5, v1;
	v6 =	vadd.f32 v10, v6;
	v10 =	vmul.f32 v21, v11  }
0x127: {  	v32 =	vld [tilespmem:$0xA230];
	v13 =	vmul.f32 v16, v12;
	v5 =	vadd.f32 v63, v9;
	v9 =	vmul.f32 v22, v11  }
0x128: {  	v31 =	vld [tilespmem:$0xA130];
	v3 =	vadd.f32 v62, v3;
	v7 =	vadd.f32 v10, v61;
	v10 =	vmul.f32 v23, v11  }
0x129: {  	v16 =	vld [tilespmem:$0xA140];
	v12 =	vmul.f32 v20, v11;
	v1 =	vadd.f32 v9, v1;
	v9 =	vmul.f32 v26, v11  }
0x12a: {  	v20 =	vld [tilespmem:$0xA1A0];
	v2 =	vadd.f32 v13, v2;
	v8 =	vadd.f32 v10, v8;
	v10 =	vmul.f32 v25, v11  }
0x12b: {  	v40 =	vmul.f32 v24, v11;
	v24 =	vld [tilespmem:$0xA1B0];
	v6 =	vadd.f32 v9, v6;
	v9 =	vmul.f32 v27, v11  }
0x12c: {  	v22 =	vmul.f32 v38, v44;
	v62 =	vld [tilespmem:$0xA2A0];
	v2 =	vadd.f32 v10, v2;
	v10 =	vmul.f32 v30, v44  }
0x12d: {  	v38 =	vld [tilespmem:$0xA460];
	v4 =	vadd.f32 v12, v4;
	v5 =	vadd.f32 v9, v5;
	v9 =	vmul.f32 v33, v44  }
0x12e: {  	v13 =	vld [tilespmem:$0xA160];
	v3 =	vadd.f32 v40, v3;
	v7 =	vadd.f32 v10, v7;
	v10 =	vmul.f32 v35, v44  }
0x12f: {  	v12 =	vld [tilespmem:$0xA170];
	v11 =	vmul.f32 v28, v44;
	v8 =	vadd.f32 v9, v8;
	v9 =	vmul.f32 v36, v44  }
0x130: {  	v52 =	vmul.f32 v52, v48;
	v21 =	vld [tilespmem:$0xA180];
	v3 =	vadd.f32 v10, v3;
	v10 =	vmul.f32 v37, v44  }
0x131: {  	v26 =	vld [tilespmem:$0xA1C0];
	v4 =	vadd.f32 v11, v4;
	v6 =	vadd.f32 v9, v6;
	v9 =	vmul.f32 v39, v48  }
0x132: {  	v40 =	vld [tilespmem:$0xA290];
	v1 =	vadd.f32 v46, v1;
	v2 =	vadd.f32 v10, v2;
	v10 =	vmul.f32 v49, v48  }
0x133: {  	v23 =	vld [tilespmem:$0xA190];
	v61 =	vbroadcast v0, $0x6;
	v4 =	vadd.f32 v9, v4;
	v9 =	vmul.f32 v51, v48  }
0x134: {  	v58 =	vmul.f32 v58, v54;
	v25 =	vld [tilespmem:$0xA1E0];
	v1 =	vadd.f32 v10, v1;
	v10 =	vmul.f32 v56, v48  }
0x135: {  	v28 =	vld [tilespmem:$0xA1F0];
	v63 =	vmul.f32 v41, v61;
	v8 =	vadd.f32 v9, v8;
	v9 =	vmul.f32 v50, v48  }
0x136: {  	v33 =	vld [tilespmem:$0xA210];
	v5 =	vadd.f32 v22, v5;
	v3 =	vadd.f32 v10, v3;
	v10 =	vmul.f32 v47, v48  }
0x137: {  	v41 =	vld [tilespmem:$0xA2C0];
	v7 =	vadd.f32 v52, v7;
	v6 =	vadd.f32 v9, v6;
	v9 =	vmul.f32 v45, v54  }
0x138: {  	v29 =	vmul.f32 v29, v54;
	v11 =	vld [tilespmem:$0xA1D0];
	v5 =	vadd.f32 v10, v5;
	v10 =	vmul.f32 v42, v54  }
0x139: {  	v30 =	vld [tilespmem:$0xA200];
	v56 =	vmul.f32 v53, v48;
	v7 =	vadd.f32 v9, v7;
	v9 =	vmul.f32 v43, v54  }
0x13a: {  	v12 =	vmul.f32 v12, v61;
	v22 =	vld [tilespmem:$0xA220];
	v1 =	vadd.f32 v10, v1;
	v10 =	vmul.f32 v19, v54  }
0x13b: {  	v36 =	vld [tilespmem:$0xA240];
	v2 =	vadd.f32 v56, v2;
	v8 =	vadd.f32 v9, v8;
	v9 =	vmul.f32 v34, v54  }
0x13c: {  	v35 =	vld [tilespmem:$0xA410];
	v44 =	vbroadcast v0, $0x7;
	v6 =	vadd.f32 v10, v6;
	v10 =	vmul.f32 v17, v54  }
0x13d: {  	v37 =	vld [tilespmem:$0xA270];
	v4 =	vadd.f32 v58, v4;
	v2 =	vadd.f32 v9, v2;
	v9 =	vmul.f32 v14, v61  }
0x13e: {  	v51 =	vld [tilespmem:$0xA360];
	v46 =	vmul.f32 v23, v44;
	v5 =	vadd.f32 v10, v5;
	v10 =	vmul.f32 v31, v61  }
0x13f: {  	v50 =	vld [tilespmem:$0xA350];
	v3 =	vadd.f32 v29, v3;
	v7 =	vadd.f32 v9, v7;
	v9 =	vmul.f32 v16, v61  }
0x140: {  	v49 =	vbroadcast v0, $0x8;
	v58 =	vld [tilespmem:$0xA3B0];
	v8 =	vadd.f32 v10, v8;
	v10 =	vmul.f32 v18, v61  }
0x141: {  	v45 =	vld [tilespmem:$0xA300];
	v14 =	vmul.f32 v15, v61;
	v3 =	vadd.f32 v9, v3;
	v9 =	vmul.f32 v13, v61  }
0x142: {  	v4 =	vadd.f32 v63, v4;
	v53 =	vld [tilespmem:$0xA370];
	v6 =	vadd.f32 v10, v6;
	v10 =	vmul.f32 v21, v44  }
0x143: {  	v63 =	vld [tilespmem:$0xA3E0];
	v1 =	vadd.f32 v14, v1;
	v2 =	vadd.f32 v9, v2;
	v9 =	vmul.f32 v20, v44  }
0x144: {  	v55 =	vmul.f32 v36, v49;
	v36 =	vld [tilespmem:$0xA420];
	v4 =	vadd.f32 v10, v4;
	v10 =	vmul.f32 v24, v44  }
0x145: {  	v52 =	vmul.f32 v30, v49;
	v43 =	vld [tilespmem:$0xA2E0];
	v1 =	vadd.f32 v9, v1;
	v9 =	vmul.f32 v26, v44  }
0x146: {  	v47 =	vld [tilespmem:$0xA320];
	v7 =	vadd.f32 v46, v7;
	v8 =	vadd.f32 v10, v8;
	v10 =	vmul.f32 v11, v44  }
0x147: {  	v48 =	vld [tilespmem:$0xA340];
	v5 =	vadd.f32 v12, v5;
	v3 =	vadd.f32 v9, v3;
	v9 =	vmul.f32 v28, v44  }
0x148: {  	v56 =	vld [tilespmem:$0xA3A0];
	v11 =	vmul.f32 v25, v44;
	v6 =	vadd.f32 v10, v6;
	v10 =	vmul.f32 v33, v49  }
0x149: {  	v29 =	vld [tilespmem:$0xA2B0];
	v5 =	vadd.f32 v9, v5;
	v4 =	vadd.f32 v52, v4;
	v9 =	vmul.f32 v22, v49  }
0x14a: {  	v34 =	vld [tilespmem:$0xA400];
	v3 =	vadd.f32 v55, v3;
	v7 =	vadd.f32 v10, v7;
	v10 =	vmul.f32 v32, v49  }
0x14b: {  	v15 =	vld [tilespmem:$0xA2D0];
	v2 =	vadd.f32 v11, v2;
	v1 =	vadd.f32 v9, v1;
	v9 =	vmul.f32 v57, v49  }
0x14c: {  	v14 =	vld [tilespmem:$0xA2F0];
	v57 =	vbroadcast v0, $0x9;
	v8 =	vadd.f32 v10, v8;
	v10 =	vmul.f32 v59, v49  }
0x14d: {  	v54 =	vld [tilespmem:$0xA390];
	v44 =	vbroadcast v0, $0xC;
	v6 =	vadd.f32 v9, v6;
	v9 =	vmul.f32 v37, v49  }
0x14e: {  	v13 =	vld [tilespmem:$0xA310];
	v55 =	vbroadcast v0, $0xE;
	v2 =	vadd.f32 v10, v2;
	v10 =	vmul.f32 v40, v57  }
0x14f: {  	v46 =	vld [tilespmem:$0xA4D0];
	v60 =	vmul.f32 v60, v57;
	v5 =	vadd.f32 v9, v5;
	v9 =	vmul.f32 v29, v57  }
0x150: {  	v12 =	vld [tilespmem:$0xA330];
	v62 =	vmul.f32 v62, v57;
	v7 =	vadd.f32 v10, v7;
	v10 =	vmul.f32 v41, v57  }
0x151: {  	v61 =	vld [tilespmem:$0xA3D0];
	v8 =	vadd.f32 v9, v8;
	v9 =	vmul.f32 v15, v57;
	v15 =	vbroadcast v0, $0xA  }
0x152: {  	v52 =	vld [tilespmem:$0xA540];
	v4 =	vadd.f32 v60, v4;
	v3 =	vadd.f32 v10, v3;
	v10 =	vmul.f32 v43, v57  }
0x153: {  	v11 =	vld [tilespmem:$0xA380];
	v1 =	vadd.f32 v62, v1;
	v6 =	vadd.f32 v9, v6;
	v9 =	vmul.f32 v45, v15  }
0x154: {  	v33 =	vld [tilespmem:$0xA3F0];
	v13 =	vmul.f32 v13, v15;
	v2 =	vadd.f32 v10, v2;
	v10 =	vmul.f32 v47, v15  }
0x155: {  	v14 =	vmul.f32 v14, v57;
	v37 =	vld [tilespmem:$0xA430];
	v4 =	vadd.f32 v9, v4;
	v9 =	vmul.f32 v12, v15  }
0x156: {  	v59 =	vld [tilespmem:$0xA3C0];
	v7 =	vadd.f32 v13, v7;
	v1 =	vadd.f32 v10, v1;
	v10 =	vmul.f32 v48, v15  }
0x157: {  	v49 =	vld [tilespmem:$0xA520];
	v13 =	vbroadcast v0, $0xB;
	v8 =	vadd.f32 v9, v8;
	v9 =	vmul.f32 v50, v15  }
0x158: {  	v5 =	vadd.f32 v14, v5;
	v14 =	vld [tilespmem:$0xA440];
	v3 =	vadd.f32 v10, v3;
	v10 =	vmul.f32 v53, v15  }
0x159: {  	v17 =	vmul.f32 v36, v44;
	v40 =	vld [tilespmem:$0xA470];
	v6 =	vadd.f32 v9, v6;
	v9 =	vmul.f32 v54, v13  }
0x15a: {  	v39 =	vmul.f32 v51, v15;
	v41 =	vld [tilespmem:$0xA490];
	v5 =	vadd.f32 v10, v5;
	v10 =	vmul.f32 v56, v13  }
0x15b: {  	v45 =	vld [tilespmem:$0xA4C0];
	v11 =	vmul.f32 v11, v13;
	v7 =	vadd.f32 v9, v7;
	v9 =	vmul.f32 v58, v13  }
0x15c: {  	v51 =	vld [tilespmem:$0xA530];
	v42 =	vmul.f32 v59, v13;
	v1 =	vadd.f32 v10, v1;
	v10 =	vmul.f32 v61, v13  }
0x15d: {  	v12 =	vld [tilespmem:$0xA450];
	v2 =	vadd.f32 v39, v2;
	v8 =	vadd.f32 v9, v8;
	v9 =	vmul.f32 v63, v13  }
0x15e: {  	v43 =	vld [tilespmem:$0xA4B0];
	v50 =	vmul.f32 v40, v44;
	v6 =	vadd.f32 v10, v6;
	v10 =	vmul.f32 v33, v13  }
0x15f: {  	v4 =	vadd.f32 v11, v4;
	v15 =	vld [tilespmem:$0xA480];
	v2 =	vadd.f32 v9, v2;
	v9 =	vmul.f32 v35, v44  }
0x160: {  	v11 =	vld [tilespmem:$0xA4A0];
	v3 =	vadd.f32 v42, v3;
	v5 =	vadd.f32 v10, v5;
	v10 =	vmul.f32 v37, v44  }
0x161: {  	v47 =	vld [tilespmem:$0xA4E0];
	v13 =	vmul.f32 v34, v44;
	v7 =	vadd.f32 v9, v7;
	v9 =	vmul.f32 v14, v44  }
0x162: {  	v48 =	vld [tilespmem:$0xA4F0];
	v8 =	vadd.f32 v10, v8;
	v10 =	vmul.f32 v12, v44;
	v12 =	vbroadcast v0, $0xD  }
0x163: {  	v56 =	vld [tilespmem:$0xA580];
	v1 =	vadd.f32 v17, v1;
	v3 =	vadd.f32 v9, v3;
	v9 =	vmul.f32 v38, v44  }
0x164: {  	v14 =	vld [tilespmem:$0xA510];
	v4 =	vadd.f32 v13, v4;
	v6 =	vadd.f32 v10, v6;
	v10 =	vmul.f32 v15, v12  }
0x165: {  	v13 =	vld [tilespmem:$0xA500];
	v2 =	vadd.f32 v9, v2;
	v5 =	vadd.f32 v50, v5;
	v9 =	vmul.f32 v11, v12  }
0x166: {  	v57 =	vld [tilespmem:$0xA5B0];
	v0 =	vbroadcast v0, $0xF;
	v4 =	vadd.f32 v10, v4;
	v10 =	vmul.f32 v43, v12  }
0x167: {  	v59 =	vld [tilespmem:$0xA5D0];
	v15 =	vmul.f32 v41, v12;
	v1 =	vadd.f32 v9, v1;
	v9 =	vmul.f32 v45, v12  }
0x168: {  	v11 =	vld [tilespmem:$0xA550];
	v53 =	vmul.f32 v46, v12;
	v8 =	vadd.f32 v10, v8;
	v10 =	vmul.f32 v47, v12  }
0x169: {  	v58 =	vmul.f32 v56, v0;
	v3 =	vadd.f32 v9, v3;
	v9 =	vmul.f32 v48, v12;
	v12 =	vld [tilespmem:$0xA590]  }
0x16a: {  	v2 =	vadd.f32 v10, v2;
	v10 =	vmul.f32 v13, v55;
	v13 =	vmul.f32 v14, v55;
	v14 =	vld [tilespmem:$0xA5A0]  }
0x16b: {  	v54 =	vld [tilespmem:$0xA570];
	v7 =	vadd.f32 v15, v7;
	v5 =	vadd.f32 v9, v5;
	v9 =	vmul.f32 v49, v55  }
0x16c: {  	v15 =	vld [tilespmem:$0xA560];
	v6 =	vadd.f32 v53, v6;
	v4 =	vadd.f32 v10, v4;
	v10 =	vmul.f32 v51, v55  }
0x16d: {  	v7 =	vadd.f32 v13, v7;
	v13 =	vld [tilespmem:$0xA5C0];
	v1 =	vadd.f32 v9, v1;
	v9 =	vmul.f32 v52, v55  }
0x16e: {  	v8 =	vadd.f32 v10, v8;
	v10 =	vmul.f32 v11, v55;
	v11 =	vmul.f32 v12, v0;
	v12 =	vld [tilespmem:$0xA5E0]  }
0x16f: {  	s24 =	sshll.u32 s22, $0x8;
	v3 =	vadd.f32 v9, v3;
	v4 =	vadd.f32 v58, v4;
	v9 =	vmul.f32 v14, v0;
	v14 =	vld [tilespmem:$0xA5F0]  }
0x170: {  	s24 =	sand.u32 $0x3FFFFF00, s24;
	v6 =	vadd.f32 v10, v6;
	v7 =	vadd.f32 v11, v7;
	v10 =	vmul.f32 v57, v0  }
0x171: {  	v61 =	vmul.f32 v59, v0;
	v60 =	vmul.f32 v15, v55;
	[tilespmem:s24+$0xA680] =	vst v4;
	v1 =	vadd.f32 v9, v1  }
0x172: {  	v11 =	vmul.f32 v54, v55;
	v9 =	vmul.f32 v13, v0;
	v8 =	vadd.f32 v10, v8;
	[tilespmem:s24+$0xA690] =	vst v7  }
0x173: {  	v2 =	vadd.f32 v60, v2;
	v63 =	vadd.f32 v61, v6;
	v62 =	vmul.f32 v12, v0;
	[tilespmem:s24+$0xA6A0] =	vst v1  }
0x174: {  	p0 =	seq.s32 s22, $0x3F;
	v3 =	vadd.f32 v9, v3;
	v1 =	vadd.f32 v11, v5;
	v0 =	vmul.f32 v14, v0;
	[tilespmem:s24+$0xA6B0] =	vst v8  }
0x175: {  	s25 =	smul.u32 @!p0 $0x640, s22;
	[tilespmem:s24+$0xA6D0] =	vst v63;
	v2 =	vadd.f32 v62, v2  }
0x176: {  	[tilespmem:s24+$0xA6C0] =	vst v3;
	v0 =	vadd.f32 v0, v1  }
0x177: {  	s25 =	sshra.s32 @!p0 s25, $0x2;
	[tilespmem:s24+$0xA6E0] =	vst v2  }
0x178: {  	s26 =	simm.s32 @!p0 $0x80;
	s28 =	simm.s32 @!p0 $0x6400;
	[tilespmem:s24+$0xA6F0] =	vst v0;
	s24 =	sadd.s32 @!p0 $0x190, s25  }
0x179: {  	[tilespmem:s28], [sflag:$0x1] =	stream.indirect.gather @!p0 [hbm4b:s5+s26], $0x20, s24, s26, $0xb8;
	[tilespmem:$0xE680] =	vst v63  }
0x17a: {  	s24 =	sadd.s32 @!p0 $0x210, s25;
	s25 =	simm.s32 @!p0 $0x48;
	s26 =	simm.s32 @!p0 $0x7400  }
0x17b: {  	[tilespmem:s26], [sflag:$0x1] =	stream.indirect.gather @!p0 [hbm4b:s5+s25], $0x20, s24, s25, $0xb8;
	[tilespmem:$0xE680] =	vst v63  }
0x17c: {  	_ =	swait.ge [sflag:s19], $0x1000  }
0x17d: {  	[sflag:s19] =	ssyncset.done $0x0  }
0x17e: {  	[sflag:s19] =	ssyncadd.s32 $0xFFFFF000  }
0x17f: {  	_ =	swait.ge [sflag:s19], $0x900  }
0x180: {  	[sflag:s19] =	ssyncset.done $0x0  }
0x181: {  	s31 =	simm.s32 $0x0;
	[sflag:s19] =	ssyncadd.s32 $0xFFFFF700  }
0x182: {  	v11 =	vld [tilespmem:s31+$0x7D10]  }
0x183: {  	v10 =	vimm.f32 $0.0e+00;
	v0 =	vimm.f32 $0.0e+00;
	s24 =	simm.s32 $0x80;
	v12 =	vld [tilespmem:s31+$0x7D00]  }
.LBB2_5:
0x184: {  	p0 =	sne.s32 s24, $0x6380  }
.Ltmp1:
0x185: {  	_ = 	snop;
	(pc) =	sbr.rel @p0 .LBB2_5-.Ltmp1, $4  }
0x186: {  	_ = 	snop  }
0x187: {  	s25 =	sshra.s32 s24, $0x2;
	s24 =	sadd.s32 $0x80, s24;
	v10 =	vadd.f32 v11, v10  }
0x188: {  	v11 =	vld [tilespmem:s25+$0x7D10];
	v0 =	vadd.f32 v12, v0  }
0x189: {  	v12 =	vld [tilespmem:s25+$0x7D00]  }
0x18a: {  	v13 =	vld [tilespmem:$0xA600]  }
0x18b: {  	v16 =	vld [tilespmem:$0xA610]  }
0x18c: {  	v20 =	vld [tilespmem:$0xA620]  }
0x18d: {  	v21 =	vld [tilespmem:$0xA630]  }
0x18e: {  	v1 =	vld [tilespmem:$0x9930]  }
0x18f: {  	v22 =	vld [tilespmem:$0xA640]  }
0x190: {  	v23 =	vld [tilespmem:$0xA650]  }
0x191: {  	v25 =	vld [tilespmem:$0xA660]  }
0x192: {  	v26 =	vld [tilespmem:$0xA670]  }
0x193: {  	[tilespmem:$0x1FB00] =	vst v1;
	v1 =	vld [tilespmem:$0x9940]  }
0x194: {  	v27 =	vld [tilespmem:$0x9600]  }
0x195: {  	v28 =	vld [tilespmem:$0x9610]  }
0x196: {  	v32 =	vld [tilespmem:$0x9620]  }
0x197: {  	v33 =	vld [tilespmem:$0x9630]  }
0x198: {  	[tilespmem:$0x1FB10] =	vst v1;
	v1 =	vld [tilespmem:$0x9950]  }
0x199: {  	v2 =	vld [tilespmem:$0x9640]  }
0x19a: {  	v3 =	vld [tilespmem:$0x9650]  }
0x19b: {  	v5 =	vld [tilespmem:$0x9660]  }
0x19c: {  	v4 =	vld [tilespmem:$0x9670]  }
0x19d: {  	[tilespmem:$0x1FB20] =	vst v1;
	v1 =	vld [tilespmem:$0x9960]  }
0x19e: {  	v7 =	vld [tilespmem:$0x9680]  }
0x19f: {  	v6 =	vld [tilespmem:$0x9690]  }
0x1a0: {  	v8 =	vld [tilespmem:$0x96A0]  }
0x1a1: {  	v9 =	vld [tilespmem:$0x96B0]  }
0x1a2: {  	[tilespmem:$0x1FB30] =	vst v1;
	v1 =	vld [tilespmem:$0x9970]  }
0x1a3: {  	v14 =	vld [tilespmem:$0x96C0]  }
0x1a4: {  	v17 =	vld [tilespmem:$0x96D0]  }
0x1a5: {  	v15 =	vld [tilespmem:$0x96E0]  }
0x1a6: {  	v19 =	vld [tilespmem:$0x96F0]  }
0x1a7: {  	[tilespmem:$0x1FB40] =	vst v1;
	v1 =	vld [tilespmem:$0x9980]  }
0x1a8: {  	v18 =	vld [tilespmem:$0x9700]  }
0x1a9: {  	v24 =	vld [tilespmem:$0x9710]  }
0x1aa: {  	v29 =	vld [tilespmem:$0x9720]  }
0x1ab: {  	v31 =	vld [tilespmem:$0x9730]  }
0x1ac: {  	[tilespmem:$0x1FB50] =	vst v1;
	v1 =	vld [tilespmem:$0x9990]  }
0x1ad: {  	v30 =	vld [tilespmem:$0x9740]  }
0x1ae: {  	v34 =	vld [tilespmem:$0x9750]  }
0x1af: {  	v35 =	vld [tilespmem:$0x9760]  }
0x1b0: {  	v37 =	vld [tilespmem:$0x9770]  }
0x1b1: {  	[tilespmem:$0x1FB60] =	vst v1;
	v1 =	vld [tilespmem:$0x99A0]  }
0x1b2: {  	v36 =	vld [tilespmem:$0x9780]  }
0x1b3: {  	v39 =	vld [tilespmem:$0x9790]  }
0x1b4: {  	v38 =	vld [tilespmem:$0x97A0]  }
0x1b5: {  	v40 =	vld [tilespmem:$0x97B0]  }
0x1b6: {  	[tilespmem:$0x1FB70] =	vst v1;
	v1 =	vld [tilespmem:$0x99B0]  }
0x1b7: {  	v41 =	vld [tilespmem:$0x97C0]  }
0x1b8: {  	v42 =	vld [tilespmem:$0x97D0]  }
0x1b9: {  	v44 =	vld [tilespmem:$0x97E0]  }
0x1ba: {  	v43 =	vld [tilespmem:$0x97F0]  }
0x1bb: {  	[tilespmem:$0x1FB80] =	vst v1;
	v1 =	vld [tilespmem:$0x99C0]  }
0x1bc: {  	v45 =	vld [tilespmem:$0x9800]  }
0x1bd: {  	v46 =	vld [tilespmem:$0x9810]  }
0x1be: {  	v47 =	vld [tilespmem:$0x9820]  }
0x1bf: {  	v48 =	vld [tilespmem:$0x9830]  }
0x1c0: {  	[tilespmem:$0x1FB90] =	vst v1;
	v1 =	vld [tilespmem:$0x99D0]  }
0x1c1: {  	v49 =	vld [tilespmem:$0x9840]  }
0x1c2: {  	v50 =	vld [tilespmem:$0x9850]  }
0x1c3: {  	v51 =	vld [tilespmem:$0x9860]  }
0x1c4: {  	v0 =	vadd.f32 v12, v0;
	v12 =	vld [tilespmem:$0x9A90]  }
0x1c5: {  	[tilespmem:$0x1FBA0] =	vst v1;
	v1 =	vld [tilespmem:$0x99E0]  }
0x1c6: {  	v53 =	vld [tilespmem:$0x9870]  }
0x1c7: {  	v52 =	vld [tilespmem:$0x9880]  }
0x1c8: {  	v54 =	vld [tilespmem:$0x9890]  }
0x1c9: {  	[tilespmem:$0x1FC60] =	vst v12;
	v12 =	vld [tilespmem:$0x9AA0]  }
0x1ca: {  	[tilespmem:$0x1FBB0] =	vst v1;
	v1 =	vld [tilespmem:$0x99F0]  }
0x1cb: {  	v55 =	vld [tilespmem:$0x98A0]  }
0x1cc: {  	v56 =	vld [tilespmem:$0x98B0]  }
0x1cd: {  	v57 =	vld [tilespmem:$0x98C0]  }
0x1ce: {  	[tilespmem:$0x1FC70] =	vst v12;
	v12 =	vmul.f32 $4.999999890e-03, v0;
	v0 =	vld [tilespmem:$0x9AB0]  }
0x1cf: {  	[tilespmem:$0x1FBC0] =	vst v1;
	v1 =	vld [tilespmem:$0x9A00]  }
0x1d0: {  	v58 =	vld [tilespmem:$0x98D0]  }
0x1d1: {  	v59 =	vld [tilespmem:$0x98E0]  }
0x1d2: {  	v61 =	vld [tilespmem:$0x98F0]  }
0x1d3: {  	[tilespmem:$0x1FC80] =	vst v0;
	v0 =	vld [tilespmem:$0x9AC0]  }
0x1d4: {  	[tilespmem:$0x1FBD0] =	vst v1;
	v1 =	vld [tilespmem:$0x9A10]  }
0x1d5: {  	v60 =	vld [tilespmem:$0x9900]  }
0x1d6: {  	v10 =	vadd.f32 v11, v10;
	v11 =	vld [tilespmem:$0x9B20]  }
0x1d7: {  	v62 =	vld [tilespmem:$0x9910]  }
0x1d8: {  	v63 =	vld [tilespmem:$0x9920];
	[tilespmem:$0x1FC90] =	vst v0;
	v0 =	vbroadcast v12, $0x0  }
0x1d9: {  	[tilespmem:$0x1FBE0] =	vst v1;
	v1 =	vld [tilespmem:$0x9A20]  }
0x1da: {  	[tilespmem:$0x1FD70] =	vst v10;
	v10 =	vld [tilespmem:$0x9B40];
	v27 =	vmul.f32 v27, v0;
	v28 =	vmul.f32 v28, v0  }
0x1db: {  	[tilespmem:$0x1FCF0] =	vst v11;
	v11 =	vld [tilespmem:$0x9B60];
	v32 =	vmul.f32 v32, v0;
	v3 =	vmul.f32 v3, v0  }
0x1dc: {  	v2 =	vmul.f32 v2, v0;
	v27 =	vadd.f32 v27, v13;
	v13 =	vmul.f32 v33, v0;
	v33 =	vld [tilespmem:$0x9B10]  }
0x1dd: {  	v16 =	vadd.f32 v28, v16;
	v28 =	vbroadcast v12, $0x1;
	v3 =	vadd.f32 v3, v23;
	v23 =	vld [tilespmem:$0x9B50]  }
0x1de: {  	v5 =	vmul.f32 v5, v0;
	v0 =	vmul.f32 v4, v0;
	[tilespmem:$0x1FBF0] =	vst v1;
	v1 =	vld [tilespmem:$0x9A30]  }
0x1df: {  	v20 =	vadd.f32 v32, v20;
	v21 =	vadd.f32 v13, v21;
	v13 =	vld [tilespmem:$0x9B30];
	v6 =	vmul.f32 v6, v28  }
0x1e0: {  	v2 =	vadd.f32 v2, v22;
	v0 =	vadd.f32 v0, v26;
	v32 =	vmul.f32 v8, v28;
	v26 =	vld [tilespmem:$0x9BB0]  }
0x1e1: {  	v5 =	vadd.f32 v5, v25;
	v22 =	vmul.f32 v7, v28;
	v6 =	vadd.f32 v6, v16;
	v16 =	vld [tilespmem:$0x9B70]  }
0x1e2: {  	v15 =	vmul.f32 v15, v28;
	v7 =	vadd.f32 v32, v20;
	v20 =	vmul.f32 v14, v28;
	[tilespmem:$0x1FD10] =	vst v23;
	v23 =	vld [tilespmem:$0x9BA0]  }
0x1e3: {  	v4 =	vadd.f32 v22, v27;
	v14 =	vbroadcast v12, $0x2;
	v22 =	vmul.f32 v19, v28;
	[tilespmem:$0x1FC00] =	vst v1;
	v1 =	vld [tilespmem:$0x9A40]  }
0x1e4: {  	v5 =	vadd.f32 v15, v5;
	v15 =	vbroadcast v12, $0x4;
	v2 =	vadd.f32 v20, v2;
	v20 =	vld [tilespmem:$0x9BC0]  }
0x1e5: {  	v0 =	vadd.f32 v22, v0;
	v22 =	vld [tilespmem:$0x9BE0]  }
0x1e6: {  	[tilespmem:$0x1FCE0] =	vst v33;
	v25 =	vmul.f32 v24, v14;
	v24 =	vmul.f32 v49, v15;
	v49 =	vld [tilespmem:$0x9D50]  }
0x1e7: {  	v33 =	vmul.f32 v9, v28;
	[tilespmem:$0x1FD00] =	vst v13;
	v13 =	vld [tilespmem:$0x9B80]  }
0x1e8: {  	[tilespmem:$0x1FC10] =	vst v1;
	v1 =	vld [tilespmem:$0x9A50]  }
0x1e9: {  	v17 =	vmul.f32 v17, v28;
	v27 =	vmul.f32 v29, v14;
	v8 =	vadd.f32 v33, v21;
	v21 =	vld [tilespmem:$0x9BD0]  }
0x1ea: {  	v28 =	vmul.f32 v31, v14;
	v31 =	vbroadcast v12, $0x3;
	v33 =	vld [tilespmem:$0x9BF0]  }
0x1eb: {  	v29 =	vmul.f32 v30, v14;
	v30 =	vmul.f32 v34, v14;
	[tilespmem:$0x1FD40] =	vst v26;
	v26 =	vld [tilespmem:$0x9C30]  }
0x1ec: {  	v34 =	vmul.f32 v37, v14;
	v37 =	vmul.f32 v38, v31;
	v38 =	vld [tilespmem:$0x9C10]  }
0x1ed: {  	v32 =	vmul.f32 v35, v14;
	[tilespmem:$0x1FC20] =	vst v1;
	v1 =	vld [tilespmem:$0x9A60]  }
0x1ee: {  	v6 =	vadd.f32 v25, v6;
	v35 =	vmul.f32 v36, v31;
	v36 =	vmul.f32 v39, v31;
	v25 =	vld [tilespmem:$0x9C20]  }
0x1ef: {  	v7 =	vadd.f32 v27, v7;
	v39 =	vmul.f32 v40, v31;
	v40 =	vmul.f32 v41, v31;
	v27 =	vld [tilespmem:$0x9C40]  }
0x1f0: {  	v5 =	vadd.f32 v32, v5;
	v41 =	vmul.f32 v42, v31;
	v42 =	vmul.f32 v44, v31;
	v32 =	vld [tilespmem:$0x9C90]  }
0x1f1: {  	v44 =	vmul.f32 v43, v31;
	v31 =	vmul.f32 v51, v15;
	v51 =	vld [tilespmem:$0x9D40]  }
0x1f2: {  	[tilespmem:$0x1FC30] =	vst v1;
	v1 =	vld [tilespmem:$0x9A70]  }
0x1f3: {  	[tilespmem:$0x1FD20] =	vst v16;
	v16 =	vld [tilespmem:$0x9B90]  }
0x1f4: {  	v8 =	vadd.f32 v28, v8;
	v28 =	vld [tilespmem:$0x9C70]  }
0x1f5: {  	v18 =	vmul.f32 v18, v14;
	[tilespmem:$0x1FD30] =	vst v23;
	v23 =	vld [tilespmem:$0x9C00]  }
0x1f6: {  	v3 =	vadd.f32 v17, v3;
	v7 =	vadd.f32 v37, v7;
	v37 =	vld [tilespmem:$0x9C80]  }
0x1f7: {  	v4 =	vadd.f32 v18, v4;
	v2 =	vadd.f32 v29, v2;
	[tilespmem:$0x1FC40] =	vst v1;
	v1 =	vld [tilespmem:$0x9A80]  }
0x1f8: {  	v3 =	vadd.f32 v30, v3;
	v29 =	vbroadcast v12, $0x5;
	v6 =	vadd.f32 v36, v6;
	v36 =	vld [tilespmem:$0x9CB0]  }
0x1f9: {  	v4 =	vadd.f32 v35, v4;
	v35 =	vld [tilespmem:$0x9CC0]  }
0x1fa: {  	v3 =	vadd.f32 v41, v3;
	v41 =	vmul.f32 v52, v29;
	v52 =	vld [tilespmem:$0x9CD0]  }
0x1fb: {  	v5 =	vadd.f32 v42, v5;
	v42 =	vmul.f32 v54, v29;
	v54 =	vld [tilespmem:$0x9CE0]  }
0x1fc: {  	v18 =	vbroadcast v12, $0x6;
	[tilespmem:$0x1FC50] =	vst v1;
	v1 =	vld [tilespmem:$0x9AD0]  }
0x1fd: {  	v0 =	vadd.f32 v34, v0;
	v43 =	vmul.f32 v55, v29;
	v55 =	vld [tilespmem:$0x9CF0]  }
0x1fe: {  	v34 =	vmul.f32 v63, v18;
	v63 =	vld [tilespmem:$0x9D30]  }
0x1ff: {  	v0 =	vadd.f32 v44, v0;
	v44 =	vmul.f32 v56, v29;
	v56 =	vld [tilespmem:$0x9D70]  }
0x200: {  	v2 =	vadd.f32 v40, v2;
	v40 =	vmul.f32 v53, v15;
	v53 =	vld [tilespmem:$0x9D80]  }
0x201: {  	[tilespmem:$0x1FCA0] =	vst v1;
	v1 =	vld [tilespmem:$0x9AE0]  }
0x202: {  	v46 =	vmul.f32 v46, v15;
	v8 =	vadd.f32 v39, v8;
	v39 =	vld [tilespmem:$0x9C60]  }
0x203: {  	[tilespmem:$0x1FD50] =	vst v33;
	v33 =	vld [tilespmem:$0x9CA0]  }
0x204: {  	v45 =	vmul.f32 v45, v15;
	v6 =	vadd.f32 v46, v6;
	v46 =	vmul.f32 v58, v29;
	v58 =	vld [tilespmem:$0x9D00]  }
0x205: {  	v30 =	vmul.f32 v50, v15;
	v2 =	vadd.f32 v24, v2;
	v24 =	vmul.f32 v59, v29;
	v59 =	vld [tilespmem:$0x9D10]  }
0x206: {  	v4 =	vadd.f32 v45, v4;
	[tilespmem:$0x1FCB0] =	vst v1;
	v1 =	vld [tilespmem:$0x9AF0]  }
0x207: {  	v3 =	vadd.f32 v30, v3;
	v30 =	vmul.f32 v60, v18;
	v60 =	vld [tilespmem:$0x9D20]  }
0x208: {  	v47 =	vmul.f32 v47, v15;
	v4 =	vadd.f32 v41, v4;
	v41 =	vld [tilespmem:$0x1FB10]  }
0x209: {  	v45 =	vmul.f32 v57, v29;
	v57 =	vld [tilespmem:$0x1FB60]  }
0x20a: {  	v7 =	vadd.f32 v47, v7;
	v0 =	vadd.f32 v40, v0;
	v40 =	vld [tilespmem:$0x1FB00]  }
0x20b: {  	[tilespmem:$0x1FCC0] =	vst v1;
	v1 =	vld [tilespmem:$0x9B00]  }
0x20c: {  	v19 =	vbroadcast v12, $0x7;
	v7 =	vadd.f32 v43, v7;
	v43 =	vld [tilespmem:$0x1FB20]  }
0x20d: {  	v6 =	vadd.f32 v42, v6;
	v47 =	vadd.f32 v45, v2;
	v45 =	vld [tilespmem:$0x1FB30];
	v42 =	vmul.f32 v41, v18  }
0x20e: {  	v5 =	vadd.f32 v31, v5;
	v31 =	vmul.f32 v62, v18;
	v62 =	vmul.f32 v57, v19;
	v57 =	vld [tilespmem:$0x1FBB0]  }
0x20f: {  	v9 =	vadd.f32 v42, v47;
	v47 =	vld [tilespmem:$0x1FB40]  }
0x210: {  	v29 =	vmul.f32 v61, v29;
	v61 =	vld [tilespmem:$0x9D60];
	v3 =	vadd.f32 v46, v3;
	[tilespmem:$0x1FCD0] =	vst v1;
	v1 =	vmul.f32 v48, v15  }
0x211: {  	[tilespmem:$0x1FD60] =	vst v38;
	v38 =	vld [tilespmem:$0x9C50];
	v5 =	vadd.f32 v24, v5;
	v6 =	vadd.f32 v31, v6  }
0x212: {  	v14 =	vadd.f32 v29, v0;
	v29 =	vld [tilespmem:$0x1FB70];
	v0 =	vmul.f32 v40, v18;
	v8 =	vadd.f32 v1, v8  }
0x213: {  	v46 =	vmul.f32 v45, v18;
	v6 =	vadd.f32 v62, v6;
	v62 =	vmul.f32 v57, v19;
	v57 =	vld [tilespmem:$0x1FBE0]  }
0x214: {  	v31 =	vld [tilespmem:$0x1FB80];
	v8 =	vadd.f32 v44, v8;
	v44 =	vmul.f32 v43, v18;
	v18 =	vmul.f32 v47, v18  }
0x215: {  	v45 =	vld [tilespmem:$0x9DC0]  }
0x216: {  	v5 =	vadd.f32 v46, v5;
	v40 =	vld [tilespmem:$0x1FB90];
	v14 =	vadd.f32 v18, v14;
	v18 =	vbroadcast v12, $0x8  }
0x217: {  	v42 =	vld [tilespmem:$0x1FBA0]  }
0x218: {  	v5 =	vadd.f32 v62, v5;
	v62 =	vmul.f32 v57, v18;
	v57 =	vld [tilespmem:$0x1FC00]  }
0x219: {  	v48 =	vld [tilespmem:$0x1FB50]  }
0x21a: {  	v4 =	vadd.f32 v30, v4;
	v7 =	vadd.f32 v34, v7;
	v46 =	vld [tilespmem:$0x9DE0]  }
0x21b: {  	v34 =	vmul.f32 v31, v19;
	v41 =	vmul.f32 v40, v19;
	v40 =	vld [tilespmem:$0x1FBD0];
	v8 =	vadd.f32 v0, v8  }
0x21c: {  	v30 =	vmul.f32 v29, v19;
	v31 =	vld [tilespmem:$0x1FBC0];
	v43 =	vmul.f32 v42, v19;
	v17 =	vadd.f32 v44, v3  }
0x21d: {  	v29 =	vld [tilespmem:$0x1FC10];
	v8 =	vadd.f32 v34, v8;
	v6 =	vadd.f32 v62, v6;
	v62 =	vmul.f32 v57, v18  }
0x21e: {  	v50 =	vmul.f32 v48, v19;
	v17 =	vadd.f32 v43, v17;
	v43 =	vld [tilespmem:$0x1FC20]  }
0x21f: {  	v8 =	vadd.f32 v62, v8;
	v62 =	vld [tilespmem:$0x1FC30]  }
0x220: {  	v9 =	vadd.f32 v41, v9;
	v47 =	vld [tilespmem:$0x9DB0];
	v4 =	vadd.f32 v50, v4;
	v41 =	vmul.f32 v40, v18  }
0x221: {  	v34 =	vmul.f32 v31, v19;
	v31 =	vld [tilespmem:$0x1FBF0]  }
0x222: {  	v7 =	vadd.f32 v30, v7;
	v30 =	vadd.f32 v41, v4;
	v41 =	vld [tilespmem:$0x1FC40]  }
0x223: {  	v57 =	vmul.f32 v43, v18;
	v43 =	vld [tilespmem:$0x1FC50]  }
0x224: {  	v4 =	vmul.f32 v62, v18;
	v62 =	vld [tilespmem:$0x1FC70]  }
0x225: {  	v42 =	vld [tilespmem:$0x9DF0]  }
0x226: {  	v40 =	vbroadcast v12, $0x9;
	v24 =	vadd.f32 v57, v17;
	v57 =	vld [tilespmem:$0x1FC60]  }
0x227: {  	v48 =	vld [tilespmem:$0x9DA0];
	v15 =	vadd.f32 v34, v14;
	v34 =	vmul.f32 v31, v18;
	v31 =	vmul.f32 v29, v18  }
0x228: {  	v44 =	vld [tilespmem:$0x9DD0];
	v18 =	vmul.f32 v41, v18;
	v41 =	vmul.f32 v43, v40  }
0x229: {  	v14 =	vld [tilespmem:$0x1FCA0];
	v7 =	vadd.f32 v34, v7;
	v43 =	vadd.f32 v4, v5;
	v4 =	vmul.f32 v62, v40  }
0x22a: {  	v30 =	vadd.f32 v41, v30;
	v41 =	vld [tilespmem:$0x1FC80]  }
0x22b: {  	v5 =	vmul.f32 v57, v40;
	v57 =	vadd.f32 v4, v7;
	v7 =	vld [tilespmem:$0x1FC90]  }
0x22c: {  	v18 =	vadd.f32 v18, v15;
	v15 =	vld [tilespmem:$0x1FCB0]  }
0x22d: {  	v4 =	vld [tilespmem:$0x1FCC0]  }
0x22e: {  	v0 =	vbroadcast v12, $0xA;
	v50 =	vld [tilespmem:$0x9D90]  }
0x22f: {  	v19 =	vld [tilespmem:$0x9E40];
	v62 =	vmul.f32 v41, v40  }
0x230: {  	v2 =	vmul.f32 v11, v0;
	v11 =	vld [tilespmem:$0x9EC0];
	v9 =	vadd.f32 v31, v9;
	v7 =	vmul.f32 v7, v40  }
0x231: {  	v29 =	vld [tilespmem:$0x9E30];
	v41 =	vadd.f32 v5, v6;
	v62 =	vadd.f32 v62, v8;
	v8 =	vmul.f32 v14, v40  }
0x232: {  	v5 =	vld [tilespmem:$0x1FCD0];
	v3 =	vadd.f32 v7, v9;
	v9 =	vmul.f32 v15, v40;
	v40 =	vmul.f32 v4, v40  }
0x233: {  	v7 =	vld [tilespmem:$0x1FCE0]  }
0x234: {  	v18 =	vadd.f32 v40, v18;
	v40 =	vld [tilespmem:$0x1FCF0]  }
0x235: {  	v34 =	vld [tilespmem:$0x9E00]  }
0x236: {  	v31 =	vld [tilespmem:$0x9E10]  }
0x237: {  	v17 =	vld [tilespmem:$0x9E20]  }
0x238: {  	v6 =	vld [tilespmem:$0x9E50];
	v24 =	vadd.f32 v8, v24;
	v8 =	vmul.f32 v5, v0;
	v1 =	vmul.f32 v7, v0  }
0x239: {  	v14 =	vld [tilespmem:$0x9E60];
	v43 =	vadd.f32 v9, v43;
	v9 =	vmul.f32 v40, v0  }
0x23a: {  	v8 =	vadd.f32 v8, v30;
	v30 =	vadd.f32 v1, v41;
	v41 =	vld [tilespmem:$0x1FD00]  }
0x23b: {  	v4 =	vld [tilespmem:$0x1FD10];
	v9 =	vadd.f32 v9, v57;
	v57 =	vmul.f32 v10, v0  }
0x23c: {  	v2 =	vadd.f32 v2, v43;
	v43 =	vld [tilespmem:$0x1FD40]  }
0x23d: {  	v3 =	vadd.f32 v57, v3;
	v57 =	vld [tilespmem:$0x1FD20]  }
0x23e: {  	v5 =	vld [tilespmem:$0x9EA0]  }
0x23f: {  	v15 =	vld [tilespmem:$0x9E70];
	v41 =	vmul.f32 v41, v0  }
0x240: {  	v7 =	vld [tilespmem:$0x9E80];
	v1 =	vbroadcast v12, $0xB  }
0x241: {  	v40 =	vld [tilespmem:$0x9E90];
	v41 =	vadd.f32 v41, v62;
	v62 =	vmul.f32 v4, v0  }
0x242: {  	v10 =	vld [tilespmem:$0x9EB0];
	v43 =	vmul.f32 v43, v1;
	v0 =	vmul.f32 v57, v0  }
0x243: {  	v57 =	vmul.f32 v13, v1;
	v13 =	vld [tilespmem:$0x9ED0];
	v24 =	vadd.f32 v62, v24;
	v62 =	vmul.f32 v16, v1  }
0x244: {  	v41 =	vadd.f32 v43, v41;
	v43 =	vmul.f32 v22, v1;
	v4 =	vadd.f32 v0, v18;
	v18 =	vld [tilespmem:$0x1FD30]  }
0x245: {  	v16 =	vld [tilespmem:$0x9EE0];
	v30 =	vadd.f32 v62, v30;
	v62 =	vmul.f32 v20, v1  }
0x246: {  	v2 =	vadd.f32 v43, v2;
	v43 =	vld [tilespmem:$0x1FD60]  }
0x247: {  	v3 =	vadd.f32 v62, v3;
	v62 =	vld [tilespmem:$0x1FD50]  }
0x248: {  	v22 =	vld [tilespmem:$0x9F20]  }
0x249: {  	v8 =	vadd.f32 v57, v8;
	v20 =	vld [tilespmem:$0x9F00];
	v0 =	vbroadcast v12, $0xC;
	v57 =	vmul.f32 v18, v1  }
0x24a: {  	v18 =	vld [tilespmem:$0x9EF0]  }
0x24b: {  	v43 =	vmul.f32 v43, v0;
	v9 =	vadd.f32 v57, v9;
	v57 =	vmul.f32 v21, v1;
	v21 =	vld [tilespmem:$0x9F10]  }
0x24c: {  	v1 =	vmul.f32 v62, v1;
	v62 =	vmul.f32 v23, v0;
	v23 =	vld [tilespmem:$0x9F30]  }
0x24d: {  	v25 =	vmul.f32 v25, v0;
	v43 =	vadd.f32 v43, v30;
	v30 =	vld [tilespmem:$0x9F90];
	v57 =	vadd.f32 v57, v24  }
0x24e: {  	v24 =	vld [tilespmem:$0x9F40];
	v1 =	vadd.f32 v1, v4;
	v4 =	vadd.f32 v62, v8;
	v8 =	vmul.f32 v26, v0  }
0x24f: {  	v38 =	vmul.f32 v38, v0;
	v39 =	vmul.f32 v39, v0;
	v26 =	vld [tilespmem:$0x9F50];
	v9 =	vadd.f32 v25, v9  }
0x250: {  	v62 =	vmul.f32 v27, v0;
	v25 =	vld [tilespmem:$0x9F60];
	v8 =	vadd.f32 v8, v41;
	v41 =	vbroadcast v12, $0xD  }
0x251: {  	v2 =	vadd.f32 v39, v2;
	v27 =	vld [tilespmem:$0x9F70];
	v0 =	vmul.f32 v28, v0  }
0x252: {  	v28 =	vld [tilespmem:$0x9F80];
	v3 =	vadd.f32 v62, v3;
	v38 =	vadd.f32 v38, v57;
	v37 =	vmul.f32 v37, v41  }
0x253: {  	v0 =	vadd.f32 v0, v1;
	v57 =	vmul.f32 v32, v41;
	v62 =	vmul.f32 v33, v41;
	v32 =	vld [tilespmem:$0x9FA0]  }
0x254: {  	v36 =	vmul.f32 v36, v41;
	v33 =	vld [tilespmem:$0x9FB0];
	v39 =	vmul.f32 v52, v41;
	v4 =	vadd.f32 v37, v4  }
0x255: {  	v52 =	vld [tilespmem:$0xA010];
	v43 =	vadd.f32 v57, v43;
	v1 =	vadd.f32 v62, v9;
	v9 =	vmul.f32 v35, v41  }
0x256: {  	v57 =	vbroadcast v12, $0xE;
	v35 =	vld [tilespmem:$0x9FC0];
	v8 =	vadd.f32 v36, v8;
	v62 =	vmul.f32 v54, v41  }
0x257: {  	v36 =	vld [tilespmem:$0x9FD0];
	v12 =	vbroadcast v12, $0xF;
	v3 =	vadd.f32 v9, v3;
	v9 =	vmul.f32 v55, v41  }
0x258: {  	v37 =	vld [tilespmem:$0x9FE0];
	v58 =	vmul.f32 v58, v57;
	v2 =	vadd.f32 v62, v2;
	v62 =	vmul.f32 v59, v57  }
0x259: {  	v54 =	vadd.f32 v39, v38;
	v38 =	vld [tilespmem:$0x9FF0];
	v59 =	vmul.f32 v63, v57;
	v51 =	vmul.f32 v51, v57  }
0x25a: {  	v61 =	vmul.f32 v61, v57;
	v53 =	vmul.f32 v53, v12;
	v63 =	vld [tilespmem:$0x1FD70]  }
0x25b: {  	v39 =	vld [tilespmem:$0xA000];
	v48 =	vmul.f32 v48, v12;
	v45 =	vmul.f32 v45, v12  }
0x25c: {  	v44 =	vmul.f32 v44, v12;
	v55 =	vld [tilespmem:$0xA080];
	v9 =	vadd.f32 v9, v0;
	v4 =	vadd.f32 v58, v4  }
0x25d: {  	v58 =	vmul.f32 v60, v57;
	v41 =	vadd.f32 v62, v43;
	v60 =	vmul.f32 v49, v57;
	v49 =	vld [tilespmem:$0xA020]  }
0x25e: {  	v8 =	vadd.f32 v59, v8;
	v3 =	vadd.f32 v51, v3;
	v51 =	vld [tilespmem:$0xA030];
	v62 =	vmul.f32 v56, v57  }
0x25f: {  	v56 =	vld [tilespmem:$0xA040];
	v2 =	vadd.f32 v61, v2;
	v57 =	vmul.f32 v50, v12;
	v0 =	vmul.f32 $4.999999890e-03, v63  }
0x260: {  	v50 =	vld [tilespmem:$0xA050];
	v1 =	vadd.f32 v58, v1;
	v54 =	vadd.f32 v60, v54;
	v58 =	vmul.f32 v47, v12  }
0x261: {  	v43 =	vld [tilespmem:$0xA0B0];
	v9 =	vadd.f32 v62, v9;
	v60 =	vmul.f32 v46, v12;
	v59 =	vbroadcast v0, $0x0  }
0x262: {  	v4 =	vadd.f32 v53, v4;
	v53 =	vld [tilespmem:$0xA060];
	v12 =	vmul.f32 v42, v12;
	v63 =	vbroadcast v0, $0x1  }
0x263: {  	v47 =	vld [tilespmem:$0xA070];
	v44 =	vadd.f32 v44, v54;
	v54 =	vbroadcast v0, $0x2;
	v34 =	vmul.f32 v34, v59  }
0x264: {  	v3 =	vadd.f32 v45, v3;
	v45 =	vld [tilespmem:$0xA090];
	v31 =	vmul.f32 v31, v59;
	v17 =	vmul.f32 v17, v59  }
0x265: {  	v41 =	vadd.f32 v57, v41;
	v42 =	vld [tilespmem:$0xA0A0];
	v61 =	vmul.f32 v29, v59;
	v62 =	vmul.f32 v19, v59  }
0x266: {  	v9 =	vadd.f32 v12, v9;
	v12 =	vld [tilespmem:$0xA170];
	v6 =	vmul.f32 v6, v59;
	v14 =	vmul.f32 v14, v59  }
0x267: {  	v1 =	vadd.f32 v48, v1;
	v29 =	vld [tilespmem:$0xA0C0];
	v15 =	vmul.f32 v15, v59;
	v7 =	vmul.f32 v7, v63  }
0x268: {  	v8 =	vadd.f32 v58, v8;
	v19 =	vld [tilespmem:$0xA0D0];
	v40 =	vmul.f32 v40, v63;
	v5 =	vmul.f32 v5, v63  }
0x269: {  	v2 =	vadd.f32 v60, v2;
	v10 =	vmul.f32 v10, v63;
	v58 =	vmul.f32 v16, v63;
	v16 =	vld [tilespmem:$0xA140]  }
0x26a: {  	v48 =	vmul.f32 v11, v63;
	v59 =	vmul.f32 v18, v63;
	v18 =	vld [tilespmem:$0xA150];
	v4 =	vadd.f32 v34, v4  }
0x26b: {  	v57 =	vmul.f32 v13, v63;
	v13 =	vld [tilespmem:$0xA160];
	v31 =	vadd.f32 v31, v41;
	v1 =	vadd.f32 v17, v1  }
0x26c: {  	v63 =	vmul.f32 v23, v54;
	v23 =	vld [tilespmem:$0xA190];
	v8 =	vadd.f32 v61, v8;
	v3 =	vadd.f32 v62, v3  }
0x26d: {  	v60 =	vmul.f32 v20, v54;
	v20 =	vld [tilespmem:$0xA1A0];
	v6 =	vadd.f32 v6, v44;
	v2 =	vadd.f32 v14, v2  }
0x26e: {  	v11 =	vld [tilespmem:$0xA1D0];
	v9 =	vadd.f32 v15, v9;
	v61 =	vmul.f32 v21, v54;
	v4 =	vadd.f32 v7, v4  }
0x26f: {  	v34 =	vld [tilespmem:$0xA0E0];
	v62 =	vmul.f32 v22, v54;
	v46 =	vadd.f32 v40, v31;
	v1 =	vadd.f32 v5, v1  }
0x270: {  	v17 =	vld [tilespmem:$0xA0F0];
	v44 =	vmul.f32 v26, v54;
	v8 =	vadd.f32 v10, v8;
	v3 =	vadd.f32 v48, v3  }
0x271: {  	v41 =	vld [tilespmem:$0xA100];
	v6 =	vadd.f32 v57, v6;
	v2 =	vadd.f32 v58, v2;
	v40 =	vmul.f32 v24, v54  }
0x272: {  	v14 =	vld [tilespmem:$0xA110];
	v48 =	vmul.f32 v25, v54;
	v7 =	vadd.f32 v61, v46;
	v46 =	vbroadcast v0, $0x3  }
0x273: {  	v15 =	vld [tilespmem:$0xA120];
	v54 =	vmul.f32 v27, v54;
	v8 =	vadd.f32 v63, v8;
	v63 =	vbroadcast v0, $0x4  }
0x274: {  	v21 =	vld [tilespmem:$0xA180];
	v5 =	vadd.f32 v59, v9;
	v57 =	vmul.f32 v28, v46;
	v58 =	vmul.f32 v30, v46  }
0x275: {  	v26 =	vld [tilespmem:$0xA1C0];
	v4 =	vadd.f32 v60, v4;
	v59 =	vmul.f32 v32, v46;
	v60 =	vmul.f32 v33, v46  }
0x276: {  	v31 =	vld [tilespmem:$0xA130];
	v1 =	vadd.f32 v62, v1;
	v61 =	vmul.f32 v35, v46;
	v62 =	vmul.f32 v36, v46  }
0x277: {  	v24 =	vld [tilespmem:$0xA1B0];
	v3 =	vadd.f32 v40, v3;
	v40 =	vmul.f32 v37, v46;
	v22 =	vmul.f32 v38, v46  }
0x278: {  	v25 =	vld [tilespmem:$0xA1E0];
	v6 =	vadd.f32 v44, v6;
	v44 =	vmul.f32 v39, v63;
	v46 =	vmul.f32 v52, v63  }
0x279: {  	v27 =	vld [tilespmem:$0xA280];
	v2 =	vadd.f32 v48, v2;
	v48 =	vmul.f32 v49, v63;
	v49 =	vmul.f32 v51, v63  }
0x27a: {  	v28 =	vld [tilespmem:$0xA1F0];
	v51 =	vmul.f32 v56, v63;
	v52 =	vbroadcast v0, $0x5  }
0x27b: {  	v5 =	vadd.f32 v54, v5;
	v30 =	vld [tilespmem:$0xA200];
	v54 =	vmul.f32 v50, v63;
	v56 =	vmul.f32 v53, v63  }
0x27c: {  	v33 =	vld [tilespmem:$0xA210];
	v53 =	vbroadcast v0, $0x7;
	v4 =	vadd.f32 v57, v4;
	v7 =	vadd.f32 v58, v7  }
0x27d: {  	v32 =	vld [tilespmem:$0xA230];
	v1 =	vadd.f32 v59, v1;
	v8 =	vadd.f32 v60, v8;
	v57 =	vmul.f32 v47, v63  }
0x27e: {  	v36 =	vld [tilespmem:$0xA240];
	v3 =	vadd.f32 v61, v3;
	v58 =	vmul.f32 v55, v52;
	v59 =	vmul.f32 v45, v52  }
0x27f: {  	v38 =	vld [tilespmem:$0xA250];
	v6 =	vadd.f32 v62, v6;
	v60 =	vmul.f32 v42, v52;
	v61 =	vmul.f32 v43, v52  }
0x280: {  	v39 =	vld [tilespmem:$0xA260];
	v2 =	vadd.f32 v40, v2;
	v29 =	vmul.f32 v29, v52;
	v62 =	vmul.f32 v19, v52  }
0x281: {  	v37 =	vld [tilespmem:$0xA270];
	v5 =	vadd.f32 v22, v5;
	v63 =	vbroadcast v0, $0x6;
	v45 =	vmul.f32 v34, v52  }
0x282: {  	v22 =	vld [tilespmem:$0xA220];
	v55 =	vmul.f32 v21, v53;
	v4 =	vadd.f32 v44, v4;
	v7 =	vadd.f32 v46, v7  }
0x283: {  	v40 =	vld [tilespmem:$0xA290];
	v1 =	vadd.f32 v48, v1;
	v8 =	vadd.f32 v49, v8;
	v46 =	vmul.f32 v17, v52  }
0x284: {  	v42 =	vld [tilespmem:$0xA2A0];
	v3 =	vadd.f32 v51, v3;
	v47 =	vmul.f32 v41, v63;
	v48 =	vmul.f32 v14, v63  }
0x285: {  	v34 =	vld [tilespmem:$0xA2C0];
	v6 =	vadd.f32 v54, v6;
	v49 =	vmul.f32 v15, v63;
	v50 =	vmul.f32 v31, v63  }
0x286: {  	v21 =	vld [tilespmem:$0xA320];
	v2 =	vadd.f32 v56, v2;
	v51 =	vmul.f32 v16, v63;
	v52 =	vmul.f32 v18, v63  }
0x287: {  	v19 =	vld [tilespmem:$0xA340];
	v5 =	vadd.f32 v57, v5;
	v54 =	vmul.f32 v13, v63;
	v12 =	vmul.f32 v12, v63  }
0x288: {  	v15 =	vld [tilespmem:$0xA2D0];
	v56 =	vmul.f32 v23, v53;
	v4 =	vadd.f32 v58, v4;
	v7 =	vadd.f32 v59, v7  }
0x289: {  	v17 =	vld [tilespmem:$0xA2E0];
	v57 =	vmul.f32 v20, v53;
	v1 =	vadd.f32 v60, v1;
	v8 =	vadd.f32 v61, v8  }
0x28a: {  	v14 =	vld [tilespmem:$0xA2F0];
	v63 =	vmul.f32 v28, v53;
	v3 =	vadd.f32 v29, v3;
	v6 =	vadd.f32 v62, v6  }
0x28b: {  	v18 =	vld [tilespmem:$0xA300];
	v2 =	vadd.f32 v45, v2;
	v58 =	vmul.f32 v24, v53;
	v59 =	vmul.f32 v26, v53  }
0x28c: {  	v13 =	vld [tilespmem:$0xA310];
	v5 =	vadd.f32 v46, v5;
	v60 =	vbroadcast v0, $0x8;
	v61 =	vmul.f32 v11, v53  }
0x28d: {  	v23 =	vld [tilespmem:$0xA350];
	v62 =	vmul.f32 v25, v53;
	v4 =	vadd.f32 v47, v4;
	v7 =	vadd.f32 v48, v7  }
0x28e: {  	v16 =	vld [tilespmem:$0xA390];
	v1 =	vadd.f32 v49, v1;
	v8 =	vadd.f32 v50, v8;
	v28 =	vmul.f32 v30, v60  }
0x28f: {  	v44 =	vld [tilespmem:$0xA3D0];
	v3 =	vadd.f32 v51, v3;
	v30 =	vmul.f32 v33, v60;
	v31 =	vmul.f32 v22, v60  }
0x290: {  	v20 =	vld [tilespmem:$0xA3F0];
	v6 =	vadd.f32 v52, v6;
	v33 =	vmul.f32 v32, v60;
	v35 =	vmul.f32 v36, v60  }
0x291: {  	v29 =	vld [tilespmem:$0xA2B0];
	v2 =	vadd.f32 v54, v2;
	v36 =	vmul.f32 v38, v60;
	v38 =	vbroadcast v0, $0x9  }
0x292: {  	v24 =	vld [tilespmem:$0xA360];
	v5 =	vadd.f32 v12, v5;
	v39 =	vmul.f32 v39, v60;
	v41 =	vmul.f32 v37, v60  }
0x293: {  	v25 =	vld [tilespmem:$0xA370];
	v51 =	vbroadcast v0, $0xA;
	v4 =	vadd.f32 v55, v4;
	v7 =	vadd.f32 v56, v7  }
0x294: {  	v11 =	vld [tilespmem:$0xA380];
	v1 =	vadd.f32 v57, v1;
	v8 =	vadd.f32 v58, v8;
	v43 =	vmul.f32 v27, v38  }
0x295: {  	v26 =	vld [tilespmem:$0xA3A0];
	v3 =	vadd.f32 v59, v3;
	v45 =	vmul.f32 v40, v38;
	v46 =	vmul.f32 v42, v38  }
0x296: {  	v12 =	vld [tilespmem:$0xA330];
	v6 =	vadd.f32 v61, v6;
	v49 =	vmul.f32 v34, v38;
	v50 =	vmul.f32 v15, v38  }
0x297: {  	v22 =	vld [tilespmem:$0xA3C0];
	v2 =	vadd.f32 v62, v2;
	v53 =	vmul.f32 v17, v38;
	v14 =	vmul.f32 v14, v38  }
0x298: {  	v47 =	vld [tilespmem:$0xA3E0];
	v5 =	vadd.f32 v63, v5;
	v55 =	vmul.f32 v18, v51;
	v13 =	vmul.f32 v13, v51  }
0x299: {  	v52 =	vld [tilespmem:$0xA410];
	v57 =	vmul.f32 v21, v51;
	v61 =	vmul.f32 v19, v51;
	v4 =	vadd.f32 v28, v4  }
0x29a: {  	v54 =	vld [tilespmem:$0xA420];
	v62 =	vbroadcast v0, $0xB;
	v7 =	vadd.f32 v30, v7;
	v1 =	vadd.f32 v31, v1  }
0x29b: {  	v60 =	vld [tilespmem:$0xA450];
	v48 =	vmul.f32 v29, v38;
	v8 =	vadd.f32 v33, v8;
	v3 =	vadd.f32 v35, v3  }
0x29c: {  	v32 =	vld [tilespmem:$0xA560];
	v6 =	vadd.f32 v36, v6;
	v28 =	vmul.f32 v23, v51;
	v33 =	vmul.f32 v24, v51  }
0x29d: {  	v56 =	vld [tilespmem:$0xA430];
	v2 =	vadd.f32 v39, v2;
	v35 =	vmul.f32 v25, v51;
	v11 =	vmul.f32 v11, v62  }
0x29e: {  	v58 =	vld [tilespmem:$0xA440];
	v5 =	vadd.f32 v41, v5;
	v37 =	vmul.f32 v16, v62;
	v39 =	vmul.f32 v26, v62  }
0x29f: {  	v63 =	vld [tilespmem:$0xA460];
	v44 =	vmul.f32 v44, v62;
	v4 =	vadd.f32 v43, v4;
	v7 =	vadd.f32 v45, v7  }
0x2a0: {  	v29 =	vld [tilespmem:$0xA400];
	v59 =	vmul.f32 v12, v51;
	v1 =	vadd.f32 v46, v1;
	v8 =	vadd.f32 v48, v8  }
0x2a1: {  	v34 =	vld [tilespmem:$0xA470];
	v42 =	vmul.f32 v22, v62;
	v3 =	vadd.f32 v49, v3;
	v6 =	vadd.f32 v50, v6  }
0x2a2: {  	v40 =	vld [tilespmem:$0xA4A0];
	v47 =	vmul.f32 v47, v62;
	v2 =	vadd.f32 v53, v2;
	v5 =	vadd.f32 v14, v5  }
0x2a3: {  	v38 =	vld [tilespmem:$0xA490];
	v45 =	vbroadcast v0, $0xC;
	v4 =	vadd.f32 v55, v4;
	v7 =	vadd.f32 v13, v7  }
0x2a4: {  	v30 =	vld [tilespmem:$0xA3B0];
	v49 =	vmul.f32 v20, v62;
	v1 =	vadd.f32 v57, v1;
	v8 =	vadd.f32 v59, v8  }
0x2a5: {  	v36 =	vld [tilespmem:$0xA480];
	v3 =	vadd.f32 v61, v3;
	v50 =	vmul.f32 v29, v45;
	v52 =	vmul.f32 v52, v45  }
0x2a6: {  	v51 =	vld [tilespmem:$0xA4E0];
	v6 =	vadd.f32 v28, v6;
	v17 =	vmul.f32 v54, v45;
	v54 =	vmul.f32 v56, v45  }
0x2a7: {  	v43 =	vld [tilespmem:$0xA4B0];
	v2 =	vadd.f32 v33, v2;
	v56 =	vmul.f32 v58, v45;
	v58 =	vmul.f32 v60, v45  }
0x2a8: {  	v46 =	vld [tilespmem:$0xA4C0];
	v5 =	vadd.f32 v35, v5;
	v59 =	vbroadcast v0, $0xD;
	v61 =	vmul.f32 v63, v45  }
0x2a9: {  	v48 =	vld [tilespmem:$0xA4D0];
	v41 =	vmul.f32 v30, v62;
	v4 =	vadd.f32 v11, v4;
	v7 =	vadd.f32 v37, v7  }
0x2aa: {  	v53 =	vld [tilespmem:$0xA4F0];
	v62 =	vmul.f32 v34, v45;
	v1 =	vadd.f32 v39, v1;
	v3 =	vadd.f32 v42, v3  }
0x2ab: {  	v55 =	vld [tilespmem:$0xA500];
	v6 =	vadd.f32 v44, v6;
	v24 =	vmul.f32 v36, v59;
	v27 =	vmul.f32 v38, v59  }
0x2ac: {  	v57 =	vld [tilespmem:$0xA510];
	v2 =	vadd.f32 v47, v2;
	v29 =	vmul.f32 v40, v59;
	v36 =	vmul.f32 v51, v59  }
0x2ad: {  	v60 =	vld [tilespmem:$0xA520];
	v5 =	vadd.f32 v49, v5;
	v37 =	vbroadcast v0, $0xE;
	v0 =	vbroadcast v0, $0xF  }
0x2ae: {  	v63 =	vld [tilespmem:$0xA530];
	v8 =	vadd.f32 v41, v8;
	v31 =	vmul.f32 v43, v59;
	v4 =	vadd.f32 v50, v4  }
0x2af: {  	v28 =	vld [tilespmem:$0xA540];
	v33 =	vmul.f32 v46, v59;
	v7 =	vadd.f32 v52, v7;
	v1 =	vadd.f32 v17, v1  }
0x2b0: {  	v35 =	vld [tilespmem:$0xA570];
	v34 =	vmul.f32 v48, v59;
	v3 =	vadd.f32 v56, v3;
	v6 =	vadd.f32 v58, v6  }
0x2b1: {  	v30 =	vld [tilespmem:$0xA550];
	v39 =	vmul.f32 v53, v59;
	v2 =	vadd.f32 v61, v2;
	v5 =	vadd.f32 v62, v5  }
0x2b2: {  	v38 =	vld [tilespmem:$0xA580];
	v8 =	vadd.f32 v54, v8;
	v41 =	vmul.f32 v55, v37;
	v42 =	vmul.f32 v57, v37  }
0x2b3: {  	v40 =	vld [tilespmem:$0xA590];
	v44 =	vmul.f32 v60, v37;
	v46 =	vmul.f32 v63, v37;
	v4 =	vadd.f32 v24, v4  }
0x2b4: {  	v43 =	vld [tilespmem:$0xA5A0];
	v48 =	vmul.f32 v28, v37;
	v7 =	vadd.f32 v27, v7;
	v1 =	vadd.f32 v29, v1  }
0x2b5: {  	v47 =	vld [tilespmem:$0xA5C0];
	v57 =	vmul.f32 v32, v37;
	v3 =	vadd.f32 v33, v3;
	v6 =	vadd.f32 v34, v6  }
0x2b6: {  	v53 =	vld [tilespmem:$0xA5E0];
	v59 =	vmul.f32 v35, v37;
	v2 =	vadd.f32 v36, v2;
	v5 =	vadd.f32 v39, v5  }
0x2b7: {  	v45 =	vld [tilespmem:$0xA5B0];
	v51 =	vmul.f32 v30, v37;
	v49 =	vmul.f32 v38, v0;
	v4 =	vadd.f32 v41, v4  }
0x2b8: {  	v50 =	vld [tilespmem:$0xA5D0];
	v8 =	vadd.f32 v31, v8;
	v52 =	vmul.f32 v40, v0;
	v7 =	vadd.f32 v42, v7  }
0x2b9: {  	s23 =	sshll.u32 s23, $0x7;
	v55 =	vld [tilespmem:$0xA5F0];
	v1 =	vadd.f32 v44, v1;
	v54 =	vmul.f32 v43, v0;
	v4 =	vadd.f32 v49, v4  }
0x2ba: {  	s23 =	sand.u32 $0x3FFFFF80, s23;
	v58 =	vmul.f32 v47, v0;
	v3 =	vadd.f32 v48, v3;
	v7 =	vadd.f32 v52, v7  }
0x2bb: {  	v2 =	vadd.f32 v57, v2;
	v61 =	vmul.f32 v53, v0;
	v1 =	vadd.f32 v54, v1;
	[tilespmem:s23+$0xA680] =	vst v4  }
0x2bc: {  	s22 =	sadd.s32 $0x1, s22;
	v56 =	vmul.f32 v45, v0;
	v8 =	vadd.f32 v46, v8;
	v3 =	vadd.f32 v58, v3;
	[tilespmem:s23+$0xA690] =	vst v7  }
0x2bd: {  	p0 =	sne.s32 s22, $0x40;
	v6 =	vadd.f32 v51, v6;
	v60 =	vmul.f32 v50, v0;
	v2 =	vadd.f32 v61, v2;
	[tilespmem:s23+$0xA6A0] =	vst v1  }
.Ltmp2:
0x2be: {  	v62 =	vadd.f32 v59, v5;
	v0 =	vmul.f32 v55, v0;
	v8 =	vadd.f32 v56, v8;
	[tilespmem:s23+$0xA6C0] =	vst v3;
	(pc) =	sbr.rel @p0 .LBB2_2-.Ltmp2, $4  }
0x2bf: {  	v63 =	vadd.f32 v60, v6;
	[tilespmem:s23+$0xA6E0] =	vst v2  }
0x2c0: {  	v0 =	vadd.f32 v0, v62;
	[tilespmem:s23+$0xA6B0] =	vst v8  }
0x2c1: {  	[tilespmem:s23+$0xA6D0] =	vst v63  }
0x2c2: {  	[tilespmem:s23+$0xA6F0] =	vst v0  }
0x2c3: {  	s21 =	sadd.s32 $0x1, s21  }
0x2c4: {  	p0 =	sne.s32 s21, s8  }
.Ltmp3:
0x2c5: {  	_ = 	snop;
	(pc) =	sbr.rel @p0 .LBB2_1-.Ltmp3, $4  }
0x2c6: {  	[hbm4b:s7+s4] =	stream.linear.scatter [tilespmem:s20], [sflag:$0x3], $0x4000, $0x38;
	[tilespmem:$0xE680] =	vst v63  }
0x2c7: {  	_ =	swait.ge [sflag:s9], $0x4000  }
0x2c8: {  	[sflag:s9] =	ssyncset.done $0x0  }
0x2c9: {  	[sflag:s9] =	ssyncadd.s32 $0xFFFFC000  }
0x2ca: {  	_ =	sfence.sel $0x180000  }
0x2cb: {  	[bflag:$0x0] =	sbarrier.arrive $0xFFFF  }
0x2cc: {  	p0 =	sne.s32 s0, $0x0;
	_ =	strace $0x90000047  }
0x2cd: {  	s0 =	sadd.s32 @!p0 $0x100000, s2;
	[bflag:$0x2] =	sbarrier.arrive $0xFFFF  }
0x2ce: {  	[sflag:s0] =	ssyncadd.tile.s32 @!p0 $0x1;
	_ =	shalt  }
.Lfunc_end2:
_tile_overlayer_lowered:
.L_overlay_start_2:
0x2cf: {  	(tag) =	ssettag $0x2  }
0x2d0: {  	s0 =	rddreg [dreg:$0x0];
	s2 =	stileid.u32  }
0x2d1: {  	s1 =	rddreg [dreg:$0x1];
	p0 =	sne.s32 s2, $0x0  }
0x2d2: {  	s3 =	rddreg [dreg:$0x2];
	[bflag:$0x3] =	sbarrier.arrive $0xFFFF;
	s2 =	simm.s32 @!p0 $0x1C03  }
0x2d3: {  	[timem:s3], [sflag:s2] =	dma.local @!p0 [hbm:s0], s1  }
0x2d4: {  	s0 =	simm.s32 @!p0 $0x3  }
0x2d5: {  	_ =	swait.ge @!p0 [sflag:s0], s1  }
0x2d6: {  	s1 =	ssub.s32 @!p0 $0x0, s1;
	[sflag:s0] =	ssyncset.done @!p0 $0x0  }
0x2d7: {  	[sflag:s0] =	ssyncadd.s32 @!p0 s1  }
0x2d8: {  	[bflag:$0x3] =	sbarrier.arrive $0xFFFF  }
0x2d9: {  	_ =	shalt  }

</sc_bundles>
